<compile_context>
chip_gen: v7x
topology: tpu7x:2x2x1
jax: 0.10.2.dev20260603
libtpu: 0.0.44.dev20260713+nightly
codegen_flags: <defaults>
</compile_context>

<pallas_src>
import functools
import math

import jax
import jax.numpy as jnp
from jax import lax
from jax.experimental import pallas as pl
from jax.experimental.pallas import tpu as pltpu, tpu_sc as plsc

NC = 2
NS = 16
NW = NC * NS
CHUNK = 128
KB1 = 8
KBT = 8


def _round1_body(nb, cpt, rpt,
                 x_hbm, sd_hbm, ea_hbm, z8_hbm,
                 outx_hbm, oute_hbm,
                 sdb, rows, eab, accx_s, acce_s, sem, sem2):
  c = lax.axis_index("c")
  s = lax.axis_index("s")
  w = c * NS + s
  pltpu.sync_copy(z8_hbm, accx_s.at[pl.ds(s * rpt, rpt)])
  pltpu.sync_copy(z8_hbm, acce_s.at[pl.ds(s * rpt, rpt)])
  plsc.subcore_barrier()

  def block(i, carry):
    row0 = w * cpt + i * KB1
    pltpu.sync_copy(sd_hbm.at[pl.ds(row0, KB1)], sdb)
    handles = [pltpu.async_copy(x_hbm.at[sdb.at[b, 0]], rows.at[b], sem)
               for b in range(KB1)]
    pltpu.sync_copy(ea_hbm.at[pl.ds(row0, KB1)], eab)
    sc = [pltpu.async_copy(eab.at[b], acce_s.at[sdb.at[b, 1]], sem2, add=True)
          for b in range(KB1)]
    for b in range(KB1):
      handles[b].wait()
      sc.append(pltpu.async_copy(rows.at[b], accx_s.at[sdb.at[b, 1]],
                                 sem2, add=True))
    for h in sc:
      h.wait()
    return carry

  lax.fori_loop(0, nb, block, 0)
  plsc.subcore_barrier()
  pltpu.sync_copy(accx_s.at[pl.ds(s * rpt, rpt)],
                  outx_hbm.at[c, pl.ds(s * rpt, rpt)])
  pltpu.sync_copy(acce_s.at[pl.ds(s * rpt, rpt)],
                  oute_hbm.at[c, pl.ds(s * rpt, rpt)])


def _roundT_body(nb, cpt, rpt,
                 w_hbm, sd_hbm, z16_hbm, out_hbm,
                 sdb, rows, acc_s, sem, sem2):
  c = lax.axis_index("c")
  s = lax.axis_index("s")
  w = c * NS + s
  pltpu.sync_copy(z16_hbm, acc_s.at[pl.ds(s * rpt, rpt)])
  plsc.subcore_barrier()

  def block(i, carry):
    row0 = w * cpt + i * KBT
    pltpu.sync_copy(sd_hbm.at[pl.ds(row0, KBT)], sdb)
    handles = [pltpu.async_copy(w_hbm.at[sdb.at[b, 0]], rows.at[b], sem)
               for b in range(KBT)]
    sc = []
    for b in range(KBT):
      handles[b].wait()
      sc.append(pltpu.async_copy(rows.at[b], acc_s.at[sdb.at[b, 1]],
                                 sem2, add=True))
    for h in sc:
      h.wait()
    return carry

  lax.fori_loop(0, nb, block, 0)
  plsc.subcore_barrier()
  pltpu.sync_copy(acc_s.at[pl.ds(s * rpt, rpt)],
                  out_hbm.at[c, pl.ds(s * rpt, rpt)])


@functools.lru_cache(maxsize=None)
def _make_kernels(n, e, d, dep):
  cpt = -(-e // (NW * CHUNK))
  blk = math.lcm(KB1, KBT)
  cpt = -(-cpt // blk) * blk
  e_pad = NW * cpt * CHUNK
  rpt = -(-(n + 1) // (NS * 8)) * 8
  n_pad = NS * rpt

  mesh = plsc.VectorSubcoreMesh(core_axis_name="c", subcore_axis_name="s")
  f32 = jnp.float32
  params = pltpu.CompilerParams(use_tc_tiling_on_sc=False)

  k1 = pl.kernel(
      functools.partial(_round1_body, cpt // KB1, cpt, rpt),
      out_type=(jax.ShapeDtypeStruct((NC, n_pad, d), f32),
                jax.ShapeDtypeStruct((NC, n_pad, dep), f32)),
      mesh=mesh,
      scratch_types=[
          pltpu.VMEM((KB1, 2, CHUNK), jnp.int32),
          pltpu.VMEM((KB1, CHUNK, d), f32),
          pltpu.VMEM((KB1, CHUNK, dep), f32),
          pltpu.VMEM_SHARED((n_pad, d), f32),
          pltpu.VMEM_SHARED((n_pad, dep), f32),
          pltpu.SemaphoreType.DMA,
          pltpu.SemaphoreType.DMA,
      ],
      compiler_params=params,
      name="mpnn_round1",
  )

  dw = d + dep
  kT = pl.kernel(
      functools.partial(_roundT_body, cpt // KBT, cpt, rpt),
      out_type=jax.ShapeDtypeStruct((NC, n_pad, dw), f32),
      mesh=mesh,
      scratch_types=[
          pltpu.VMEM((KBT, 2, CHUNK), jnp.int32),
          pltpu.VMEM((KBT, CHUNK, dw), f32),
          pltpu.VMEM_SHARED((n_pad, dw), f32),
          pltpu.SemaphoreType.DMA,
          pltpu.SemaphoreType.DMA,
      ],
      compiler_params=params,
      name="mpnn_roundT",
  )
  return k1, kT, cpt, e_pad, rpt, n_pad


def kernel(x, edge_index, edge_attr):
  n, d = x.shape
  e, de = edge_attr.shape
  dep = -(-de // 8) * 8
  k1, kT, cpt, e_pad, rpt, n_pad = _make_kernels(n, e, d, dep)

  src = edge_index[0].astype(jnp.int32)
  dst = edge_index[1].astype(jnp.int32)
  pad_e = e_pad - e
  src_p = jnp.concatenate([src, jnp.full((pad_e,), n, jnp.int32)])
  dst_p = jnp.concatenate([dst, jnp.full((pad_e,), n, jnp.int32)])
  ea_p = jnp.zeros((e_pad, dep), jnp.float32).at[:e, :de].set(edge_attr)
  x_p = jnp.concatenate([x, jnp.zeros((n_pad - n, d), jnp.float32)], axis=0)

  sd2 = jnp.stack([src_p.reshape(NW * cpt, CHUNK),
                   dst_p.reshape(NW * cpt, CHUNK)], axis=1)
  ea3 = ea_p.reshape(NW * cpt, CHUNK, dep)

  z8 = jnp.zeros((rpt, d), jnp.float32)
  z16 = jnp.zeros((rpt, d + dep), jnp.float32)

  px, pe = k1(x_p, sd2, ea3, z8)
  w1 = jnp.concatenate([px[0] + px[1], pe[0] + pe[1]], axis=1)
  p2 = kT(w1, sd2, z16)
  w2 = p2[0] + p2[1]
  p3 = kT(w2, sd2, z16)
  w3 = p3[0] + p3[1]

  a1, b1 = w1[:n, :d], w1[:n, d:d + de]
  a2, b2 = w2[:n, :d], w2[:n, d:d + de]
  a3, b3 = w3[:n, :d], w3[:n, d:d + de]
  return jnp.concatenate(
      [x[:, :d], a1, b1,
       a1, a2, b2, b1,
       a1, a2, b2, a2, a3, b3, b2, b1], axis=1)

# --- scband reference (transcript-rebuilt; emitter-appended) ---
"""Pipeline reference for scband-distributed-mpnn-18846316495505 (READ-ONLY COPY).

The authoritative reference and input builder live on the scoring server;
editing this copy changes nothing except your own understanding.
"""

import jax, jax.numpy as jnp
import numpy as np

N_NODES = 100000
N_EDGES = 1600000
D_FEAT = 8
D_EDGE = 4


def _local_conv(x, edge_index, edge_attr):
    # PyG MessagePassing with aggr='sum', flow source_to_target:
    # x_j = x[src] where src = edge_index[0], aggregate into dst = edge_index[1]
    src = edge_index[0]
    dst = edge_index[1]
    x_j = jnp.take(x, src, axis=0)                       # gather  [E, d]
    msg = jnp.concatenate([x_j, edge_attr], axis=1)      # message [E, d+d_e]
    aggr = jax.ops.segment_sum(msg, dst, num_segments=x.shape[0])  # scatter-add [N, d+d_e]
    # update: concat([x, aggr_out])
    return jnp.concatenate([x, aggr], axis=1)            # [N, 2d+d_e]


def setup_inputs(seed: int = 0) -> dict:
    key = jax.random.key(seed)
    k1, k2, k3 = jax.random.split(key, 3)
    x = jax.random.normal(k1, (N_NODES, D_FEAT), dtype=jnp.float32)
    edge_index = jax.random.randint(k2, (2, N_EDGES), 0, N_NODES, dtype=jnp.int64 if jax.config.jax_enable_x64 else jnp.int32)
    edge_attr = jax.random.normal(k3, (N_EDGES, D_EDGE), dtype=jnp.float32)
    return {"x": x, "edge_index": edge_index, "edge_attr": edge_attr}


def reference(x, edge_index, edge_attr):
    # Three stacked applications of the same LocalConv, dims grow by concat:
    # 8 -> 20 -> 44 -> 92
    x1 = _local_conv(x, edge_index, edge_attr)
    x2 = _local_conv(x1, edge_index, edge_attr)
    x3 = _local_conv(x2, edge_index, edge_attr)
    return x3

if __name__ == "__main__":
    import jax
    _d = setup_inputs()
    print(jax.jit(kernel)(*tuple(_d.values())))

</pallas_src>

<mosaic_0001>
#map = affine_map<(d0, d1) -> (0, 0)>
#map1 = affine_map<(d0, d1) -> (0, 0, 0)>
module attributes {stable_mosaic.version = 14 : i64} {
  func.func @mpnn_roundT(%arg0: i32, %arg1: i32, %arg2: memref<100096x16xf32, #tpu.memory_space<hbm>>, %arg3: memref<12544x2x128xi32, #tpu.memory_space<hbm>>, %arg4: memref<6256x16xf32, #tpu.memory_space<hbm>>, %arg5: memref<2x100096x16xf32, #tpu.memory_space<hbm>>, %arg6: memref<8x2x128xi32, #tpu.memory_space<vmem>>, %arg7: memref<8x128x16xf32, #tpu.memory_space<vmem>>, %arg8: memref<100096x16xf32, #tpu.memory_space<vmem_shared>>, %arg9: memref<!tpu.dma_semaphore, #tpu.memory_space<semaphore_mem>>, %arg10: memref<!tpu.dma_semaphore, #tpu.memory_space<semaphore_mem>>) attributes {dimension_semantics = [#tpu.dimension_semantics<core_parallel>, #tpu.dimension_semantics<subcore_parallel>], iteration_bounds = array<i64: 2, 16>, scalar_prefetch = 0 : i64, scratch_operands = 5 : i64, tpu.core_type = #tpu.core_type<sc_vector_subcore>, window_params = [{transform_indices = #map}, {transform_indices = #map1}, {transform_indices = #map}, {transform_indices = #map1}]} {
    %mul3A = arith.constant 16 : i32
    %mul3A_0 = arith.muli %arg0, %mul3A : i32
    %add3A = arith.addi %mul3A_0, %arg1 : i32
    %mul3A_1 = arith.constant 6256 : i32
    %mul3A_2 = arith.muli %arg1, %mul3A_1 : i32
    "tpu.region"() ({
      %run_scoped3A = tpu.sem_alloc : memref<!tpu.dma_semaphore, #tpu.memory_space<semaphore_mem>>
      %dma_start3A = arith.constant 0 : i32
      %dma_start3A_13 = tpu.memref_slice %arg8[%mul3A_2, %dma_start3A] : memref<100096x16xf32, #tpu.memory_space<vmem_shared>> -> memref<6256x16xf32, #tpu.memory_space<vmem_shared>>
      tpu.enqueue_dma source(%arg4 : memref<6256x16xf32, #tpu.memory_space<hbm>>) target(%dma_start3A_13 : memref<6256x16xf32, #tpu.memory_space<vmem_shared>>) target_semaphore(%run_scoped3A : memref<!tpu.dma_semaphore, #tpu.memory_space<semaphore_mem>>)
      %dma_wait3A = arith.constant 0 : i32
      %dma_wait3A_14 = tpu.memref_slice %arg8[%mul3A_2, %dma_wait3A] : memref<100096x16xf32, #tpu.memory_space<vmem_shared>> -> memref<6256x16xf32, #tpu.memory_space<vmem_shared>>
      tpu.wait_dma2 semaphore(%run_scoped3A : memref<!tpu.dma_semaphore, #tpu.memory_space<semaphore_mem>>) src(%arg4 : memref<6256x16xf32, #tpu.memory_space<hbm>>) dst(%dma_wait3A_14 : memref<6256x16xf32, #tpu.memory_space<vmem_shared>>)
      tpu.yield
    }) : () -> ()
    %barrier3A = arith.constant 0 : index
    tpu.barrier barrier_id(%barrier3A)
    %scan3A = arith.constant 0 : i32
    %scan3A_3 = arith.constant 0 : i32
    %scan3A_4 = arith.constant 49 : i32
    %scan3A_5 = arith.addi %scan3A_3, %scan3A_4 : i32
    %scan3A_6 = arith.constant 1 : i32
    scf.for %scan3A_13 = %scan3A_3 to %scan3A_5 step %scan3A_6  : i32 {
      %mul3A_14 = arith.constant 392 : i32
      %mul3A_15 = arith.muli %add3A, %mul3A_14 : i32
      %mul3A_16 = arith.constant 8 : i32
      %mul3A_17 = arith.muli %scan3A_13, %mul3A_16 : i32
      %add3A_18 = arith.addi %mul3A_15, %mul3A_17 : i32
      "tpu.region"() ({
        %run_scoped3A = tpu.sem_alloc : memref<!tpu.dma_semaphore, #tpu.memory_space<semaphore_mem>>
        %dma_start3A_433 = arith.constant 0 : i32
        %dma_start3A_434 = arith.constant 0 : i32
        %dma_start3A_435 = tpu.memref_slice %arg3[%add3A_18, %dma_start3A_433, %dma_start3A_434] : memref<12544x2x128xi32, #tpu.memory_space<hbm>> -> memref<8x2x128xi32, #tpu.memory_space<hbm>>
        %dma_start3A_436 = arith.constant 0 : i32
        %dma_start3A_437 = arith.constant 0 : i32
        %dma_start3A_438 = tpu.memref_slice %arg3[%add3A_18, %dma_start3A_436, %dma_start3A_437] : memref<12544x2x128xi32, #tpu.memory_space<hbm>> -> memref<8x2x128xi32, #tpu.memory_space<hbm>>
        tpu.enqueue_dma source(%dma_start3A_438 : memref<8x2x128xi32, #tpu.memory_space<hbm>>) target(%arg6 : memref<8x2x128xi32, #tpu.memory_space<vmem>>) target_semaphore(%run_scoped3A : memref<!tpu.dma_semaphore, #tpu.memory_space<semaphore_mem>>)
        %dma_wait3A_439 = arith.constant 0 : i32
        %dma_wait3A_440 = arith.constant 0 : i32
        %dma_wait3A_441 = tpu.memref_slice %arg3[%add3A_18, %dma_wait3A_439, %dma_wait3A_440] : memref<12544x2x128xi32, #tpu.memory_space<hbm>> -> memref<8x2x128xi32, #tpu.memory_space<hbm>>
        %dma_wait3A_442 = arith.constant 0 : i32
        %dma_wait3A_443 = arith.constant 0 : i32
        %dma_wait3A_444 = tpu.memref_slice %arg3[%add3A_18, %dma_wait3A_442, %dma_wait3A_443] : memref<12544x2x128xi32, #tpu.memory_space<hbm>> -> memref<8x2x128xi32, #tpu.memory_space<hbm>>
        tpu.wait_dma2 semaphore(%run_scoped3A : memref<!tpu.dma_semaphore, #tpu.memory_space<semaphore_mem>>) src(%dma_wait3A_444 : memref<8x2x128xi32, #tpu.memory_space<hbm>>) dst(%arg6 : memref<8x2x128xi32, #tpu.memory_space<vmem>>)
        tpu.yield
      }) : () -> ()
      %dma_start3A = arith.constant 0 : i32
      %dma_start3A_19 = arith.constant 0 : i32
      %dma_start3A_20 = arith.constant 0 : i32
      %dma_start3A_21 = arith.constant 0 : i32
      %dma_start3A_22 = arith.constant 0 : i32
      %dma_start3A_23 = tpu.memref_slice %arg7[%dma_start3A_20, %dma_start3A_21, %dma_start3A_22] : memref<8x128x16xf32, #tpu.memory_space<vmem>> -> memref<1x128x16xf32, #tpu.memory_space<vmem>>
      %dma_start3A_24 = tpu.memref_squeeze %dma_start3A_23 : memref<1x128x16xf32, #tpu.memory_space<vmem>> -> memref<128x16xf32, #tpu.memory_space<vmem>>
      %dma_start3A_25 = arith.constant 0 : i32
      %dma_start3A_26 = tpu.memref_slice %arg6[%dma_start3A, %dma_start3A_19, %dma_start3A_25] : memref<8x2x128xi32, #tpu.memory_space<vmem>> -> memref<1x1x128xi32, #tpu.memory_space<vmem>>
      %dma_start3A_27 = tpu.memref_squeeze %dma_start3A_26 : memref<1x1x128xi32, #tpu.memory_space<vmem>> -> memref<128xi32, #tpu.memory_space<vmem>>
      %dma_start3A_28 = arith.constant 0 : i32
      %dma_start3A_29 = arith.constant 0 : i32
      %dma_start3A_30 = tpu.memref_slice %arg2[%dma_start3A_28, %dma_start3A_29] : memref<100096x16xf32, #tpu.memory_space<hbm>> -> memref<100096x16xf32, #tpu.memory_space<hbm>>
      tpu.enqueue_indirect_dma source(%dma_start3A_30 : memref<100096x16xf32, #tpu.memory_space<hbm>>) target(%dma_start3A_24 : memref<128x16xf32, #tpu.memory_space<vmem>>) offsets(%dma_start3A_27 : memref<128xi32, #tpu.memory_space<vmem>>) semaphore(%arg9 : memref<!tpu.dma_semaphore, #tpu.memory_space<semaphore_mem>>)
      %dma_start3A_31 = arith.constant 1 : i32
      %dma_start3A_32 = arith.constant 0 : i32
      %dma_start3A_33 = arith.constant 1 : i32
      %dma_start3A_34 = arith.constant 0 : i32
      %dma_start3A_35 = arith.constant 0 : i32
      %dma_start3A_36 = tpu.memref_slice %arg7[%dma_start3A_33, %dma_start3A_34, %dma_start3A_35] : memref<8x128x16xf32, #tpu.memory_space<vmem>> -> memref<1x128x16xf32, #tpu.memory_space<vmem>>
      %dma_start3A_37 = tpu.memref_squeeze %dma_start3A_36 : memref<1x128x16xf32, #tpu.memory_space<vmem>> -> memref<128x16xf32, #tpu.memory_space<vmem>>
      %dma_start3A_38 = arith.constant 0 : i32
      %dma_start3A_39 = tpu.memref_slice %arg6[%dma_start3A_31, %dma_start3A_32, %dma_start3A_38] : memref<8x2x128xi32, #tpu.memory_space<vmem>> -> memref<1x1x128xi32, #tpu.memory_space<vmem>>
      %dma_start3A_40 = tpu.memref_squeeze %dma_start3A_39 : memref<1x1x128xi32, #tpu.memory_space<vmem>> -> memref<128xi32, #tpu.memory_space<vmem>>
      %dma_start3A_41 = arith.constant 0 : i32
      %dma_start3A_42 = arith.constant 0 : i32
      %dma_start3A_43 = tpu.memref_slice %arg2[%dma_start3A_41, %dma_start3A_42] : memref<100096x16xf32, #tpu.memory_space<hbm>> -> memref<100096x16xf32, #tpu.memory_space<hbm>>
      tpu.enqueue_indirect_dma source(%dma_start3A_43 : memref<100096x16xf32, #tpu.memory_space<hbm>>) target(%dma_start3A_37 : memref<128x16xf32, #tpu.memory_space<vmem>>) offsets(%dma_start3A_40 : memref<128xi32, #tpu.memory_space<vmem>>) semaphore(%arg9 : memref<!tpu.dma_semaphore, #tpu.memory_space<semaphore_mem>>)
      %dma_start3A_44 = arith.constant 2 : i32
      %dma_start3A_45 = arith.constant 0 : i32
      %dma_start3A_46 = arith.constant 2 : i32
      %dma_start3A_47 = arith.constant 0 : i32
      %dma_start3A_48 = arith.constant 0 : i32
      %dma_start3A_49 = tpu.memref_slice %arg7[%dma_start3A_46, %dma_start3A_47, %dma_start3A_48] : memref<8x128x16xf32, #tpu.memory_space<vmem>> -> memref<1x128x16xf32, #tpu.memory_space<vmem>>
      %dma_start3A_50 = tpu.memref_squeeze %dma_start3A_49 : memref<1x128x16xf32, #tpu.memory_space<vmem>> -> memref<128x16xf32, #tpu.memory_space<vmem>>
      %dma_start3A_51 = arith.constant 0 : i32
      %dma_start3A_52 = tpu.memref_slice %arg6[%dma_start3A_44, %dma_start3A_45, %dma_start3A_51] : memref<8x2x128xi32, #tpu.memory_space<vmem>> -> memref<1x1x128xi32, #tpu.memory_space<vmem>>
      %dma_start3A_53 = tpu.memref_squeeze %dma_start3A_52 : memref<1x1x128xi32, #tpu.memory_space<vmem>> -> memref<128xi32, #tpu.memory_space<vmem>>
      %dma_start3A_54 = arith.constant 0 : i32
      %dma_start3A_55 = arith.constant 0 : i32
      %dma_start3A_56 = tpu.memref_slice %arg2[%dma_start3A_54, %dma_start3A_55] : memref<100096x16xf32, #tpu.memory_space<hbm>> -> memref<100096x16xf32, #tpu.memory_space<hbm>>
      tpu.enqueue_indirect_dma source(%dma_start3A_56 : memref<100096x16xf32, #tpu.memory_space<hbm>>) target(%dma_start3A_50 : memref<128x16xf32, #tpu.memory_space<vmem>>) offsets(%dma_start3A_53 : memref<128xi32, #tpu.memory_space<vmem>>) semaphore(%arg9 : memref<!tpu.dma_semaphore, #tpu.memory_space<semaphore_mem>>)
      %dma_start3A_57 = arith.constant 3 : i32
      %dma_start3A_58 = arith.constant 0 : i32
      %dma_start3A_59 = arith.constant 3 : i32
      %dma_start3A_60 = arith.constant 0 : i32
      %dma_start3A_61 = arith.constant 0 : i32
      %dma_start3A_62 = tpu.memref_slice %arg7[%dma_start3A_59, %dma_start3A_60, %dma_start3A_61] : memref<8x128x16xf32, #tpu.memory_space<vmem>> -> memref<1x128x16xf32, #tpu.memory_space<vmem>>
      %dma_start3A_63 = tpu.memref_squeeze %dma_start3A_62 : memref<1x128x16xf32, #tpu.memory_space<vmem>> -> memref<128x16xf32, #tpu.memory_space<vmem>>
      %dma_start3A_64 = arith.constant 0 : i32
      %dma_start3A_65 = tpu.memref_slice %arg6[%dma_start3A_57, %dma_start3A_58, %dma_start3A_64] : memref<8x2x128xi32, #tpu.memory_space<vmem>> -> memref<1x1x128xi32, #tpu.memory_space<vmem>>
      %dma_start3A_66 = tpu.memref_squeeze %dma_start3A_65 : memref<1x1x128xi32, #tpu.memory_space<vmem>> -> memref<128xi32, #tpu.memory_space<vmem>>
      %dma_start3A_67 = arith.constant 0 : i32
      %dma_start3A_68 = arith.constant 0 : i32
      %dma_start3A_69 = tpu.memref_slice %arg2[%dma_start3A_67, %dma_start3A_68] : memref<100096x16xf32, #tpu.memory_space<hbm>> -> memref<100096x16xf32, #tpu.memory_space<hbm>>
      tpu.enqueue_indirect_dma source(%dma_start3A_69 : memref<100096x16xf32, #tpu.memory_space<hbm>>) target(%dma_start3A_63 : memref<128x16xf32, #tpu.memory_space<vmem>>) offsets(%dma_start3A_66 : memref<128xi32, #tpu.memory_space<vmem>>) semaphore(%arg9 : memref<!tpu.dma_semaphore, #tpu.memory_space<semaphore_mem>>)
      %dma_start3A_70 = arith.constant 4 : i32
      %dma_start3A_71 = arith.constant 0 : i32
      %dma_start3A_72 = arith.constant 4 : i32
      %dma_start3A_73 = arith.constant 0 : i32
      %dma_start3A_74 = arith.constant 0 : i32
      %dma_start3A_75 = tpu.memref_slice %arg7[%dma_start3A_72, %dma_start3A_73, %dma_start3A_74] : memref<8x128x16xf32, #tpu.memory_space<vmem>> -> memref<1x128x16xf32, #tpu.memory_space<vmem>>
      %dma_start3A_76 = tpu.memref_squeeze %dma_start3A_75 : memref<1x128x16xf32, #tpu.memory_space<vmem>> -> memref<128x16xf32, #tpu.memory_space<vmem>>
      %dma_start3A_77 = arith.constant 0 : i32
      %dma_start3A_78 = tpu.memref_slice %arg6[%dma_start3A_70, %dma_start3A_71, %dma_start3A_77] : memref<8x2x128xi32, #tpu.memory_space<vmem>> -> memref<1x1x128xi32, #tpu.memory_space<vmem>>
      %dma_start3A_79 = tpu.memref_squeeze %dma_start3A_78 : memref<1x1x128xi32, #tpu.memory_space<vmem>> -> memref<128xi32, #tpu.memory_space<vmem>>
      %dma_start3A_80 = arith.constant 0 : i32
      %dma_start3A_81 = arith.constant 0 : i32
      %dma_start3A_82 = tpu.memref_slice %arg2[%dma_start3A_80, %dma_start3A_81] : memref<100096x16xf32, #tpu.memory_space<hbm>> -> memref<100096x16xf32, #tpu.memory_space<hbm>>
      tpu.enqueue_indirect_dma source(%dma_start3A_82 : memref<100096x16xf32, #tpu.memory_space<hbm>>) target(%dma_start3A_76 : memref<128x16xf32, #tpu.memory_space<vmem>>) offsets(%dma_start3A_79 : memref<128xi32, #tpu.memory_space<vmem>>) semaphore(%arg9 : memref<!tpu.dma_semaphore, #tpu.memory_space<semaphore_mem>>)
      %dma_start3A_83 = arith.constant 5 : i32
      %dma_start3A_84 = arith.constant 0 : i32
      %dma_start3A_85 = arith.constant 5 : i32
      %dma_start3A_86 = arith.constant 0 : i32
      %dma_start3A_87 = arith.constant 0 : i32
      %dma_start3A_88 = tpu.memref_slice %arg7[%dma_start3A_85, %dma_start3A_86, %dma_start3A_87] : memref<8x128x16xf32, #tpu.memory_space<vmem>> -> memref<1x128x16xf32, #tpu.memory_space<vmem>>
      %dma_start3A_89 = tpu.memref_squeeze %dma_start3A_88 : memref<1x128x16xf32, #tpu.memory_space<vmem>> -> memref<128x16xf32, #tpu.memory_space<vmem>>
      %dma_start3A_90 = arith.constant 0 : i32
      %dma_start3A_91 = tpu.memref_slice %arg6[%dma_start3A_83, %dma_start3A_84, %dma_start3A_90] : memref<8x2x128xi32, #tpu.memory_space<vmem>> -> memref<1x1x128xi32, #tpu.memory_space<vmem>>
      %dma_start3A_92 = tpu.memref_squeeze %dma_start3A_91 : memref<1x1x128xi32, #tpu.memory_space<vmem>> -> memref<128xi32, #tpu.memory_space<vmem>>
      %dma_start3A_93 = arith.constant 0 : i32
      %dma_start3A_94 = arith.constant 0 : i32
      %dma_start3A_95 = tpu.memref_slice %arg2[%dma_start3A_93, %dma_start3A_94] : memref<100096x16xf32, #tpu.memory_space<hbm>> -> memref<100096x16xf32, #tpu.memory_space<hbm>>
      tpu.enqueue_indirect_dma source(%dma_start3A_95 : memref<100096x16xf32, #tpu.memory_space<hbm>>) target(%dma_start3A_89 : memref<128x16xf32, #tpu.memory_space<vmem>>) offsets(%dma_start3A_92 : memref<128xi32, #tpu.memory_space<vmem>>) semaphore(%arg9 : memref<!tpu.dma_semaphore, #tpu.memory_space<semaphore_mem>>)
      %dma_start3A_96 = arith.constant 6 : i32
      %dma_start3A_97 = arith.constant 0 : i32
      %dma_start3A_98 = arith.constant 6 : i32
      %dma_start3A_99 = arith.constant 0 : i32
      %dma_start3A_100 = arith.constant 0 : i32
      %dma_start3A_101 = tpu.memref_slice %arg7[%dma_start3A_98, %dma_start3A_99, %dma_start3A_100] : memref<8x128x16xf32, #tpu.memory_space<vmem>> -> memref<1x128x16xf32, #tpu.memory_space<vmem>>
      %dma_start3A_102 = tpu.memref_squeeze %dma_start3A_101 : memref<1x128x16xf32, #tpu.memory_space<vmem>> -> memref<128x16xf32, #tpu.memory_space<vmem>>
      %dma_start3A_103 = arith.constant 0 : i32
      %dma_start3A_104 = tpu.memref_slice %arg6[%dma_start3A_96, %dma_start3A_97, %dma_start3A_103] : memref<8x2x128xi32, #tpu.memory_space<vmem>> -> memref<1x1x128xi32, #tpu.memory_space<vmem>>
      %dma_start3A_105 = tpu.memref_squeeze %dma_start3A_104 : memref<1x1x128xi32, #tpu.memory_space<vmem>> -> memref<128xi32, #tpu.memory_space<vmem>>
      %dma_start3A_106 = arith.constant 0 : i32
      %dma_start3A_107 = arith.constant 0 : i32
      %dma_start3A_108 = tpu.memref_slice %arg2[%dma_start3A_106, %dma_start3A_107] : memref<100096x16xf32, #tpu.memory_space<hbm>> -> memref<100096x16xf32, #tpu.memory_space<hbm>>
      tpu.enqueue_indirect_dma source(%dma_start3A_108 : memref<100096x16xf32, #tpu.memory_space<hbm>>) target(%dma_start3A_102 : memref<128x16xf32, #tpu.memory_space<vmem>>) offsets(%dma_start3A_105 : memref<128xi32, #tpu.memory_space<vmem>>) semaphore(%arg9 : memref<!tpu.dma_semaphore, #tpu.memory_space<semaphore_mem>>)
      %dma_start3A_109 = arith.constant 7 : i32
      %dma_start3A_110 = arith.constant 0 : i32
      %dma_start3A_111 = arith.constant 7 : i32
      %dma_start3A_112 = arith.constant 0 : i32
      %dma_start3A_113 = arith.constant 0 : i32
      %dma_start3A_114 = tpu.memref_slice %arg7[%dma_start3A_111, %dma_start3A_112, %dma_start3A_113] : memref<8x128x16xf32, #tpu.memory_space<vmem>> -> memref<1x128x16xf32, #tpu.memory_space<vmem>>
      %dma_start3A_115 = tpu.memref_squeeze %dma_start3A_114 : memref<1x128x16xf32, #tpu.memory_space<vmem>> -> memref<128x16xf32, #tpu.memory_space<vmem>>
      %dma_start3A_116 = arith.constant 0 : i32
      %dma_start3A_117 = tpu.memref_slice %arg6[%dma_start3A_109, %dma_start3A_110, %dma_start3A_116] : memref<8x2x128xi32, #tpu.memory_space<vmem>> -> memref<1x1x128xi32, #tpu.memory_space<vmem>>
      %dma_start3A_118 = tpu.memref_squeeze %dma_start3A_117 : memref<1x1x128xi32, #tpu.memory_space<vmem>> -> memref<128xi32, #tpu.memory_space<vmem>>
      %dma_start3A_119 = arith.constant 0 : i32
      %dma_start3A_120 = arith.constant 0 : i32
      %dma_start3A_121 = tpu.memref_slice %arg2[%dma_start3A_119, %dma_start3A_120] : memref<100096x16xf32, #tpu.memory_space<hbm>> -> memref<100096x16xf32, #tpu.memory_space<hbm>>
      tpu.enqueue_indirect_dma source(%dma_start3A_121 : memref<100096x16xf32, #tpu.memory_space<hbm>>) target(%dma_start3A_115 : memref<128x16xf32, #tpu.memory_space<vmem>>) offsets(%dma_start3A_118 : memref<128xi32, #tpu.memory_space<vmem>>) semaphore(%arg9 : memref<!tpu.dma_semaphore, #tpu.memory_space<semaphore_mem>>)
      %dma_wait3A = arith.constant 0 : i32
      %dma_wait3A_122 = arith.constant 0 : i32
      %dma_wait3A_123 = arith.constant 0 : i32
      %dma_wait3A_124 = arith.constant 0 : i32
      %dma_wait3A_125 = arith.constant 0 : i32
      %dma_wait3A_126 = tpu.memref_slice %arg7[%dma_wait3A_123, %dma_wait3A_124, %dma_wait3A_125] : memref<8x128x16xf32, #tpu.memory_space<vmem>> -> memref<1x128x16xf32, #tpu.memory_space<vmem>>
      %dma_wait3A_127 = tpu.memref_squeeze %dma_wait3A_126 : memref<1x128x16xf32, #tpu.memory_space<vmem>> -> memref<128x16xf32, #tpu.memory_space<vmem>>
      %dma_wait3A_128 = arith.constant 0 : i32
      %dma_wait3A_129 = tpu.memref_slice %arg6[%dma_wait3A, %dma_wait3A_122, %dma_wait3A_128] : memref<8x2x128xi32, #tpu.memory_space<vmem>> -> memref<1x1x128xi32, #tpu.memory_space<vmem>>
      %dma_wait3A_130 = tpu.memref_squeeze %dma_wait3A_129 : memref<1x1x128xi32, #tpu.memory_space<vmem>> -> memref<128xi32, #tpu.memory_space<vmem>>
      %dma_wait3A_131 = arith.constant 0 : i32
      %dma_wait3A_132 = arith.constant 0 : i32
      %dma_wait3A_133 = tpu.memref_slice %arg2[%dma_wait3A_131, %dma_wait3A_132] : memref<100096x16xf32, #tpu.memory_space<hbm>> -> memref<100096x16xf32, #tpu.memory_space<hbm>>
      tpu.wait_indirect_dma semaphore(%arg9 : memref<!tpu.dma_semaphore, #tpu.memory_space<semaphore_mem>>) src(%dma_wait3A_133 : memref<100096x16xf32, #tpu.memory_space<hbm>>) dst(%dma_wait3A_127 : memref<128x16xf32, #tpu.memory_space<vmem>>)
      %dma_start3A_134 = arith.constant 0 : i32
      %dma_start3A_135 = arith.constant 0 : i32
      %dma_start3A_136 = arith.constant 1 : i32
      %dma_start3A_137 = arith.constant 0 : i32
      %dma_start3A_138 = arith.constant 0 : i32
      %dma_start3A_139 = tpu.memref_slice %arg7[%dma_start3A_134, %dma_start3A_137, %dma_start3A_138] : memref<8x128x16xf32, #tpu.memory_space<vmem>> -> memref<1x128x16xf32, #tpu.memory_space<vmem>>
      %dma_start3A_140 = tpu.memref_squeeze %dma_start3A_139 : memref<1x128x16xf32, #tpu.memory_space<vmem>> -> memref<128x16xf32, #tpu.memory_space<vmem>>
      %dma_start3A_141 = arith.constant 0 : i32
      %dma_start3A_142 = tpu.memref_slice %arg6[%dma_start3A_135, %dma_start3A_136, %dma_start3A_141] : memref<8x2x128xi32, #tpu.memory_space<vmem>> -> memref<1x1x128xi32, #tpu.memory_space<vmem>>
      %dma_start3A_143 = tpu.memref_squeeze %dma_start3A_142 : memref<1x1x128xi32, #tpu.memory_space<vmem>> -> memref<128xi32, #tpu.memory_space<vmem>>
      %dma_start3A_144 = arith.constant 0 : i32
      %dma_start3A_145 = arith.constant 0 : i32
      %dma_start3A_146 = tpu.memref_slice %arg8[%dma_start3A_144, %dma_start3A_145] : memref<100096x16xf32, #tpu.memory_space<vmem_shared>> -> memref<100096x16xf32, #tpu.memory_space<vmem_shared>>
      tpu.enqueue_indirect_dma source(%dma_start3A_140 : memref<128x16xf32, #tpu.memory_space<vmem>>) target(%dma_start3A_146 : memref<100096x16xf32, #tpu.memory_space<vmem_shared>>) offsets(%dma_start3A_143 : memref<128xi32, #tpu.memory_space<vmem>>) semaphore(%arg10 : memref<!tpu.dma_semaphore, #tpu.memory_space<semaphore_mem>>) {add = true}
      %dma_wait3A_147 = arith.constant 1 : i32
      %dma_wait3A_148 = arith.constant 0 : i32
      %dma_wait3A_149 = arith.constant 1 : i32
      %dma_wait3A_150 = arith.constant 0 : i32
      %dma_wait3A_151 = arith.constant 0 : i32
      %dma_wait3A_152 = tpu.memref_slice %arg7[%dma_wait3A_149, %dma_wait3A_150, %dma_wait3A_151] : memref<8x128x16xf32, #tpu.memory_space<vmem>> -> memref<1x128x16xf32, #tpu.memory_space<vmem>>
      %dma_wait3A_153 = tpu.memref_squeeze %dma_wait3A_152 : memref<1x128x16xf32, #tpu.memory_space<vmem>> -> memref<128x16xf32, #tpu.memory_space<vmem>>
      %dma_wait3A_154 = arith.constant 0 : i32
      %dma_wait3A_155 = tpu.memref_slice %arg6[%dma_wait3A_147, %dma_wait3A_148, %dma_wait3A_154] : memref<8x2x128xi32, #tpu.memory_space<vmem>> -> memref<1x1x128xi32, #tpu.memory_space<vmem>>
      %dma_wait3A_156 = tpu.memref_squeeze %dma_wait3A_155 : memref<1x1x128xi32, #tpu.memory_space<vmem>> -> memref<128xi32, #tpu.memory_space<vmem>>
      %dma_wait3A_157 = arith.constant 0 : i32
      %dma_wait3A_158 = arith.constant 0 : i32
      %dma_wait3A_159 = tpu.memref_slice %arg2[%dma_wait3A_157, %dma_wait3A_158] : memref<100096x16xf32, #tpu.memory_space<hbm>> -> memref<100096x16xf32, #tpu.memory_space<hbm>>
      tpu.wait_indirect_dma semaphore(%arg9 : memref<!tpu.dma_semaphore, #tpu.memory_space<semaphore_mem>>) src(%dma_wait3A_159 : memref<100096x16xf32, #tpu.memory_space<hbm>>) dst(%dma_wait3A_153 : memref<128x16xf32, #tpu.memory_space<vmem>>)
      %dma_start3A_160 = arith.constant 1 : i32
      %dma_start3A_161 = arith.constant 1 : i32
      %dma_start3A_162 = arith.constant 1 : i32
      %dma_start3A_163 = arith.constant 0 : i32
      %dma_start3A_164 = arith.constant 0 : i32
      %dma_start3A_165 = tpu.memref_slice %arg7[%dma_start3A_160, %dma_start3A_163, %dma_start3A_164] : memref<8x128x16xf32, #tpu.memory_space<vmem>> -> memref<1x128x16xf32, #tpu.memory_space<vmem>>
      %dma_start3A_166 = tpu.memref_squeeze %dma_start3A_165 : memref<1x128x16xf32, #tpu.memory_space<vmem>> -> memref<128x16xf32, #tpu.memory_space<vmem>>
      %dma_start3A_167 = arith.constant 0 : i32
      %dma_start3A_168 = tpu.memref_slice %arg6[%dma_start3A_161, %dma_start3A_162, %dma_start3A_167] : memref<8x2x128xi32, #tpu.memory_space<vmem>> -> memref<1x1x128xi32, #tpu.memory_space<vmem>>
      %dma_start3A_169 = tpu.memref_squeeze %dma_start3A_168 : memref<1x1x128xi32, #tpu.memory_space<vmem>> -> memref<128xi32, #tpu.memory_space<vmem>>
      %dma_start3A_170 = arith.constant 0 : i32
      %dma_start3A_171 = arith.constant 0 : i32
      %dma_start3A_172 = tpu.memref_slice %arg8[%dma_start3A_170, %dma_start3A_171] : memref<100096x16xf32, #tpu.memory_space<vmem_shared>> -> memref<100096x16xf32, #tpu.memory_space<vmem_shared>>
      tpu.enqueue_indirect_dma source(%dma_start3A_166 : memref<128x16xf32, #tpu.memory_space<vmem>>) target(%dma_start3A_172 : memref<100096x16xf32, #tpu.memory_space<vmem_shared>>) offsets(%dma_start3A_169 : memref<128xi32, #tpu.memory_space<vmem>>) semaphore(%arg10 : memref<!tpu.dma_semaphore, #tpu.memory_space<semaphore_mem>>) {add = true}
      %dma_wait3A_173 = arith.constant 2 : i32
      %dma_wait3A_174 = arith.constant 0 : i32
      %dma_wait3A_175 = arith.constant 2 : i32
      %dma_wait3A_176 = arith.constant 0 : i32
      %dma_wait3A_177 = arith.constant 0 : i32
      %dma_wait3A_178 = tpu.memref_slice %arg7[%dma_wait3A_175, %dma_wait3A_176, %dma_wait3A_177] : memref<8x128x16xf32, #tpu.memory_space<vmem>> -> memref<1x128x16xf32, #tpu.memory_space<vmem>>
      %dma_wait3A_179 = tpu.memref_squeeze %dma_wait3A_178 : memref<1x128x16xf32, #tpu.memory_space<vmem>> -> memref<128x16xf32, #tpu.memory_space<vmem>>
      %dma_wait3A_180 = arith.constant 0 : i32
      %dma_wait3A_181 = tpu.memref_slice %arg6[%dma_wait3A_173, %dma_wait3A_174, %dma_wait3A_180] : memref<8x2x128xi32, #tpu.memory_space<vmem>> -> memref<1x1x128xi32, #tpu.memory_space<vmem>>
      %dma_wait3A_182 = tpu.memref_squeeze %dma_wait3A_181 : memref<1x1x128xi32, #tpu.memory_space<vmem>> -> memref<128xi32, #tpu.memory_space<vmem>>
      %dma_wait3A_183 = arith.constant 0 : i32
      %dma_wait3A_184 = arith.constant 0 : i32
      %dma_wait3A_185 = tpu.memref_slice %arg2[%dma_wait3A_183, %dma_wait3A_184] : memref<100096x16xf32, #tpu.memory_space<hbm>> -> memref<100096x16xf32, #tpu.memory_space<hbm>>
      tpu.wait_indirect_dma semaphore(%arg9 : memref<!tpu.dma_semaphore, #tpu.memory_space<semaphore_mem>>) src(%dma_wait3A_185 : memref<100096x16xf32, #tpu.memory_space<hbm>>) dst(%dma_wait3A_179 : memref<128x16xf32, #tpu.memory_space<vmem>>)
      %dma_start3A_186 = arith.constant 2 : i32
      %dma_start3A_187 = arith.constant 2 : i32
      %dma_start3A_188 = arith.constant 1 : i32
      %dma_start3A_189 = arith.constant 0 : i32
      %dma_start3A_190 = arith.constant 0 : i32
      %dma_start3A_191 = tpu.memref_slice %arg7[%dma_start3A_186, %dma_start3A_189, %dma_start3A_190] : memref<8x128x16xf32, #tpu.memory_space<vmem>> -> memref<1x128x16xf32, #tpu.memory_space<vmem>>
      %dma_start3A_192 = tpu.memref_squeeze %dma_start3A_191 : memref<1x128x16xf32, #tpu.memory_space<vmem>> -> memref<128x16xf32, #tpu.memory_space<vmem>>
      %dma_start3A_193 = arith.constant 0 : i32
      %dma_start3A_194 = tpu.memref_slice %arg6[%dma_start3A_187, %dma_start3A_188, %dma_start3A_193] : memref<8x2x128xi32, #tpu.memory_space<vmem>> -> memref<1x1x128xi32, #tpu.memory_space<vmem>>
      %dma_start3A_195 = tpu.memref_squeeze %dma_start3A_194 : memref<1x1x128xi32, #tpu.memory_space<vmem>> -> memref<128xi32, #tpu.memory_space<vmem>>
      %dma_start3A_196 = arith.constant 0 : i32
      %dma_start3A_197 = arith.constant 0 : i32
      %dma_start3A_198 = tpu.memref_slice %arg8[%dma_start3A_196, %dma_start3A_197] : memref<100096x16xf32, #tpu.memory_space<vmem_shared>> -> memref<100096x16xf32, #tpu.memory_space<vmem_shared>>
      tpu.enqueue_indirect_dma source(%dma_start3A_192 : memref<128x16xf32, #tpu.memory_space<vmem>>) target(%dma_start3A_198 : memref<100096x16xf32, #tpu.memory_space<vmem_shared>>) offsets(%dma_start3A_195 : memref<128xi32, #tpu.memory_space<vmem>>) semaphore(%arg10 : memref<!tpu.dma_semaphore, #tpu.memory_space<semaphore_mem>>) {add = true}
      %dma_wait3A_199 = arith.constant 3 : i32
      %dma_wait3A_200 = arith.constant 0 : i32
      %dma_wait3A_201 = arith.constant 3 : i32
      %dma_wait3A_202 = arith.constant 0 : i32
      %dma_wait3A_203 = arith.constant 0 : i32
      %dma_wait3A_204 = tpu.memref_slice %arg7[%dma_wait3A_201, %dma_wait3A_202, %dma_wait3A_203] : memref<8x128x16xf32, #tpu.memory_space<vmem>> -> memref<1x128x16xf32, #tpu.memory_space<vmem>>
      %dma_wait3A_205 = tpu.memref_squeeze %dma_wait3A_204 : memref<1x128x16xf32, #tpu.memory_space<vmem>> -> memref<128x16xf32, #tpu.memory_space<vmem>>
      %dma_wait3A_206 = arith.constant 0 : i32
      %dma_wait3A_207 = tpu.memref_slice %arg6[%dma_wait3A_199, %dma_wait3A_200, %dma_wait3A_206] : memref<8x2x128xi32, #tpu.memory_space<vmem>> -> memref<1x1x128xi32, #tpu.memory_space<vmem>>
      %dma_wait3A_208 = tpu.memref_squeeze %dma_wait3A_207 : memref<1x1x128xi32, #tpu.memory_space<vmem>> -> memref<128xi32, #tpu.memory_space<vmem>>
      %dma_wait3A_209 = arith.constant 0 : i32
      %dma_wait3A_210 = arith.constant 0 : i32
      %dma_wait3A_211 = tpu.memref_slice %arg2[%dma_wait3A_209, %dma_wait3A_210] : memref<100096x16xf32, #tpu.memory_space<hbm>> -> memref<100096x16xf32, #tpu.memory_space<hbm>>
      tpu.wait_indirect_dma semaphore(%arg9 : memref<!tpu.dma_semaphore, #tpu.memory_space<semaphore_mem>>) src(%dma_wait3A_211 : memref<100096x16xf32, #tpu.memory_space<hbm>>) dst(%dma_wait3A_205 : memref<128x16xf32, #tpu.memory_space<vmem>>)
      %dma_start3A_212 = arith.constant 3 : i32
      %dma_start3A_213 = arith.constant 3 : i32
      %dma_start3A_214 = arith.constant 1 : i32
      %dma_start3A_215 = arith.constant 0 : i32
      %dma_start3A_216 = arith.constant 0 : i32
      %dma_start3A_217 = tpu.memref_slice %arg7[%dma_start3A_212, %dma_start3A_215, %dma_start3A_216] : memref<8x128x16xf32, #tpu.memory_space<vmem>> -> memref<1x128x16xf32, #tpu.memory_space<vmem>>
      %dma_start3A_218 = tpu.memref_squeeze %dma_start3A_217 : memref<1x128x16xf32, #tpu.memory_space<vmem>> -> memref<128x16xf32, #tpu.memory_space<vmem>>
      %dma_start3A_219 = arith.constant 0 : i32
      %dma_start3A_220 = tpu.memref_slice %arg6[%dma_start3A_213, %dma_start3A_214, %dma_start3A_219] : memref<8x2x128xi32, #tpu.memory_space<vmem>> -> memref<1x1x128xi32, #tpu.memory_space<vmem>>
      %dma_start3A_221 = tpu.memref_squeeze %dma_start3A_220 : memref<1x1x128xi32, #tpu.memory_space<vmem>> -> memref<128xi32, #tpu.memory_space<vmem>>
      %dma_start3A_222 = arith.constant 0 : i32
      %dma_start3A_223 = arith.constant 0 : i32
      %dma_start3A_224 = tpu.memref_slice %arg8[%dma_start3A_222, %dma_start3A_223] : memref<100096x16xf32, #tpu.memory_space<vmem_shared>> -> memref<100096x16xf32, #tpu.memory_space<vmem_shared>>
      tpu.enqueue_indirect_dma source(%dma_start3A_218 : memref<128x16xf32, #tpu.memory_space<vmem>>) target(%dma_start3A_224 : memref<100096x16xf32, #tpu.memory_space<vmem_shared>>) offsets(%dma_start3A_221 : memref<128xi32, #tpu.memory_space<vmem>>) semaphore(%arg10 : memref<!tpu.dma_semaphore, #tpu.memory_space<semaphore_mem>>) {add = true}
      %dma_wait3A_225 = arith.constant 4 : i32
      %dma_wait3A_226 = arith.constant 0 : i32
      %dma_wait3A_227 = arith.constant 4 : i32
      %dma_wait3A_228 = arith.constant 0 : i32
      %dma_wait3A_229 = arith.constant 0 : i32
      %dma_wait3A_230 = tpu.memref_slice %arg7[%dma_wait3A_227, %dma_wait3A_228, %dma_wait3A_229] : memref<8x128x16xf32, #tpu.memory_space<vmem>> -> memref<1x128x16xf32, #tpu.memory_space<vmem>>
      %dma_wait3A_231 = tpu.memref_squeeze %dma_wait3A_230 : memref<1x128x16xf32, #tpu.memory_space<vmem>> -> memref<128x16xf32, #tpu.memory_space<vmem>>
      %dma_wait3A_232 = arith.constant 0 : i32
      %dma_wait3A_233 = tpu.memref_slice %arg6[%dma_wait3A_225, %dma_wait3A_226, %dma_wait3A_232] : memref<8x2x128xi32, #tpu.memory_space<vmem>> -> memref<1x1x128xi32, #tpu.memory_space<vmem>>
      %dma_wait3A_234 = tpu.memref_squeeze %dma_wait3A_233 : memref<1x1x128xi32, #tpu.memory_space<vmem>> -> memref<128xi32, #tpu.memory_space<vmem>>
      %dma_wait3A_235 = arith.constant 0 : i32
      %dma_wait3A_236 = arith.constant 0 : i32
      %dma_wait3A_237 = tpu.memref_slice %arg2[%dma_wait3A_235, %dma_wait3A_236] : memref<100096x16xf32, #tpu.memory_space<hbm>> -> memref<100096x16xf32, #tpu.memory_space<hbm>>
      tpu.wait_indirect_dma semaphore(%arg9 : memref<!tpu.dma_semaphore, #tpu.memory_space<semaphore_mem>>) src(%dma_wait3A_237 : memref<100096x16xf32, #tpu.memory_space<hbm>>) dst(%dma_wait3A_231 : memref<128x16xf32, #tpu.memory_space<vmem>>)
      %dma_start3A_238 = arith.constant 4 : i32
      %dma_start3A_239 = arith.constant 4 : i32
      %dma_start3A_240 = arith.constant 1 : i32
      %dma_start3A_241 = arith.constant 0 : i32
      %dma_start3A_242 = arith.constant 0 : i32
      %dma_start3A_243 = tpu.memref_slice %arg7[%dma_start3A_238, %dma_start3A_241, %dma_start3A_242] : memref<8x128x16xf32, #tpu.memory_space<vmem>> -> memref<1x128x16xf32, #tpu.memory_space<vmem>>
      %dma_start3A_244 = tpu.memref_squeeze %dma_start3A_243 : memref<1x128x16xf32, #tpu.memory_space<vmem>> -> memref<128x16xf32, #tpu.memory_space<vmem>>
      %dma_start3A_245 = arith.constant 0 : i32
      %dma_start3A_246 = tpu.memref_slice %arg6[%dma_start3A_239, %dma_start3A_240, %dma_start3A_245] : memref<8x2x128xi32, #tpu.memory_space<vmem>> -> memref<1x1x128xi32, #tpu.memory_space<vmem>>
      %dma_start3A_247 = tpu.memref_squeeze %dma_start3A_246 : memref<1x1x128xi32, #tpu.memory_space<vmem>> -> memref<128xi32, #tpu.memory_space<vmem>>
      %dma_start3A_248 = arith.constant 0 : i32
      %dma_start3A_249 = arith.constant 0 : i32
      %dma_start3A_250 = tpu.memref_slice %arg8[%dma_start3A_248, %dma_start3A_249] : memref<100096x16xf32, #tpu.memory_space<vmem_shared>> -> memref<100096x16xf32, #tpu.memory_space<vmem_shared>>
      tpu.enqueue_indirect_dma source(%dma_start3A_244 : memref<128x16xf32, #tpu.memory_space<vmem>>) target(%dma_start3A_250 : memref<100096x16xf32, #tpu.memory_space<vmem_shared>>) offsets(%dma_start3A_247 : memref<128xi32, #tpu.memory_space<vmem>>) semaphore(%arg10 : memref<!tpu.dma_semaphore, #tpu.memory_space<semaphore_mem>>) {add = true}
      %dma_wait3A_251 = arith.constant 5 : i32
      %dma_wait3A_252 = arith.constant 0 : i32
      %dma_wait3A_253 = arith.constant 5 : i32
      %dma_wait3A_254 = arith.constant 0 : i32
      %dma_wait3A_255 = arith.constant 0 : i32
      %dma_wait3A_256 = tpu.memref_slice %arg7[%dma_wait3A_253, %dma_wait3A_254, %dma_wait3A_255] : memref<8x128x16xf32, #tpu.memory_space<vmem>> -> memref<1x128x16xf32, #tpu.memory_space<vmem>>
      %dma_wait3A_257 = tpu.memref_squeeze %dma_wait3A_256 : memref<1x128x16xf32, #tpu.memory_space<vmem>> -> memref<128x16xf32, #tpu.memory_space<vmem>>
      %dma_wait3A_258 = arith.constant 0 : i32
      %dma_wait3A_259 = tpu.memref_slice %arg6[%dma_wait3A_251, %dma_wait3A_252, %dma_wait3A_258] : memref<8x2x128xi32, #tpu.memory_space<vmem>> -> memref<1x1x128xi32, #tpu.memory_space<vmem>>
      %dma_wait3A_260 = tpu.memref_squeeze %dma_wait3A_259 : memref<1x1x128xi32, #tpu.memory_space<vmem>> -> memref<128xi32, #tpu.memory_space<vmem>>
      %dma_wait3A_261 = arith.constant 0 : i32
      %dma_wait3A_262 = arith.constant 0 : i32
      %dma_wait3A_263 = tpu.memref_slice %arg2[%dma_wait3A_261, %dma_wait3A_262] : memref<100096x16xf32, #tpu.memory_space<hbm>> -> memref<100096x16xf32, #tpu.memory_space<hbm>>
      tpu.wait_indirect_dma semaphore(%arg9 : memref<!tpu.dma_semaphore, #tpu.memory_space<semaphore_mem>>) src(%dma_wait3A_263 : memref<100096x16xf32, #tpu.memory_space<hbm>>) dst(%dma_wait3A_257 : memref<128x16xf32, #tpu.memory_space<vmem>>)
      %dma_start3A_264 = arith.constant 5 : i32
      %dma_start3A_265 = arith.constant 5 : i32
      %dma_start3A_266 = arith.constant 1 : i32
      %dma_start3A_267 = arith.constant 0 : i32
      %dma_start3A_268 = arith.constant 0 : i32
      %dma_start3A_269 = tpu.memref_slice %arg7[%dma_start3A_264, %dma_start3A_267, %dma_start3A_268] : memref<8x128x16xf32, #tpu.memory_space<vmem>> -> memref<1x128x16xf32, #tpu.memory_space<vmem>>
      %dma_start3A_270 = tpu.memref_squeeze %dma_start3A_269 : memref<1x128x16xf32, #tpu.memory_space<vmem>> -> memref<128x16xf32, #tpu.memory_space<vmem>>
      %dma_start3A_271 = arith.constant 0 : i32
      %dma_start3A_272 = tpu.memref_slice %arg6[%dma_start3A_265, %dma_start3A_266, %dma_start3A_271] : memref<8x2x128xi32, #tpu.memory_space<vmem>> -> memref<1x1x128xi32, #tpu.memory_space<vmem>>
      %dma_start3A_273 = tpu.memref_squeeze %dma_start3A_272 : memref<1x1x128xi32, #tpu.memory_space<vmem>> -> memref<128xi32, #tpu.memory_space<vmem>>
      %dma_start3A_274 = arith.constant 0 : i32
      %dma_start3A_275 = arith.constant 0 : i32
      %dma_start3A_276 = tpu.memref_slice %arg8[%dma_start3A_274, %dma_start3A_275] : memref<100096x16xf32, #tpu.memory_space<vmem_shared>> -> memref<100096x16xf32, #tpu.memory_space<vmem_shared>>
      tpu.enqueue_indirect_dma source(%dma_start3A_270 : memref<128x16xf32, #tpu.memory_space<vmem>>) target(%dma_start3A_276 : memref<100096x16xf32, #tpu.memory_space<vmem_shared>>) offsets(%dma_start3A_273 : memref<128xi32, #tpu.memory_space<vmem>>) semaphore(%arg10 : memref<!tpu.dma_semaphore, #tpu.memory_space<semaphore_mem>>) {add = true}
      %dma_wait3A_277 = arith.constant 6 : i32
      %dma_wait3A_278 = arith.constant 0 : i32
      %dma_wait3A_279 = arith.constant 6 : i32
      %dma_wait3A_280 = arith.constant 0 : i32
      %dma_wait3A_281 = arith.constant 0 : i32
      %dma_wait3A_282 = tpu.memref_slice %arg7[%dma_wait3A_279, %dma_wait3A_280, %dma_wait3A_281] : memref<8x128x16xf32, #tpu.memory_space<vmem>> -> memref<1x128x16xf32, #tpu.memory_space<vmem>>
      %dma_wait3A_283 = tpu.memref_squeeze %dma_wait3A_282 : memref<1x128x16xf32, #tpu.memory_space<vmem>> -> memref<128x16xf32, #tpu.memory_space<vmem>>
      %dma_wait3A_284 = arith.constant 0 : i32
      %dma_wait3A_285 = tpu.memref_slice %arg6[%dma_wait3A_277, %dma_wait3A_278, %dma_wait3A_284] : memref<8x2x128xi32, #tpu.memory_space<vmem>> -> memref<1x1x128xi32, #tpu.memory_space<vmem>>
      %dma_wait3A_286 = tpu.memref_squeeze %dma_wait3A_285 : memref<1x1x128xi32, #tpu.memory_space<vmem>> -> memref<128xi32, #tpu.memory_space<vmem>>
      %dma_wait3A_287 = arith.constant 0 : i32
      %dma_wait3A_288 = arith.constant 0 : i32
      %dma_wait3A_289 = tpu.memref_slice %arg2[%dma_wait3A_287, %dma_wait3A_288] : memref<100096x16xf32, #tpu.memory_space<hbm>> -> memref<100096x16xf32, #tpu.memory_space<hbm>>
      tpu.wait_indirect_dma semaphore(%arg9 : memref<!tpu.dma_semaphore, #tpu.memory_space<semaphore_mem>>) src(%dma_wait3A_289 : memref<100096x16xf32, #tpu.memory_space<hbm>>) dst(%dma_wait3A_283 : memref<128x16xf32, #tpu.memory_space<vmem>>)
      %dma_start3A_290 = arith.constant 6 : i32
      %dma_start3A_291 = arith.constant 6 : i32
      %dma_start3A_292 = arith.constant 1 : i32
      %dma_start3A_293 = arith.constant 0 : i32
      %dma_start3A_294 = arith.constant 0 : i32
      %dma_start3A_295 = tpu.memref_slice %arg7[%dma_start3A_290, %dma_start3A_293, %dma_start3A_294] : memref<8x128x16xf32, #tpu.memory_space<vmem>> -> memref<1x128x16xf32, #tpu.memory_space<vmem>>
      %dma_start3A_296 = tpu.memref_squeeze %dma_start3A_295 : memref<1x128x16xf32, #tpu.memory_space<vmem>> -> memref<128x16xf32, #tpu.memory_space<vmem>>
      %dma_start3A_297 = arith.constant 0 : i32
      %dma_start3A_298 = tpu.memref_slice %arg6[%dma_start3A_291, %dma_start3A_292, %dma_start3A_297] : memref<8x2x128xi32, #tpu.memory_space<vmem>> -> memref<1x1x128xi32, #tpu.memory_space<vmem>>
      %dma_start3A_299 = tpu.memref_squeeze %dma_start3A_298 : memref<1x1x128xi32, #tpu.memory_space<vmem>> -> memref<128xi32, #tpu.memory_space<vmem>>
      %dma_start3A_300 = arith.constant 0 : i32
      %dma_start3A_301 = arith.constant 0 : i32
      %dma_start3A_302 = tpu.memref_slice %arg8[%dma_start3A_300, %dma_start3A_301] : memref<100096x16xf32, #tpu.memory_space<vmem_shared>> -> memref<100096x16xf32, #tpu.memory_space<vmem_shared>>
      tpu.enqueue_indirect_dma source(%dma_start3A_296 : memref<128x16xf32, #tpu.memory_space<vmem>>) target(%dma_start3A_302 : memref<100096x16xf32, #tpu.memory_space<vmem_shared>>) offsets(%dma_start3A_299 : memref<128xi32, #tpu.memory_space<vmem>>) semaphore(%arg10 : memref<!tpu.dma_semaphore, #tpu.memory_space<semaphore_mem>>) {add = true}
      %dma_wait3A_303 = arith.constant 7 : i32
      %dma_wait3A_304 = arith.constant 0 : i32
      %dma_wait3A_305 = arith.constant 7 : i32
      %dma_wait3A_306 = arith.constant 0 : i32
      %dma_wait3A_307 = arith.constant 0 : i32
      %dma_wait3A_308 = tpu.memref_slice %arg7[%dma_wait3A_305, %dma_wait3A_306, %dma_wait3A_307] : memref<8x128x16xf32, #tpu.memory_space<vmem>> -> memref<1x128x16xf32, #tpu.memory_space<vmem>>
      %dma_wait3A_309 = tpu.memref_squeeze %dma_wait3A_308 : memref<1x128x16xf32, #tpu.memory_space<vmem>> -> memref<128x16xf32, #tpu.memory_space<vmem>>
      %dma_wait3A_310 = arith.constant 0 : i32
      %dma_wait3A_311 = tpu.memref_slice %arg6[%dma_wait3A_303, %dma_wait3A_304, %dma_wait3A_310] : memref<8x2x128xi32, #tpu.memory_space<vmem>> -> memref<1x1x128xi32, #tpu.memory_space<vmem>>
      %dma_wait3A_312 = tpu.memref_squeeze %dma_wait3A_311 : memref<1x1x128xi32, #tpu.memory_space<vmem>> -> memref<128xi32, #tpu.memory_space<vmem>>
      %dma_wait3A_313 = arith.constant 0 : i32
      %dma_wait3A_314 = arith.constant 0 : i32
      %dma_wait3A_315 = tpu.memref_slice %arg2[%dma_wait3A_313, %dma_wait3A_314] : memref<100096x16xf32, #tpu.memory_space<hbm>> -> memref<100096x16xf32, #tpu.memory_space<hbm>>
      tpu.wait_indirect_dma semaphore(%arg9 : memref<!tpu.dma_semaphore, #tpu.memory_space<semaphore_mem>>) src(%dma_wait3A_315 : memref<100096x16xf32, #tpu.memory_space<hbm>>) dst(%dma_wait3A_309 : memref<128x16xf32, #tpu.memory_space<vmem>>)
      %dma_start3A_316 = arith.constant 7 : i32
      %dma_start3A_317 = arith.constant 7 : i32
      %dma_start3A_318 = arith.constant 1 : i32
      %dma_start3A_319 = arith.constant 0 : i32
      %dma_start3A_320 = arith.constant 0 : i32
      %dma_start3A_321 = tpu.memref_slice %arg7[%dma_start3A_316, %dma_start3A_319, %dma_start3A_320] : memref<8x128x16xf32, #tpu.memory_space<vmem>> -> memref<1x128x16xf32, #tpu.memory_space<vmem>>
      %dma_start3A_322 = tpu.memref_squeeze %dma_start3A_321 : memref<1x128x16xf32, #tpu.memory_space<vmem>> -> memref<128x16xf32, #tpu.memory_space<vmem>>
      %dma_start3A_323 = arith.constant 0 : i32
      %dma_start3A_324 = tpu.memref_slice %arg6[%dma_start3A_317, %dma_start3A_318, %dma_start3A_323] : memref<8x2x128xi32, #tpu.memory_space<vmem>> -> memref<1x1x128xi32, #tpu.memory_space<vmem>>
      %dma_start3A_325 = tpu.memref_squeeze %dma_start3A_324 : memref<1x1x128xi32, #tpu.memory_space<vmem>> -> memref<128xi32, #tpu.memory_space<vmem>>
      %dma_start3A_326 = arith.constant 0 : i32
      %dma_start3A_327 = arith.constant 0 : i32
      %dma_start3A_328 = tpu.memref_slice %arg8[%dma_start3A_326, %dma_start3A_327] : memref<100096x16xf32, #tpu.memory_space<vmem_shared>> -> memref<100096x16xf32, #tpu.memory_space<vmem_shared>>
      tpu.enqueue_indirect_dma source(%dma_start3A_322 : memref<128x16xf32, #tpu.memory_space<vmem>>) target(%dma_start3A_328 : memref<100096x16xf32, #tpu.memory_space<vmem_shared>>) offsets(%dma_start3A_325 : memref<128xi32, #tpu.memory_space<vmem>>) semaphore(%arg10 : memref<!tpu.dma_semaphore, #tpu.memory_space<semaphore_mem>>) {add = true}
      %dma_wait3A_329 = arith.constant 0 : i32
      %dma_wait3A_330 = arith.constant 0 : i32
      %dma_wait3A_331 = arith.constant 1 : i32
      %dma_wait3A_332 = arith.constant 0 : i32
      %dma_wait3A_333 = arith.constant 0 : i32
      %dma_wait3A_334 = tpu.memref_slice %arg7[%dma_wait3A_329, %dma_wait3A_332, %dma_wait3A_333] : memref<8x128x16xf32, #tpu.memory_space<vmem>> -> memref<1x128x16xf32, #tpu.memory_space<vmem>>
      %dma_wait3A_335 = tpu.memref_squeeze %dma_wait3A_334 : memref<1x128x16xf32, #tpu.memory_space<vmem>> -> memref<128x16xf32, #tpu.memory_space<vmem>>
      %dma_wait3A_336 = arith.constant 0 : i32
      %dma_wait3A_337 = tpu.memref_slice %arg6[%dma_wait3A_330, %dma_wait3A_331, %dma_wait3A_336] : memref<8x2x128xi32, #tpu.memory_space<vmem>> -> memref<1x1x128xi32, #tpu.memory_space<vmem>>
      %dma_wait3A_338 = tpu.memref_squeeze %dma_wait3A_337 : memref<1x1x128xi32, #tpu.memory_space<vmem>> -> memref<128xi32, #tpu.memory_space<vmem>>
      %dma_wait3A_339 = arith.constant 0 : i32
      %dma_wait3A_340 = arith.constant 0 : i32
      %dma_wait3A_341 = tpu.memref_slice %arg8[%dma_wait3A_339, %dma_wait3A_340] : memref<100096x16xf32, #tpu.memory_space<vmem_shared>> -> memref<100096x16xf32, #tpu.memory_space<vmem_shared>>
      tpu.wait_indirect_dma semaphore(%arg10 : memref<!tpu.dma_semaphore, #tpu.memory_space<semaphore_mem>>) src(%dma_wait3A_335 : memref<128x16xf32, #tpu.memory_space<vmem>>) dst(%dma_wait3A_341 : memref<100096x16xf32, #tpu.memory_space<vmem_shared>>)
      %dma_wait3A_342 = arith.constant 1 : i32
      %dma_wait3A_343 = arith.constant 1 : i32
      %dma_wait3A_344 = arith.constant 1 : i32
      %dma_wait3A_345 = arith.constant 0 : i32
      %dma_wait3A_346 = arith.constant 0 : i32
      %dma_wait3A_347 = tpu.memref_slice %arg7[%dma_wait3A_342, %dma_wait3A_345, %dma_wait3A_346] : memref<8x128x16xf32, #tpu.memory_space<vmem>> -> memref<1x128x16xf32, #tpu.memory_space<vmem>>
      %dma_wait3A_348 = tpu.memref_squeeze %dma_wait3A_347 : memref<1x128x16xf32, #tpu.memory_space<vmem>> -> memref<128x16xf32, #tpu.memory_space<vmem>>
      %dma_wait3A_349 = arith.constant 0 : i32
      %dma_wait3A_350 = tpu.memref_slice %arg6[%dma_wait3A_343, %dma_wait3A_344, %dma_wait3A_349] : memref<8x2x128xi32, #tpu.memory_space<vmem>> -> memref<1x1x128xi32, #tpu.memory_space<vmem>>
      %dma_wait3A_351 = tpu.memref_squeeze %dma_wait3A_350 : memref<1x1x128xi32, #tpu.memory_space<vmem>> -> memref<128xi32, #tpu.memory_space<vmem>>
      %dma_wait3A_352 = arith.constant 0 : i32
      %dma_wait3A_353 = arith.constant 0 : i32
      %dma_wait3A_354 = tpu.memref_slice %arg8[%dma_wait3A_352, %dma_wait3A_353] : memref<100096x16xf32, #tpu.memory_space<vmem_shared>> -> memref<100096x16xf32, #tpu.memory_space<vmem_shared>>
      tpu.wait_indirect_dma semaphore(%arg10 : memref<!tpu.dma_semaphore, #tpu.memory_space<semaphore_mem>>) src(%dma_wait3A_348 : memref<128x16xf32, #tpu.memory_space<vmem>>) dst(%dma_wait3A_354 : memref<100096x16xf32, #tpu.memory_space<vmem_shared>>)
      %dma_wait3A_355 = arith.constant 2 : i32
      %dma_wait3A_356 = arith.constant 2 : i32
      %dma_wait3A_357 = arith.constant 1 : i32
      %dma_wait3A_358 = arith.constant 0 : i32
      %dma_wait3A_359 = arith.constant 0 : i32
      %dma_wait3A_360 = tpu.memref_slice %arg7[%dma_wait3A_355, %dma_wait3A_358, %dma_wait3A_359] : memref<8x128x16xf32, #tpu.memory_space<vmem>> -> memref<1x128x16xf32, #tpu.memory_space<vmem>>
      %dma_wait3A_361 = tpu.memref_squeeze %dma_wait3A_360 : memref<1x128x16xf32, #tpu.memory_space<vmem>> -> memref<128x16xf32, #tpu.memory_space<vmem>>
      %dma_wait3A_362 = arith.constant 0 : i32
      %dma_wait3A_363 = tpu.memref_slice %arg6[%dma_wait3A_356, %dma_wait3A_357, %dma_wait3A_362] : memref<8x2x128xi32, #tpu.memory_space<vmem>> -> memref<1x1x128xi32, #tpu.memory_space<vmem>>
      %dma_wait3A_364 = tpu.memref_squeeze %dma_wait3A_363 : memref<1x1x128xi32, #tpu.memory_space<vmem>> -> memref<128xi32, #tpu.memory_space<vmem>>
      %dma_wait3A_365 = arith.constant 0 : i32
      %dma_wait3A_366 = arith.constant 0 : i32
      %dma_wait3A_367 = tpu.memref_slice %arg8[%dma_wait3A_365, %dma_wait3A_366] : memref<100096x16xf32, #tpu.memory_space<vmem_shared>> -> memref<100096x16xf32, #tpu.memory_space<vmem_shared>>
      tpu.wait_indirect_dma semaphore(%arg10 : memref<!tpu.dma_semaphore, #tpu.memory_space<semaphore_mem>>) src(%dma_wait3A_361 : memref<128x16xf32, #tpu.memory_space<vmem>>) dst(%dma_wait3A_367 : memref<100096x16xf32, #tpu.memory_space<vmem_shared>>)
      %dma_wait3A_368 = arith.constant 3 : i32
      %dma_wait3A_369 = arith.constant 3 : i32
      %dma_wait3A_370 = arith.constant 1 : i32
      %dma_wait3A_371 = arith.constant 0 : i32
      %dma_wait3A_372 = arith.constant 0 : i32
      %dma_wait3A_373 = tpu.memref_slice %arg7[%dma_wait3A_368, %dma_wait3A_371, %dma_wait3A_372] : memref<8x128x16xf32, #tpu.memory_space<vmem>> -> memref<1x128x16xf32, #tpu.memory_space<vmem>>
      %dma_wait3A_374 = tpu.memref_squeeze %dma_wait3A_373 : memref<1x128x16xf32, #tpu.memory_space<vmem>> -> memref<128x16xf32, #tpu.memory_space<vmem>>
      %dma_wait3A_375 = arith.constant 0 : i32
      %dma_wait3A_376 = tpu.memref_slice %arg6[%dma_wait3A_369, %dma_wait3A_370, %dma_wait3A_375] : memref<8x2x128xi32, #tpu.memory_space<vmem>> -> memref<1x1x128xi32, #tpu.memory_space<vmem>>
      %dma_wait3A_377 = tpu.memref_squeeze %dma_wait3A_376 : memref<1x1x128xi32, #tpu.memory_space<vmem>> -> memref<128xi32, #tpu.memory_space<vmem>>
      %dma_wait3A_378 = arith.constant 0 : i32
      %dma_wait3A_379 = arith.constant 0 : i32
      %dma_wait3A_380 = tpu.memref_slice %arg8[%dma_wait3A_378, %dma_wait3A_379] : memref<100096x16xf32, #tpu.memory_space<vmem_shared>> -> memref<100096x16xf32, #tpu.memory_space<vmem_shared>>
      tpu.wait_indirect_dma semaphore(%arg10 : memref<!tpu.dma_semaphore, #tpu.memory_space<semaphore_mem>>) src(%dma_wait3A_374 : memref<128x16xf32, #tpu.memory_space<vmem>>) dst(%dma_wait3A_380 : memref<100096x16xf32, #tpu.memory_space<vmem_shared>>)
      %dma_wait3A_381 = arith.constant 4 : i32
      %dma_wait3A_382 = arith.constant 4 : i32
      %dma_wait3A_383 = arith.constant 1 : i32
      %dma_wait3A_384 = arith.constant 0 : i32
      %dma_wait3A_385 = arith.constant 0 : i32
      %dma_wait3A_386 = tpu.memref_slice %arg7[%dma_wait3A_381, %dma_wait3A_384, %dma_wait3A_385] : memref<8x128x16xf32, #tpu.memory_space<vmem>> -> memref<1x128x16xf32, #tpu.memory_space<vmem>>
      %dma_wait3A_387 = tpu.memref_squeeze %dma_wait3A_386 : memref<1x128x16xf32, #tpu.memory_space<vmem>> -> memref<128x16xf32, #tpu.memory_space<vmem>>
      %dma_wait3A_388 = arith.constant 0 : i32
      %dma_wait3A_389 = tpu.memref_slice %arg6[%dma_wait3A_382, %dma_wait3A_383, %dma_wait3A_388] : memref<8x2x128xi32, #tpu.memory_space<vmem>> -> memref<1x1x128xi32, #tpu.memory_space<vmem>>
      %dma_wait3A_390 = tpu.memref_squeeze %dma_wait3A_389 : memref<1x1x128xi32, #tpu.memory_space<vmem>> -> memref<128xi32, #tpu.memory_space<vmem>>
      %dma_wait3A_391 = arith.constant 0 : i32
      %dma_wait3A_392 = arith.constant 0 : i32
      %dma_wait3A_393 = tpu.memref_slice %arg8[%dma_wait3A_391, %dma_wait3A_392] : memref<100096x16xf32, #tpu.memory_space<vmem_shared>> -> memref<100096x16xf32, #tpu.memory_space<vmem_shared>>
      tpu.wait_indirect_dma semaphore(%arg10 : memref<!tpu.dma_semaphore, #tpu.memory_space<semaphore_mem>>) src(%dma_wait3A_387 : memref<128x16xf32, #tpu.memory_space<vmem>>) dst(%dma_wait3A_393 : memref<100096x16xf32, #tpu.memory_space<vmem_shared>>)
      %dma_wait3A_394 = arith.constant 5 : i32
      %dma_wait3A_395 = arith.constant 5 : i32
      %dma_wait3A_396 = arith.constant 1 : i32
      %dma_wait3A_397 = arith.constant 0 : i32
      %dma_wait3A_398 = arith.constant 0 : i32
      %dma_wait3A_399 = tpu.memref_slice %arg7[%dma_wait3A_394, %dma_wait3A_397, %dma_wait3A_398] : memref<8x128x16xf32, #tpu.memory_space<vmem>> -> memref<1x128x16xf32, #tpu.memory_space<vmem>>
      %dma_wait3A_400 = tpu.memref_squeeze %dma_wait3A_399 : memref<1x128x16xf32, #tpu.memory_space<vmem>> -> memref<128x16xf32, #tpu.memory_space<vmem>>
      %dma_wait3A_401 = arith.constant 0 : i32
      %dma_wait3A_402 = tpu.memref_slice %arg6[%dma_wait3A_395, %dma_wait3A_396, %dma_wait3A_401] : memref<8x2x128xi32, #tpu.memory_space<vmem>> -> memref<1x1x128xi32, #tpu.memory_space<vmem>>
      %dma_wait3A_403 = tpu.memref_squeeze %dma_wait3A_402 : memref<1x1x128xi32, #tpu.memory_space<vmem>> -> memref<128xi32, #tpu.memory_space<vmem>>
      %dma_wait3A_404 = arith.constant 0 : i32
      %dma_wait3A_405 = arith.constant 0 : i32
      %dma_wait3A_406 = tpu.memref_slice %arg8[%dma_wait3A_404, %dma_wait3A_405] : memref<100096x16xf32, #tpu.memory_space<vmem_shared>> -> memref<100096x16xf32, #tpu.memory_space<vmem_shared>>
      tpu.wait_indirect_dma semaphore(%arg10 : memref<!tpu.dma_semaphore, #tpu.memory_space<semaphore_mem>>) src(%dma_wait3A_400 : memref<128x16xf32, #tpu.memory_space<vmem>>) dst(%dma_wait3A_406 : memref<100096x16xf32, #tpu.memory_space<vmem_shared>>)
      %dma_wait3A_407 = arith.constant 6 : i32
      %dma_wait3A_408 = arith.constant 6 : i32
      %dma_wait3A_409 = arith.constant 1 : i32
      %dma_wait3A_410 = arith.constant 0 : i32
      %dma_wait3A_411 = arith.constant 0 : i32
      %dma_wait3A_412 = tpu.memref_slice %arg7[%dma_wait3A_407, %dma_wait3A_410, %dma_wait3A_411] : memref<8x128x16xf32, #tpu.memory_space<vmem>> -> memref<1x128x16xf32, #tpu.memory_space<vmem>>
      %dma_wait3A_413 = tpu.memref_squeeze %dma_wait3A_412 : memref<1x128x16xf32, #tpu.memory_space<vmem>> -> memref<128x16xf32, #tpu.memory_space<vmem>>
      %dma_wait3A_414 = arith.constant 0 : i32
      %dma_wait3A_415 = tpu.memref_slice %arg6[%dma_wait3A_408, %dma_wait3A_409, %dma_wait3A_414] : memref<8x2x128xi32, #tpu.memory_space<vmem>> -> memref<1x1x128xi32, #tpu.memory_space<vmem>>
      %dma_wait3A_416 = tpu.memref_squeeze %dma_wait3A_415 : memref<1x1x128xi32, #tpu.memory_space<vmem>> -> memref<128xi32, #tpu.memory_space<vmem>>
      %dma_wait3A_417 = arith.constant 0 : i32
      %dma_wait3A_418 = arith.constant 0 : i32
      %dma_wait3A_419 = tpu.memref_slice %arg8[%dma_wait3A_417, %dma_wait3A_418] : memref<100096x16xf32, #tpu.memory_space<vmem_shared>> -> memref<100096x16xf32, #tpu.memory_space<vmem_shared>>
      tpu.wait_indirect_dma semaphore(%arg10 : memref<!tpu.dma_semaphore, #tpu.memory_space<semaphore_mem>>) src(%dma_wait3A_413 : memref<128x16xf32, #tpu.memory_space<vmem>>) dst(%dma_wait3A_419 : memref<100096x16xf32, #tpu.memory_space<vmem_shared>>)
      %dma_wait3A_420 = arith.constant 7 : i32
      %dma_wait3A_421 = arith.constant 7 : i32
      %dma_wait3A_422 = arith.constant 1 : i32
      %dma_wait3A_423 = arith.constant 0 : i32
      %dma_wait3A_424 = arith.constant 0 : i32
      %dma_wait3A_425 = tpu.memref_slice %arg7[%dma_wait3A_420, %dma_wait3A_423, %dma_wait3A_424] : memref<8x128x16xf32, #tpu.memory_space<vmem>> -> memref<1x128x16xf32, #tpu.memory_space<vmem>>
      %dma_wait3A_426 = tpu.memref_squeeze %dma_wait3A_425 : memref<1x128x16xf32, #tpu.memory_space<vmem>> -> memref<128x16xf32, #tpu.memory_space<vmem>>
      %dma_wait3A_427 = arith.constant 0 : i32
      %dma_wait3A_428 = tpu.memref_slice %arg6[%dma_wait3A_421, %dma_wait3A_422, %dma_wait3A_427] : memref<8x2x128xi32, #tpu.memory_space<vmem>> -> memref<1x1x128xi32, #tpu.memory_space<vmem>>
      %dma_wait3A_429 = tpu.memref_squeeze %dma_wait3A_428 : memref<1x1x128xi32, #tpu.memory_space<vmem>> -> memref<128xi32, #tpu.memory_space<vmem>>
      %dma_wait3A_430 = arith.constant 0 : i32
      %dma_wait3A_431 = arith.constant 0 : i32
      %dma_wait3A_432 = tpu.memref_slice %arg8[%dma_wait3A_430, %dma_wait3A_431] : memref<100096x16xf32, #tpu.memory_space<vmem_shared>> -> memref<100096x16xf32, #tpu.memory_space<vmem_shared>>
      tpu.wait_indirect_dma semaphore(%arg10 : memref<!tpu.dma_semaphore, #tpu.memory_space<semaphore_mem>>) src(%dma_wait3A_426 : memref<128x16xf32, #tpu.memory_space<vmem>>) dst(%dma_wait3A_432 : memref<100096x16xf32, #tpu.memory_space<vmem_shared>>)
    }
    %scan3A_7 = arith.constant 49 : i32
    %barrier3A_8 = arith.constant 0 : index
    tpu.barrier barrier_id(%barrier3A_8)
    %mul3A_9 = arith.constant 6256 : i32
    %mul3A_10 = arith.muli %arg1, %mul3A_9 : i32
    %mul3A_11 = arith.constant 6256 : i32
    %mul3A_12 = arith.muli %arg1, %mul3A_11 : i32
    "tpu.region"() ({
      %run_scoped3A = tpu.sem_alloc : memref<!tpu.dma_semaphore, #tpu.memory_space<semaphore_mem>>
      %dma_start3A = arith.constant 0 : i32
      %dma_start3A_13 = tpu.memref_slice %arg5[%arg0, %mul3A_12, %dma_start3A] : memref<2x100096x16xf32, #tpu.memory_space<hbm>> -> memref<1x6256x16xf32, #tpu.memory_space<hbm>>
      %dma_start3A_14 = tpu.memref_squeeze %dma_start3A_13 : memref<1x6256x16xf32, #tpu.memory_space<hbm>> -> memref<6256x16xf32, #tpu.memory_space<hbm>>
      %dma_start3A_15 = arith.constant 0 : i32
      %dma_start3A_16 = tpu.memref_slice %arg8[%mul3A_10, %dma_start3A_15] : memref<100096x16xf32, #tpu.memory_space<vmem_shared>> -> memref<6256x16xf32, #tpu.memory_space<vmem_shared>>
      tpu.enqueue_dma source(%dma_start3A_16 : memref<6256x16xf32, #tpu.memory_space<vmem_shared>>) target(%dma_start3A_14 : memref<6256x16xf32, #tpu.memory_space<hbm>>) target_semaphore(%run_scoped3A : memref<!tpu.dma_semaphore, #tpu.memory_space<semaphore_mem>>)
      %dma_wait3A = arith.constant 0 : i32
      %dma_wait3A_17 = tpu.memref_slice %arg5[%arg0, %mul3A_12, %dma_wait3A] : memref<2x100096x16xf32, #tpu.memory_space<hbm>> -> memref<1x6256x16xf32, #tpu.memory_space<hbm>>
      %dma_wait3A_18 = tpu.memref_squeeze %dma_wait3A_17 : memref<1x6256x16xf32, #tpu.memory_space<hbm>> -> memref<6256x16xf32, #tpu.memory_space<hbm>>
      %dma_wait3A_19 = arith.constant 0 : i32
      %dma_wait3A_20 = tpu.memref_slice %arg8[%mul3A_10, %dma_wait3A_19] : memref<100096x16xf32, #tpu.memory_space<vmem_shared>> -> memref<6256x16xf32, #tpu.memory_space<vmem_shared>>
      tpu.wait_dma2 semaphore(%run_scoped3A : memref<!tpu.dma_semaphore, #tpu.memory_space<semaphore_mem>>) src(%dma_wait3A_20 : memref<6256x16xf32, #tpu.memory_space<vmem_shared>>) dst(%dma_wait3A_18 : memref<6256x16xf32, #tpu.memory_space<hbm>>)
      tpu.yield
    }) : () -> ()
    return
  }
}

#map = affine_map<(d0, d1) -> (0, 0)>
#map1 = affine_map<(d0, d1) -> (0, 0, 0)>
module attributes {stable_mosaic.version = 14 : i64} {
  func.func @mpnn_round1(%arg0: i32, %arg1: i32, %arg2: memref<100096x8xf32, #tpu.memory_space<hbm>>, %arg3: memref<12544x2x128xi32, #tpu.memory_space<hbm>>, %arg4: memref<12544x128x8xf32, #tpu.memory_space<hbm>>, %arg5: memref<6256x8xf32, #tpu.memory_space<hbm>>, %arg6: memref<2x100096x8xf32, #tpu.memory_space<hbm>>, %arg7: memref<2x100096x8xf32, #tpu.memory_space<hbm>>, %arg8: memref<8x2x128xi32, #tpu.memory_space<vmem>>, %arg9: memref<8x128x8xf32, #tpu.memory_space<vmem>>, %arg10: memref<8x128x8xf32, #tpu.memory_space<vmem>>, %arg11: memref<100096x8xf32, #tpu.memory_space<vmem_shared>>, %arg12: memref<100096x8xf32, #tpu.memory_space<vmem_shared>>, %arg13: memref<!tpu.dma_semaphore, #tpu.memory_space<semaphore_mem>>, %arg14: memref<!tpu.dma_semaphore, #tpu.memory_space<semaphore_mem>>) attributes {dimension_semantics = [#tpu.dimension_semantics<core_parallel>, #tpu.dimension_semantics<subcore_parallel>], iteration_bounds = array<i64: 2, 16>, scalar_prefetch = 0 : i64, scratch_operands = 7 : i64, tpu.core_type = #tpu.core_type<sc_vector_subcore>, window_params = [{transform_indices = #map}, {transform_indices = #map1}, {transform_indices = #map1}, {transform_indices = #map}, {transform_indices = #map1}, {transform_indices = #map1}]} {
    %mul3A = arith.constant 16 : i32
    %mul3A_0 = arith.muli %arg0, %mul3A : i32
    %add3A = arith.addi %mul3A_0, %arg1 : i32
    %mul3A_1 = arith.constant 6256 : i32
    %mul3A_2 = arith.muli %arg1, %mul3A_1 : i32
    "tpu.region"() ({
      %run_scoped3A = tpu.sem_alloc : memref<!tpu.dma_semaphore, #tpu.memory_space<semaphore_mem>>
      %dma_start3A = arith.constant 0 : i32
      %dma_start3A_19 = tpu.memref_slice %arg11[%mul3A_2, %dma_start3A] : memref<100096x8xf32, #tpu.memory_space<vmem_shared>> -> memref<6256x8xf32, #tpu.memory_space<vmem_shared>>
      tpu.enqueue_dma source(%arg5 : memref<6256x8xf32, #tpu.memory_space<hbm>>) target(%dma_start3A_19 : memref<6256x8xf32, #tpu.memory_space<vmem_shared>>) target_semaphore(%run_scoped3A : memref<!tpu.dma_semaphore, #tpu.memory_space<semaphore_mem>>)
      %dma_wait3A = arith.constant 0 : i32
      %dma_wait3A_20 = tpu.memref_slice %arg11[%mul3A_2, %dma_wait3A] : memref<100096x8xf32, #tpu.memory_space<vmem_shared>> -> memref<6256x8xf32, #tpu.memory_space<vmem_shared>>
      tpu.wait_dma2 semaphore(%run_scoped3A : memref<!tpu.dma_semaphore, #tpu.memory_space<semaphore_mem>>) src(%arg5 : memref<6256x8xf32, #tpu.memory_space<hbm>>) dst(%dma_wait3A_20 : memref<6256x8xf32, #tpu.memory_space<vmem_shared>>)
      tpu.yield
    }) : () -> ()
    %mul3A_3 = arith.constant 6256 : i32
    %mul3A_4 = arith.muli %arg1, %mul3A_3 : i32
    "tpu.region"() ({
      %run_scoped3A = tpu.sem_alloc : memref<!tpu.dma_semaphore, #tpu.memory_space<semaphore_mem>>
      %dma_start3A = arith.constant 0 : i32
      %dma_start3A_19 = tpu.memref_slice %arg12[%mul3A_4, %dma_start3A] : memref<100096x8xf32, #tpu.memory_space<vmem_shared>> -> memref<6256x8xf32, #tpu.memory_space<vmem_shared>>
      tpu.enqueue_dma source(%arg5 : memref<6256x8xf32, #tpu.memory_space<hbm>>) target(%dma_start3A_19 : memref<6256x8xf32, #tpu.memory_space<vmem_shared>>) target_semaphore(%run_scoped3A : memref<!tpu.dma_semaphore, #tpu.memory_space<semaphore_mem>>)
      %dma_wait3A = arith.constant 0 : i32
      %dma_wait3A_20 = tpu.memref_slice %arg12[%mul3A_4, %dma_wait3A] : memref<100096x8xf32, #tpu.memory_space<vmem_shared>> -> memref<6256x8xf32, #tpu.memory_space<vmem_shared>>
      tpu.wait_dma2 semaphore(%run_scoped3A : memref<!tpu.dma_semaphore, #tpu.memory_space<semaphore_mem>>) src(%arg5 : memref<6256x8xf32, #tpu.memory_space<hbm>>) dst(%dma_wait3A_20 : memref<6256x8xf32, #tpu.memory_space<vmem_shared>>)
      tpu.yield
    }) : () -> ()
    %barrier3A = arith.constant 0 : index
    tpu.barrier barrier_id(%barrier3A)
    %scan3A = arith.constant 0 : i32
    %scan3A_5 = arith.constant 0 : i32
    %scan3A_6 = arith.constant 49 : i32
    %scan3A_7 = arith.addi %scan3A_5, %scan3A_6 : i32
    %scan3A_8 = arith.constant 1 : i32
    scf.for %scan3A_19 = %scan3A_5 to %scan3A_7 step %scan3A_8  : i32 {
      %mul3A_20 = arith.constant 392 : i32
      %mul3A_21 = arith.muli %add3A, %mul3A_20 : i32
      %mul3A_22 = arith.constant 8 : i32
      %mul3A_23 = arith.muli %scan3A_19, %mul3A_22 : i32
      %add3A_24 = arith.addi %mul3A_21, %mul3A_23 : i32
      "tpu.region"() ({
        %run_scoped3A = tpu.sem_alloc : memref<!tpu.dma_semaphore, #tpu.memory_space<semaphore_mem>>
        %dma_start3A_647 = arith.constant 0 : i32
        %dma_start3A_648 = arith.constant 0 : i32
        %dma_start3A_649 = tpu.memref_slice %arg3[%add3A_24, %dma_start3A_647, %dma_start3A_648] : memref<12544x2x128xi32, #tpu.memory_space<hbm>> -> memref<8x2x128xi32, #tpu.memory_space<hbm>>
        %dma_start3A_650 = arith.constant 0 : i32
        %dma_start3A_651 = arith.constant 0 : i32
        %dma_start3A_652 = tpu.memref_slice %arg3[%add3A_24, %dma_start3A_650, %dma_start3A_651] : memref<12544x2x128xi32, #tpu.memory_space<hbm>> -> memref<8x2x128xi32, #tpu.memory_space<hbm>>
        tpu.enqueue_dma source(%dma_start3A_652 : memref<8x2x128xi32, #tpu.memory_space<hbm>>) target(%arg8 : memref<8x2x128xi32, #tpu.memory_space<vmem>>) target_semaphore(%run_scoped3A : memref<!tpu.dma_semaphore, #tpu.memory_space<semaphore_mem>>)
        %dma_wait3A_653 = arith.constant 0 : i32
        %dma_wait3A_654 = arith.constant 0 : i32
        %dma_wait3A_655 = tpu.memref_slice %arg3[%add3A_24, %dma_wait3A_653, %dma_wait3A_654] : memref<12544x2x128xi32, #tpu.memory_space<hbm>> -> memref<8x2x128xi32, #tpu.memory_space<hbm>>
        %dma_wait3A_656 = arith.constant 0 : i32
        %dma_wait3A_657 = arith.constant 0 : i32
        %dma_wait3A_658 = tpu.memref_slice %arg3[%add3A_24, %dma_wait3A_656, %dma_wait3A_657] : memref<12544x2x128xi32, #tpu.memory_space<hbm>> -> memref<8x2x128xi32, #tpu.memory_space<hbm>>
        tpu.wait_dma2 semaphore(%run_scoped3A : memref<!tpu.dma_semaphore, #tpu.memory_space<semaphore_mem>>) src(%dma_wait3A_658 : memref<8x2x128xi32, #tpu.memory_space<hbm>>) dst(%arg8 : memref<8x2x128xi32, #tpu.memory_space<vmem>>)
        tpu.yield
      }) : () -> ()
      %dma_start3A = arith.constant 0 : i32
      %dma_start3A_25 = arith.constant 0 : i32
      %dma_start3A_26 = arith.constant 0 : i32
      %dma_start3A_27 = arith.constant 0 : i32
      %dma_start3A_28 = arith.constant 0 : i32
      %dma_start3A_29 = tpu.memref_slice %arg9[%dma_start3A_26, %dma_start3A_27, %dma_start3A_28] : memref<8x128x8xf32, #tpu.memory_space<vmem>> -> memref<1x128x8xf32, #tpu.memory_space<vmem>>
      %dma_start3A_30 = tpu.memref_squeeze %dma_start3A_29 : memref<1x128x8xf32, #tpu.memory_space<vmem>> -> memref<128x8xf32, #tpu.memory_space<vmem>>
      %dma_start3A_31 = arith.constant 0 : i32
      %dma_start3A_32 = tpu.memref_slice %arg8[%dma_start3A, %dma_start3A_25, %dma_start3A_31] : memref<8x2x128xi32, #tpu.memory_space<vmem>> -> memref<1x1x128xi32, #tpu.memory_space<vmem>>
      %dma_start3A_33 = tpu.memref_squeeze %dma_start3A_32 : memref<1x1x128xi32, #tpu.memory_space<vmem>> -> memref<128xi32, #tpu.memory_space<vmem>>
      %dma_start3A_34 = arith.constant 0 : i32
      %dma_start3A_35 = arith.constant 0 : i32
      %dma_start3A_36 = tpu.memref_slice %arg2[%dma_start3A_34, %dma_start3A_35] : memref<100096x8xf32, #tpu.memory_space<hbm>> -> memref<100096x8xf32, #tpu.memory_space<hbm>>
      tpu.enqueue_indirect_dma source(%dma_start3A_36 : memref<100096x8xf32, #tpu.memory_space<hbm>>) target(%dma_start3A_30 : memref<128x8xf32, #tpu.memory_space<vmem>>) offsets(%dma_start3A_33 : memref<128xi32, #tpu.memory_space<vmem>>) semaphore(%arg13 : memref<!tpu.dma_semaphore, #tpu.memory_space<semaphore_mem>>)
      %dma_start3A_37 = arith.constant 1 : i32
      %dma_start3A_38 = arith.constant 0 : i32
      %dma_start3A_39 = arith.constant 1 : i32
      %dma_start3A_40 = arith.constant 0 : i32
      %dma_start3A_41 = arith.constant 0 : i32
      %dma_start3A_42 = tpu.memref_slice %arg9[%dma_start3A_39, %dma_start3A_40, %dma_start3A_41] : memref<8x128x8xf32, #tpu.memory_space<vmem>> -> memref<1x128x8xf32, #tpu.memory_space<vmem>>
      %dma_start3A_43 = tpu.memref_squeeze %dma_start3A_42 : memref<1x128x8xf32, #tpu.memory_space<vmem>> -> memref<128x8xf32, #tpu.memory_space<vmem>>
      %dma_start3A_44 = arith.constant 0 : i32
      %dma_start3A_45 = tpu.memref_slice %arg8[%dma_start3A_37, %dma_start3A_38, %dma_start3A_44] : memref<8x2x128xi32, #tpu.memory_space<vmem>> -> memref<1x1x128xi32, #tpu.memory_space<vmem>>
      %dma_start3A_46 = tpu.memref_squeeze %dma_start3A_45 : memref<1x1x128xi32, #tpu.memory_space<vmem>> -> memref<128xi32, #tpu.memory_space<vmem>>
      %dma_start3A_47 = arith.constant 0 : i32
      %dma_start3A_48 = arith.constant 0 : i32
      %dma_start3A_49 = tpu.memref_slice %arg2[%dma_start3A_47, %dma_start3A_48] : memref<100096x8xf32, #tpu.memory_space<hbm>> -> memref<100096x8xf32, #tpu.memory_space<hbm>>
      tpu.enqueue_indirect_dma source(%dma_start3A_49 : memref<100096x8xf32, #tpu.memory_space<hbm>>) target(%dma_start3A_43 : memref<128x8xf32, #tpu.memory_space<vmem>>) offsets(%dma_start3A_46 : memref<128xi32, #tpu.memory_space<vmem>>) semaphore(%arg13 : memref<!tpu.dma_semaphore, #tpu.memory_space<semaphore_mem>>)
      %dma_start3A_50 = arith.constant 2 : i32
      %dma_start3A_51 = arith.constant 0 : i32
      %dma_start3A_52 = arith.constant 2 : i32
      %dma_start3A_53 = arith.constant 0 : i32
      %dma_start3A_54 = arith.constant 0 : i32
      %dma_start3A_55 = tpu.memref_slice %arg9[%dma_start3A_52, %dma_start3A_53, %dma_start3A_54] : memref<8x128x8xf32, #tpu.memory_space<vmem>> -> memref<1x128x8xf32, #tpu.memory_space<vmem>>
      %dma_start3A_56 = tpu.memref_squeeze %dma_start3A_55 : memref<1x128x8xf32, #tpu.memory_space<vmem>> -> memref<128x8xf32, #tpu.memory_space<vmem>>
      %dma_start3A_57 = arith.constant 0 : i32
      %dma_start3A_58 = tpu.memref_slice %arg8[%dma_start3A_50, %dma_start3A_51, %dma_start3A_57] : memref<8x2x128xi32, #tpu.memory_space<vmem>> -> memref<1x1x128xi32, #tpu.memory_space<vmem>>
      %dma_start3A_59 = tpu.memref_squeeze %dma_start3A_58 : memref<1x1x128xi32, #tpu.memory_space<vmem>> -> memref<128xi32, #tpu.memory_space<vmem>>
      %dma_start3A_60 = arith.constant 0 : i32
      %dma_start3A_61 = arith.constant 0 : i32
      %dma_start3A_62 = tpu.memref_slice %arg2[%dma_start3A_60, %dma_start3A_61] : memref<100096x8xf32, #tpu.memory_space<hbm>> -> memref<100096x8xf32, #tpu.memory_space<hbm>>
      tpu.enqueue_indirect_dma source(%dma_start3A_62 : memref<100096x8xf32, #tpu.memory_space<hbm>>) target(%dma_start3A_56 : memref<128x8xf32, #tpu.memory_space<vmem>>) offsets(%dma_start3A_59 : memref<128xi32, #tpu.memory_space<vmem>>) semaphore(%arg13 : memref<!tpu.dma_semaphore, #tpu.memory_space<semaphore_mem>>)
      %dma_start3A_63 = arith.constant 3 : i32
      %dma_start3A_64 = arith.constant 0 : i32
      %dma_start3A_65 = arith.constant 3 : i32
      %dma_start3A_66 = arith.constant 0 : i32
      %dma_start3A_67 = arith.constant 0 : i32
      %dma_start3A_68 = tpu.memref_slice %arg9[%dma_start3A_65, %dma_start3A_66, %dma_start3A_67] : memref<8x128x8xf32, #tpu.memory_space<vmem>> -> memref<1x128x8xf32, #tpu.memory_space<vmem>>
      %dma_start3A_69 = tpu.memref_squeeze %dma_start3A_68 : memref<1x128x8xf32, #tpu.memory_space<vmem>> -> memref<128x8xf32, #tpu.memory_space<vmem>>
      %dma_start3A_70 = arith.constant 0 : i32
      %dma_start3A_71 = tpu.memref_slice %arg8[%dma_start3A_63, %dma_start3A_64, %dma_start3A_70] : memref<8x2x128xi32, #tpu.memory_space<vmem>> -> memref<1x1x128xi32, #tpu.memory_space<vmem>>
      %dma_start3A_72 = tpu.memref_squeeze %dma_start3A_71 : memref<1x1x128xi32, #tpu.memory_space<vmem>> -> memref<128xi32, #tpu.memory_space<vmem>>
      %dma_start3A_73 = arith.constant 0 : i32
      %dma_start3A_74 = arith.constant 0 : i32
      %dma_start3A_75 = tpu.memref_slice %arg2[%dma_start3A_73, %dma_start3A_74] : memref<100096x8xf32, #tpu.memory_space<hbm>> -> memref<100096x8xf32, #tpu.memory_space<hbm>>
      tpu.enqueue_indirect_dma source(%dma_start3A_75 : memref<100096x8xf32, #tpu.memory_space<hbm>>) target(%dma_start3A_69 : memref<128x8xf32, #tpu.memory_space<vmem>>) offsets(%dma_start3A_72 : memref<128xi32, #tpu.memory_space<vmem>>) semaphore(%arg13 : memref<!tpu.dma_semaphore, #tpu.memory_space<semaphore_mem>>)
      %dma_start3A_76 = arith.constant 4 : i32
      %dma_start3A_77 = arith.constant 0 : i32
      %dma_start3A_78 = arith.constant 4 : i32
      %dma_start3A_79 = arith.constant 0 : i32
      %dma_start3A_80 = arith.constant 0 : i32
      %dma_start3A_81 = tpu.memref_slice %arg9[%dma_start3A_78, %dma_start3A_79, %dma_start3A_80] : memref<8x128x8xf32, #tpu.memory_space<vmem>> -> memref<1x128x8xf32, #tpu.memory_space<vmem>>
      %dma_start3A_82 = tpu.memref_squeeze %dma_start3A_81 : memref<1x128x8xf32, #tpu.memory_space<vmem>> -> memref<128x8xf32, #tpu.memory_space<vmem>>
      %dma_start3A_83 = arith.constant 0 : i32
      %dma_start3A_84 = tpu.memref_slice %arg8[%dma_start3A_76, %dma_start3A_77, %dma_start3A_83] : memref<8x2x128xi32, #tpu.memory_space<vmem>> -> memref<1x1x128xi32, #tpu.memory_space<vmem>>
      %dma_start3A_85 = tpu.memref_squeeze %dma_start3A_84 : memref<1x1x128xi32, #tpu.memory_space<vmem>> -> memref<128xi32, #tpu.memory_space<vmem>>
      %dma_start3A_86 = arith.constant 0 : i32
      %dma_start3A_87 = arith.constant 0 : i32
      %dma_start3A_88 = tpu.memref_slice %arg2[%dma_start3A_86, %dma_start3A_87] : memref<100096x8xf32, #tpu.memory_space<hbm>> -> memref<100096x8xf32, #tpu.memory_space<hbm>>
      tpu.enqueue_indirect_dma source(%dma_start3A_88 : memref<100096x8xf32, #tpu.memory_space<hbm>>) target(%dma_start3A_82 : memref<128x8xf32, #tpu.memory_space<vmem>>) offsets(%dma_start3A_85 : memref<128xi32, #tpu.memory_space<vmem>>) semaphore(%arg13 : memref<!tpu.dma_semaphore, #tpu.memory_space<semaphore_mem>>)
      %dma_start3A_89 = arith.constant 5 : i32
      %dma_start3A_90 = arith.constant 0 : i32
      %dma_start3A_91 = arith.constant 5 : i32
      %dma_start3A_92 = arith.constant 0 : i32
      %dma_start3A_93 = arith.constant 0 : i32
      %dma_start3A_94 = tpu.memref_slice %arg9[%dma_start3A_91, %dma_start3A_92, %dma_start3A_93] : memref<8x128x8xf32, #tpu.memory_space<vmem>> -> memref<1x128x8xf32, #tpu.memory_space<vmem>>
      %dma_start3A_95 = tpu.memref_squeeze %dma_start3A_94 : memref<1x128x8xf32, #tpu.memory_space<vmem>> -> memref<128x8xf32, #tpu.memory_space<vmem>>
      %dma_start3A_96 = arith.constant 0 : i32
      %dma_start3A_97 = tpu.memref_slice %arg8[%dma_start3A_89, %dma_start3A_90, %dma_start3A_96] : memref<8x2x128xi32, #tpu.memory_space<vmem>> -> memref<1x1x128xi32, #tpu.memory_space<vmem>>
      %dma_start3A_98 = tpu.memref_squeeze %dma_start3A_97 : memref<1x1x128xi32, #tpu.memory_space<vmem>> -> memref<128xi32, #tpu.memory_space<vmem>>
      %dma_start3A_99 = arith.constant 0 : i32
      %dma_start3A_100 = arith.constant 0 : i32
      %dma_start3A_101 = tpu.memref_slice %arg2[%dma_start3A_99, %dma_start3A_100] : memref<100096x8xf32, #tpu.memory_space<hbm>> -> memref<100096x8xf32, #tpu.memory_space<hbm>>
      tpu.enqueue_indirect_dma source(%dma_start3A_101 : memref<100096x8xf32, #tpu.memory_space<hbm>>) target(%dma_start3A_95 : memref<128x8xf32, #tpu.memory_space<vmem>>) offsets(%dma_start3A_98 : memref<128xi32, #tpu.memory_space<vmem>>) semaphore(%arg13 : memref<!tpu.dma_semaphore, #tpu.memory_space<semaphore_mem>>)
      %dma_start3A_102 = arith.constant 6 : i32
      %dma_start3A_103 = arith.constant 0 : i32
      %dma_start3A_104 = arith.constant 6 : i32
      %dma_start3A_105 = arith.constant 0 : i32
      %dma_start3A_106 = arith.constant 0 : i32
      %dma_start3A_107 = tpu.memref_slice %arg9[%dma_start3A_104, %dma_start3A_105, %dma_start3A_106] : memref<8x128x8xf32, #tpu.memory_space<vmem>> -> memref<1x128x8xf32, #tpu.memory_space<vmem>>
      %dma_start3A_108 = tpu.memref_squeeze %dma_start3A_107 : memref<1x128x8xf32, #tpu.memory_space<vmem>> -> memref<128x8xf32, #tpu.memory_space<vmem>>
      %dma_start3A_109 = arith.constant 0 : i32
      %dma_start3A_110 = tpu.memref_slice %arg8[%dma_start3A_102, %dma_start3A_103, %dma_start3A_109] : memref<8x2x128xi32, #tpu.memory_space<vmem>> -> memref<1x1x128xi32, #tpu.memory_space<vmem>>
      %dma_start3A_111 = tpu.memref_squeeze %dma_start3A_110 : memref<1x1x128xi32, #tpu.memory_space<vmem>> -> memref<128xi32, #tpu.memory_space<vmem>>
      %dma_start3A_112 = arith.constant 0 : i32
      %dma_start3A_113 = arith.constant 0 : i32
      %dma_start3A_114 = tpu.memref_slice %arg2[%dma_start3A_112, %dma_start3A_113] : memref<100096x8xf32, #tpu.memory_space<hbm>> -> memref<100096x8xf32, #tpu.memory_space<hbm>>
      tpu.enqueue_indirect_dma source(%dma_start3A_114 : memref<100096x8xf32, #tpu.memory_space<hbm>>) target(%dma_start3A_108 : memref<128x8xf32, #tpu.memory_space<vmem>>) offsets(%dma_start3A_111 : memref<128xi32, #tpu.memory_space<vmem>>) semaphore(%arg13 : memref<!tpu.dma_semaphore, #tpu.memory_space<semaphore_mem>>)
      %dma_start3A_115 = arith.constant 7 : i32
      %dma_start3A_116 = arith.constant 0 : i32
      %dma_start3A_117 = arith.constant 7 : i32
      %dma_start3A_118 = arith.constant 0 : i32
      %dma_start3A_119 = arith.constant 0 : i32
      %dma_start3A_120 = tpu.memref_slice %arg9[%dma_start3A_117, %dma_start3A_118, %dma_start3A_119] : memref<8x128x8xf32, #tpu.memory_space<vmem>> -> memref<1x128x8xf32, #tpu.memory_space<vmem>>
      %dma_start3A_121 = tpu.memref_squeeze %dma_start3A_120 : memref<1x128x8xf32, #tpu.memory_space<vmem>> -> memref<128x8xf32, #tpu.memory_space<vmem>>
      %dma_start3A_122 = arith.constant 0 : i32
      %dma_start3A_123 = tpu.memref_slice %arg8[%dma_start3A_115, %dma_start3A_116, %dma_start3A_122] : memref<8x2x128xi32, #tpu.memory_space<vmem>> -> memref<1x1x128xi32, #tpu.memory_space<vmem>>
      %dma_start3A_124 = tpu.memref_squeeze %dma_start3A_123 : memref<1x1x128xi32, #tpu.memory_space<vmem>> -> memref<128xi32, #tpu.memory_space<vmem>>
      %dma_start3A_125 = arith.constant 0 : i32
      %dma_start3A_126 = arith.constant 0 : i32
      %dma_start3A_127 = tpu.memref_slice %arg2[%dma_start3A_125, %dma_start3A_126] : memref<100096x8xf32, #tpu.memory_space<hbm>> -> memref<100096x8xf32, #tpu.memory_space<hbm>>
      tpu.enqueue_indirect_dma source(%dma_start3A_127 : memref<100096x8xf32, #tpu.memory_space<hbm>>) target(%dma_start3A_121 : memref<128x8xf32, #tpu.memory_space<vmem>>) offsets(%dma_start3A_124 : memref<128xi32, #tpu.memory_space<vmem>>) semaphore(%arg13 : memref<!tpu.dma_semaphore, #tpu.memory_space<semaphore_mem>>)
      "tpu.region"() ({
        %run_scoped3A = tpu.sem_alloc : memref<!tpu.dma_semaphore, #tpu.memory_space<semaphore_mem>>
        %dma_start3A_647 = arith.constant 0 : i32
        %dma_start3A_648 = arith.constant 0 : i32
        %dma_start3A_649 = tpu.memref_slice %arg4[%add3A_24, %dma_start3A_647, %dma_start3A_648] : memref<12544x128x8xf32, #tpu.memory_space<hbm>> -> memref<8x128x8xf32, #tpu.memory_space<hbm>>
        %dma_start3A_650 = arith.constant 0 : i32
        %dma_start3A_651 = arith.constant 0 : i32
        %dma_start3A_652 = tpu.memref_slice %arg4[%add3A_24, %dma_start3A_650, %dma_start3A_651] : memref<12544x128x8xf32, #tpu.memory_space<hbm>> -> memref<8x128x8xf32, #tpu.memory_space<hbm>>
        tpu.enqueue_dma source(%dma_start3A_652 : memref<8x128x8xf32, #tpu.memory_space<hbm>>) target(%arg10 : memref<8x128x8xf32, #tpu.memory_space<vmem>>) target_semaphore(%run_scoped3A : memref<!tpu.dma_semaphore, #tpu.memory_space<semaphore_mem>>)
        %dma_wait3A_653 = arith.constant 0 : i32
        %dma_wait3A_654 = arith.constant 0 : i32
        %dma_wait3A_655 = tpu.memref_slice %arg4[%add3A_24, %dma_wait3A_653, %dma_wait3A_654] : memref<12544x128x8xf32, #tpu.memory_space<hbm>> -> memref<8x128x8xf32, #tpu.memory_space<hbm>>
        %dma_wait3A_656 = arith.constant 0 : i32
        %dma_wait3A_657 = arith.constant 0 : i32
        %dma_wait3A_658 = tpu.memref_slice %arg4[%add3A_24, %dma_wait3A_656, %dma_wait3A_657] : memref<12544x128x8xf32, #tpu.memory_space<hbm>> -> memref<8x128x8xf32, #tpu.memory_space<hbm>>
        tpu.wait_dma2 semaphore(%run_scoped3A : memref<!tpu.dma_semaphore, #tpu.memory_space<semaphore_mem>>) src(%dma_wait3A_658 : memref<8x128x8xf32, #tpu.memory_space<hbm>>) dst(%arg10 : memref<8x128x8xf32, #tpu.memory_space<vmem>>)
        tpu.yield
      }) : () -> ()
      %dma_start3A_128 = arith.constant 0 : i32
      %dma_start3A_129 = arith.constant 0 : i32
      %dma_start3A_130 = arith.constant 1 : i32
      %dma_start3A_131 = arith.constant 0 : i32
      %dma_start3A_132 = arith.constant 0 : i32
      %dma_start3A_133 = tpu.memref_slice %arg10[%dma_start3A_128, %dma_start3A_131, %dma_start3A_132] : memref<8x128x8xf32, #tpu.memory_space<vmem>> -> memref<1x128x8xf32, #tpu.memory_space<vmem>>
      %dma_start3A_134 = tpu.memref_squeeze %dma_start3A_133 : memref<1x128x8xf32, #tpu.memory_space<vmem>> -> memref<128x8xf32, #tpu.memory_space<vmem>>
      %dma_start3A_135 = arith.constant 0 : i32
      %dma_start3A_136 = tpu.memref_slice %arg8[%dma_start3A_129, %dma_start3A_130, %dma_start3A_135] : memref<8x2x128xi32, #tpu.memory_space<vmem>> -> memref<1x1x128xi32, #tpu.memory_space<vmem>>
      %dma_start3A_137 = tpu.memref_squeeze %dma_start3A_136 : memref<1x1x128xi32, #tpu.memory_space<vmem>> -> memref<128xi32, #tpu.memory_space<vmem>>
      %dma_start3A_138 = arith.constant 0 : i32
      %dma_start3A_139 = arith.constant 0 : i32
      %dma_start3A_140 = tpu.memref_slice %arg12[%dma_start3A_138, %dma_start3A_139] : memref<100096x8xf32, #tpu.memory_space<vmem_shared>> -> memref<100096x8xf32, #tpu.memory_space<vmem_shared>>
      tpu.enqueue_indirect_dma source(%dma_start3A_134 : memref<128x8xf32, #tpu.memory_space<vmem>>) target(%dma_start3A_140 : memref<100096x8xf32, #tpu.memory_space<vmem_shared>>) offsets(%dma_start3A_137 : memref<128xi32, #tpu.memory_space<vmem>>) semaphore(%arg14 : memref<!tpu.dma_semaphore, #tpu.memory_space<semaphore_mem>>) {add = true}
      %dma_start3A_141 = arith.constant 1 : i32
      %dma_start3A_142 = arith.constant 1 : i32
      %dma_start3A_143 = arith.constant 1 : i32
      %dma_start3A_144 = arith.constant 0 : i32
      %dma_start3A_145 = arith.constant 0 : i32
      %dma_start3A_146 = tpu.memref_slice %arg10[%dma_start3A_141, %dma_start3A_144, %dma_start3A_145] : memref<8x128x8xf32, #tpu.memory_space<vmem>> -> memref<1x128x8xf32, #tpu.memory_space<vmem>>
      %dma_start3A_147 = tpu.memref_squeeze %dma_start3A_146 : memref<1x128x8xf32, #tpu.memory_space<vmem>> -> memref<128x8xf32, #tpu.memory_space<vmem>>
      %dma_start3A_148 = arith.constant 0 : i32
      %dma_start3A_149 = tpu.memref_slice %arg8[%dma_start3A_142, %dma_start3A_143, %dma_start3A_148] : memref<8x2x128xi32, #tpu.memory_space<vmem>> -> memref<1x1x128xi32, #tpu.memory_space<vmem>>
      %dma_start3A_150 = tpu.memref_squeeze %dma_start3A_149 : memref<1x1x128xi32, #tpu.memory_space<vmem>> -> memref<128xi32, #tpu.memory_space<vmem>>
      %dma_start3A_151 = arith.constant 0 : i32
      %dma_start3A_152 = arith.constant 0 : i32
      %dma_start3A_153 = tpu.memref_slice %arg12[%dma_start3A_151, %dma_start3A_152] : memref<100096x8xf32, #tpu.memory_space<vmem_shared>> -> memref<100096x8xf32, #tpu.memory_space<vmem_shared>>
      tpu.enqueue_indirect_dma source(%dma_start3A_147 : memref<128x8xf32, #tpu.memory_space<vmem>>) target(%dma_start3A_153 : memref<100096x8xf32, #tpu.memory_space<vmem_shared>>) offsets(%dma_start3A_150 : memref<128xi32, #tpu.memory_space<vmem>>) semaphore(%arg14 : memref<!tpu.dma_semaphore, #tpu.memory_space<semaphore_mem>>) {add = true}
      %dma_start3A_154 = arith.constant 2 : i32
      %dma_start3A_155 = arith.constant 2 : i32
      %dma_start3A_156 = arith.constant 1 : i32
      %dma_start3A_157 = arith.constant 0 : i32
      %dma_start3A_158 = arith.constant 0 : i32
      %dma_start3A_159 = tpu.memref_slice %arg10[%dma_start3A_154, %dma_start3A_157, %dma_start3A_158] : memref<8x128x8xf32, #tpu.memory_space<vmem>> -> memref<1x128x8xf32, #tpu.memory_space<vmem>>
      %dma_start3A_160 = tpu.memref_squeeze %dma_start3A_159 : memref<1x128x8xf32, #tpu.memory_space<vmem>> -> memref<128x8xf32, #tpu.memory_space<vmem>>
      %dma_start3A_161 = arith.constant 0 : i32
      %dma_start3A_162 = tpu.memref_slice %arg8[%dma_start3A_155, %dma_start3A_156, %dma_start3A_161] : memref<8x2x128xi32, #tpu.memory_space<vmem>> -> memref<1x1x128xi32, #tpu.memory_space<vmem>>
      %dma_start3A_163 = tpu.memref_squeeze %dma_start3A_162 : memref<1x1x128xi32, #tpu.memory_space<vmem>> -> memref<128xi32, #tpu.memory_space<vmem>>
      %dma_start3A_164 = arith.constant 0 : i32
      %dma_start3A_165 = arith.constant 0 : i32
      %dma_start3A_166 = tpu.memref_slice %arg12[%dma_start3A_164, %dma_start3A_165] : memref<100096x8xf32, #tpu.memory_space<vmem_shared>> -> memref<100096x8xf32, #tpu.memory_space<vmem_shared>>
      tpu.enqueue_indirect_dma source(%dma_start3A_160 : memref<128x8xf32, #tpu.memory_space<vmem>>) target(%dma_start3A_166 : memref<100096x8xf32, #tpu.memory_space<vmem_shared>>) offsets(%dma_start3A_163 : memref<128xi32, #tpu.memory_space<vmem>>) semaphore(%arg14 : memref<!tpu.dma_semaphore, #tpu.memory_space<semaphore_mem>>) {add = true}
      %dma_start3A_167 = arith.constant 3 : i32
      %dma_start3A_168 = arith.constant 3 : i32
      %dma_start3A_169 = arith.constant 1 : i32
      %dma_start3A_170 = arith.constant 0 : i32
      %dma_start3A_171 = arith.constant 0 : i32
      %dma_start3A_172 = tpu.memref_slice %arg10[%dma_start3A_167, %dma_start3A_170, %dma_start3A_171] : memref<8x128x8xf32, #tpu.memory_space<vmem>> -> memref<1x128x8xf32, #tpu.memory_space<vmem>>
      %dma_start3A_173 = tpu.memref_squeeze %dma_start3A_172 : memref<1x128x8xf32, #tpu.memory_space<vmem>> -> memref<128x8xf32, #tpu.memory_space<vmem>>
      %dma_start3A_174 = arith.constant 0 : i32
      %dma_start3A_175 = tpu.memref_slice %arg8[%dma_start3A_168, %dma_start3A_169, %dma_start3A_174] : memref<8x2x128xi32, #tpu.memory_space<vmem>> -> memref<1x1x128xi32, #tpu.memory_space<vmem>>
      %dma_start3A_176 = tpu.memref_squeeze %dma_start3A_175 : memref<1x1x128xi32, #tpu.memory_space<vmem>> -> memref<128xi32, #tpu.memory_space<vmem>>
      %dma_start3A_177 = arith.constant 0 : i32
      %dma_start3A_178 = arith.constant 0 : i32
      %dma_start3A_179 = tpu.memref_slice %arg12[%dma_start3A_177, %dma_start3A_178] : memref<100096x8xf32, #tpu.memory_space<vmem_shared>> -> memref<100096x8xf32, #tpu.memory_space<vmem_shared>>
      tpu.enqueue_indirect_dma source(%dma_start3A_173 : memref<128x8xf32, #tpu.memory_space<vmem>>) target(%dma_start3A_179 : memref<100096x8xf32, #tpu.memory_space<vmem_shared>>) offsets(%dma_start3A_176 : memref<128xi32, #tpu.memory_space<vmem>>) semaphore(%arg14 : memref<!tpu.dma_semaphore, #tpu.memory_space<semaphore_mem>>) {add = true}
      %dma_start3A_180 = arith.constant 4 : i32
      %dma_start3A_181 = arith.constant 4 : i32
      %dma_start3A_182 = arith.constant 1 : i32
      %dma_start3A_183 = arith.constant 0 : i32
      %dma_start3A_184 = arith.constant 0 : i32
      %dma_start3A_185 = tpu.memref_slice %arg10[%dma_start3A_180, %dma_start3A_183, %dma_start3A_184] : memref<8x128x8xf32, #tpu.memory_space<vmem>> -> memref<1x128x8xf32, #tpu.memory_space<vmem>>
      %dma_start3A_186 = tpu.memref_squeeze %dma_start3A_185 : memref<1x128x8xf32, #tpu.memory_space<vmem>> -> memref<128x8xf32, #tpu.memory_space<vmem>>
      %dma_start3A_187 = arith.constant 0 : i32
      %dma_start3A_188 = tpu.memref_slice %arg8[%dma_start3A_181, %dma_start3A_182, %dma_start3A_187] : memref<8x2x128xi32, #tpu.memory_space<vmem>> -> memref<1x1x128xi32, #tpu.memory_space<vmem>>
      %dma_start3A_189 = tpu.memref_squeeze %dma_start3A_188 : memref<1x1x128xi32, #tpu.memory_space<vmem>> -> memref<128xi32, #tpu.memory_space<vmem>>
      %dma_start3A_190 = arith.constant 0 : i32
      %dma_start3A_191 = arith.constant 0 : i32
      %dma_start3A_192 = tpu.memref_slice %arg12[%dma_start3A_190, %dma_start3A_191] : memref<100096x8xf32, #tpu.memory_space<vmem_shared>> -> memref<100096x8xf32, #tpu.memory_space<vmem_shared>>
      tpu.enqueue_indirect_dma source(%dma_start3A_186 : memref<128x8xf32, #tpu.memory_space<vmem>>) target(%dma_start3A_192 : memref<100096x8xf32, #tpu.memory_space<vmem_shared>>) offsets(%dma_start3A_189 : memref<128xi32, #tpu.memory_space<vmem>>) semaphore(%arg14 : memref<!tpu.dma_semaphore, #tpu.memory_space<semaphore_mem>>) {add = true}
      %dma_start3A_193 = arith.constant 5 : i32
      %dma_start3A_194 = arith.constant 5 : i32
      %dma_start3A_195 = arith.constant 1 : i32
      %dma_start3A_196 = arith.constant 0 : i32
      %dma_start3A_197 = arith.constant 0 : i32
      %dma_start3A_198 = tpu.memref_slice %arg10[%dma_start3A_193, %dma_start3A_196, %dma_start3A_197] : memref<8x128x8xf32, #tpu.memory_space<vmem>> -> memref<1x128x8xf32, #tpu.memory_space<vmem>>
      %dma_start3A_199 = tpu.memref_squeeze %dma_start3A_198 : memref<1x128x8xf32, #tpu.memory_space<vmem>> -> memref<128x8xf32, #tpu.memory_space<vmem>>
      %dma_start3A_200 = arith.constant 0 : i32
      %dma_start3A_201 = tpu.memref_slice %arg8[%dma_start3A_194, %dma_start3A_195, %dma_start3A_200] : memref<8x2x128xi32, #tpu.memory_space<vmem>> -> memref<1x1x128xi32, #tpu.memory_space<vmem>>
      %dma_start3A_202 = tpu.memref_squeeze %dma_start3A_201 : memref<1x1x128xi32, #tpu.memory_space<vmem>> -> memref<128xi32, #tpu.memory_space<vmem>>
      %dma_start3A_203 = arith.constant 0 : i32
      %dma_start3A_204 = arith.constant 0 : i32
      %dma_start3A_205 = tpu.memref_slice %arg12[%dma_start3A_203, %dma_start3A_204] : memref<100096x8xf32, #tpu.memory_space<vmem_shared>> -> memref<100096x8xf32, #tpu.memory_space<vmem_shared>>
      tpu.enqueue_indirect_dma source(%dma_start3A_199 : memref<128x8xf32, #tpu.memory_space<vmem>>) target(%dma_start3A_205 : memref<100096x8xf32, #tpu.memory_space<vmem_shared>>) offsets(%dma_start3A_202 : memref<128xi32, #tpu.memory_space<vmem>>) semaphore(%arg14 : memref<!tpu.dma_semaphore, #tpu.memory_space<semaphore_mem>>) {add = true}
      %dma_start3A_206 = arith.constant 6 : i32
      %dma_start3A_207 = arith.constant 6 : i32
      %dma_start3A_208 = arith.constant 1 : i32
      %dma_start3A_209 = arith.constant 0 : i32
      %dma_start3A_210 = arith.constant 0 : i32
      %dma_start3A_211 = tpu.memref_slice %arg10[%dma_start3A_206, %dma_start3A_209, %dma_start3A_210] : memref<8x128x8xf32, #tpu.memory_space<vmem>> -> memref<1x128x8xf32, #tpu.memory_space<vmem>>
      %dma_start3A_212 = tpu.memref_squeeze %dma_start3A_211 : memref<1x128x8xf32, #tpu.memory_space<vmem>> -> memref<128x8xf32, #tpu.memory_space<vmem>>
      %dma_start3A_213 = arith.constant 0 : i32
      %dma_start3A_214 = tpu.memref_slice %arg8[%dma_start3A_207, %dma_start3A_208, %dma_start3A_213] : memref<8x2x128xi32, #tpu.memory_space<vmem>> -> memref<1x1x128xi32, #tpu.memory_space<vmem>>
      %dma_start3A_215 = tpu.memref_squeeze %dma_start3A_214 : memref<1x1x128xi32, #tpu.memory_space<vmem>> -> memref<128xi32, #tpu.memory_space<vmem>>
      %dma_start3A_216 = arith.constant 0 : i32
      %dma_start3A_217 = arith.constant 0 : i32
      %dma_start3A_218 = tpu.memref_slice %arg12[%dma_start3A_216, %dma_start3A_217] : memref<100096x8xf32, #tpu.memory_space<vmem_shared>> -> memref<100096x8xf32, #tpu.memory_space<vmem_shared>>
      tpu.enqueue_indirect_dma source(%dma_start3A_212 : memref<128x8xf32, #tpu.memory_space<vmem>>) target(%dma_start3A_218 : memref<100096x8xf32, #tpu.memory_space<vmem_shared>>) offsets(%dma_start3A_215 : memref<128xi32, #tpu.memory_space<vmem>>) semaphore(%arg14 : memref<!tpu.dma_semaphore, #tpu.memory_space<semaphore_mem>>) {add = true}
      %dma_start3A_219 = arith.constant 7 : i32
      %dma_start3A_220 = arith.constant 7 : i32
      %dma_start3A_221 = arith.constant 1 : i32
      %dma_start3A_222 = arith.constant 0 : i32
      %dma_start3A_223 = arith.constant 0 : i32
      %dma_start3A_224 = tpu.memref_slice %arg10[%dma_start3A_219, %dma_start3A_222, %dma_start3A_223] : memref<8x128x8xf32, #tpu.memory_space<vmem>> -> memref<1x128x8xf32, #tpu.memory_space<vmem>>
      %dma_start3A_225 = tpu.memref_squeeze %dma_start3A_224 : memref<1x128x8xf32, #tpu.memory_space<vmem>> -> memref<128x8xf32, #tpu.memory_space<vmem>>
      %dma_start3A_226 = arith.constant 0 : i32
      %dma_start3A_227 = tpu.memref_slice %arg8[%dma_start3A_220, %dma_start3A_221, %dma_start3A_226] : memref<8x2x128xi32, #tpu.memory_space<vmem>> -> memref<1x1x128xi32, #tpu.memory_space<vmem>>
      %dma_start3A_228 = tpu.memref_squeeze %dma_start3A_227 : memref<1x1x128xi32, #tpu.memory_space<vmem>> -> memref<128xi32, #tpu.memory_space<vmem>>
      %dma_start3A_229 = arith.constant 0 : i32
      %dma_start3A_230 = arith.constant 0 : i32
      %dma_start3A_231 = tpu.memref_slice %arg12[%dma_start3A_229, %dma_start3A_230] : memref<100096x8xf32, #tpu.memory_space<vmem_shared>> -> memref<100096x8xf32, #tpu.memory_space<vmem_shared>>
      tpu.enqueue_indirect_dma source(%dma_start3A_225 : memref<128x8xf32, #tpu.memory_space<vmem>>) target(%dma_start3A_231 : memref<100096x8xf32, #tpu.memory_space<vmem_shared>>) offsets(%dma_start3A_228 : memref<128xi32, #tpu.memory_space<vmem>>) semaphore(%arg14 : memref<!tpu.dma_semaphore, #tpu.memory_space<semaphore_mem>>) {add = true}
      %dma_wait3A = arith.constant 0 : i32
      %dma_wait3A_232 = arith.constant 0 : i32
      %dma_wait3A_233 = arith.constant 0 : i32
      %dma_wait3A_234 = arith.constant 0 : i32
      %dma_wait3A_235 = arith.constant 0 : i32
      %dma_wait3A_236 = tpu.memref_slice %arg9[%dma_wait3A_233, %dma_wait3A_234, %dma_wait3A_235] : memref<8x128x8xf32, #tpu.memory_space<vmem>> -> memref<1x128x8xf32, #tpu.memory_space<vmem>>
      %dma_wait3A_237 = tpu.memref_squeeze %dma_wait3A_236 : memref<1x128x8xf32, #tpu.memory_space<vmem>> -> memref<128x8xf32, #tpu.memory_space<vmem>>
      %dma_wait3A_238 = arith.constant 0 : i32
      %dma_wait3A_239 = tpu.memref_slice %arg8[%dma_wait3A, %dma_wait3A_232, %dma_wait3A_238] : memref<8x2x128xi32, #tpu.memory_space<vmem>> -> memref<1x1x128xi32, #tpu.memory_space<vmem>>
      %dma_wait3A_240 = tpu.memref_squeeze %dma_wait3A_239 : memref<1x1x128xi32, #tpu.memory_space<vmem>> -> memref<128xi32, #tpu.memory_space<vmem>>
      %dma_wait3A_241 = arith.constant 0 : i32
      %dma_wait3A_242 = arith.constant 0 : i32
      %dma_wait3A_243 = tpu.memref_slice %arg2[%dma_wait3A_241, %dma_wait3A_242] : memref<100096x8xf32, #tpu.memory_space<hbm>> -> memref<100096x8xf32, #tpu.memory_space<hbm>>
      tpu.wait_indirect_dma semaphore(%arg13 : memref<!tpu.dma_semaphore, #tpu.memory_space<semaphore_mem>>) src(%dma_wait3A_243 : memref<100096x8xf32, #tpu.memory_space<hbm>>) dst(%dma_wait3A_237 : memref<128x8xf32, #tpu.memory_space<vmem>>)
      %dma_start3A_244 = arith.constant 0 : i32
      %dma_start3A_245 = arith.constant 0 : i32
      %dma_start3A_246 = arith.constant 1 : i32
      %dma_start3A_247 = arith.constant 0 : i32
      %dma_start3A_248 = arith.constant 0 : i32
      %dma_start3A_249 = tpu.memref_slice %arg9[%dma_start3A_244, %dma_start3A_247, %dma_start3A_248] : memref<8x128x8xf32, #tpu.memory_space<vmem>> -> memref<1x128x8xf32, #tpu.memory_space<vmem>>
      %dma_start3A_250 = tpu.memref_squeeze %dma_start3A_249 : memref<1x128x8xf32, #tpu.memory_space<vmem>> -> memref<128x8xf32, #tpu.memory_space<vmem>>
      %dma_start3A_251 = arith.constant 0 : i32
      %dma_start3A_252 = tpu.memref_slice %arg8[%dma_start3A_245, %dma_start3A_246, %dma_start3A_251] : memref<8x2x128xi32, #tpu.memory_space<vmem>> -> memref<1x1x128xi32, #tpu.memory_space<vmem>>
      %dma_start3A_253 = tpu.memref_squeeze %dma_start3A_252 : memref<1x1x128xi32, #tpu.memory_space<vmem>> -> memref<128xi32, #tpu.memory_space<vmem>>
      %dma_start3A_254 = arith.constant 0 : i32
      %dma_start3A_255 = arith.constant 0 : i32
      %dma_start3A_256 = tpu.memref_slice %arg11[%dma_start3A_254, %dma_start3A_255] : memref<100096x8xf32, #tpu.memory_space<vmem_shared>> -> memref<100096x8xf32, #tpu.memory_space<vmem_shared>>
      tpu.enqueue_indirect_dma source(%dma_start3A_250 : memref<128x8xf32, #tpu.memory_space<vmem>>) target(%dma_start3A_256 : memref<100096x8xf32, #tpu.memory_space<vmem_shared>>) offsets(%dma_start3A_253 : memref<128xi32, #tpu.memory_space<vmem>>) semaphore(%arg14 : memref<!tpu.dma_semaphore, #tpu.memory_space<semaphore_mem>>) {add = true}
      %dma_wait3A_257 = arith.constant 1 : i32
      %dma_wait3A_258 = arith.constant 0 : i32
      %dma_wait3A_259 = arith.constant 1 : i32
      %dma_wait3A_260 = arith.constant 0 : i32
      %dma_wait3A_261 = arith.constant 0 : i32
      %dma_wait3A_262 = tpu.memref_slice %arg9[%dma_wait3A_259, %dma_wait3A_260, %dma_wait3A_261] : memref<8x128x8xf32, #tpu.memory_space<vmem>> -> memref<1x128x8xf32, #tpu.memory_space<vmem>>
      %dma_wait3A_263 = tpu.memref_squeeze %dma_wait3A_262 : memref<1x128x8xf32, #tpu.memory_space<vmem>> -> memref<128x8xf32, #tpu.memory_space<vmem>>
      %dma_wait3A_264 = arith.constant 0 : i32
      %dma_wait3A_265 = tpu.memref_slice %arg8[%dma_wait3A_257, %dma_wait3A_258, %dma_wait3A_264] : memref<8x2x128xi32, #tpu.memory_space<vmem>> -> memref<1x1x128xi32, #tpu.memory_space<vmem>>
      %dma_wait3A_266 = tpu.memref_squeeze %dma_wait3A_265 : memref<1x1x128xi32, #tpu.memory_space<vmem>> -> memref<128xi32, #tpu.memory_space<vmem>>
      %dma_wait3A_267 = arith.constant 0 : i32
      %dma_wait3A_268 = arith.constant 0 : i32
      %dma_wait3A_269 = tpu.memref_slice %arg2[%dma_wait3A_267, %dma_wait3A_268] : memref<100096x8xf32, #tpu.memory_space<hbm>> -> memref<100096x8xf32, #tpu.memory_space<hbm>>
      tpu.wait_indirect_dma semaphore(%arg13 : memref<!tpu.dma_semaphore, #tpu.memory_space<semaphore_mem>>) src(%dma_wait3A_269 : memref<100096x8xf32, #tpu.memory_space<hbm>>) dst(%dma_wait3A_263 : memref<128x8xf32, #tpu.memory_space<vmem>>)
      %dma_start3A_270 = arith.constant 1 : i32
      %dma_start3A_271 = arith.constant 1 : i32
      %dma_start3A_272 = arith.constant 1 : i32
      %dma_start3A_273 = arith.constant 0 : i32
      %dma_start3A_274 = arith.constant 0 : i32
      %dma_start3A_275 = tpu.memref_slice %arg9[%dma_start3A_270, %dma_start3A_273, %dma_start3A_274] : memref<8x128x8xf32, #tpu.memory_space<vmem>> -> memref<1x128x8xf32, #tpu.memory_space<vmem>>
      %dma_start3A_276 = tpu.memref_squeeze %dma_start3A_275 : memref<1x128x8xf32, #tpu.memory_space<vmem>> -> memref<128x8xf32, #tpu.memory_space<vmem>>
      %dma_start3A_277 = arith.constant 0 : i32
      %dma_start3A_278 = tpu.memref_slice %arg8[%dma_start3A_271, %dma_start3A_272, %dma_start3A_277] : memref<8x2x128xi32, #tpu.memory_space<vmem>> -> memref<1x1x128xi32, #tpu.memory_space<vmem>>
      %dma_start3A_279 = tpu.memref_squeeze %dma_start3A_278 : memref<1x1x128xi32, #tpu.memory_space<vmem>> -> memref<128xi32, #tpu.memory_space<vmem>>
      %dma_start3A_280 = arith.constant 0 : i32
      %dma_start3A_281 = arith.constant 0 : i32
      %dma_start3A_282 = tpu.memref_slice %arg11[%dma_start3A_280, %dma_start3A_281] : memref<100096x8xf32, #tpu.memory_space<vmem_shared>> -> memref<100096x8xf32, #tpu.memory_space<vmem_shared>>
      tpu.enqueue_indirect_dma source(%dma_start3A_276 : memref<128x8xf32, #tpu.memory_space<vmem>>) target(%dma_start3A_282 : memref<100096x8xf32, #tpu.memory_space<vmem_shared>>) offsets(%dma_start3A_279 : memref<128xi32, #tpu.memory_space<vmem>>) semaphore(%arg14 : memref<!tpu.dma_semaphore, #tpu.memory_space<semaphore_mem>>) {add = true}
      %dma_wait3A_283 = arith.constant 2 : i32
      %dma_wait3A_284 = arith.constant 0 : i32
      %dma_wait3A_285 = arith.constant 2 : i32
      %dma_wait3A_286 = arith.constant 0 : i32
      %dma_wait3A_287 = arith.constant 0 : i32
      %dma_wait3A_288 = tpu.memref_slice %arg9[%dma_wait3A_285, %dma_wait3A_286, %dma_wait3A_287] : memref<8x128x8xf32, #tpu.memory_space<vmem>> -> memref<1x128x8xf32, #tpu.memory_space<vmem>>
      %dma_wait3A_289 = tpu.memref_squeeze %dma_wait3A_288 : memref<1x128x8xf32, #tpu.memory_space<vmem>> -> memref<128x8xf32, #tpu.memory_space<vmem>>
      %dma_wait3A_290 = arith.constant 0 : i32
      %dma_wait3A_291 = tpu.memref_slice %arg8[%dma_wait3A_283, %dma_wait3A_284, %dma_wait3A_290] : memref<8x2x128xi32, #tpu.memory_space<vmem>> -> memref<1x1x128xi32, #tpu.memory_space<vmem>>
      %dma_wait3A_292 = tpu.memref_squeeze %dma_wait3A_291 : memref<1x1x128xi32, #tpu.memory_space<vmem>> -> memref<128xi32, #tpu.memory_space<vmem>>
      %dma_wait3A_293 = arith.constant 0 : i32
      %dma_wait3A_294 = arith.constant 0 : i32
      %dma_wait3A_295 = tpu.memref_slice %arg2[%dma_wait3A_293, %dma_wait3A_294] : memref<100096x8xf32, #tpu.memory_space<hbm>> -> memref<100096x8xf32, #tpu.memory_space<hbm>>
      tpu.wait_indirect_dma semaphore(%arg13 : memref<!tpu.dma_semaphore, #tpu.memory_space<semaphore_mem>>) src(%dma_wait3A_295 : memref<100096x8xf32, #tpu.memory_space<hbm>>) dst(%dma_wait3A_289 : memref<128x8xf32, #tpu.memory_space<vmem>>)
      %dma_start3A_296 = arith.constant 2 : i32
      %dma_start3A_297 = arith.constant 2 : i32
      %dma_start3A_298 = arith.constant 1 : i32
      %dma_start3A_299 = arith.constant 0 : i32
      %dma_start3A_300 = arith.constant 0 : i32
      %dma_start3A_301 = tpu.memref_slice %arg9[%dma_start3A_296, %dma_start3A_299, %dma_start3A_300] : memref<8x128x8xf32, #tpu.memory_space<vmem>> -> memref<1x128x8xf32, #tpu.memory_space<vmem>>
      %dma_start3A_302 = tpu.memref_squeeze %dma_start3A_301 : memref<1x128x8xf32, #tpu.memory_space<vmem>> -> memref<128x8xf32, #tpu.memory_space<vmem>>
      %dma_start3A_303 = arith.constant 0 : i32
      %dma_start3A_304 = tpu.memref_slice %arg8[%dma_start3A_297, %dma_start3A_298, %dma_start3A_303] : memref<8x2x128xi32, #tpu.memory_space<vmem>> -> memref<1x1x128xi32, #tpu.memory_space<vmem>>
      %dma_start3A_305 = tpu.memref_squeeze %dma_start3A_304 : memref<1x1x128xi32, #tpu.memory_space<vmem>> -> memref<128xi32, #tpu.memory_space<vmem>>
      %dma_start3A_306 = arith.constant 0 : i32
      %dma_start3A_307 = arith.constant 0 : i32
      %dma_start3A_308 = tpu.memref_slice %arg11[%dma_start3A_306, %dma_start3A_307] : memref<100096x8xf32, #tpu.memory_space<vmem_shared>> -> memref<100096x8xf32, #tpu.memory_space<vmem_shared>>
      tpu.enqueue_indirect_dma source(%dma_start3A_302 : memref<128x8xf32, #tpu.memory_space<vmem>>) target(%dma_start3A_308 : memref<100096x8xf32, #tpu.memory_space<vmem_shared>>) offsets(%dma_start3A_305 : memref<128xi32, #tpu.memory_space<vmem>>) semaphore(%arg14 : memref<!tpu.dma_semaphore, #tpu.memory_space<semaphore_mem>>) {add = true}
      %dma_wait3A_309 = arith.constant 3 : i32
      %dma_wait3A_310 = arith.constant 0 : i32
      %dma_wait3A_311 = arith.constant 3 : i32
      %dma_wait3A_312 = arith.constant 0 : i32
      %dma_wait3A_313 = arith.constant 0 : i32
      %dma_wait3A_314 = tpu.memref_slice %arg9[%dma_wait3A_311, %dma_wait3A_312, %dma_wait3A_313] : memref<8x128x8xf32, #tpu.memory_space<vmem>> -> memref<1x128x8xf32, #tpu.memory_space<vmem>>
      %dma_wait3A_315 = tpu.memref_squeeze %dma_wait3A_314 : memref<1x128x8xf32, #tpu.memory_space<vmem>> -> memref<128x8xf32, #tpu.memory_space<vmem>>
      %dma_wait3A_316 = arith.constant 0 : i32
      %dma_wait3A_317 = tpu.memref_slice %arg8[%dma_wait3A_309, %dma_wait3A_310, %dma_wait3A_316] : memref<8x2x128xi32, #tpu.memory_space<vmem>> -> memref<1x1x128xi32, #tpu.memory_space<vmem>>
      %dma_wait3A_318 = tpu.memref_squeeze %dma_wait3A_317 : memref<1x1x128xi32, #tpu.memory_space<vmem>> -> memref<128xi32, #tpu.memory_space<vmem>>
      %dma_wait3A_319 = arith.constant 0 : i32
      %dma_wait3A_320 = arith.constant 0 : i32
      %dma_wait3A_321 = tpu.memref_slice %arg2[%dma_wait3A_319, %dma_wait3A_320] : memref<100096x8xf32, #tpu.memory_space<hbm>> -> memref<100096x8xf32, #tpu.memory_space<hbm>>
      tpu.wait_indirect_dma semaphore(%arg13 : memref<!tpu.dma_semaphore, #tpu.memory_space<semaphore_mem>>) src(%dma_wait3A_321 : memref<100096x8xf32, #tpu.memory_space<hbm>>) dst(%dma_wait3A_315 : memref<128x8xf32, #tpu.memory_space<vmem>>)
      %dma_start3A_322 = arith.constant 3 : i32
      %dma_start3A_323 = arith.constant 3 : i32
      %dma_start3A_324 = arith.constant 1 : i32
      %dma_start3A_325 = arith.constant 0 : i32
      %dma_start3A_326 = arith.constant 0 : i32
      %dma_start3A_327 = tpu.memref_slice %arg9[%dma_start3A_322, %dma_start3A_325, %dma_start3A_326] : memref<8x128x8xf32, #tpu.memory_space<vmem>> -> memref<1x128x8xf32, #tpu.memory_space<vmem>>
      %dma_start3A_328 = tpu.memref_squeeze %dma_start3A_327 : memref<1x128x8xf32, #tpu.memory_space<vmem>> -> memref<128x8xf32, #tpu.memory_space<vmem>>
      %dma_start3A_329 = arith.constant 0 : i32
      %dma_start3A_330 = tpu.memref_slice %arg8[%dma_start3A_323, %dma_start3A_324, %dma_start3A_329] : memref<8x2x128xi32, #tpu.memory_space<vmem>> -> memref<1x1x128xi32, #tpu.memory_space<vmem>>
      %dma_start3A_331 = tpu.memref_squeeze %dma_start3A_330 : memref<1x1x128xi32, #tpu.memory_space<vmem>> -> memref<128xi32, #tpu.memory_space<vmem>>
      %dma_start3A_332 = arith.constant 0 : i32
      %dma_start3A_333 = arith.constant 0 : i32
      %dma_start3A_334 = tpu.memref_slice %arg11[%dma_start3A_332, %dma_start3A_333] : memref<100096x8xf32, #tpu.memory_space<vmem_shared>> -> memref<100096x8xf32, #tpu.memory_space<vmem_shared>>
      tpu.enqueue_indirect_dma source(%dma_start3A_328 : memref<128x8xf32, #tpu.memory_space<vmem>>) target(%dma_start3A_334 : memref<100096x8xf32, #tpu.memory_space<vmem_shared>>) offsets(%dma_start3A_331 : memref<128xi32, #tpu.memory_space<vmem>>) semaphore(%arg14 : memref<!tpu.dma_semaphore, #tpu.memory_space<semaphore_mem>>) {add = true}
      %dma_wait3A_335 = arith.constant 4 : i32
      %dma_wait3A_336 = arith.constant 0 : i32
      %dma_wait3A_337 = arith.constant 4 : i32
      %dma_wait3A_338 = arith.constant 0 : i32
      %dma_wait3A_339 = arith.constant 0 : i32
      %dma_wait3A_340 = tpu.memref_slice %arg9[%dma_wait3A_337, %dma_wait3A_338, %dma_wait3A_339] : memref<8x128x8xf32, #tpu.memory_space<vmem>> -> memref<1x128x8xf32, #tpu.memory_space<vmem>>
      %dma_wait3A_341 = tpu.memref_squeeze %dma_wait3A_340 : memref<1x128x8xf32, #tpu.memory_space<vmem>> -> memref<128x8xf32, #tpu.memory_space<vmem>>
      %dma_wait3A_342 = arith.constant 0 : i32
      %dma_wait3A_343 = tpu.memref_slice %arg8[%dma_wait3A_335, %dma_wait3A_336, %dma_wait3A_342] : memref<8x2x128xi32, #tpu.memory_space<vmem>> -> memref<1x1x128xi32, #tpu.memory_space<vmem>>
      %dma_wait3A_344 = tpu.memref_squeeze %dma_wait3A_343 : memref<1x1x128xi32, #tpu.memory_space<vmem>> -> memref<128xi32, #tpu.memory_space<vmem>>
      %dma_wait3A_345 = arith.constant 0 : i32
      %dma_wait3A_346 = arith.constant 0 : i32
      %dma_wait3A_347 = tpu.memref_slice %arg2[%dma_wait3A_345, %dma_wait3A_346] : memref<100096x8xf32, #tpu.memory_space<hbm>> -> memref<100096x8xf32, #tpu.memory_space<hbm>>
      tpu.wait_indirect_dma semaphore(%arg13 : memref<!tpu.dma_semaphore, #tpu.memory_space<semaphore_mem>>) src(%dma_wait3A_347 : memref<100096x8xf32, #tpu.memory_space<hbm>>) dst(%dma_wait3A_341 : memref<128x8xf32, #tpu.memory_space<vmem>>)
      %dma_start3A_348 = arith.constant 4 : i32
      %dma_start3A_349 = arith.constant 4 : i32
      %dma_start3A_350 = arith.constant 1 : i32
      %dma_start3A_351 = arith.constant 0 : i32
      %dma_start3A_352 = arith.constant 0 : i32
      %dma_start3A_353 = tpu.memref_slice %arg9[%dma_start3A_348, %dma_start3A_351, %dma_start3A_352] : memref<8x128x8xf32, #tpu.memory_space<vmem>> -> memref<1x128x8xf32, #tpu.memory_space<vmem>>
      %dma_start3A_354 = tpu.memref_squeeze %dma_start3A_353 : memref<1x128x8xf32, #tpu.memory_space<vmem>> -> memref<128x8xf32, #tpu.memory_space<vmem>>
      %dma_start3A_355 = arith.constant 0 : i32
      %dma_start3A_356 = tpu.memref_slice %arg8[%dma_start3A_349, %dma_start3A_350, %dma_start3A_355] : memref<8x2x128xi32, #tpu.memory_space<vmem>> -> memref<1x1x128xi32, #tpu.memory_space<vmem>>
      %dma_start3A_357 = tpu.memref_squeeze %dma_start3A_356 : memref<1x1x128xi32, #tpu.memory_space<vmem>> -> memref<128xi32, #tpu.memory_space<vmem>>
      %dma_start3A_358 = arith.constant 0 : i32
      %dma_start3A_359 = arith.constant 0 : i32
      %dma_start3A_360 = tpu.memref_slice %arg11[%dma_start3A_358, %dma_start3A_359] : memref<100096x8xf32, #tpu.memory_space<vmem_shared>> -> memref<100096x8xf32, #tpu.memory_space<vmem_shared>>
      tpu.enqueue_indirect_dma source(%dma_start3A_354 : memref<128x8xf32, #tpu.memory_space<vmem>>) target(%dma_start3A_360 : memref<100096x8xf32, #tpu.memory_space<vmem_shared>>) offsets(%dma_start3A_357 : memref<128xi32, #tpu.memory_space<vmem>>) semaphore(%arg14 : memref<!tpu.dma_semaphore, #tpu.memory_space<semaphore_mem>>) {add = true}
      %dma_wait3A_361 = arith.constant 5 : i32
      %dma_wait3A_362 = arith.constant 0 : i32
      %dma_wait3A_363 = arith.constant 5 : i32
      %dma_wait3A_364 = arith.constant 0 : i32
      %dma_wait3A_365 = arith.constant 0 : i32
      %dma_wait3A_366 = tpu.memref_slice %arg9[%dma_wait3A_363, %dma_wait3A_364, %dma_wait3A_365] : memref<8x128x8xf32, #tpu.memory_space<vmem>> -> memref<1x128x8xf32, #tpu.memory_space<vmem>>
      %dma_wait3A_367 = tpu.memref_squeeze %dma_wait3A_366 : memref<1x128x8xf32, #tpu.memory_space<vmem>> -> memref<128x8xf32, #tpu.memory_space<vmem>>
      %dma_wait3A_368 = arith.constant 0 : i32
      %dma_wait3A_369 = tpu.memref_slice %arg8[%dma_wait3A_361, %dma_wait3A_362, %dma_wait3A_368] : memref<8x2x128xi32, #tpu.memory_space<vmem>> -> memref<1x1x128xi32, #tpu.memory_space<vmem>>
      %dma_wait3A_370 = tpu.memref_squeeze %dma_wait3A_369 : memref<1x1x128xi32, #tpu.memory_space<vmem>> -> memref<128xi32, #tpu.memory_space<vmem>>
      %dma_wait3A_371 = arith.constant 0 : i32
      %dma_wait3A_372 = arith.constant 0 : i32
      %dma_wait3A_373 = tpu.memref_slice %arg2[%dma_wait3A_371, %dma_wait3A_372] : memref<100096x8xf32, #tpu.memory_space<hbm>> -> memref<100096x8xf32, #tpu.memory_space<hbm>>
      tpu.wait_indirect_dma semaphore(%arg13 : memref<!tpu.dma_semaphore, #tpu.memory_space<semaphore_mem>>) src(%dma_wait3A_373 : memref<100096x8xf32, #tpu.memory_space<hbm>>) dst(%dma_wait3A_367 : memref<128x8xf32, #tpu.memory_space<vmem>>)
      %dma_start3A_374 = arith.constant 5 : i32
      %dma_start3A_375 = arith.constant 5 : i32
      %dma_start3A_376 = arith.constant 1 : i32
      %dma_start3A_377 = arith.constant 0 : i32
      %dma_start3A_378 = arith.constant 0 : i32
      %dma_start3A_379 = tpu.memref_slice %arg9[%dma_start3A_374, %dma_start3A_377, %dma_start3A_378] : memref<8x128x8xf32, #tpu.memory_space<vmem>> -> memref<1x128x8xf32, #tpu.memory_space<vmem>>
      %dma_start3A_380 = tpu.memref_squeeze %dma_start3A_379 : memref<1x128x8xf32, #tpu.memory_space<vmem>> -> memref<128x8xf32, #tpu.memory_space<vmem>>
      %dma_start3A_381 = arith.constant 0 : i32
      %dma_start3A_382 = tpu.memref_slice %arg8[%dma_start3A_375, %dma_start3A_376, %dma_start3A_381] : memref<8x2x128xi32, #tpu.memory_space<vmem>> -> memref<1x1x128xi32, #tpu.memory_space<vmem>>
      %dma_start3A_383 = tpu.memref_squeeze %dma_start3A_382 : memref<1x1x128xi32, #tpu.memory_space<vmem>> -> memref<128xi32, #tpu.memory_space<vmem>>
      %dma_start3A_384 = arith.constant 0 : i32
      %dma_start3A_385 = arith.constant 0 : i32
      %dma_start3A_386 = tpu.memref_slice %arg11[%dma_start3A_384, %dma_start3A_385] : memref<100096x8xf32, #tpu.memory_space<vmem_shared>> -> memref<100096x8xf32, #tpu.memory_space<vmem_shared>>
      tpu.enqueue_indirect_dma source(%dma_start3A_380 : memref<128x8xf32, #tpu.memory_space<vmem>>) target(%dma_start3A_386 : memref<100096x8xf32, #tpu.memory_space<vmem_shared>>) offsets(%dma_start3A_383 : memref<128xi32, #tpu.memory_space<vmem>>) semaphore(%arg14 : memref<!tpu.dma_semaphore, #tpu.memory_space<semaphore_mem>>) {add = true}
      %dma_wait3A_387 = arith.constant 6 : i32
      %dma_wait3A_388 = arith.constant 0 : i32
      %dma_wait3A_389 = arith.constant 6 : i32
      %dma_wait3A_390 = arith.constant 0 : i32
      %dma_wait3A_391 = arith.constant 0 : i32
      %dma_wait3A_392 = tpu.memref_slice %arg9[%dma_wait3A_389, %dma_wait3A_390, %dma_wait3A_391] : memref<8x128x8xf32, #tpu.memory_space<vmem>> -> memref<1x128x8xf32, #tpu.memory_space<vmem>>
      %dma_wait3A_393 = tpu.memref_squeeze %dma_wait3A_392 : memref<1x128x8xf32, #tpu.memory_space<vmem>> -> memref<128x8xf32, #tpu.memory_space<vmem>>
      %dma_wait3A_394 = arith.constant 0 : i32
      %dma_wait3A_395 = tpu.memref_slice %arg8[%dma_wait3A_387, %dma_wait3A_388, %dma_wait3A_394] : memref<8x2x128xi32, #tpu.memory_space<vmem>> -> memref<1x1x128xi32, #tpu.memory_space<vmem>>
      %dma_wait3A_396 = tpu.memref_squeeze %dma_wait3A_395 : memref<1x1x128xi32, #tpu.memory_space<vmem>> -> memref<128xi32, #tpu.memory_space<vmem>>
      %dma_wait3A_397 = arith.constant 0 : i32
      %dma_wait3A_398 = arith.constant 0 : i32
      %dma_wait3A_399 = tpu.memref_slice %arg2[%dma_wait3A_397, %dma_wait3A_398] : memref<100096x8xf32, #tpu.memory_space<hbm>> -> memref<100096x8xf32, #tpu.memory_space<hbm>>
      tpu.wait_indirect_dma semaphore(%arg13 : memref<!tpu.dma_semaphore, #tpu.memory_space<semaphore_mem>>) src(%dma_wait3A_399 : memref<100096x8xf32, #tpu.memory_space<hbm>>) dst(%dma_wait3A_393 : memref<128x8xf32, #tpu.memory_space<vmem>>)
      %dma_start3A_400 = arith.constant 6 : i32
      %dma_start3A_401 = arith.constant 6 : i32
      %dma_start3A_402 = arith.constant 1 : i32
      %dma_start3A_403 = arith.constant 0 : i32
      %dma_start3A_404 = arith.constant 0 : i32
      %dma_start3A_405 = tpu.memref_slice %arg9[%dma_start3A_400, %dma_start3A_403, %dma_start3A_404] : memref<8x128x8xf32, #tpu.memory_space<vmem>> -> memref<1x128x8xf32, #tpu.memory_space<vmem>>
      %dma_start3A_406 = tpu.memref_squeeze %dma_start3A_405 : memref<1x128x8xf32, #tpu.memory_space<vmem>> -> memref<128x8xf32, #tpu.memory_space<vmem>>
      %dma_start3A_407 = arith.constant 0 : i32
      %dma_start3A_408 = tpu.memref_slice %arg8[%dma_start3A_401, %dma_start3A_402, %dma_start3A_407] : memref<8x2x128xi32, #tpu.memory_space<vmem>> -> memref<1x1x128xi32, #tpu.memory_space<vmem>>
      %dma_start3A_409 = tpu.memref_squeeze %dma_start3A_408 : memref<1x1x128xi32, #tpu.memory_space<vmem>> -> memref<128xi32, #tpu.memory_space<vmem>>
      %dma_start3A_410 = arith.constant 0 : i32
      %dma_start3A_411 = arith.constant 0 : i32
      %dma_start3A_412 = tpu.memref_slice %arg11[%dma_start3A_410, %dma_start3A_411] : memref<100096x8xf32, #tpu.memory_space<vmem_shared>> -> memref<100096x8xf32, #tpu.memory_space<vmem_shared>>
      tpu.enqueue_indirect_dma source(%dma_start3A_406 : memref<128x8xf32, #tpu.memory_space<vmem>>) target(%dma_start3A_412 : memref<100096x8xf32, #tpu.memory_space<vmem_shared>>) offsets(%dma_start3A_409 : memref<128xi32, #tpu.memory_space<vmem>>) semaphore(%arg14 : memref<!tpu.dma_semaphore, #tpu.memory_space<semaphore_mem>>) {add = true}
      %dma_wait3A_413 = arith.constant 7 : i32
      %dma_wait3A_414 = arith.constant 0 : i32
      %dma_wait3A_415 = arith.constant 7 : i32
      %dma_wait3A_416 = arith.constant 0 : i32
      %dma_wait3A_417 = arith.constant 0 : i32
      %dma_wait3A_418 = tpu.memref_slice %arg9[%dma_wait3A_415, %dma_wait3A_416, %dma_wait3A_417] : memref<8x128x8xf32, #tpu.memory_space<vmem>> -> memref<1x128x8xf32, #tpu.memory_space<vmem>>
      %dma_wait3A_419 = tpu.memref_squeeze %dma_wait3A_418 : memref<1x128x8xf32, #tpu.memory_space<vmem>> -> memref<128x8xf32, #tpu.memory_space<vmem>>
      %dma_wait3A_420 = arith.constant 0 : i32
      %dma_wait3A_421 = tpu.memref_slice %arg8[%dma_wait3A_413, %dma_wait3A_414, %dma_wait3A_420] : memref<8x2x128xi32, #tpu.memory_space<vmem>> -> memref<1x1x128xi32, #tpu.memory_space<vmem>>
      %dma_wait3A_422 = tpu.memref_squeeze %dma_wait3A_421 : memref<1x1x128xi32, #tpu.memory_space<vmem>> -> memref<128xi32, #tpu.memory_space<vmem>>
      %dma_wait3A_423 = arith.constant 0 : i32
      %dma_wait3A_424 = arith.constant 0 : i32
      %dma_wait3A_425 = tpu.memref_slice %arg2[%dma_wait3A_423, %dma_wait3A_424] : memref<100096x8xf32, #tpu.memory_space<hbm>> -> memref<100096x8xf32, #tpu.memory_space<hbm>>
      tpu.wait_indirect_dma semaphore(%arg13 : memref<!tpu.dma_semaphore, #tpu.memory_space<semaphore_mem>>) src(%dma_wait3A_425 : memref<100096x8xf32, #tpu.memory_space<hbm>>) dst(%dma_wait3A_419 : memref<128x8xf32, #tpu.memory_space<vmem>>)
      %dma_start3A_426 = arith.constant 7 : i32
      %dma_start3A_427 = arith.constant 7 : i32
      %dma_start3A_428 = arith.constant 1 : i32
      %dma_start3A_429 = arith.constant 0 : i32
      %dma_start3A_430 = arith.constant 0 : i32
      %dma_start3A_431 = tpu.memref_slice %arg9[%dma_start3A_426, %dma_start3A_429, %dma_start3A_430] : memref<8x128x8xf32, #tpu.memory_space<vmem>> -> memref<1x128x8xf32, #tpu.memory_space<vmem>>
      %dma_start3A_432 = tpu.memref_squeeze %dma_start3A_431 : memref<1x128x8xf32, #tpu.memory_space<vmem>> -> memref<128x8xf32, #tpu.memory_space<vmem>>
      %dma_start3A_433 = arith.constant 0 : i32
      %dma_start3A_434 = tpu.memref_slice %arg8[%dma_start3A_427, %dma_start3A_428, %dma_start3A_433] : memref<8x2x128xi32, #tpu.memory_space<vmem>> -> memref<1x1x128xi32, #tpu.memory_space<vmem>>
      %dma_start3A_435 = tpu.memref_squeeze %dma_start3A_434 : memref<1x1x128xi32, #tpu.memory_space<vmem>> -> memref<128xi32, #tpu.memory_space<vmem>>
      %dma_start3A_436 = arith.constant 0 : i32
      %dma_start3A_437 = arith.constant 0 : i32
      %dma_start3A_438 = tpu.memref_slice %arg11[%dma_start3A_436, %dma_start3A_437] : memref<100096x8xf32, #tpu.memory_space<vmem_shared>> -> memref<100096x8xf32, #tpu.memory_space<vmem_shared>>
      tpu.enqueue_indirect_dma source(%dma_start3A_432 : memref<128x8xf32, #tpu.memory_space<vmem>>) target(%dma_start3A_438 : memref<100096x8xf32, #tpu.memory_space<vmem_shared>>) offsets(%dma_start3A_435 : memref<128xi32, #tpu.memory_space<vmem>>) semaphore(%arg14 : memref<!tpu.dma_semaphore, #tpu.memory_space<semaphore_mem>>) {add = true}
      %dma_wait3A_439 = arith.constant 0 : i32
      %dma_wait3A_440 = arith.constant 0 : i32
      %dma_wait3A_441 = arith.constant 1 : i32
      %dma_wait3A_442 = arith.constant 0 : i32
      %dma_wait3A_443 = arith.constant 0 : i32
      %dma_wait3A_444 = tpu.memref_slice %arg10[%dma_wait3A_439, %dma_wait3A_442, %dma_wait3A_443] : memref<8x128x8xf32, #tpu.memory_space<vmem>> -> memref<1x128x8xf32, #tpu.memory_space<vmem>>
      %dma_wait3A_445 = tpu.memref_squeeze %dma_wait3A_444 : memref<1x128x8xf32, #tpu.memory_space<vmem>> -> memref<128x8xf32, #tpu.memory_space<vmem>>
      %dma_wait3A_446 = arith.constant 0 : i32
      %dma_wait3A_447 = tpu.memref_slice %arg8[%dma_wait3A_440, %dma_wait3A_441, %dma_wait3A_446] : memref<8x2x128xi32, #tpu.memory_space<vmem>> -> memref<1x1x128xi32, #tpu.memory_space<vmem>>
      %dma_wait3A_448 = tpu.memref_squeeze %dma_wait3A_447 : memref<1x1x128xi32, #tpu.memory_space<vmem>> -> memref<128xi32, #tpu.memory_space<vmem>>
      %dma_wait3A_449 = arith.constant 0 : i32
      %dma_wait3A_450 = arith.constant 0 : i32
      %dma_wait3A_451 = tpu.memref_slice %arg12[%dma_wait3A_449, %dma_wait3A_450] : memref<100096x8xf32, #tpu.memory_space<vmem_shared>> -> memref<100096x8xf32, #tpu.memory_space<vmem_shared>>
      tpu.wait_indirect_dma semaphore(%arg14 : memref<!tpu.dma_semaphore, #tpu.memory_space<semaphore_mem>>) src(%dma_wait3A_445 : memref<128x8xf32, #tpu.memory_space<vmem>>) dst(%dma_wait3A_451 : memref<100096x8xf32, #tpu.memory_space<vmem_shared>>)
      %dma_wait3A_452 = arith.constant 1 : i32
      %dma_wait3A_453 = arith.constant 1 : i32
      %dma_wait3A_454 = arith.constant 1 : i32
      %dma_wait3A_455 = arith.constant 0 : i32
      %dma_wait3A_456 = arith.constant 0 : i32
      %dma_wait3A_457 = tpu.memref_slice %arg10[%dma_wait3A_452, %dma_wait3A_455, %dma_wait3A_456] : memref<8x128x8xf32, #tpu.memory_space<vmem>> -> memref<1x128x8xf32, #tpu.memory_space<vmem>>
      %dma_wait3A_458 = tpu.memref_squeeze %dma_wait3A_457 : memref<1x128x8xf32, #tpu.memory_space<vmem>> -> memref<128x8xf32, #tpu.memory_space<vmem>>
      %dma_wait3A_459 = arith.constant 0 : i32
      %dma_wait3A_460 = tpu.memref_slice %arg8[%dma_wait3A_453, %dma_wait3A_454, %dma_wait3A_459] : memref<8x2x128xi32, #tpu.memory_space<vmem>> -> memref<1x1x128xi32, #tpu.memory_space<vmem>>
      %dma_wait3A_461 = tpu.memref_squeeze %dma_wait3A_460 : memref<1x1x128xi32, #tpu.memory_space<vmem>> -> memref<128xi32, #tpu.memory_space<vmem>>
      %dma_wait3A_462 = arith.constant 0 : i32
      %dma_wait3A_463 = arith.constant 0 : i32
      %dma_wait3A_464 = tpu.memref_slice %arg12[%dma_wait3A_462, %dma_wait3A_463] : memref<100096x8xf32, #tpu.memory_space<vmem_shared>> -> memref<100096x8xf32, #tpu.memory_space<vmem_shared>>
      tpu.wait_indirect_dma semaphore(%arg14 : memref<!tpu.dma_semaphore, #tpu.memory_space<semaphore_mem>>) src(%dma_wait3A_458 : memref<128x8xf32, #tpu.memory_space<vmem>>) dst(%dma_wait3A_464 : memref<100096x8xf32, #tpu.memory_space<vmem_shared>>)
      %dma_wait3A_465 = arith.constant 2 : i32
      %dma_wait3A_466 = arith.constant 2 : i32
      %dma_wait3A_467 = arith.constant 1 : i32
      %dma_wait3A_468 = arith.constant 0 : i32
      %dma_wait3A_469 = arith.constant 0 : i32
      %dma_wait3A_470 = tpu.memref_slice %arg10[%dma_wait3A_465, %dma_wait3A_468, %dma_wait3A_469] : memref<8x128x8xf32, #tpu.memory_space<vmem>> -> memref<1x128x8xf32, #tpu.memory_space<vmem>>
      %dma_wait3A_471 = tpu.memref_squeeze %dma_wait3A_470 : memref<1x128x8xf32, #tpu.memory_space<vmem>> -> memref<128x8xf32, #tpu.memory_space<vmem>>
      %dma_wait3A_472 = arith.constant 0 : i32
      %dma_wait3A_473 = tpu.memref_slice %arg8[%dma_wait3A_466, %dma_wait3A_467, %dma_wait3A_472] : memref<8x2x128xi32, #tpu.memory_space<vmem>> -> memref<1x1x128xi32, #tpu.memory_space<vmem>>
      %dma_wait3A_474 = tpu.memref_squeeze %dma_wait3A_473 : memref<1x1x128xi32, #tpu.memory_space<vmem>> -> memref<128xi32, #tpu.memory_space<vmem>>
      %dma_wait3A_475 = arith.constant 0 : i32
      %dma_wait3A_476 = arith.constant 0 : i32
      %dma_wait3A_477 = tpu.memref_slice %arg12[%dma_wait3A_475, %dma_wait3A_476] : memref<100096x8xf32, #tpu.memory_space<vmem_shared>> -> memref<100096x8xf32, #tpu.memory_space<vmem_shared>>
      tpu.wait_indirect_dma semaphore(%arg14 : memref<!tpu.dma_semaphore, #tpu.memory_space<semaphore_mem>>) src(%dma_wait3A_471 : memref<128x8xf32, #tpu.memory_space<vmem>>) dst(%dma_wait3A_477 : memref<100096x8xf32, #tpu.memory_space<vmem_shared>>)
      %dma_wait3A_478 = arith.constant 3 : i32
      %dma_wait3A_479 = arith.constant 3 : i32
      %dma_wait3A_480 = arith.constant 1 : i32
      %dma_wait3A_481 = arith.constant 0 : i32
      %dma_wait3A_482 = arith.constant 0 : i32
      %dma_wait3A_483 = tpu.memref_slice %arg10[%dma_wait3A_478, %dma_wait3A_481, %dma_wait3A_482] : memref<8x128x8xf32, #tpu.memory_space<vmem>> -> memref<1x128x8xf32, #tpu.memory_space<vmem>>
      %dma_wait3A_484 = tpu.memref_squeeze %dma_wait3A_483 : memref<1x128x8xf32, #tpu.memory_space<vmem>> -> memref<128x8xf32, #tpu.memory_space<vmem>>
      %dma_wait3A_485 = arith.constant 0 : i32
      %dma_wait3A_486 = tpu.memref_slice %arg8[%dma_wait3A_479, %dma_wait3A_480, %dma_wait3A_485] : memref<8x2x128xi32, #tpu.memory_space<vmem>> -> memref<1x1x128xi32, #tpu.memory_space<vmem>>
      %dma_wait3A_487 = tpu.memref_squeeze %dma_wait3A_486 : memref<1x1x128xi32, #tpu.memory_space<vmem>> -> memref<128xi32, #tpu.memory_space<vmem>>
      %dma_wait3A_488 = arith.constant 0 : i32
      %dma_wait3A_489 = arith.constant 0 : i32
      %dma_wait3A_490 = tpu.memref_slice %arg12[%dma_wait3A_488, %dma_wait3A_489] : memref<100096x8xf32, #tpu.memory_space<vmem_shared>> -> memref<100096x8xf32, #tpu.memory_space<vmem_shared>>
      tpu.wait_indirect_dma semaphore(%arg14 : memref<!tpu.dma_semaphore, #tpu.memory_space<semaphore_mem>>) src(%dma_wait3A_484 : memref<128x8xf32, #tpu.memory_space<vmem>>) dst(%dma_wait3A_490 : memref<100096x8xf32, #tpu.memory_space<vmem_shared>>)
      %dma_wait3A_491 = arith.constant 4 : i32
      %dma_wait3A_492 = arith.constant 4 : i32
      %dma_wait3A_493 = arith.constant 1 : i32
      %dma_wait3A_494 = arith.constant 0 : i32
      %dma_wait3A_495 = arith.constant 0 : i32
      %dma_wait3A_496 = tpu.memref_slice %arg10[%dma_wait3A_491, %dma_wait3A_494, %dma_wait3A_495] : memref<8x128x8xf32, #tpu.memory_space<vmem>> -> memref<1x128x8xf32, #tpu.memory_space<vmem>>
      %dma_wait3A_497 = tpu.memref_squeeze %dma_wait3A_496 : memref<1x128x8xf32, #tpu.memory_space<vmem>> -> memref<128x8xf32, #tpu.memory_space<vmem>>
      %dma_wait3A_498 = arith.constant 0 : i32
      %dma_wait3A_499 = tpu.memref_slice %arg8[%dma_wait3A_492, %dma_wait3A_493, %dma_wait3A_498] : memref<8x2x128xi32, #tpu.memory_space<vmem>> -> memref<1x1x128xi32, #tpu.memory_space<vmem>>
      %dma_wait3A_500 = tpu.memref_squeeze %dma_wait3A_499 : memref<1x1x128xi32, #tpu.memory_space<vmem>> -> memref<128xi32, #tpu.memory_space<vmem>>
      %dma_wait3A_501 = arith.constant 0 : i32
      %dma_wait3A_502 = arith.constant 0 : i32
      %dma_wait3A_503 = tpu.memref_slice %arg12[%dma_wait3A_501, %dma_wait3A_502] : memref<100096x8xf32, #tpu.memory_space<vmem_shared>> -> memref<100096x8xf32, #tpu.memory_space<vmem_shared>>
      tpu.wait_indirect_dma semaphore(%arg14 : memref<!tpu.dma_semaphore, #tpu.memory_space<semaphore_mem>>) src(%dma_wait3A_497 : memref<128x8xf32, #tpu.memory_space<vmem>>) dst(%dma_wait3A_503 : memref<100096x8xf32, #tpu.memory_space<vmem_shared>>)
      %dma_wait3A_504 = arith.constant 5 : i32
      %dma_wait3A_505 = arith.constant 5 : i32
      %dma_wait3A_506 = arith.constant 1 : i32
      %dma_wait3A_507 = arith.constant 0 : i32
      %dma_wait3A_508 = arith.constant 0 : i32
      %dma_wait3A_509 = tpu.memref_slice %arg10[%dma_wait3A_504, %dma_wait3A_507, %dma_wait3A_508] : memref<8x128x8xf32, #tpu.memory_space<vmem>> -> memref<1x128x8xf32, #tpu.memory_space<vmem>>
      %dma_wait3A_510 = tpu.memref_squeeze %dma_wait3A_509 : memref<1x128x8xf32, #tpu.memory_space<vmem>> -> memref<128x8xf32, #tpu.memory_space<vmem>>
      %dma_wait3A_511 = arith.constant 0 : i32
      %dma_wait3A_512 = tpu.memref_slice %arg8[%dma_wait3A_505, %dma_wait3A_506, %dma_wait3A_511] : memref<8x2x128xi32, #tpu.memory_space<vmem>> -> memref<1x1x128xi32, #tpu.memory_space<vmem>>
      %dma_wait3A_513 = tpu.memref_squeeze %dma_wait3A_512 : memref<1x1x128xi32, #tpu.memory_space<vmem>> -> memref<128xi32, #tpu.memory_space<vmem>>
      %dma_wait3A_514 = arith.constant 0 : i32
      %dma_wait3A_515 = arith.constant 0 : i32
      %dma_wait3A_516 = tpu.memref_slice %arg12[%dma_wait3A_514, %dma_wait3A_515] : memref<100096x8xf32, #tpu.memory_space<vmem_shared>> -> memref<100096x8xf32, #tpu.memory_space<vmem_shared>>
      tpu.wait_indirect_dma semaphore(%arg14 : memref<!tpu.dma_semaphore, #tpu.memory_space<semaphore_mem>>) src(%dma_wait3A_510 : memref<128x8xf32, #tpu.memory_space<vmem>>) dst(%dma_wait3A_516 : memref<100096x8xf32, #tpu.memory_space<vmem_shared>>)
      %dma_wait3A_517 = arith.constant 6 : i32
      %dma_wait3A_518 = arith.constant 6 : i32
      %dma_wait3A_519 = arith.constant 1 : i32
      %dma_wait3A_520 = arith.constant 0 : i32
      %dma_wait3A_521 = arith.constant 0 : i32
      %dma_wait3A_522 = tpu.memref_slice %arg10[%dma_wait3A_517, %dma_wait3A_520, %dma_wait3A_521] : memref<8x128x8xf32, #tpu.memory_space<vmem>> -> memref<1x128x8xf32, #tpu.memory_space<vmem>>
      %dma_wait3A_523 = tpu.memref_squeeze %dma_wait3A_522 : memref<1x128x8xf32, #tpu.memory_space<vmem>> -> memref<128x8xf32, #tpu.memory_space<vmem>>
      %dma_wait3A_524 = arith.constant 0 : i32
      %dma_wait3A_525 = tpu.memref_slice %arg8[%dma_wait3A_518, %dma_wait3A_519, %dma_wait3A_524] : memref<8x2x128xi32, #tpu.memory_space<vmem>> -> memref<1x1x128xi32, #tpu.memory_space<vmem>>
      %dma_wait3A_526 = tpu.memref_squeeze %dma_wait3A_525 : memref<1x1x128xi32, #tpu.memory_space<vmem>> -> memref<128xi32, #tpu.memory_space<vmem>>
      %dma_wait3A_527 = arith.constant 0 : i32
      %dma_wait3A_528 = arith.constant 0 : i32
      %dma_wait3A_529 = tpu.memref_slice %arg12[%dma_wait3A_527, %dma_wait3A_528] : memref<100096x8xf32, #tpu.memory_space<vmem_shared>> -> memref<100096x8xf32, #tpu.memory_space<vmem_shared>>
      tpu.wait_indirect_dma semaphore(%arg14 : memref<!tpu.dma_semaphore, #tpu.memory_space<semaphore_mem>>) src(%dma_wait3A_523 : memref<128x8xf32, #tpu.memory_space<vmem>>) dst(%dma_wait3A_529 : memref<100096x8xf32, #tpu.memory_space<vmem_shared>>)
      %dma_wait3A_530 = arith.constant 7 : i32
      %dma_wait3A_531 = arith.constant 7 : i32
      %dma_wait3A_532 = arith.constant 1 : i32
      %dma_wait3A_533 = arith.constant 0 : i32
      %dma_wait3A_534 = arith.constant 0 : i32
      %dma_wait3A_535 = tpu.memref_slice %arg10[%dma_wait3A_530, %dma_wait3A_533, %dma_wait3A_534] : memref<8x128x8xf32, #tpu.memory_space<vmem>> -> memref<1x128x8xf32, #tpu.memory_space<vmem>>
      %dma_wait3A_536 = tpu.memref_squeeze %dma_wait3A_535 : memref<1x128x8xf32, #tpu.memory_space<vmem>> -> memref<128x8xf32, #tpu.memory_space<vmem>>
      %dma_wait3A_537 = arith.constant 0 : i32
      %dma_wait3A_538 = tpu.memref_slice %arg8[%dma_wait3A_531, %dma_wait3A_532, %dma_wait3A_537] : memref<8x2x128xi32, #tpu.memory_space<vmem>> -> memref<1x1x128xi32, #tpu.memory_space<vmem>>
      %dma_wait3A_539 = tpu.memref_squeeze %dma_wait3A_538 : memref<1x1x128xi32, #tpu.memory_space<vmem>> -> memref<128xi32, #tpu.memory_space<vmem>>
      %dma_wait3A_540 = arith.constant 0 : i32
      %dma_wait3A_541 = arith.constant 0 : i32
      %dma_wait3A_542 = tpu.memref_slice %arg12[%dma_wait3A_540, %dma_wait3A_541] : memref<100096x8xf32, #tpu.memory_space<vmem_shared>> -> memref<100096x8xf32, #tpu.memory_space<vmem_shared>>
      tpu.wait_indirect_dma semaphore(%arg14 : memref<!tpu.dma_semaphore, #tpu.memory_space<semaphore_mem>>) src(%dma_wait3A_536 : memref<128x8xf32, #tpu.memory_space<vmem>>) dst(%dma_wait3A_542 : memref<100096x8xf32, #tpu.memory_space<vmem_shared>>)
      %dma_wait3A_543 = arith.constant 0 : i32
      %dma_wait3A_544 = arith.constant 0 : i32
      %dma_wait3A_545 = arith.constant 1 : i32
      %dma_wait3A_546 = arith.constant 0 : i32
      %dma_wait3A_547 = arith.constant 0 : i32
      %dma_wait3A_548 = tpu.memref_slice %arg9[%dma_wait3A_543, %dma_wait3A_546, %dma_wait3A_547] : memref<8x128x8xf32, #tpu.memory_space<vmem>> -> memref<1x128x8xf32, #tpu.memory_space<vmem>>
      %dma_wait3A_549 = tpu.memref_squeeze %dma_wait3A_548 : memref<1x128x8xf32, #tpu.memory_space<vmem>> -> memref<128x8xf32, #tpu.memory_space<vmem>>
      %dma_wait3A_550 = arith.constant 0 : i32
      %dma_wait3A_551 = tpu.memref_slice %arg8[%dma_wait3A_544, %dma_wait3A_545, %dma_wait3A_550] : memref<8x2x128xi32, #tpu.memory_space<vmem>> -> memref<1x1x128xi32, #tpu.memory_space<vmem>>
      %dma_wait3A_552 = tpu.memref_squeeze %dma_wait3A_551 : memref<1x1x128xi32, #tpu.memory_space<vmem>> -> memref<128xi32, #tpu.memory_space<vmem>>
      %dma_wait3A_553 = arith.constant 0 : i32
      %dma_wait3A_554 = arith.constant 0 : i32
      %dma_wait3A_555 = tpu.memref_slice %arg11[%dma_wait3A_553, %dma_wait3A_554] : memref<100096x8xf32, #tpu.memory_space<vmem_shared>> -> memref<100096x8xf32, #tpu.memory_space<vmem_shared>>
      tpu.wait_indirect_dma semaphore(%arg14 : memref<!tpu.dma_semaphore, #tpu.memory_space<semaphore_mem>>) src(%dma_wait3A_549 : memref<128x8xf32, #tpu.memory_space<vmem>>) dst(%dma_wait3A_555 : memref<100096x8xf32, #tpu.memory_space<vmem_shared>>)
      %dma_wait3A_556 = arith.constant 1 : i32
      %dma_wait3A_557 = arith.constant 1 : i32
      %dma_wait3A_558 = arith.constant 1 : i32
      %dma_wait3A_559 = arith.constant 0 : i32
      %dma_wait3A_560 = arith.constant 0 : i32
      %dma_wait3A_561 = tpu.memref_slice %arg9[%dma_wait3A_556, %dma_wait3A_559, %dma_wait3A_560] : memref<8x128x8xf32, #tpu.memory_space<vmem>> -> memref<1x128x8xf32, #tpu.memory_space<vmem>>
      %dma_wait3A_562 = tpu.memref_squeeze %dma_wait3A_561 : memref<1x128x8xf32, #tpu.memory_space<vmem>> -> memref<128x8xf32, #tpu.memory_space<vmem>>
      %dma_wait3A_563 = arith.constant 0 : i32
      %dma_wait3A_564 = tpu.memref_slice %arg8[%dma_wait3A_557, %dma_wait3A_558, %dma_wait3A_563] : memref<8x2x128xi32, #tpu.memory_space<vmem>> -> memref<1x1x128xi32, #tpu.memory_space<vmem>>
      %dma_wait3A_565 = tpu.memref_squeeze %dma_wait3A_564 : memref<1x1x128xi32, #tpu.memory_space<vmem>> -> memref<128xi32, #tpu.memory_space<vmem>>
      %dma_wait3A_566 = arith.constant 0 : i32
      %dma_wait3A_567 = arith.constant 0 : i32
      %dma_wait3A_568 = tpu.memref_slice %arg11[%dma_wait3A_566, %dma_wait3A_567] : memref<100096x8xf32, #tpu.memory_space<vmem_shared>> -> memref<100096x8xf32, #tpu.memory_space<vmem_shared>>
      tpu.wait_indirect_dma semaphore(%arg14 : memref<!tpu.dma_semaphore, #tpu.memory_space<semaphore_mem>>) src(%dma_wait3A_562 : memref<128x8xf32, #tpu.memory_space<vmem>>) dst(%dma_wait3A_568 : memref<100096x8xf32, #tpu.memory_space<vmem_shared>>)
      %dma_wait3A_569 = arith.constant 2 : i32
      %dma_wait3A_570 = arith.constant 2 : i32
      %dma_wait3A_571 = arith.constant 1 : i32
      %dma_wait3A_572 = arith.constant 0 : i32
      %dma_wait3A_573 = arith.constant 0 : i32
      %dma_wait3A_574 = tpu.memref_slice %arg9[%dma_wait3A_569, %dma_wait3A_572, %dma_wait3A_573] : memref<8x128x8xf32, #tpu.memory_space<vmem>> -> memref<1x128x8xf32, #tpu.memory_space<vmem>>
      %dma_wait3A_575 = tpu.memref_squeeze %dma_wait3A_574 : memref<1x128x8xf32, #tpu.memory_space<vmem>> -> memref<128x8xf32, #tpu.memory_space<vmem>>
      %dma_wait3A_576 = arith.constant 0 : i32
      %dma_wait3A_577 = tpu.memref_slice %arg8[%dma_wait3A_570, %dma_wait3A_571, %dma_wait3A_576] : memref<8x2x128xi32, #tpu.memory_space<vmem>> -> memref<1x1x128xi32, #tpu.memory_space<vmem>>
      %dma_wait3A_578 = tpu.memref_squeeze %dma_wait3A_577 : memref<1x1x128xi32, #tpu.memory_space<vmem>> -> memref<128xi32, #tpu.memory_space<vmem>>
      %dma_wait3A_579 = arith.constant 0 : i32
      %dma_wait3A_580 = arith.constant 0 : i32
      %dma_wait3A_581 = tpu.memref_slice %arg11[%dma_wait3A_579, %dma_wait3A_580] : memref<100096x8xf32, #tpu.memory_space<vmem_shared>> -> memref<100096x8xf32, #tpu.memory_space<vmem_shared>>
      tpu.wait_indirect_dma semaphore(%arg14 : memref<!tpu.dma_semaphore, #tpu.memory_space<semaphore_mem>>) src(%dma_wait3A_575 : memref<128x8xf32, #tpu.memory_space<vmem>>) dst(%dma_wait3A_581 : memref<100096x8xf32, #tpu.memory_space<vmem_shared>>)
      %dma_wait3A_582 = arith.constant 3 : i32
      %dma_wait3A_583 = arith.constant 3 : i32
      %dma_wait3A_584 = arith.constant 1 : i32
      %dma_wait3A_585 = arith.constant 0 : i32
      %dma_wait3A_586 = arith.constant 0 : i32
      %dma_wait3A_587 = tpu.memref_slice %arg9[%dma_wait3A_582, %dma_wait3A_585, %dma_wait3A_586] : memref<8x128x8xf32, #tpu.memory_space<vmem>> -> memref<1x128x8xf32, #tpu.memory_space<vmem>>
      %dma_wait3A_588 = tpu.memref_squeeze %dma_wait3A_587 : memref<1x128x8xf32, #tpu.memory_space<vmem>> -> memref<128x8xf32, #tpu.memory_space<vmem>>
      %dma_wait3A_589 = arith.constant 0 : i32
      %dma_wait3A_590 = tpu.memref_slice %arg8[%dma_wait3A_583, %dma_wait3A_584, %dma_wait3A_589] : memref<8x2x128xi32, #tpu.memory_space<vmem>> -> memref<1x1x128xi32, #tpu.memory_space<vmem>>
      %dma_wait3A_591 = tpu.memref_squeeze %dma_wait3A_590 : memref<1x1x128xi32, #tpu.memory_space<vmem>> -> memref<128xi32, #tpu.memory_space<vmem>>
      %dma_wait3A_592 = arith.constant 0 : i32
      %dma_wait3A_593 = arith.constant 0 : i32
      %dma_wait3A_594 = tpu.memref_slice %arg11[%dma_wait3A_592, %dma_wait3A_593] : memref<100096x8xf32, #tpu.memory_space<vmem_shared>> -> memref<100096x8xf32, #tpu.memory_space<vmem_shared>>
      tpu.wait_indirect_dma semaphore(%arg14 : memref<!tpu.dma_semaphore, #tpu.memory_space<semaphore_mem>>) src(%dma_wait3A_588 : memref<128x8xf32, #tpu.memory_space<vmem>>) dst(%dma_wait3A_594 : memref<100096x8xf32, #tpu.memory_space<vmem_shared>>)
      %dma_wait3A_595 = arith.constant 4 : i32
      %dma_wait3A_596 = arith.constant 4 : i32
      %dma_wait3A_597 = arith.constant 1 : i32
      %dma_wait3A_598 = arith.constant 0 : i32
      %dma_wait3A_599 = arith.constant 0 : i32
      %dma_wait3A_600 = tpu.memref_slice %arg9[%dma_wait3A_595, %dma_wait3A_598, %dma_wait3A_599] : memref<8x128x8xf32, #tpu.memory_space<vmem>> -> memref<1x128x8xf32, #tpu.memory_space<vmem>>
      %dma_wait3A_601 = tpu.memref_squeeze %dma_wait3A_600 : memref<1x128x8xf32, #tpu.memory_space<vmem>> -> memref<128x8xf32, #tpu.memory_space<vmem>>
      %dma_wait3A_602 = arith.constant 0 : i32
      %dma_wait3A_603 = tpu.memref_slice %arg8[%dma_wait3A_596, %dma_wait3A_597, %dma_wait3A_602] : memref<8x2x128xi32, #tpu.memory_space<vmem>> -> memref<1x1x128xi32, #tpu.memory_space<vmem>>
      %dma_wait3A_604 = tpu.memref_squeeze %dma_wait3A_603 : memref<1x1x128xi32, #tpu.memory_space<vmem>> -> memref<128xi32, #tpu.memory_space<vmem>>
      %dma_wait3A_605 = arith.constant 0 : i32
      %dma_wait3A_606 = arith.constant 0 : i32
      %dma_wait3A_607 = tpu.memref_slice %arg11[%dma_wait3A_605, %dma_wait3A_606] : memref<100096x8xf32, #tpu.memory_space<vmem_shared>> -> memref<100096x8xf32, #tpu.memory_space<vmem_shared>>
      tpu.wait_indirect_dma semaphore(%arg14 : memref<!tpu.dma_semaphore, #tpu.memory_space<semaphore_mem>>) src(%dma_wait3A_601 : memref<128x8xf32, #tpu.memory_space<vmem>>) dst(%dma_wait3A_607 : memref<100096x8xf32, #tpu.memory_space<vmem_shared>>)
      %dma_wait3A_608 = arith.constant 5 : i32
      %dma_wait3A_609 = arith.constant 5 : i32
      %dma_wait3A_610 = arith.constant 1 : i32
      %dma_wait3A_611 = arith.constant 0 : i32
      %dma_wait3A_612 = arith.constant 0 : i32
      %dma_wait3A_613 = tpu.memref_slice %arg9[%dma_wait3A_608, %dma_wait3A_611, %dma_wait3A_612] : memref<8x128x8xf32, #tpu.memory_space<vmem>> -> memref<1x128x8xf32, #tpu.memory_space<vmem>>
      %dma_wait3A_614 = tpu.memref_squeeze %dma_wait3A_613 : memref<1x128x8xf32, #tpu.memory_space<vmem>> -> memref<128x8xf32, #tpu.memory_space<vmem>>
      %dma_wait3A_615 = arith.constant 0 : i32
      %dma_wait3A_616 = tpu.memref_slice %arg8[%dma_wait3A_609, %dma_wait3A_610, %dma_wait3A_615] : memref<8x2x128xi32, #tpu.memory_space<vmem>> -> memref<1x1x128xi32, #tpu.memory_space<vmem>>
      %dma_wait3A_617 = tpu.memref_squeeze %dma_wait3A_616 : memref<1x1x128xi32, #tpu.memory_space<vmem>> -> memref<128xi32, #tpu.memory_space<vmem>>
      %dma_wait3A_618 = arith.constant 0 : i32
      %dma_wait3A_619 = arith.constant 0 : i32
      %dma_wait3A_620 = tpu.memref_slice %arg11[%dma_wait3A_618, %dma_wait3A_619] : memref<100096x8xf32, #tpu.memory_space<vmem_shared>> -> memref<100096x8xf32, #tpu.memory_space<vmem_shared>>
      tpu.wait_indirect_dma semaphore(%arg14 : memref<!tpu.dma_semaphore, #tpu.memory_space<semaphore_mem>>) src(%dma_wait3A_614 : memref<128x8xf32, #tpu.memory_space<vmem>>) dst(%dma_wait3A_620 : memref<100096x8xf32, #tpu.memory_space<vmem_shared>>)
      %dma_wait3A_621 = arith.constant 6 : i32
      %dma_wait3A_622 = arith.constant 6 : i32
      %dma_wait3A_623 = arith.constant 1 : i32
      %dma_wait3A_624 = arith.constant 0 : i32
      %dma_wait3A_625 = arith.constant 0 : i32
      %dma_wait3A_626 = tpu.memref_slice %arg9[%dma_wait3A_621, %dma_wait3A_624, %dma_wait3A_625] : memref<8x128x8xf32, #tpu.memory_space<vmem>> -> memref<1x128x8xf32, #tpu.memory_space<vmem>>
      %dma_wait3A_627 = tpu.memref_squeeze %dma_wait3A_626 : memref<1x128x8xf32, #tpu.memory_space<vmem>> -> memref<128x8xf32, #tpu.memory_space<vmem>>
      %dma_wait3A_628 = arith.constant 0 : i32
      %dma_wait3A_629 = tpu.memref_slice %arg8[%dma_wait3A_622, %dma_wait3A_623, %dma_wait3A_628] : memref<8x2x128xi32, #tpu.memory_space<vmem>> -> memref<1x1x128xi32, #tpu.memory_space<vmem>>
      %dma_wait3A_630 = tpu.memref_squeeze %dma_wait3A_629 : memref<1x1x128xi32, #tpu.memory_space<vmem>> -> memref<128xi32, #tpu.memory_space<vmem>>
      %dma_wait3A_631 = arith.constant 0 : i32
      %dma_wait3A_632 = arith.constant 0 : i32
      %dma_wait3A_633 = tpu.memref_slice %arg11[%dma_wait3A_631, %dma_wait3A_632] : memref<100096x8xf32, #tpu.memory_space<vmem_shared>> -> memref<100096x8xf32, #tpu.memory_space<vmem_shared>>
      tpu.wait_indirect_dma semaphore(%arg14 : memref<!tpu.dma_semaphore, #tpu.memory_space<semaphore_mem>>) src(%dma_wait3A_627 : memref<128x8xf32, #tpu.memory_space<vmem>>) dst(%dma_wait3A_633 : memref<100096x8xf32, #tpu.memory_space<vmem_shared>>)
      %dma_wait3A_634 = arith.constant 7 : i32
      %dma_wait3A_635 = arith.constant 7 : i32
      %dma_wait3A_636 = arith.constant 1 : i32
      %dma_wait3A_637 = arith.constant 0 : i32
      %dma_wait3A_638 = arith.constant 0 : i32
      %dma_wait3A_639 = tpu.memref_slice %arg9[%dma_wait3A_634, %dma_wait3A_637, %dma_wait3A_638] : memref<8x128x8xf32, #tpu.memory_space<vmem>> -> memref<1x128x8xf32, #tpu.memory_space<vmem>>
      %dma_wait3A_640 = tpu.memref_squeeze %dma_wait3A_639 : memref<1x128x8xf32, #tpu.memory_space<vmem>> -> memref<128x8xf32, #tpu.memory_space<vmem>>
      %dma_wait3A_641 = arith.constant 0 : i32
      %dma_wait3A_642 = tpu.memref_slice %arg8[%dma_wait3A_635, %dma_wait3A_636, %dma_wait3A_641] : memref<8x2x128xi32, #tpu.memory_space<vmem>> -> memref<1x1x128xi32, #tpu.memory_space<vmem>>
      %dma_wait3A_643 = tpu.memref_squeeze %dma_wait3A_642 : memref<1x1x128xi32, #tpu.memory_space<vmem>> -> memref<128xi32, #tpu.memory_space<vmem>>
      %dma_wait3A_644 = arith.constant 0 : i32
      %dma_wait3A_645 = arith.constant 0 : i32
      %dma_wait3A_646 = tpu.memref_slice %arg11[%dma_wait3A_644, %dma_wait3A_645] : memref<100096x8xf32, #tpu.memory_space<vmem_shared>> -> memref<100096x8xf32, #tpu.memory_space<vmem_shared>>
      tpu.wait_indirect_dma semaphore(%arg14 : memref<!tpu.dma_semaphore, #tpu.memory_space<semaphore_mem>>) src(%dma_wait3A_640 : memref<128x8xf32, #tpu.memory_space<vmem>>) dst(%dma_wait3A_646 : memref<100096x8xf32, #tpu.memory_space<vmem_shared>>)
    }
    %scan3A_9 = arith.constant 49 : i32
    %barrier3A_10 = arith.constant 0 : index
    tpu.barrier barrier_id(%barrier3A_10)
    %mul3A_11 = arith.constant 6256 : i32
    %mul3A_12 = arith.muli %arg1, %mul3A_11 : i32
    %mul3A_13 = arith.constant 6256 : i32
    %mul3A_14 = arith.muli %arg1, %mul3A_13 : i32
    "tpu.region"() ({
      %run_scoped3A = tpu.sem_alloc : memref<!tpu.dma_semaphore, #tpu.memory_space<semaphore_mem>>
      %dma_start3A = arith.constant 0 : i32
      %dma_start3A_19 = tpu.memref_slice %arg6[%arg0, %mul3A_14, %dma_start3A] : memref<2x100096x8xf32, #tpu.memory_space<hbm>> -> memref<1x6256x8xf32, #tpu.memory_space<hbm>>
      %dma_start3A_20 = tpu.memref_squeeze %dma_start3A_19 : memref<1x6256x8xf32, #tpu.memory_space<hbm>> -> memref<6256x8xf32, #tpu.memory_space<hbm>>
      %dma_start3A_21 = arith.constant 0 : i32
      %dma_start3A_22 = tpu.memref_slice %arg11[%mul3A_12, %dma_start3A_21] : memref<100096x8xf32, #tpu.memory_space<vmem_shared>> -> memref<6256x8xf32, #tpu.memory_space<vmem_shared>>
      tpu.enqueue_dma source(%dma_start3A_22 : memref<6256x8xf32, #tpu.memory_space<vmem_shared>>) target(%dma_start3A_20 : memref<6256x8xf32, #tpu.memory_space<hbm>>) target_semaphore(%run_scoped3A : memref<!tpu.dma_semaphore, #tpu.memory_space<semaphore_mem>>)
      %dma_wait3A = arith.constant 0 : i32
      %dma_wait3A_23 = tpu.memref_slice %arg6[%arg0, %mul3A_14, %dma_wait3A] : memref<2x100096x8xf32, #tpu.memory_space<hbm>> -> memref<1x6256x8xf32, #tpu.memory_space<hbm>>
      %dma_wait3A_24 = tpu.memref_squeeze %dma_wait3A_23 : memref<1x6256x8xf32, #tpu.memory_space<hbm>> -> memref<6256x8xf32, #tpu.memory_space<hbm>>
      %dma_wait3A_25 = arith.constant 0 : i32
      %dma_wait3A_26 = tpu.memref_slice %arg11[%mul3A_12, %dma_wait3A_25] : memref<100096x8xf32, #tpu.memory_space<vmem_shared>> -> memref<6256x8xf32, #tpu.memory_space<vmem_shared>>
      tpu.wait_dma2 semaphore(%run_scoped3A : memref<!tpu.dma_semaphore, #tpu.memory_space<semaphore_mem>>) src(%dma_wait3A_26 : memref<6256x8xf32, #tpu.memory_space<vmem_shared>>) dst(%dma_wait3A_24 : memref<6256x8xf32, #tpu.memory_space<hbm>>)
      tpu.yield
    }) : () -> ()
    %mul3A_15 = arith.constant 6256 : i32
    %mul3A_16 = arith.muli %arg1, %mul3A_15 : i32
    %mul3A_17 = arith.constant 6256 : i32
    %mul3A_18 = arith.muli %arg1, %mul3A_17 : i32
    "tpu.region"() ({
      %run_scoped3A = tpu.sem_alloc : memref<!tpu.dma_semaphore, #tpu.memory_space<semaphore_mem>>
      %dma_start3A = arith.constant 0 : i32
      %dma_start3A_19 = tpu.memref_slice %arg7[%arg0, %mul3A_18, %dma_start3A] : memref<2x100096x8xf32, #tpu.memory_space<hbm>> -> memref<1x6256x8xf32, #tpu.memory_space<hbm>>
      %dma_start3A_20 = tpu.memref_squeeze %dma_start3A_19 : memref<1x6256x8xf32, #tpu.memory_space<hbm>> -> memref<6256x8xf32, #tpu.memory_space<hbm>>
      %dma_start3A_21 = arith.constant 0 : i32
      %dma_start3A_22 = tpu.memref_slice %arg12[%mul3A_16, %dma_start3A_21] : memref<100096x8xf32, #tpu.memory_space<vmem_shared>> -> memref<6256x8xf32, #tpu.memory_space<vmem_shared>>
      tpu.enqueue_dma source(%dma_start3A_22 : memref<6256x8xf32, #tpu.memory_space<vmem_shared>>) target(%dma_start3A_20 : memref<6256x8xf32, #tpu.memory_space<hbm>>) target_semaphore(%run_scoped3A : memref<!tpu.dma_semaphore, #tpu.memory_space<semaphore_mem>>)
      %dma_wait3A = arith.constant 0 : i32
      %dma_wait3A_23 = tpu.memref_slice %arg7[%arg0, %mul3A_18, %dma_wait3A] : memref<2x100096x8xf32, #tpu.memory_space<hbm>> -> memref<1x6256x8xf32, #tpu.memory_space<hbm>>
      %dma_wait3A_24 = tpu.memref_squeeze %dma_wait3A_23 : memref<1x6256x8xf32, #tpu.memory_space<hbm>> -> memref<6256x8xf32, #tpu.memory_space<hbm>>
      %dma_wait3A_25 = arith.constant 0 : i32
      %dma_wait3A_26 = tpu.memref_slice %arg12[%mul3A_16, %dma_wait3A_25] : memref<100096x8xf32, #tpu.memory_space<vmem_shared>> -> memref<6256x8xf32, #tpu.memory_space<vmem_shared>>
      tpu.wait_dma2 semaphore(%run_scoped3A : memref<!tpu.dma_semaphore, #tpu.memory_space<semaphore_mem>>) src(%dma_wait3A_26 : memref<6256x8xf32, #tpu.memory_space<vmem_shared>>) dst(%dma_wait3A_24 : memref<6256x8xf32, #tpu.memory_space<hbm>>)
      tpu.yield
    }) : () -> ()
    return
  }
}

#map = affine_map<(d0, d1) -> (0, 0)>
#map1 = affine_map<(d0, d1) -> (0, 0, 0)>
module attributes {stable_mosaic.version = 14 : i64} {
  func.func @mpnn_roundT(%arg0: i32, %arg1: i32, %arg2: memref<100096x16xf32, #tpu.memory_space<hbm>>, %arg3: memref<12544x2x128xi32, #tpu.memory_space<hbm>>, %arg4: memref<6256x16xf32, #tpu.memory_space<hbm>>, %arg5: memref<2x100096x16xf32, #tpu.memory_space<hbm>>, %arg6: memref<8x2x128xi32, #tpu.memory_space<vmem>>, %arg7: memref<8x128x16xf32, #tpu.memory_space<vmem>>, %arg8: memref<100096x16xf32, #tpu.memory_space<vmem_shared>>, %arg9: memref<!tpu.dma_semaphore, #tpu.memory_space<semaphore_mem>>, %arg10: memref<!tpu.dma_semaphore, #tpu.memory_space<semaphore_mem>>) attributes {dimension_semantics = [#tpu.dimension_semantics<core_parallel>, #tpu.dimension_semantics<subcore_parallel>], iteration_bounds = array<i64: 2, 16>, scalar_prefetch = 0 : i64, scratch_operands = 5 : i64, tpu.core_type = #tpu.core_type<sc_vector_subcore>, window_params = [{transform_indices = #map}, {transform_indices = #map1}, {transform_indices = #map}, {transform_indices = #map1}]} {
    %mul3A = arith.constant 16 : i32
    %mul3A_0 = arith.muli %arg0, %mul3A : i32
    %add3A = arith.addi %mul3A_0, %arg1 : i32
    %mul3A_1 = arith.constant 6256 : i32
    %mul3A_2 = arith.muli %arg1, %mul3A_1 : i32
    "tpu.region"() ({
      %run_scoped3A = tpu.sem_alloc : memref<!tpu.dma_semaphore, #tpu.memory_space<semaphore_mem>>
      %dma_start3A = arith.constant 0 : i32
      %dma_start3A_13 = tpu.memref_slice %arg8[%mul3A_2, %dma_start3A] : memref<100096x16xf32, #tpu.memory_space<vmem_shared>> -> memref<6256x16xf32, #tpu.memory_space<vmem_shared>>
      tpu.enqueue_dma source(%arg4 : memref<6256x16xf32, #tpu.memory_space<hbm>>) target(%dma_start3A_13 : memref<6256x16xf32, #tpu.memory_space<vmem_shared>>) target_semaphore(%run_scoped3A : memref<!tpu.dma_semaphore, #tpu.memory_space<semaphore_mem>>)
      %dma_wait3A = arith.constant 0 : i32
      %dma_wait3A_14 = tpu.memref_slice %arg8[%mul3A_2, %dma_wait3A] : memref<100096x16xf32, #tpu.memory_space<vmem_shared>> -> memref<6256x16xf32, #tpu.memory_space<vmem_shared>>
      tpu.wait_dma2 semaphore(%run_scoped3A : memref<!tpu.dma_semaphore, #tpu.memory_space<semaphore_mem>>) src(%arg4 : memref<6256x16xf32, #tpu.memory_space<hbm>>) dst(%dma_wait3A_14 : memref<6256x16xf32, #tpu.memory_space<vmem_shared>>)
      tpu.yield
    }) : () -> ()
    %barrier3A = arith.constant 0 : index
    tpu.barrier barrier_id(%barrier3A)
    %scan3A = arith.constant 0 : i32
    %scan3A_3 = arith.constant 0 : i32
    %scan3A_4 = arith.constant 49 : i32
    %scan3A_5 = arith.addi %scan3A_3, %scan3A_4 : i32
    %scan3A_6 = arith.constant 1 : i32
    scf.for %scan3A_13 = %scan3A_3 to %scan3A_5 step %scan3A_6  : i32 {
      %mul3A_14 = arith.constant 392 : i32
      %mul3A_15 = arith.muli %add3A, %mul3A_14 : i32
      %mul3A_16 = arith.constant 8 : i32
      %mul3A_17 = arith.muli %scan3A_13, %mul3A_16 : i32
      %add3A_18 = arith.addi %mul3A_15, %mul3A_17 : i32
      "tpu.region"() ({
        %run_scoped3A = tpu.sem_alloc : memref<!tpu.dma_semaphore, #tpu.memory_space<semaphore_mem>>
        %dma_start3A_433 = arith.constant 0 : i32
        %dma_start3A_434 = arith.constant 0 : i32
        %dma_start3A_435 = tpu.memref_slice %arg3[%add3A_18, %dma_start3A_433, %dma_start3A_434] : memref<12544x2x128xi32, #tpu.memory_space<hbm>> -> memref<8x2x128xi32, #tpu.memory_space<hbm>>
        %dma_start3A_436 = arith.constant 0 : i32
        %dma_start3A_437 = arith.constant 0 : i32
        %dma_start3A_438 = tpu.memref_slice %arg3[%add3A_18, %dma_start3A_436, %dma_start3A_437] : memref<12544x2x128xi32, #tpu.memory_space<hbm>> -> memref<8x2x128xi32, #tpu.memory_space<hbm>>
        tpu.enqueue_dma source(%dma_start3A_438 : memref<8x2x128xi32, #tpu.memory_space<hbm>>) target(%arg6 : memref<8x2x128xi32, #tpu.memory_space<vmem>>) target_semaphore(%run_scoped3A : memref<!tpu.dma_semaphore, #tpu.memory_space<semaphore_mem>>)
        %dma_wait3A_439 = arith.constant 0 : i32
        %dma_wait3A_440 = arith.constant 0 : i32
        %dma_wait3A_441 = tpu.memref_slice %arg3[%add3A_18, %dma_wait3A_439, %dma_wait3A_440] : memref<12544x2x128xi32, #tpu.memory_space<hbm>> -> memref<8x2x128xi32, #tpu.memory_space<hbm>>
        %dma_wait3A_442 = arith.constant 0 : i32
        %dma_wait3A_443 = arith.constant 0 : i32
        %dma_wait3A_444 = tpu.memref_slice %arg3[%add3A_18, %dma_wait3A_442, %dma_wait3A_443] : memref<12544x2x128xi32, #tpu.memory_space<hbm>> -> memref<8x2x128xi32, #tpu.memory_space<hbm>>
        tpu.wait_dma2 semaphore(%run_scoped3A : memref<!tpu.dma_semaphore, #tpu.memory_space<semaphore_mem>>) src(%dma_wait3A_444 : memref<8x2x128xi32, #tpu.memory_space<hbm>>) dst(%arg6 : memref<8x2x128xi32, #tpu.memory_space<vmem>>)
        tpu.yield
      }) : () -> ()
      %dma_start3A = arith.constant 0 : i32
      %dma_start3A_19 = arith.constant 0 : i32
      %dma_start3A_20 = arith.constant 0 : i32
      %dma_start3A_21 = arith.constant 0 : i32
      %dma_start3A_22 = arith.constant 0 : i32
      %dma_start3A_23 = tpu.memref_slice %arg7[%dma_start3A_20, %dma_start3A_21, %dma_start3A_22] : memref<8x128x16xf32, #tpu.memory_space<vmem>> -> memref<1x128x16xf32, #tpu.memory_space<vmem>>
      %dma_start3A_24 = tpu.memref_squeeze %dma_start3A_23 : memref<1x128x16xf32, #tpu.memory_space<vmem>> -> memref<128x16xf32, #tpu.memory_space<vmem>>
      %dma_start3A_25 = arith.constant 0 : i32
      %dma_start3A_26 = tpu.memref_slice %arg6[%dma_start3A, %dma_start3A_19, %dma_start3A_25] : memref<8x2x128xi32, #tpu.memory_space<vmem>> -> memref<1x1x128xi32, #tpu.memory_space<vmem>>
      %dma_start3A_27 = tpu.memref_squeeze %dma_start3A_26 : memref<1x1x128xi32, #tpu.memory_space<vmem>> -> memref<128xi32, #tpu.memory_space<vmem>>
      %dma_start3A_28 = arith.constant 0 : i32
      %dma_start3A_29 = arith.constant 0 : i32
      %dma_start3A_30 = tpu.memref_slice %arg2[%dma_start3A_28, %dma_start3A_29] : memref<100096x16xf32, #tpu.memory_space<hbm>> -> memref<100096x16xf32, #tpu.memory_space<hbm>>
      tpu.enqueue_indirect_dma source(%dma_start3A_30 : memref<100096x16xf32, #tpu.memory_space<hbm>>) target(%dma_start3A_24 : memref<128x16xf32, #tpu.memory_space<vmem>>) offsets(%dma_start3A_27 : memref<128xi32, #tpu.memory_space<vmem>>) semaphore(%arg9 : memref<!tpu.dma_semaphore, #tpu.memory_space<semaphore_mem>>)
      %dma_start3A_31 = arith.constant 1 : i32
      %dma_start3A_32 = arith.constant 0 : i32
      %dma_start3A_33 = arith.constant 1 : i32
      %dma_start3A_34 = arith.constant 0 : i32
      %dma_start3A_35 = arith.constant 0 : i32
      %dma_start3A_36 = tpu.memref_slice %arg7[%dma_start3A_33, %dma_start3A_34, %dma_start3A_35] : memref<8x128x16xf32, #tpu.memory_space<vmem>> -> memref<1x128x16xf32, #tpu.memory_space<vmem>>
      %dma_start3A_37 = tpu.memref_squeeze %dma_start3A_36 : memref<1x128x16xf32, #tpu.memory_space<vmem>> -> memref<128x16xf32, #tpu.memory_space<vmem>>
      %dma_start3A_38 = arith.constant 0 : i32
      %dma_start3A_39 = tpu.memref_slice %arg6[%dma_start3A_31, %dma_start3A_32, %dma_start3A_38] : memref<8x2x128xi32, #tpu.memory_space<vmem>> -> memref<1x1x128xi32, #tpu.memory_space<vmem>>
      %dma_start3A_40 = tpu.memref_squeeze %dma_start3A_39 : memref<1x1x128xi32, #tpu.memory_space<vmem>> -> memref<128xi32, #tpu.memory_space<vmem>>
      %dma_start3A_41 = arith.constant 0 : i32
      %dma_start3A_42 = arith.constant 0 : i32
      %dma_start3A_43 = tpu.memref_slice %arg2[%dma_start3A_41, %dma_start3A_42] : memref<100096x16xf32, #tpu.memory_space<hbm>> -> memref<100096x16xf32, #tpu.memory_space<hbm>>
      tpu.enqueue_indirect_dma source(%dma_start3A_43 : memref<100096x16xf32, #tpu.memory_space<hbm>>) target(%dma_start3A_37 : memref<128x16xf32, #tpu.memory_space<vmem>>) offsets(%dma_start3A_40 : memref<128xi32, #tpu.memory_space<vmem>>) semaphore(%arg9 : memref<!tpu.dma_semaphore, #tpu.memory_space<semaphore_mem>>)
      %dma_start3A_44 = arith.constant 2 : i32
      %dma_start3A_45 = arith.constant 0 : i32
      %dma_start3A_46 = arith.constant 2 : i32
      %dma_start3A_47 = arith.constant 0 : i32
      %dma_start3A_48 = arith.constant 0 : i32
      %dma_start3A_49 = tpu.memref_slice %arg7[%dma_start3A_46, %dma_start3A_47, %dma_start3A_48] : memref<8x128x16xf32, #tpu.memory_space<vmem>> -> memref<1x128x16xf32, #tpu.memory_space<vmem>>
      %dma_start3A_50 = tpu.memref_squeeze %dma_start3A_49 : memref<1x128x16xf32, #tpu.memory_space<vmem>> -> memref<128x16xf32, #tpu.memory_space<vmem>>
      %dma_start3A_51 = arith.constant 0 : i32
      %dma_start3A_52 = tpu.memref_slice %arg6[%dma_start3A_44, %dma_start3A_45, %dma_start3A_51] : memref<8x2x128xi32, #tpu.memory_space<vmem>> -> memref<1x1x128xi32, #tpu.memory_space<vmem>>
      %dma_start3A_53 = tpu.memref_squeeze %dma_start3A_52 : memref<1x1x128xi32, #tpu.memory_space<vmem>> -> memref<128xi32, #tpu.memory_space<vmem>>
      %dma_start3A_54 = arith.constant 0 : i32
      %dma_start3A_55 = arith.constant 0 : i32
      %dma_start3A_56 = tpu.memref_slice %arg2[%dma_start3A_54, %dma_start3A_55] : memref<100096x16xf32, #tpu.memory_space<hbm>> -> memref<100096x16xf32, #tpu.memory_space<hbm>>
      tpu.enqueue_indirect_dma source(%dma_start3A_56 : memref<100096x16xf32, #tpu.memory_space<hbm>>) target(%dma_start3A_50 : memref<128x16xf32, #tpu.memory_space<vmem>>) offsets(%dma_start3A_53 : memref<128xi32, #tpu.memory_space<vmem>>) semaphore(%arg9 : memref<!tpu.dma_semaphore, #tpu.memory_space<semaphore_mem>>)
      %dma_start3A_57 = arith.constant 3 : i32
      %dma_start3A_58 = arith.constant 0 : i32
      %dma_start3A_59 = arith.constant 3 : i32
      %dma_start3A_60 = arith.constant 0 : i32
      %dma_start3A_61 = arith.constant 0 : i32
      %dma_start3A_62 = tpu.memref_slice %arg7[%dma_start3A_59, %dma_start3A_60, %dma_start3A_61] : memref<8x128x16xf32, #tpu.memory_space<vmem>> -> memref<1x128x16xf32, #tpu.memory_space<vmem>>
      %dma_start3A_63 = tpu.memref_squeeze %dma_start3A_62 : memref<1x128x16xf32, #tpu.memory_space<vmem>> -> memref<128x16xf32, #tpu.memory_space<vmem>>
      %dma_start3A_64 = arith.constant 0 : i32
      %dma_start3A_65 = tpu.memref_slice %arg6[%dma_start3A_57, %dma_start3A_58, %dma_start3A_64] : memref<8x2x128xi32, #tpu.memory_space<vmem>> -> memref<1x1x128xi32, #tpu.memory_space<vmem>>
      %dma_start3A_66 = tpu.memref_squeeze %dma_start3A_65 : memref<1x1x128xi32, #tpu.memory_space<vmem>> -> memref<128xi32, #tpu.memory_space<vmem>>
      %dma_start3A_67 = arith.constant 0 : i32
      %dma_start3A_68 = arith.constant 0 : i32
      %dma_start3A_69 = tpu.memref_slice %arg2[%dma_start3A_67, %dma_start3A_68] : memref<100096x16xf32, #tpu.memory_space<hbm>> -> memref<100096x16xf32, #tpu.memory_space<hbm>>
      tpu.enqueue_indirect_dma source(%dma_start3A_69 : memref<100096x16xf32, #tpu.memory_space<hbm>>) target(%dma_start3A_63 : memref<128x16xf32, #tpu.memory_space<vmem>>) offsets(%dma_start3A_66 : memref<128xi32, #tpu.memory_space<vmem>>) semaphore(%arg9 : memref<!tpu.dma_semaphore, #tpu.memory_space<semaphore_mem>>)
      %dma_start3A_70 = arith.constant 4 : i32
      %dma_start3A_71 = arith.constant 0 : i32
      %dma_start3A_72 = arith.constant 4 : i32
      %dma_start3A_73 = arith.constant 0 : i32
      %dma_start3A_74 = arith.constant 0 : i32
      %dma_start3A_75 = tpu.memref_slice %arg7[%dma_start3A_72, %dma_start3A_73, %dma_start3A_74] : memref<8x128x16xf32, #tpu.memory_space<vmem>> -> memref<1x128x16xf32, #tpu.memory_space<vmem>>
      %dma_start3A_76 = tpu.memref_squeeze %dma_start3A_75 : memref<1x128x16xf32, #tpu.memory_space<vmem>> -> memref<128x16xf32, #tpu.memory_space<vmem>>
      %dma_start3A_77 = arith.constant 0 : i32
      %dma_start3A_78 = tpu.memref_slice %arg6[%dma_start3A_70, %dma_start3A_71, %dma_start3A_77] : memref<8x2x128xi32, #tpu.memory_space<vmem>> -> memref<1x1x128xi32, #tpu.memory_space<vmem>>
      %dma_start3A_79 = tpu.memref_squeeze %dma_start3A_78 : memref<1x1x128xi32, #tpu.memory_space<vmem>> -> memref<128xi32, #tpu.memory_space<vmem>>
      %dma_start3A_80 = arith.constant 0 : i32
      %dma_start3A_81 = arith.constant 0 : i32
      %dma_start3A_82 = tpu.memref_slice %arg2[%dma_start3A_80, %dma_start3A_81] : memref<100096x16xf32, #tpu.memory_space<hbm>> -> memref<100096x16xf32, #tpu.memory_space<hbm>>
      tpu.enqueue_indirect_dma source(%dma_start3A_82 : memref<100096x16xf32, #tpu.memory_space<hbm>>) target(%dma_start3A_76 : memref<128x16xf32, #tpu.memory_space<vmem>>) offsets(%dma_start3A_79 : memref<128xi32, #tpu.memory_space<vmem>>) semaphore(%arg9 : memref<!tpu.dma_semaphore, #tpu.memory_space<semaphore_mem>>)
      %dma_start3A_83 = arith.constant 5 : i32
      %dma_start3A_84 = arith.constant 0 : i32
      %dma_start3A_85 = arith.constant 5 : i32
      %dma_start3A_86 = arith.constant 0 : i32
      %dma_start3A_87 = arith.constant 0 : i32
      %dma_start3A_88 = tpu.memref_slice %arg7[%dma_start3A_85, %dma_start3A_86, %dma_start3A_87] : memref<8x128x16xf32, #tpu.memory_space<vmem>> -> memref<1x128x16xf32, #tpu.memory_space<vmem>>
      %dma_start3A_89 = tpu.memref_squeeze %dma_start3A_88 : memref<1x128x16xf32, #tpu.memory_space<vmem>> -> memref<128x16xf32, #tpu.memory_space<vmem>>
      %dma_start3A_90 = arith.constant 0 : i32
      %dma_start3A_91 = tpu.memref_slice %arg6[%dma_start3A_83, %dma_start3A_84, %dma_start3A_90] : memref<8x2x128xi32, #tpu.memory_space<vmem>> -> memref<1x1x128xi32, #tpu.memory_space<vmem>>
      %dma_start3A_92 = tpu.memref_squeeze %dma_start3A_91 : memref<1x1x128xi32, #tpu.memory_space<vmem>> -> memref<128xi32, #tpu.memory_space<vmem>>
      %dma_start3A_93 = arith.constant 0 : i32
      %dma_start3A_94 = arith.constant 0 : i32
      %dma_start3A_95 = tpu.memref_slice %arg2[%dma_start3A_93, %dma_start3A_94] : memref<100096x16xf32, #tpu.memory_space<hbm>> -> memref<100096x16xf32, #tpu.memory_space<hbm>>
      tpu.enqueue_indirect_dma source(%dma_start3A_95 : memref<100096x16xf32, #tpu.memory_space<hbm>>) target(%dma_start3A_89 : memref<128x16xf32, #tpu.memory_space<vmem>>) offsets(%dma_start3A_92 : memref<128xi32, #tpu.memory_space<vmem>>) semaphore(%arg9 : memref<!tpu.dma_semaphore, #tpu.memory_space<semaphore_mem>>)
      %dma_start3A_96 = arith.constant 6 : i32
      %dma_start3A_97 = arith.constant 0 : i32
      %dma_start3A_98 = arith.constant 6 : i32
      %dma_start3A_99 = arith.constant 0 : i32
      %dma_start3A_100 = arith.constant 0 : i32
      %dma_start3A_101 = tpu.memref_slice %arg7[%dma_start3A_98, %dma_start3A_99, %dma_start3A_100] : memref<8x128x16xf32, #tpu.memory_space<vmem>> -> memref<1x128x16xf32, #tpu.memory_space<vmem>>
      %dma_start3A_102 = tpu.memref_squeeze %dma_start3A_101 : memref<1x128x16xf32, #tpu.memory_space<vmem>> -> memref<128x16xf32, #tpu.memory_space<vmem>>
      %dma_start3A_103 = arith.constant 0 : i32
      %dma_start3A_104 = tpu.memref_slice %arg6[%dma_start3A_96, %dma_start3A_97, %dma_start3A_103] : memref<8x2x128xi32, #tpu.memory_space<vmem>> -> memref<1x1x128xi32, #tpu.memory_space<vmem>>
      %dma_start3A_105 = tpu.memref_squeeze %dma_start3A_104 : memref<1x1x128xi32, #tpu.memory_space<vmem>> -> memref<128xi32, #tpu.memory_space<vmem>>
      %dma_start3A_106 = arith.constant 0 : i32
      %dma_start3A_107 = arith.constant 0 : i32
      %dma_start3A_108 = tpu.memref_slice %arg2[%dma_start3A_106, %dma_start3A_107] : memref<100096x16xf32, #tpu.memory_space<hbm>> -> memref<100096x16xf32, #tpu.memory_space<hbm>>
      tpu.enqueue_indirect_dma source(%dma_start3A_108 : memref<100096x16xf32, #tpu.memory_space<hbm>>) target(%dma_start3A_102 : memref<128x16xf32, #tpu.memory_space<vmem>>) offsets(%dma_start3A_105 : memref<128xi32, #tpu.memory_space<vmem>>) semaphore(%arg9 : memref<!tpu.dma_semaphore, #tpu.memory_space<semaphore_mem>>)
      %dma_start3A_109 = arith.constant 7 : i32
      %dma_start3A_110 = arith.constant 0 : i32
      %dma_start3A_111 = arith.constant 7 : i32
      %dma_start3A_112 = arith.constant 0 : i32
      %dma_start3A_113 = arith.constant 0 : i32
      %dma_start3A_114 = tpu.memref_slice %arg7[%dma_start3A_111, %dma_start3A_112, %dma_start3A_113] : memref<8x128x16xf32, #tpu.memory_space<vmem>> -> memref<1x128x16xf32, #tpu.memory_space<vmem>>
      %dma_start3A_115 = tpu.memref_squeeze %dma_start3A_114 : memref<1x128x16xf32, #tpu.memory_space<vmem>> -> memref<128x16xf32, #tpu.memory_space<vmem>>
      %dma_start3A_116 = arith.constant 0 : i32
      %dma_start3A_117 = tpu.memref_slice %arg6[%dma_start3A_109, %dma_start3A_110, %dma_start3A_116] : memref<8x2x128xi32, #tpu.memory_space<vmem>> -> memref<1x1x128xi32, #tpu.memory_space<vmem>>
      %dma_start3A_118 = tpu.memref_squeeze %dma_start3A_117 : memref<1x1x128xi32, #tpu.memory_space<vmem>> -> memref<128xi32, #tpu.memory_space<vmem>>
      %dma_start3A_119 = arith.constant 0 : i32
      %dma_start3A_120 = arith.constant 0 : i32
      %dma_start3A_121 = tpu.memref_slice %arg2[%dma_start3A_119, %dma_start3A_120] : memref<100096x16xf32, #tpu.memory_space<hbm>> -> memref<100096x16xf32, #tpu.memory_space<hbm>>
      tpu.enqueue_indirect_dma source(%dma_start3A_121 : memref<100096x16xf32, #tpu.memory_space<hbm>>) target(%dma_start3A_115 : memref<128x16xf32, #tpu.memory_space<vmem>>) offsets(%dma_start3A_118 : memref<128xi32, #tpu.memory_space<vmem>>) semaphore(%arg9 : memref<!tpu.dma_semaphore, #tpu.memory_space<semaphore_mem>>)
      %dma_wait3A = arith.constant 0 : i32
      %dma_wait3A_122 = arith.constant 0 : i32
      %dma_wait3A_123 = arith.constant 0 : i32
      %dma_wait3A_124 = arith.constant 0 : i32
      %dma_wait3A_125 = arith.constant 0 : i32
      %dma_wait3A_126 = tpu.memref_slice %arg7[%dma_wait3A_123, %dma_wait3A_124, %dma_wait3A_125] : memref<8x128x16xf32, #tpu.memory_space<vmem>> -> memref<1x128x16xf32, #tpu.memory_space<vmem>>
      %dma_wait3A_127 = tpu.memref_squeeze %dma_wait3A_126 : memref<1x128x16xf32, #tpu.memory_space<vmem>> -> memref<128x16xf32, #tpu.memory_space<vmem>>
      %dma_wait3A_128 = arith.constant 0 : i32
      %dma_wait3A_129 = tpu.memref_slice %arg6[%dma_wait3A, %dma_wait3A_122, %dma_wait3A_128] : memref<8x2x128xi32, #tpu.memory_space<vmem>> -> memref<1x1x128xi32, #tpu.memory_space<vmem>>
      %dma_wait3A_130 = tpu.memref_squeeze %dma_wait3A_129 : memref<1x1x128xi32, #tpu.memory_space<vmem>> -> memref<128xi32, #tpu.memory_space<vmem>>
      %dma_wait3A_131 = arith.constant 0 : i32
      %dma_wait3A_132 = arith.constant 0 : i32
      %dma_wait3A_133 = tpu.memref_slice %arg2[%dma_wait3A_131, %dma_wait3A_132] : memref<100096x16xf32, #tpu.memory_space<hbm>> -> memref<100096x16xf32, #tpu.memory_space<hbm>>
      tpu.wait_indirect_dma semaphore(%arg9 : memref<!tpu.dma_semaphore, #tpu.memory_space<semaphore_mem>>) src(%dma_wait3A_133 : memref<100096x16xf32, #tpu.memory_space<hbm>>) dst(%dma_wait3A_127 : memref<128x16xf32, #tpu.memory_space<vmem>>)
      %dma_start3A_134 = arith.constant 0 : i32
      %dma_start3A_135 = arith.constant 0 : i32
      %dma_start3A_136 = arith.constant 1 : i32
      %dma_start3A_137 = arith.constant 0 : i32
      %dma_start3A_138 = arith.constant 0 : i32
      %dma_start3A_139 = tpu.memref_slice %arg7[%dma_start3A_134, %dma_start3A_137, %dma_start3A_138] : memref<8x128x16xf32, #tpu.memory_space<vmem>> -> memref<1x128x16xf32, #tpu.memory_space<vmem>>
      %dma_start3A_140 = tpu.memref_squeeze %dma_start3A_139 : memref<1x128x16xf32, #tpu.memory_space<vmem>> -> memref<128x16xf32, #tpu.memory_space<vmem>>
      %dma_start3A_141 = arith.constant 0 : i32
      %dma_start3A_142 = tpu.memref_slice %arg6[%dma_start3A_135, %dma_start3A_136, %dma_start3A_141] : memref<8x2x128xi32, #tpu.memory_space<vmem>> -> memref<1x1x128xi32, #tpu.memory_space<vmem>>
      %dma_start3A_143 = tpu.memref_squeeze %dma_start3A_142 : memref<1x1x128xi32, #tpu.memory_space<vmem>> -> memref<128xi32, #tpu.memory_space<vmem>>
      %dma_start3A_144 = arith.constant 0 : i32
      %dma_start3A_145 = arith.constant 0 : i32
      %dma_start3A_146 = tpu.memref_slice %arg8[%dma_start3A_144, %dma_start3A_145] : memref<100096x16xf32, #tpu.memory_space<vmem_shared>> -> memref<100096x16xf32, #tpu.memory_space<vmem_shared>>
      tpu.enqueue_indirect_dma source(%dma_start3A_140 : memref<128x16xf32, #tpu.memory_space<vmem>>) target(%dma_start3A_146 : memref<100096x16xf32, #tpu.memory_space<vmem_shared>>) offsets(%dma_start3A_143 : memref<128xi32, #tpu.memory_space<vmem>>) semaphore(%arg10 : memref<!tpu.dma_semaphore, #tpu.memory_space<semaphore_mem>>) {add = true}
      %dma_wait3A_147 = arith.constant 1 : i32
      %dma_wait3A_148 = arith.constant 0 : i32
      %dma_wait3A_149 = arith.constant 1 : i32
      %dma_wait3A_150 = arith.constant 0 : i32
      %dma_wait3A_151 = arith.constant 0 : i32
      %dma_wait3A_152 = tpu.memref_slice %arg7[%dma_wait3A_149, %dma_wait3A_150, %dma_wait3A_151] : memref<8x128x16xf32, #tpu.memory_space<vmem>> -> memref<1x128x16xf32, #tpu.memory_space<vmem>>
      %dma_wait3A_153 = tpu.memref_squeeze %dma_wait3A_152 : memref<1x128x16xf32, #tpu.memory_space<vmem>> -> memref<128x16xf32, #tpu.memory_space<vmem>>
      %dma_wait3A_154 = arith.constant 0 : i32
      %dma_wait3A_155 = tpu.memref_slice %arg6[%dma_wait3A_147, %dma_wait3A_148, %dma_wait3A_154] : memref<8x2x128xi32, #tpu.memory_space<vmem>> -> memref<1x1x128xi32, #tpu.memory_space<vmem>>
      %dma_wait3A_156 = tpu.memref_squeeze %dma_wait3A_155 : memref<1x1x128xi32, #tpu.memory_space<vmem>> -> memref<128xi32, #tpu.memory_space<vmem>>
      %dma_wait3A_157 = arith.constant 0 : i32
      %dma_wait3A_158 = arith.constant 0 : i32
      %dma_wait3A_159 = tpu.memref_slice %arg2[%dma_wait3A_157, %dma_wait3A_158] : memref<100096x16xf32, #tpu.memory_space<hbm>> -> memref<100096x16xf32, #tpu.memory_space<hbm>>
      tpu.wait_indirect_dma semaphore(%arg9 : memref<!tpu.dma_semaphore, #tpu.memory_space<semaphore_mem>>) src(%dma_wait3A_159 : memref<100096x16xf32, #tpu.memory_space<hbm>>) dst(%dma_wait3A_153 : memref<128x16xf32, #tpu.memory_space<vmem>>)
      %dma_start3A_160 = arith.constant 1 : i32
      %dma_start3A_161 = arith.constant 1 : i32
      %dma_start3A_162 = arith.constant 1 : i32
      %dma_start3A_163 = arith.constant 0 : i32
      %dma_start3A_164 = arith.constant 0 : i32
      %dma_start3A_165 = tpu.memref_slice %arg7[%dma_start3A_160, %dma_start3A_163, %dma_start3A_164] : memref<8x128x16xf32, #tpu.memory_space<vmem>> -> memref<1x128x16xf32, #tpu.memory_space<vmem>>
      %dma_start3A_166 = tpu.memref_squeeze %dma_start3A_165 : memref<1x128x16xf32, #tpu.memory_space<vmem>> -> memref<128x16xf32, #tpu.memory_space<vmem>>
      %dma_start3A_167 = arith.constant 0 : i32
      %dma_start3A_168 = tpu.memref_slice %arg6[%dma_start3A_161, %dma_start3A_162, %dma_start3A_167] : memref<8x2x128xi32, #tpu.memory_space<vmem>> -> memref<1x1x128xi32, #tpu.memory_space<vmem>>
      %dma_start3A_169 = tpu.memref_squeeze %dma_start3A_168 : memref<1x1x128xi32, #tpu.memory_space<vmem>> -> memref<128xi32, #tpu.memory_space<vmem>>
      %dma_start3A_170 = arith.constant 0 : i32
      %dma_start3A_171 = arith.constant 0 : i32
      %dma_start3A_172 = tpu.memref_slice %arg8[%dma_start3A_170, %dma_start3A_171] : memref<100096x16xf32, #tpu.memory_space<vmem_shared>> -> memref<100096x16xf32, #tpu.memory_space<vmem_shared>>
      tpu.enqueue_indirect_dma source(%dma_start3A_166 : memref<128x16xf32, #tpu.memory_space<vmem>>) target(%dma_start3A_172 : memref<100096x16xf32, #tpu.memory_space<vmem_shared>>) offsets(%dma_start3A_169 : memref<128xi32, #tpu.memory_space<vmem>>) semaphore(%arg10 : memref<!tpu.dma_semaphore, #tpu.memory_space<semaphore_mem>>) {add = true}
      %dma_wait3A_173 = arith.constant 2 : i32
      %dma_wait3A_174 = arith.constant 0 : i32
      %dma_wait3A_175 = arith.constant 2 : i32
      %dma_wait3A_176 = arith.constant 0 : i32
      %dma_wait3A_177 = arith.constant 0 : i32
      %dma_wait3A_178 = tpu.memref_slice %arg7[%dma_wait3A_175, %dma_wait3A_176, %dma_wait3A_177] : memref<8x128x16xf32, #tpu.memory_space<vmem>> -> memref<1x128x16xf32, #tpu.memory_space<vmem>>
      %dma_wait3A_179 = tpu.memref_squeeze %dma_wait3A_178 : memref<1x128x16xf32, #tpu.memory_space<vmem>> -> memref<128x16xf32, #tpu.memory_space<vmem>>
      %dma_wait3A_180 = arith.constant 0 : i32
      %dma_wait3A_181 = tpu.memref_slice %arg6[%dma_wait3A_173, %dma_wait3A_174, %dma_wait3A_180] : memref<8x2x128xi32, #tpu.memory_space<vmem>> -> memref<1x1x128xi32, #tpu.memory_space<vmem>>
      %dma_wait3A_182 = tpu.memref_squeeze %dma_wait3A_181 : memref<1x1x128xi32, #tpu.memory_space<vmem>> -> memref<128xi32, #tpu.memory_space<vmem>>
      %dma_wait3A_183 = arith.constant 0 : i32
      %dma_wait3A_184 = arith.constant 0 : i32
      %dma_wait3A_185 = tpu.memref_slice %arg2[%dma_wait3A_183, %dma_wait3A_184] : memref<100096x16xf32, #tpu.memory_space<hbm>> -> memref<100096x16xf32, #tpu.memory_space<hbm>>
      tpu.wait_indirect_dma semaphore(%arg9 : memref<!tpu.dma_semaphore, #tpu.memory_space<semaphore_mem>>) src(%dma_wait3A_185 : memref<100096x16xf32, #tpu.memory_space<hbm>>) dst(%dma_wait3A_179 : memref<128x16xf32, #tpu.memory_space<vmem>>)
      %dma_start3A_186 = arith.constant 2 : i32
      %dma_start3A_187 = arith.constant 2 : i32
      %dma_start3A_188 = arith.constant 1 : i32
      %dma_start3A_189 = arith.constant 0 : i32
      %dma_start3A_190 = arith.constant 0 : i32
      %dma_start3A_191 = tpu.memref_slice %arg7[%dma_start3A_186, %dma_start3A_189, %dma_start3A_190] : memref<8x128x16xf32, #tpu.memory_space<vmem>> -> memref<1x128x16xf32, #tpu.memory_space<vmem>>
      %dma_start3A_192 = tpu.memref_squeeze %dma_start3A_191 : memref<1x128x16xf32, #tpu.memory_space<vmem>> -> memref<128x16xf32, #tpu.memory_space<vmem>>
      %dma_start3A_193 = arith.constant 0 : i32
      %dma_start3A_194 = tpu.memref_slice %arg6[%dma_start3A_187, %dma_start3A_188, %dma_start3A_193] : memref<8x2x128xi32, #tpu.memory_space<vmem>> -> memref<1x1x128xi32, #tpu.memory_space<vmem>>
      %dma_start3A_195 = tpu.memref_squeeze %dma_start3A_194 : memref<1x1x128xi32, #tpu.memory_space<vmem>> -> memref<128xi32, #tpu.memory_space<vmem>>
      %dma_start3A_196 = arith.constant 0 : i32
      %dma_start3A_197 = arith.constant 0 : i32
      %dma_start3A_198 = tpu.memref_slice %arg8[%dma_start3A_196, %dma_start3A_197] : memref<100096x16xf32, #tpu.memory_space<vmem_shared>> -> memref<100096x16xf32, #tpu.memory_space<vmem_shared>>
      tpu.enqueue_indirect_dma source(%dma_start3A_192 : memref<128x16xf32, #tpu.memory_space<vmem>>) target(%dma_start3A_198 : memref<100096x16xf32, #tpu.memory_space<vmem_shared>>) offsets(%dma_start3A_195 : memref<128xi32, #tpu.memory_space<vmem>>) semaphore(%arg10 : memref<!tpu.dma_semaphore, #tpu.memory_space<semaphore_mem>>) {add = true}
      %dma_wait3A_199 = arith.constant 3 : i32
      %dma_wait3A_200 = arith.constant 0 : i32
      %dma_wait3A_201 = arith.constant 3 : i32
      %dma_wait3A_202 = arith.constant 0 : i32
      %dma_wait3A_203 = arith.constant 0 : i32
      %dma_wait3A_204 = tpu.memref_slice %arg7[%dma_wait3A_201, %dma_wait3A_202, %dma_wait3A_203] : memref<8x128x16xf32, #tpu.memory_space<vmem>> -> memref<1x128x16xf32, #tpu.memory_space<vmem>>
      %dma_wait3A_205 = tpu.memref_squeeze %dma_wait3A_204 : memref<1x128x16xf32, #tpu.memory_space<vmem>> -> memref<128x16xf32, #tpu.memory_space<vmem>>
      %dma_wait3A_206 = arith.constant 0 : i32
      %dma_wait3A_207 = tpu.memref_slice %arg6[%dma_wait3A_199, %dma_wait3A_200, %dma_wait3A_206] : memref<8x2x128xi32, #tpu.memory_space<vmem>> -> memref<1x1x128xi32, #tpu.memory_space<vmem>>
      %dma_wait3A_208 = tpu.memref_squeeze %dma_wait3A_207 : memref<1x1x128xi32, #tpu.memory_space<vmem>> -> memref<128xi32, #tpu.memory_space<vmem>>
      %dma_wait3A_209 = arith.constant 0 : i32
      %dma_wait3A_210 = arith.constant 0 : i32
      %dma_wait3A_211 = tpu.memref_slice %arg2[%dma_wait3A_209, %dma_wait3A_210] : memref<100096x16xf32, #tpu.memory_space<hbm>> -> memref<100096x16xf32, #tpu.memory_space<hbm>>
      tpu.wait_indirect_dma semaphore(%arg9 : memref<!tpu.dma_semaphore, #tpu.memory_space<semaphore_mem>>) src(%dma_wait3A_211 : memref<100096x16xf32, #tpu.memory_space<hbm>>) dst(%dma_wait3A_205 : memref<128x16xf32, #tpu.memory_space<vmem>>)
      %dma_start3A_212 = arith.constant 3 : i32
      %dma_start3A_213 = arith.constant 3 : i32
      %dma_start3A_214 = arith.constant 1 : i32
      %dma_start3A_215 = arith.constant 0 : i32
      %dma_start3A_216 = arith.constant 0 : i32
      %dma_start3A_217 = tpu.memref_slice %arg7[%dma_start3A_212, %dma_start3A_215, %dma_start3A_216] : memref<8x128x16xf32, #tpu.memory_space<vmem>> -> memref<1x128x16xf32, #tpu.memory_space<vmem>>
      %dma_start3A_218 = tpu.memref_squeeze %dma_start3A_217 : memref<1x128x16xf32, #tpu.memory_space<vmem>> -> memref<128x16xf32, #tpu.memory_space<vmem>>
      %dma_start3A_219 = arith.constant 0 : i32
      %dma_start3A_220 = tpu.memref_slice %arg6[%dma_start3A_213, %dma_start3A_214, %dma_start3A_219] : memref<8x2x128xi32, #tpu.memory_space<vmem>> -> memref<1x1x128xi32, #tpu.memory_space<vmem>>
      %dma_start3A_221 = tpu.memref_squeeze %dma_start3A_220 : memref<1x1x128xi32, #tpu.memory_space<vmem>> -> memref<128xi32, #tpu.memory_space<vmem>>
      %dma_start3A_222 = arith.constant 0 : i32
      %dma_start3A_223 = arith.constant 0 : i32
      %dma_start3A_224 = tpu.memref_slice %arg8[%dma_start3A_222, %dma_start3A_223] : memref<100096x16xf32, #tpu.memory_space<vmem_shared>> -> memref<100096x16xf32, #tpu.memory_space<vmem_shared>>
      tpu.enqueue_indirect_dma source(%dma_start3A_218 : memref<128x16xf32, #tpu.memory_space<vmem>>) target(%dma_start3A_224 : memref<100096x16xf32, #tpu.memory_space<vmem_shared>>) offsets(%dma_start3A_221 : memref<128xi32, #tpu.memory_space<vmem>>) semaphore(%arg10 : memref<!tpu.dma_semaphore, #tpu.memory_space<semaphore_mem>>) {add = true}
      %dma_wait3A_225 = arith.constant 4 : i32
      %dma_wait3A_226 = arith.constant 0 : i32
      %dma_wait3A_227 = arith.constant 4 : i32
      %dma_wait3A_228 = arith.constant 0 : i32
      %dma_wait3A_229 = arith.constant 0 : i32
      %dma_wait3A_230 = tpu.memref_slice %arg7[%dma_wait3A_227, %dma_wait3A_228, %dma_wait3A_229] : memref<8x128x16xf32, #tpu.memory_space<vmem>> -> memref<1x128x16xf32, #tpu.memory_space<vmem>>
      %dma_wait3A_231 = tpu.memref_squeeze %dma_wait3A_230 : memref<1x128x16xf32, #tpu.memory_space<vmem>> -> memref<128x16xf32, #tpu.memory_space<vmem>>
      %dma_wait3A_232 = arith.constant 0 : i32
      %dma_wait3A_233 = tpu.memref_slice %arg6[%dma_wait3A_225, %dma_wait3A_226, %dma_wait3A_232] : memref<8x2x128xi32, #tpu.memory_space<vmem>> -> memref<1x1x128xi32, #tpu.memory_space<vmem>>
      %dma_wait3A_234 = tpu.memref_squeeze %dma_wait3A_233 : memref<1x1x128xi32, #tpu.memory_space<vmem>> -> memref<128xi32, #tpu.memory_space<vmem>>
      %dma_wait3A_235 = arith.constant 0 : i32
      %dma_wait3A_236 = arith.constant 0 : i32
      %dma_wait3A_237 = tpu.memref_slice %arg2[%dma_wait3A_235, %dma_wait3A_236] : memref<100096x16xf32, #tpu.memory_space<hbm>> -> memref<100096x16xf32, #tpu.memory_space<hbm>>
      tpu.wait_indirect_dma semaphore(%arg9 : memref<!tpu.dma_semaphore, #tpu.memory_space<semaphore_mem>>) src(%dma_wait3A_237 : memref<100096x16xf32, #tpu.memory_space<hbm>>) dst(%dma_wait3A_231 : memref<128x16xf32, #tpu.memory_space<vmem>>)
      %dma_start3A_238 = arith.constant 4 : i32
      %dma_start3A_239 = arith.constant 4 : i32
      %dma_start3A_240 = arith.constant 1 : i32
      %dma_start3A_241 = arith.constant 0 : i32
      %dma_start3A_242 = arith.constant 0 : i32
      %dma_start3A_243 = tpu.memref_slice %arg7[%dma_start3A_238, %dma_start3A_241, %dma_start3A_242] : memref<8x128x16xf32, #tpu.memory_space<vmem>> -> memref<1x128x16xf32, #tpu.memory_space<vmem>>
      %dma_start3A_244 = tpu.memref_squeeze %dma_start3A_243 : memref<1x128x16xf32, #tpu.memory_space<vmem>> -> memref<128x16xf32, #tpu.memory_space<vmem>>
      %dma_start3A_245 = arith.constant 0 : i32
      %dma_start3A_246 = tpu.memref_slice %arg6[%dma_start3A_239, %dma_start3A_240, %dma_start3A_245] : memref<8x2x128xi32, #tpu.memory_space<vmem>> -> memref<1x1x128xi32, #tpu.memory_space<vmem>>
      %dma_start3A_247 = tpu.memref_squeeze %dma_start3A_246 : memref<1x1x128xi32, #tpu.memory_space<vmem>> -> memref<128xi32, #tpu.memory_space<vmem>>
      %dma_start3A_248 = arith.constant 0 : i32
      %dma_start3A_249 = arith.constant 0 : i32
      %dma_start3A_250 = tpu.memref_slice %arg8[%dma_start3A_248, %dma_start3A_249] : memref<100096x16xf32, #tpu.memory_space<vmem_shared>> -> memref<100096x16xf32, #tpu.memory_space<vmem_shared>>
      tpu.enqueue_indirect_dma source(%dma_start3A_244 : memref<128x16xf32, #tpu.memory_space<vmem>>) target(%dma_start3A_250 : memref<100096x16xf32, #tpu.memory_space<vmem_shared>>) offsets(%dma_start3A_247 : memref<128xi32, #tpu.memory_space<vmem>>) semaphore(%arg10 : memref<!tpu.dma_semaphore, #tpu.memory_space<semaphore_mem>>) {add = true}
      %dma_wait3A_251 = arith.constant 5 : i32
      %dma_wait3A_252 = arith.constant 0 : i32
      %dma_wait3A_253 = arith.constant 5 : i32
      %dma_wait3A_254 = arith.constant 0 : i32
      %dma_wait3A_255 = arith.constant 0 : i32
      %dma_wait3A_256 = tpu.memref_slice %arg7[%dma_wait3A_253, %dma_wait3A_254, %dma_wait3A_255] : memref<8x128x16xf32, #tpu.memory_space<vmem>> -> memref<1x128x16xf32, #tpu.memory_space<vmem>>
      %dma_wait3A_257 = tpu.memref_squeeze %dma_wait3A_256 : memref<1x128x16xf32, #tpu.memory_space<vmem>> -> memref<128x16xf32, #tpu.memory_space<vmem>>
      %dma_wait3A_258 = arith.constant 0 : i32
      %dma_wait3A_259 = tpu.memref_slice %arg6[%dma_wait3A_251, %dma_wait3A_252, %dma_wait3A_258] : memref<8x2x128xi32, #tpu.memory_space<vmem>> -> memref<1x1x128xi32, #tpu.memory_space<vmem>>
      %dma_wait3A_260 = tpu.memref_squeeze %dma_wait3A_259 : memref<1x1x128xi32, #tpu.memory_space<vmem>> -> memref<128xi32, #tpu.memory_space<vmem>>
      %dma_wait3A_261 = arith.constant 0 : i32
      %dma_wait3A_262 = arith.constant 0 : i32
      %dma_wait3A_263 = tpu.memref_slice %arg2[%dma_wait3A_261, %dma_wait3A_262] : memref<100096x16xf32, #tpu.memory_space<hbm>> -> memref<100096x16xf32, #tpu.memory_space<hbm>>
      tpu.wait_indirect_dma semaphore(%arg9 : memref<!tpu.dma_semaphore, #tpu.memory_space<semaphore_mem>>) src(%dma_wait3A_263 : memref<100096x16xf32, #tpu.memory_space<hbm>>) dst(%dma_wait3A_257 : memref<128x16xf32, #tpu.memory_space<vmem>>)
      %dma_start3A_264 = arith.constant 5 : i32
      %dma_start3A_265 = arith.constant 5 : i32
      %dma_start3A_266 = arith.constant 1 : i32
      %dma_start3A_267 = arith.constant 0 : i32
      %dma_start3A_268 = arith.constant 0 : i32
      %dma_start3A_269 = tpu.memref_slice %arg7[%dma_start3A_264, %dma_start3A_267, %dma_start3A_268] : memref<8x128x16xf32, #tpu.memory_space<vmem>> -> memref<1x128x16xf32, #tpu.memory_space<vmem>>
      %dma_start3A_270 = tpu.memref_squeeze %dma_start3A_269 : memref<1x128x16xf32, #tpu.memory_space<vmem>> -> memref<128x16xf32, #tpu.memory_space<vmem>>
      %dma_start3A_271 = arith.constant 0 : i32
      %dma_start3A_272 = tpu.memref_slice %arg6[%dma_start3A_265, %dma_start3A_266, %dma_start3A_271] : memref<8x2x128xi32, #tpu.memory_space<vmem>> -> memref<1x1x128xi32, #tpu.memory_space<vmem>>
      %dma_start3A_273 = tpu.memref_squeeze %dma_start3A_272 : memref<1x1x128xi32, #tpu.memory_space<vmem>> -> memref<128xi32, #tpu.memory_space<vmem>>
      %dma_start3A_274 = arith.constant 0 : i32
      %dma_start3A_275 = arith.constant 0 : i32
      %dma_start3A_276 = tpu.memref_slice %arg8[%dma_start3A_274, %dma_start3A_275] : memref<100096x16xf32, #tpu.memory_space<vmem_shared>> -> memref<100096x16xf32, #tpu.memory_space<vmem_shared>>
      tpu.enqueue_indirect_dma source(%dma_start3A_270 : memref<128x16xf32, #tpu.memory_space<vmem>>) target(%dma_start3A_276 : memref<100096x16xf32, #tpu.memory_space<vmem_shared>>) offsets(%dma_start3A_273 : memref<128xi32, #tpu.memory_space<vmem>>) semaphore(%arg10 : memref<!tpu.dma_semaphore, #tpu.memory_space<semaphore_mem>>) {add = true}
      %dma_wait3A_277 = arith.constant 6 : i32
      %dma_wait3A_278 = arith.constant 0 : i32
      %dma_wait3A_279 = arith.constant 6 : i32
      %dma_wait3A_280 = arith.constant 0 : i32
      %dma_wait3A_281 = arith.constant 0 : i32
      %dma_wait3A_282 = tpu.memref_slice %arg7[%dma_wait3A_279, %dma_wait3A_280, %dma_wait3A_281] : memref<8x128x16xf32, #tpu.memory_space<vmem>> -> memref<1x128x16xf32, #tpu.memory_space<vmem>>
      %dma_wait3A_283 = tpu.memref_squeeze %dma_wait3A_282 : memref<1x128x16xf32, #tpu.memory_space<vmem>> -> memref<128x16xf32, #tpu.memory_space<vmem>>
      %dma_wait3A_284 = arith.constant 0 : i32
      %dma_wait3A_285 = tpu.memref_slice %arg6[%dma_wait3A_277, %dma_wait3A_278, %dma_wait3A_284] : memref<8x2x128xi32, #tpu.memory_space<vmem>> -> memref<1x1x128xi32, #tpu.memory_space<vmem>>
      %dma_wait3A_286 = tpu.memref_squeeze %dma_wait3A_285 : memref<1x1x128xi32, #tpu.memory_space<vmem>> -> memref<128xi32, #tpu.memory_space<vmem>>
      %dma_wait3A_287 = arith.constant 0 : i32
      %dma_wait3A_288 = arith.constant 0 : i32
      %dma_wait3A_289 = tpu.memref_slice %arg2[%dma_wait3A_287, %dma_wait3A_288] : memref<100096x16xf32, #tpu.memory_space<hbm>> -> memref<100096x16xf32, #tpu.memory_space<hbm>>
      tpu.wait_indirect_dma semaphore(%arg9 : memref<!tpu.dma_semaphore, #tpu.memory_space<semaphore_mem>>) src(%dma_wait3A_289 : memref<100096x16xf32, #tpu.memory_space<hbm>>) dst(%dma_wait3A_283 : memref<128x16xf32, #tpu.memory_space<vmem>>)
      %dma_start3A_290 = arith.constant 6 : i32
      %dma_start3A_291 = arith.constant 6 : i32
      %dma_start3A_292 = arith.constant 1 : i32
      %dma_start3A_293 = arith.constant 0 : i32
      %dma_start3A_294 = arith.constant 0 : i32
      %dma_start3A_295 = tpu.memref_slice %arg7[%dma_start3A_290, %dma_start3A_293, %dma_start3A_294] : memref<8x128x16xf32, #tpu.memory_space<vmem>> -> memref<1x128x16xf32, #tpu.memory_space<vmem>>
      %dma_start3A_296 = tpu.memref_squeeze %dma_start3A_295 : memref<1x128x16xf32, #tpu.memory_space<vmem>> -> memref<128x16xf32, #tpu.memory_space<vmem>>
      %dma_start3A_297 = arith.constant 0 : i32
      %dma_start3A_298 = tpu.memref_slice %arg6[%dma_start3A_291, %dma_start3A_292, %dma_start3A_297] : memref<8x2x128xi32, #tpu.memory_space<vmem>> -> memref<1x1x128xi32, #tpu.memory_space<vmem>>
      %dma_start3A_299 = tpu.memref_squeeze %dma_start3A_298 : memref<1x1x128xi32, #tpu.memory_space<vmem>> -> memref<128xi32, #tpu.memory_space<vmem>>
      %dma_start3A_300 = arith.constant 0 : i32
      %dma_start3A_301 = arith.constant 0 : i32
      %dma_start3A_302 = tpu.memref_slice %arg8[%dma_start3A_300, %dma_start3A_301] : memref<100096x16xf32, #tpu.memory_space<vmem_shared>> -> memref<100096x16xf32, #tpu.memory_space<vmem_shared>>
      tpu.enqueue_indirect_dma source(%dma_start3A_296 : memref<128x16xf32, #tpu.memory_space<vmem>>) target(%dma_start3A_302 : memref<100096x16xf32, #tpu.memory_space<vmem_shared>>) offsets(%dma_start3A_299 : memref<128xi32, #tpu.memory_space<vmem>>) semaphore(%arg10 : memref<!tpu.dma_semaphore, #tpu.memory_space<semaphore_mem>>) {add = true}
      %dma_wait3A_303 = arith.constant 7 : i32
      %dma_wait3A_304 = arith.constant 0 : i32
      %dma_wait3A_305 = arith.constant 7 : i32
      %dma_wait3A_306 = arith.constant 0 : i32
      %dma_wait3A_307 = arith.constant 0 : i32
      %dma_wait3A_308 = tpu.memref_slice %arg7[%dma_wait3A_305, %dma_wait3A_306, %dma_wait3A_307] : memref<8x128x16xf32, #tpu.memory_space<vmem>> -> memref<1x128x16xf32, #tpu.memory_space<vmem>>
      %dma_wait3A_309 = tpu.memref_squeeze %dma_wait3A_308 : memref<1x128x16xf32, #tpu.memory_space<vmem>> -> memref<128x16xf32, #tpu.memory_space<vmem>>
      %dma_wait3A_310 = arith.constant 0 : i32
      %dma_wait3A_311 = tpu.memref_slice %arg6[%dma_wait3A_303, %dma_wait3A_304, %dma_wait3A_310] : memref<8x2x128xi32, #tpu.memory_space<vmem>> -> memref<1x1x128xi32, #tpu.memory_space<vmem>>
      %dma_wait3A_312 = tpu.memref_squeeze %dma_wait3A_311 : memref<1x1x128xi32, #tpu.memory_space<vmem>> -> memref<128xi32, #tpu.memory_space<vmem>>
      %dma_wait3A_313 = arith.constant 0 : i32
      %dma_wait3A_314 = arith.constant 0 : i32
      %dma_wait3A_315 = tpu.memref_slice %arg2[%dma_wait3A_313, %dma_wait3A_314] : memref<100096x16xf32, #tpu.memory_space<hbm>> -> memref<100096x16xf32, #tpu.memory_space<hbm>>
      tpu.wait_indirect_dma semaphore(%arg9 : memref<!tpu.dma_semaphore, #tpu.memory_space<semaphore_mem>>) src(%dma_wait3A_315 : memref<100096x16xf32, #tpu.memory_space<hbm>>) dst(%dma_wait3A_309 : memref<128x16xf32, #tpu.memory_space<vmem>>)
      %dma_start3A_316 = arith.constant 7 : i32
      %dma_start3A_317 = arith.constant 7 : i32
      %dma_start3A_318 = arith.constant 1 : i32
      %dma_start3A_319 = arith.constant 0 : i32
      %dma_start3A_320 = arith.constant 0 : i32
      %dma_start3A_321 = tpu.memref_slice %arg7[%dma_start3A_316, %dma_start3A_319, %dma_start3A_320] : memref<8x128x16xf32, #tpu.memory_space<vmem>> -> memref<1x128x16xf32, #tpu.memory_space<vmem>>
      %dma_start3A_322 = tpu.memref_squeeze %dma_start3A_321 : memref<1x128x16xf32, #tpu.memory_space<vmem>> -> memref<128x16xf32, #tpu.memory_space<vmem>>
      %dma_start3A_323 = arith.constant 0 : i32
      %dma_start3A_324 = tpu.memref_slice %arg6[%dma_start3A_317, %dma_start3A_318, %dma_start3A_323] : memref<8x2x128xi32, #tpu.memory_space<vmem>> -> memref<1x1x128xi32, #tpu.memory_space<vmem>>
      %dma_start3A_325 = tpu.memref_squeeze %dma_start3A_324 : memref<1x1x128xi32, #tpu.memory_space<vmem>> -> memref<128xi32, #tpu.memory_space<vmem>>
      %dma_start3A_326 = arith.constant 0 : i32
      %dma_start3A_327 = arith.constant 0 : i32
      %dma_start3A_328 = tpu.memref_slice %arg8[%dma_start3A_326, %dma_start3A_327] : memref<100096x16xf32, #tpu.memory_space<vmem_shared>> -> memref<100096x16xf32, #tpu.memory_space<vmem_shared>>
      tpu.enqueue_indirect_dma source(%dma_start3A_322 : memref<128x16xf32, #tpu.memory_space<vmem>>) target(%dma_start3A_328 : memref<100096x16xf32, #tpu.memory_space<vmem_shared>>) offsets(%dma_start3A_325 : memref<128xi32, #tpu.memory_space<vmem>>) semaphore(%arg10 : memref<!tpu.dma_semaphore, #tpu.memory_space<semaphore_mem>>) {add = true}
      %dma_wait3A_329 = arith.constant 0 : i32
      %dma_wait3A_330 = arith.constant 0 : i32
      %dma_wait3A_331 = arith.constant 1 : i32
      %dma_wait3A_332 = arith.constant 0 : i32
      %dma_wait3A_333 = arith.constant 0 : i32
      %dma_wait3A_334 = tpu.memref_slice %arg7[%dma_wait3A_329, %dma_wait3A_332, %dma_wait3A_333] : memref<8x128x16xf32, #tpu.memory_space<vmem>> -> memref<1x128x16xf32, #tpu.memory_space<vmem>>
      %dma_wait3A_335 = tpu.memref_squeeze %dma_wait3A_334 : memref<1x128x16xf32, #tpu.memory_space<vmem>> -> memref<128x16xf32, #tpu.memory_space<vmem>>
      %dma_wait3A_336 = arith.constant 0 : i32
      %dma_wait3A_337 = tpu.memref_slice %arg6[%dma_wait3A_330, %dma_wait3A_331, %dma_wait3A_336] : memref<8x2x128xi32, #tpu.memory_space<vmem>> -> memref<1x1x128xi32, #tpu.memory_space<vmem>>
      %dma_wait3A_338 = tpu.memref_squeeze %dma_wait3A_337 : memref<1x1x128xi32, #tpu.memory_space<vmem>> -> memref<128xi32, #tpu.memory_space<vmem>>
      %dma_wait3A_339 = arith.constant 0 : i32
      %dma_wait3A_340 = arith.constant 0 : i32
      %dma_wait3A_341 = tpu.memref_slice %arg8[%dma_wait3A_339, %dma_wait3A_340] : memref<100096x16xf32, #tpu.memory_space<vmem_shared>> -> memref<100096x16xf32, #tpu.memory_space<vmem_shared>>
      tpu.wait_indirect_dma semaphore(%arg10 : memref<!tpu.dma_semaphore, #tpu.memory_space<semaphore_mem>>) src(%dma_wait3A_335 : memref<128x16xf32, #tpu.memory_space<vmem>>) dst(%dma_wait3A_341 : memref<100096x16xf32, #tpu.memory_space<vmem_shared>>)
      %dma_wait3A_342 = arith.constant 1 : i32
      %dma_wait3A_343 = arith.constant 1 : i32
      %dma_wait3A_344 = arith.constant 1 : i32
      %dma_wait3A_345 = arith.constant 0 : i32
      %dma_wait3A_346 = arith.constant 0 : i32
      %dma_wait3A_347 = tpu.memref_slice %arg7[%dma_wait3A_342, %dma_wait3A_345, %dma_wait3A_346] : memref<8x128x16xf32, #tpu.memory_space<vmem>> -> memref<1x128x16xf32, #tpu.memory_space<vmem>>
      %dma_wait3A_348 = tpu.memref_squeeze %dma_wait3A_347 : memref<1x128x16xf32, #tpu.memory_space<vmem>> -> memref<128x16xf32, #tpu.memory_space<vmem>>
      %dma_wait3A_349 = arith.constant 0 : i32
      %dma_wait3A_350 = tpu.memref_slice %arg6[%dma_wait3A_343, %dma_wait3A_344, %dma_wait3A_349] : memref<8x2x128xi32, #tpu.memory_space<vmem>> -> memref<1x1x128xi32, #tpu.memory_space<vmem>>
      %dma_wait3A_351 = tpu.memref_squeeze %dma_wait3A_350 : memref<1x1x128xi32, #tpu.memory_space<vmem>> -> memref<128xi32, #tpu.memory_space<vmem>>
      %dma_wait3A_352 = arith.constant 0 : i32
      %dma_wait3A_353 = arith.constant 0 : i32
      %dma_wait3A_354 = tpu.memref_slice %arg8[%dma_wait3A_352, %dma_wait3A_353] : memref<100096x16xf32, #tpu.memory_space<vmem_shared>> -> memref<100096x16xf32, #tpu.memory_space<vmem_shared>>
      tpu.wait_indirect_dma semaphore(%arg10 : memref<!tpu.dma_semaphore, #tpu.memory_space<semaphore_mem>>) src(%dma_wait3A_348 : memref<128x16xf32, #tpu.memory_space<vmem>>) dst(%dma_wait3A_354 : memref<100096x16xf32, #tpu.memory_space<vmem_shared>>)
      %dma_wait3A_355 = arith.constant 2 : i32
      %dma_wait3A_356 = arith.constant 2 : i32
      %dma_wait3A_357 = arith.constant 1 : i32
      %dma_wait3A_358 = arith.constant 0 : i32
      %dma_wait3A_359 = arith.constant 0 : i32
      %dma_wait3A_360 = tpu.memref_slice %arg7[%dma_wait3A_355, %dma_wait3A_358, %dma_wait3A_359] : memref<8x128x16xf32, #tpu.memory_space<vmem>> -> memref<1x128x16xf32, #tpu.memory_space<vmem>>
      %dma_wait3A_361 = tpu.memref_squeeze %dma_wait3A_360 : memref<1x128x16xf32, #tpu.memory_space<vmem>> -> memref<128x16xf32, #tpu.memory_space<vmem>>
      %dma_wait3A_362 = arith.constant 0 : i32
      %dma_wait3A_363 = tpu.memref_slice %arg6[%dma_wait3A_356, %dma_wait3A_357, %dma_wait3A_362] : memref<8x2x128xi32, #tpu.memory_space<vmem>> -> memref<1x1x128xi32, #tpu.memory_space<vmem>>
      %dma_wait3A_364 = tpu.memref_squeeze %dma_wait3A_363 : memref<1x1x128xi32, #tpu.memory_space<vmem>> -> memref<128xi32, #tpu.memory_space<vmem>>
      %dma_wait3A_365 = arith.constant 0 : i32
      %dma_wait3A_366 = arith.constant 0 : i32
      %dma_wait3A_367 = tpu.memref_slice %arg8[%dma_wait3A_365, %dma_wait3A_366] : memref<100096x16xf32, #tpu.memory_space<vmem_shared>> -> memref<100096x16xf32, #tpu.memory_space<vmem_shared>>
      tpu.wait_indirect_dma semaphore(%arg10 : memref<!tpu.dma_semaphore, #tpu.memory_space<semaphore_mem>>) src(%dma_wait3A_361 : memref<128x16xf32, #tpu.memory_space<vmem>>) dst(%dma_wait3A_367 : memref<100096x16xf32, #tpu.memory_space<vmem_shared>>)
      %dma_wait3A_368 = arith.constant 3 : i32
      %dma_wait3A_369 = arith.constant 3 : i32
      %dma_wait3A_370 = arith.constant 1 : i32
      %dma_wait3A_371 = arith.constant 0 : i32
      %dma_wait3A_372 = arith.constant 0 : i32
      %dma_wait3A_373 = tpu.memref_slice %arg7[%dma_wait3A_368, %dma_wait3A_371, %dma_wait3A_372] : memref<8x128x16xf32, #tpu.memory_space<vmem>> -> memref<1x128x16xf32, #tpu.memory_space<vmem>>
      %dma_wait3A_374 = tpu.memref_squeeze %dma_wait3A_373 : memref<1x128x16xf32, #tpu.memory_space<vmem>> -> memref<128x16xf32, #tpu.memory_space<vmem>>
      %dma_wait3A_375 = arith.constant 0 : i32
      %dma_wait3A_376 = tpu.memref_slice %arg6[%dma_wait3A_369, %dma_wait3A_370, %dma_wait3A_375] : memref<8x2x128xi32, #tpu.memory_space<vmem>> -> memref<1x1x128xi32, #tpu.memory_space<vmem>>
      %dma_wait3A_377 = tpu.memref_squeeze %dma_wait3A_376 : memref<1x1x128xi32, #tpu.memory_space<vmem>> -> memref<128xi32, #tpu.memory_space<vmem>>
      %dma_wait3A_378 = arith.constant 0 : i32
      %dma_wait3A_379 = arith.constant 0 : i32
      %dma_wait3A_380 = tpu.memref_slice %arg8[%dma_wait3A_378, %dma_wait3A_379] : memref<100096x16xf32, #tpu.memory_space<vmem_shared>> -> memref<100096x16xf32, #tpu.memory_space<vmem_shared>>
      tpu.wait_indirect_dma semaphore(%arg10 : memref<!tpu.dma_semaphore, #tpu.memory_space<semaphore_mem>>) src(%dma_wait3A_374 : memref<128x16xf32, #tpu.memory_space<vmem>>) dst(%dma_wait3A_380 : memref<100096x16xf32, #tpu.memory_space<vmem_shared>>)
      %dma_wait3A_381 = arith.constant 4 : i32
      %dma_wait3A_382 = arith.constant 4 : i32
      %dma_wait3A_383 = arith.constant 1 : i32
      %dma_wait3A_384 = arith.constant 0 : i32
      %dma_wait3A_385 = arith.constant 0 : i32
      %dma_wait3A_386 = tpu.memref_slice %arg7[%dma_wait3A_381, %dma_wait3A_384, %dma_wait3A_385] : memref<8x128x16xf32, #tpu.memory_space<vmem>> -> memref<1x128x16xf32, #tpu.memory_space<vmem>>
      %dma_wait3A_387 = tpu.memref_squeeze %dma_wait3A_386 : memref<1x128x16xf32, #tpu.memory_space<vmem>> -> memref<128x16xf32, #tpu.memory_space<vmem>>
      %dma_wait3A_388 = arith.constant 0 : i32
      %dma_wait3A_389 = tpu.memref_slice %arg6[%dma_wait3A_382, %dma_wait3A_383, %dma_wait3A_388] : memref<8x2x128xi32, #tpu.memory_space<vmem>> -> memref<1x1x128xi32, #tpu.memory_space<vmem>>
      %dma_wait3A_390 = tpu.memref_squeeze %dma_wait3A_389 : memref<1x1x128xi32, #tpu.memory_space<vmem>> -> memref<128xi32, #tpu.memory_space<vmem>>
      %dma_wait3A_391 = arith.constant 0 : i32
      %dma_wait3A_392 = arith.constant 0 : i32
      %dma_wait3A_393 = tpu.memref_slice %arg8[%dma_wait3A_391, %dma_wait3A_392] : memref<100096x16xf32, #tpu.memory_space<vmem_shared>> -> memref<100096x16xf32, #tpu.memory_space<vmem_shared>>
      tpu.wait_indirect_dma semaphore(%arg10 : memref<!tpu.dma_semaphore, #tpu.memory_space<semaphore_mem>>) src(%dma_wait3A_387 : memref<128x16xf32, #tpu.memory_space<vmem>>) dst(%dma_wait3A_393 : memref<100096x16xf32, #tpu.memory_space<vmem_shared>>)
      %dma_wait3A_394 = arith.constant 5 : i32
      %dma_wait3A_395 = arith.constant 5 : i32
      %dma_wait3A_396 = arith.constant 1 : i32
      %dma_wait3A_397 = arith.constant 0 : i32
      %dma_wait3A_398 = arith.constant 0 : i32
      %dma_wait3A_399 = tpu.memref_slice %arg7[%dma_wait3A_394, %dma_wait3A_397, %dma_wait3A_398] : memref<8x128x16xf32, #tpu.memory_space<vmem>> -> memref<1x128x16xf32, #tpu.memory_space<vmem>>
      %dma_wait3A_400 = tpu.memref_squeeze %dma_wait3A_399 : memref<1x128x16xf32, #tpu.memory_space<vmem>> -> memref<128x16xf32, #tpu.memory_space<vmem>>
      %dma_wait3A_401 = arith.constant 0 : i32
      %dma_wait3A_402 = tpu.memref_slice %arg6[%dma_wait3A_395, %dma_wait3A_396, %dma_wait3A_401] : memref<8x2x128xi32, #tpu.memory_space<vmem>> -> memref<1x1x128xi32, #tpu.memory_space<vmem>>
      %dma_wait3A_403 = tpu.memref_squeeze %dma_wait3A_402 : memref<1x1x128xi32, #tpu.memory_space<vmem>> -> memref<128xi32, #tpu.memory_space<vmem>>
      %dma_wait3A_404 = arith.constant 0 : i32
      %dma_wait3A_405 = arith.constant 0 : i32
      %dma_wait3A_406 = tpu.memref_slice %arg8[%dma_wait3A_404, %dma_wait3A_405] : memref<100096x16xf32, #tpu.memory_space<vmem_shared>> -> memref<100096x16xf32, #tpu.memory_space<vmem_shared>>
      tpu.wait_indirect_dma semaphore(%arg10 : memref<!tpu.dma_semaphore, #tpu.memory_space<semaphore_mem>>) src(%dma_wait3A_400 : memref<128x16xf32, #tpu.memory_space<vmem>>) dst(%dma_wait3A_406 : memref<100096x16xf32, #tpu.memory_space<vmem_shared>>)
      %dma_wait3A_407 = arith.constant 6 : i32
      %dma_wait3A_408 = arith.constant 6 : i32
      %dma_wait3A_409 = arith.constant 1 : i32
      %dma_wait3A_410 = arith.constant 0 : i32
      %dma_wait3A_411 = arith.constant 0 : i32
      %dma_wait3A_412 = tpu.memref_slice %arg7[%dma_wait3A_407, %dma_wait3A_410, %dma_wait3A_411] : memref<8x128x16xf32, #tpu.memory_space<vmem>> -> memref<1x128x16xf32, #tpu.memory_space<vmem>>
      %dma_wait3A_413 = tpu.memref_squeeze %dma_wait3A_412 : memref<1x128x16xf32, #tpu.memory_space<vmem>> -> memref<128x16xf32, #tpu.memory_space<vmem>>
      %dma_wait3A_414 = arith.constant 0 : i32
      %dma_wait3A_415 = tpu.memref_slice %arg6[%dma_wait3A_408, %dma_wait3A_409, %dma_wait3A_414] : memref<8x2x128xi32, #tpu.memory_space<vmem>> -> memref<1x1x128xi32, #tpu.memory_space<vmem>>
      %dma_wait3A_416 = tpu.memref_squeeze %dma_wait3A_415 : memref<1x1x128xi32, #tpu.memory_space<vmem>> -> memref<128xi32, #tpu.memory_space<vmem>>
      %dma_wait3A_417 = arith.constant 0 : i32
      %dma_wait3A_418 = arith.constant 0 : i32
      %dma_wait3A_419 = tpu.memref_slice %arg8[%dma_wait3A_417, %dma_wait3A_418] : memref<100096x16xf32, #tpu.memory_space<vmem_shared>> -> memref<100096x16xf32, #tpu.memory_space<vmem_shared>>
      tpu.wait_indirect_dma semaphore(%arg10 : memref<!tpu.dma_semaphore, #tpu.memory_space<semaphore_mem>>) src(%dma_wait3A_413 : memref<128x16xf32, #tpu.memory_space<vmem>>) dst(%dma_wait3A_419 : memref<100096x16xf32, #tpu.memory_space<vmem_shared>>)
      %dma_wait3A_420 = arith.constant 7 : i32
      %dma_wait3A_421 = arith.constant 7 : i32
      %dma_wait3A_422 = arith.constant 1 : i32
      %dma_wait3A_423 = arith.constant 0 : i32
      %dma_wait3A_424 = arith.constant 0 : i32
      %dma_wait3A_425 = tpu.memref_slice %arg7[%dma_wait3A_420, %dma_wait3A_423, %dma_wait3A_424] : memref<8x128x16xf32, #tpu.memory_space<vmem>> -> memref<1x128x16xf32, #tpu.memory_space<vmem>>
      %dma_wait3A_426 = tpu.memref_squeeze %dma_wait3A_425 : memref<1x128x16xf32, #tpu.memory_space<vmem>> -> memref<128x16xf32, #tpu.memory_space<vmem>>
      %dma_wait3A_427 = arith.constant 0 : i32
      %dma_wait3A_428 = tpu.memref_slice %arg6[%dma_wait3A_421, %dma_wait3A_422, %dma_wait3A_427] : memref<8x2x128xi32, #tpu.memory_space<vmem>> -> memref<1x1x128xi32, #tpu.memory_space<vmem>>
      %dma_wait3A_429 = tpu.memref_squeeze %dma_wait3A_428 : memref<1x1x128xi32, #tpu.memory_space<vmem>> -> memref<128xi32, #tpu.memory_space<vmem>>
      %dma_wait3A_430 = arith.constant 0 : i32
      %dma_wait3A_431 = arith.constant 0 : i32
      %dma_wait3A_432 = tpu.memref_slice %arg8[%dma_wait3A_430, %dma_wait3A_431] : memref<100096x16xf32, #tpu.memory_space<vmem_shared>> -> memref<100096x16xf32, #tpu.memory_space<vmem_shared>>
      tpu.wait_indirect_dma semaphore(%arg10 : memref<!tpu.dma_semaphore, #tpu.memory_space<semaphore_mem>>) src(%dma_wait3A_426 : memref<128x16xf32, #tpu.memory_space<vmem>>) dst(%dma_wait3A_432 : memref<100096x16xf32, #tpu.memory_space<vmem_shared>>)
    }
    %scan3A_7 = arith.constant 49 : i32
    %barrier3A_8 = arith.constant 0 : index
    tpu.barrier barrier_id(%barrier3A_8)
    %mul3A_9 = arith.constant 6256 : i32
    %mul3A_10 = arith.muli %arg1, %mul3A_9 : i32
    %mul3A_11 = arith.constant 6256 : i32
    %mul3A_12 = arith.muli %arg1, %mul3A_11 : i32
    "tpu.region"() ({
      %run_scoped3A = tpu.sem_alloc : memref<!tpu.dma_semaphore, #tpu.memory_space<semaphore_mem>>
      %dma_start3A = arith.constant 0 : i32
      %dma_start3A_13 = tpu.memref_slice %arg5[%arg0, %mul3A_12, %dma_start3A] : memref<2x100096x16xf32, #tpu.memory_space<hbm>> -> memref<1x6256x16xf32, #tpu.memory_space<hbm>>
      %dma_start3A_14 = tpu.memref_squeeze %dma_start3A_13 : memref<1x6256x16xf32, #tpu.memory_space<hbm>> -> memref<6256x16xf32, #tpu.memory_space<hbm>>
      %dma_start3A_15 = arith.constant 0 : i32
      %dma_start3A_16 = tpu.memref_slice %arg8[%mul3A_10, %dma_start3A_15] : memref<100096x16xf32, #tpu.memory_space<vmem_shared>> -> memref<6256x16xf32, #tpu.memory_space<vmem_shared>>
      tpu.enqueue_dma source(%dma_start3A_16 : memref<6256x16xf32, #tpu.memory_space<vmem_shared>>) target(%dma_start3A_14 : memref<6256x16xf32, #tpu.memory_space<hbm>>) target_semaphore(%run_scoped3A : memref<!tpu.dma_semaphore, #tpu.memory_space<semaphore_mem>>)
      %dma_wait3A = arith.constant 0 : i32
      %dma_wait3A_17 = tpu.memref_slice %arg5[%arg0, %mul3A_12, %dma_wait3A] : memref<2x100096x16xf32, #tpu.memory_space<hbm>> -> memref<1x6256x16xf32, #tpu.memory_space<hbm>>
      %dma_wait3A_18 = tpu.memref_squeeze %dma_wait3A_17 : memref<1x6256x16xf32, #tpu.memory_space<hbm>> -> memref<6256x16xf32, #tpu.memory_space<hbm>>
      %dma_wait3A_19 = arith.constant 0 : i32
      %dma_wait3A_20 = tpu.memref_slice %arg8[%mul3A_10, %dma_wait3A_19] : memref<100096x16xf32, #tpu.memory_space<vmem_shared>> -> memref<6256x16xf32, #tpu.memory_space<vmem_shared>>
      tpu.wait_dma2 semaphore(%run_scoped3A : memref<!tpu.dma_semaphore, #tpu.memory_space<semaphore_mem>>) src(%dma_wait3A_20 : memref<6256x16xf32, #tpu.memory_space<vmem_shared>>) dst(%dma_wait3A_18 : memref<6256x16xf32, #tpu.memory_space<hbm>>)
      tpu.yield
    }) : () -> ()
    return
  }
}

</mosaic_0001>

<sc_bundles>
// kernel: mpnn_round1.3.cloned.1.call-start
scs
__scs_entry_jumppad:
0x0: {  	(pc) =	sbr.rel $0x88, $3  }
0x1: {  	(tag) =	ssettag $0x0;
	lr =	simm.s32 $0x1  }
0x2: {  	[smem:$0x3F9E] =	sst lr;
	_ =	strace $0xD0000000  }
0x3: {  	_ = 	snop  }
0x4: {  	_ = 	snop  }
0x5: {  	_ = 	snop  }
0x6: {  	_ = 	snop  }
0x7: {  	_ = 	snop  }
__scs_overlays_trampoline_lowered:
0x8: {  	[smem:$0x3FAD] =	sst s0  }
0x9: {  	[smem:$0x3FAE] =	sst s1  }
0xa: {  	[smem:$0x3FAF] =	sst s2  }
0xb: {  	[smem:$0x3FB0] =	sst s3  }
0xc: {  	[smem:$0x3FB1] =	sst s4  }
0xd: {  	[smem:$0x3FB2] =	sst s5  }
0xe: {  	[smem:$0x3FB3] =	sst s6  }
0xf: {  	[smem:$0x3FB4] =	sst s7  }
0x10: {  	[smem:$0x3FB5] =	sst s8  }
0x11: {  	[smem:$0x3FB6] =	sst s9;
	s0 =	simm.s32 @!p0 $0x0  }
0x12: {  	s1 =	sld [smem:$0x3F9C];
	s0 =	simm.s32 @p0 $0x1  }
0x13: {  	[smem:$0x3FB7] =	sst s0;
	s0 =	simm.s32 @!p1 $0x0  }
0x14: {  	s2 =	sld [smem:$0x3F9B];
	s0 =	simm.s32 @p1 $0x1  }
0x15: {  	[smem:$0x3FB8] =	sst s0;
	s0 =	simm.s32 @!p2 $0x0  }
0x16: {  	s3 =	sld [smem:$0x3FDB];
	s0 =	simm.s32 @p2 $0x1  }
0x17: {  	s4 =	simm.s32 $0x1BF5;
	[smem:$0x3FBA] =	sst s0  }
0x18: {  	s0 =	sld [smem:$0x3F9D];
	_ =	swait.ge [sflag:s4], $0x0  }
0x19: {  	s7 =	sld [smem:$0x3F9E]  }
0x1a: {  	s8 =	sadd.s32 $0xFFFFE003, lr  }
0x1b: {  	s9 =	sadd.s32 $0xFFFFFEF7, lr;
	s5 =	simm.s32 $0xFFFFFFFF;
	p2 =	slt.u32 s8, $0xFFFFF086  }
0x1c: {  	p1 =	slt.u32 s9, $0xF7A;
	s5 =	simm.s32 @!p2 $0x0  }
0x1d: {  	s5 =	simm.s32 @p1 $0x1;
	p0 =	seq.s32 s7, s2  }
0x1e: {  	s7 =	smul.u32 @!p0 $0xF7A, s2;
	p2 =	seq.s32 @!p0 s5, $0x0  }
0x1f: {  	s9 =	smul.u32 $0xF7A, s1;
	s8 =	simm.s32 @!p0 $0x1BF5;
	p2 =	por !p2, p0  }
0x20: {  	[sflag:s8] =	ssyncset.s32 @!p0 $0xFFFFF086;
	s6 =	sadd.s32 @!p0 s3, s7;
	s7 =	simm.s32 @!p0 $0x108  }
0x21: {  	s3 =	sadd.s32 s3, s9;
	s6 =	sadd.s32 @!p0 $0x88, s6;
	s7 =	simm.s32 @p2 $0x1082  }
0x22: {  	[simem:s7], [sflag:s8] =	dma.local @!p0 [hbm:s6], $0xF7A  }
0x23: {  	s9 =	sor.u32 $0xD0000000, s2;
	s6 =	simm.s32 $0x108;
	_ =	swait.ge @!p0 [sflag:s8], $0x0  }
0x24: {  	s3 =	sadd.s32 $0x88, s3;
	s6 =	simm.s32 @!p1 $0x1082;
	[sflag:s4] =	ssyncset.s32 $0xFFFFF086  }
0x25: {  	[simem:s6], [sflag:s4] =	dma.local [hbm:s3], $0xF7A  }
0x26: {  	[smem:$0x3F9E] =	sst s1;
	(tag) =	ssettag s2;
	_ =	strace s9  }
0x27: {  	s1 =	sld [smem:$0x3FAE]  }
0x28: {  	s2 =	sld [smem:$0x3FAF]  }
0x29: {  	s4 =	sld [smem:$0x3FB1]  }
0x2a: {  	p0 =	seq.s32 s5, $0x0;
	s5 =	sld [smem:$0x3FB2]  }
0x2b: {  	s6 =	sld [smem:$0x3FB3]  }
0x2c: {  	s7 =	sld [smem:$0x3FB4]  }
0x2d: {  	s3 =	simm.s32 $0x108;
	s8 =	sld [smem:$0x3FB5]  }
0x2e: {  	s3 =	simm.s32 @!p0 $0x1082;
	s9 =	sld [smem:$0x3FB6]  }
0x2f: {  	lr =	sadd.s32 s0, s3;
	s0 =	sld [smem:$0x3FAD]  }
0x30: {  	s3 =	sld [smem:$0x3FB0]  }
0x31: {  	[smem:$0x3FB9] =	sst s10  }
0x32: {  	s10 =	sld [smem:$0x3FB7];
	_ =	sdelay $0x3  }
0x33: {  	p0 =	seq.s32 s10, $0x1;
	s10 =	sld [smem:$0x3FB9];
	_ =	sdelay $0x3  }
0x34: {  	[smem:$0x3FB9] =	sst s10  }
0x35: {  	s10 =	sld [smem:$0x3FB8];
	_ =	sdelay $0x3  }
0x36: {  	p1 =	seq.s32 s10, $0x1;
	s10 =	sld [smem:$0x3FB9];
	_ =	sdelay $0x3  }
0x37: {  	[smem:$0x3FB9] =	sst s10  }
0x38: {  	s10 =	sld [smem:$0x3FBA]  }
0x39: {  	_ = 	snop;
	(pc) =	sbr.ind lr, $3  }
0x3a: {  	_ = 	snop  }
0x3b: {  	_ = 	snop  }
0x3c: {  	p2 =	seq.s32 s10, $0x1;
	s10 =	sld [smem:$0x3FB9]  }
0x3d: {  	_ =	shalt  }
0x3e: {  	_ =	shalt  }
0x3f: {  	_ =	shalt  }
0x40: {  	_ =	shalt  }
0x41: {  	_ =	shalt  }
0x42: {  	_ =	shalt  }
0x43: {  	_ =	shalt  }
0x44: {  	_ =	shalt  }
0x45: {  	_ =	shalt  }
0x46: {  	_ =	shalt  }
0x47: {  	_ =	shalt  }
0x48: {  	_ =	shalt  }
0x49: {  	_ =	shalt  }
0x4a: {  	_ =	shalt  }
0x4b: {  	_ =	shalt  }
0x4c: {  	_ =	shalt  }
0x4d: {  	_ =	shalt  }
0x4e: {  	_ =	shalt  }
0x4f: {  	_ =	shalt  }
0x50: {  	_ =	shalt  }
0x51: {  	_ =	shalt  }
0x52: {  	_ =	shalt  }
0x53: {  	_ =	shalt  }
0x54: {  	_ =	shalt  }
0x55: {  	_ =	shalt  }
0x56: {  	_ =	shalt  }
0x57: {  	_ =	shalt  }
0x58: {  	_ =	shalt  }
0x59: {  	_ =	shalt  }
0x5a: {  	_ =	shalt  }
0x5b: {  	_ =	shalt  }
0x5c: {  	_ =	shalt  }
0x5d: {  	_ =	shalt  }
0x5e: {  	_ =	shalt  }
0x5f: {  	_ =	shalt  }
0x60: {  	_ =	shalt  }
0x61: {  	_ =	shalt  }
0x62: {  	_ =	shalt  }
0x63: {  	_ =	shalt  }
0x64: {  	_ =	shalt  }
0x65: {  	_ =	shalt  }
0x66: {  	_ =	shalt  }
0x67: {  	_ =	shalt  }
0x68: {  	_ =	shalt  }
0x69: {  	_ =	shalt  }
0x6a: {  	_ =	shalt  }
0x6b: {  	_ =	shalt  }
0x6c: {  	_ =	shalt  }
0x6d: {  	_ =	shalt  }
0x6e: {  	_ =	shalt  }
0x6f: {  	_ =	shalt  }
0x70: {  	_ =	shalt  }
0x71: {  	_ =	shalt  }
0x72: {  	_ =	shalt  }
0x73: {  	_ =	shalt  }
0x74: {  	_ =	shalt  }
0x75: {  	_ =	shalt  }
0x76: {  	_ =	shalt  }
0x77: {  	_ =	shalt  }
0x78: {  	_ =	shalt  }
0x79: {  	_ =	shalt  }
0x7a: {  	_ =	shalt  }
0x7b: {  	_ =	shalt  }
0x7c: {  	_ =	shalt  }
0x7d: {  	_ =	shalt  }
0x7e: {  	_ =	shalt  }
0x7f: {  	_ =	shalt  }
0x80: {  	_ =	shalt  }
0x81: {  	_ =	shalt  }
0x82: {  	_ =	shalt  }
0x83: {  	_ =	shalt  }
0x84: {  	_ =	shalt  }
0x85: {  	_ =	shalt  }
0x86: {  	_ =	shalt  }
0x87: {  	_ =	shalt  }
.Lfunc_end0:
.L_simem_size_0:
called_computation.1_lowered:
.L_overlay_start_0:
0x88: {  	s2 =	sld [smem:$0x3FD9]  }
0x89: {  	s3 =	sld [smem:$0x3FFE];
	_ =	sdelay $0x1  }
0x8a: {  	s1 =	srdreg.scid  }
0x8b: {  	s0 =	sand.u32 $0x1, s1  }
0x8c: {  	s17 =	sshll.u32 s0, $0xA;
	s2 =	sadd.s32 s3, s2  }
0x8d: {  	s2 =	sadd.s32 s2, s17  }
0x8e: {  	[smem:$0x3FC5] =	sst s2  }
0x8f: {  	_ = 	snop  }
0x90: {  	s2 =	sld [smem:$0x3FD0];
	(tm) =	ssettm $0x1  }
0x91: {  	s18 =	sld [smem:$0x3FFB];
	_ =	sdelay $0x3  }
0x92: {  	_ =	strace s18  }
0x93: {  	s3 =	sld [smem:$0x3FFC];
	_ =	sdelay $0x3  }
0x94: {  	_ =	strace s3  }
0x95: {  	s3 =	sld [smem:$0x3FFD];
	_ =	sdelay $0x3  }
0x96: {  	_ =	strace s3  }
0x97: {  	_ =	strace $0x8FFFFFFF  }
0x98: {  	s19 =	sld [smem:$0x3FDB];
	_ =	sdelay $0x1  }
0x99: {  	s4 =	simm.s32 $_scs_section_size  }
0x9a: {  	s5 =	simm.s32 $_size__tile_overlayer_lowered;
	s6 =	simm.s32 $_tile_overlayer_lowered  }
0x9b: {  	s22 =	simm.s32 $0x1BFF;
	s21 =	sshll.u32 s6, $0x1;
	s3 =	sadd.s32 s4, s19  }
0x9c: {  	s7 =	simm.s32 $0x0;
	s20 =	sshll.u32 s5, $0x1;
	s5 =	sadd.s32 s21, s3  }
0x9d: {  	[timem:s7], [sflag:s22] =	dma.local [hbm:s5], s20  }
0x9e: {  	_ =	swait.ge [sflag:s22], s20  }
0x9f: {  	s4 =	ssub.s32 $0x0, s20;
	[sflag:s22] =	ssyncset.done $0x0  }
0xa0: {  	[sflag:s22] =	ssyncadd.s32 s4;
	_ =	sdelay $0x1  }
0xa1: {  	s23 =	simm.s32 $0x1B8B  }
0xa2: {  	_ =	swait.ge [sflag:s23], $0x1  }
0xa3: {  	[sflag:s23] =	ssyncset.done $0x0  }
0xa4: {  	s25 =	simm.s32 $0x1B8E;
	s24 =	sld [smem:$0x3FFE];
	[sflag:s23] =	ssyncadd.s32 $0xFFFFFFFF  }
0xa5: {  	s26 =	simm.s32 $execute0_lowered;
	[smem:$0x3FD2] =	sst s25  }
0xa6: {  	s5 =	sshll.u32 s26, $0x1;
	_ =	strace $0x80000046;
	[dreg:$0x1] =	wrdreg $0xFFFFFFFF  }
0xa7: {  	s28 =	simm.s32 $_size_execute0_lowered;
	s3 =	sadd.s32 s3, s5;
	[dreg:$0x0] =	wrdreg $0x0  }
0xa8: {  	s5 =	sshll.u32 s28, $0x1;
	[dreg:$0x2] =	wrdreg s3  }
0xa9: {  	[dreg:$0x3] =	wrdreg s5  }
0xaa: {  	[dreg:$0x4] =	wrdreg $0xC0  }
0xab: {  	_ =	task [dreg:s7], $0x5FFFF  }
0xac: {  	[dreg:$0x1] =	wrdreg $0xFFFFFFFF  }
0xad: {  	[dreg:$0x0] =	wrdreg $0x60  }
0xae: {  	[dreg:$0x2] =	wrdreg s24  }
0xaf: {  	[dreg:$0x3] =	wrdreg s2  }
0xb0: {  	[dreg:$0x4] =	wrdreg $0x48000  }
0xb1: {  	[dreg:$0x5] =	wrdreg $0x10B800  }
0xb2: {  	[dreg:$0x6] =	wrdreg $0x9  }
0xb3: {  	_ =	task.clear_ibuf [dreg:s7], $0x7FFFF;
	_ =	strace $0x90000046  }
0xb4: {  	s29 =	simm.s32 $0x9;
	_ =	strace $0x80000048  }
0xb5: {  	_ =	swait.ge [sflag:s29], $0x1  }
0xb6: {  	[sflag:s29] =	ssyncadd.s32 $0xFFFFFFFF  }
0xb7: {  	_ =	strace $0x90000048  }
0xb8: {  	_ =	sfence  }
0xb9: {  	s30 =	sld [smem:$0x0];
	_ =	sdelay $0x2  }
0xba: {  	s31 =	sshll.u32 s1, $0xD;
	s1 =	sshrl.u32 s1, $0x2  }
0xbb: {  	s3 =	sand.u32 $0x4000, s31;
	s1 =	sadd.s32 s1, s30  }
0xbc: {  	s0 =	sor.u32 s3, s0;
	s1 =	sshll.u32 s1, $0x11  }
0xbd: {  	s0 =	sor.u32 s1, s0  }
0xbe: {  	s0 =	sadd.s32 $0x8F2B, s0  }
0xbf: {  	[sflag:s0] =	ssyncadd.remote.s32 $0x1  }
0xc0: {  	_ =	sfence.sel $0xFFFF  }
0xc1: {  	[dreg:$0x0] =	wrdreg $0xFFFFFFFF;
	(pc) =	sbr.abs _section_cstart, $3  }
0xc2: {  	[dreg:$0x1] =	wrdreg $0xFFFFFFFF  }
0xc3: {  	_ =	task.clear_ibuf [dreg:s7], $0x2FFFF;
	_ =	strace $0x9FFFFFFF  }
0xc4: {  	(tm) =	ssettm $0x7FFFFFFF  }
0xc5: {  	_ =	shalt  }
tec
execute0_lowered:
.L_overlay_start_1:
0x0: {  	(tag) =	ssettag $0x1  }
0x1: {  	s0 =	rddreg [dreg:$0x0]  }
0x2: {  	s2 =	rddreg [dreg:$0x1]  }
0x3: {  	s1 =	rddreg [dreg:$0x2];
	s4 =	srdreg.scid  }
0x4: {  	s3 =	rddreg [dreg:$0x3];
	s13 =	stileid.u32;
	s15 =	simm.s32 $0x100  }
0x5: {  	s16 =	simm.s32 $0x200;
	s17 =	simm.s32 $0x300;
	s18 =	simm.s32 $0x400  }
0x6: {  	s19 =	simm.s32 $0x500;
	s20 =	simm.s32 $0x600;
	s28 =	simm.s32 $0x380  }
0x7: {  	s29 =	simm.s32 $0x480;
	s30 =	simm.s32 $0x580;
	s31 =	simm.s32 $0x680  }
0x8: {  	s6 =	sand.u32 $0x1, s4;
	s4 =	simm.s32 $0x0;
	s8 =	smul.u32 $0xC380, s13  }
0x9: {  	s5 =	sadd.s32 $0x341A00, s0;
	s11 =	sadd.s32 $0x3000, s0;
	s23 =	smul.u32 $0xC400, s13  }
0xa: {  	s12 =	sshll.u32 s13, $0x6;
	s25 =	smul.u32 $0x3100, s13;
	[smem:$0x7FF] =	sst s4  }
0xb: {  	s7 =	smul.u32 $0xC4000, s6;
	_ =	strace $0x80000047;
	[dreg:$0x12] =	wrdreg s11  }
0xc: {  	s9 =	smul.u32 $0xC3800, s6;
	s10 =	ssub.s32 $0x2, s6;
	[dreg:$0x6] =	wrdreg s15  }
0xd: {  	s6 =	smul.u32 $0x31000, s6;
	s14 =	sor.u32 $0x1C03, s12;
	[dreg:$0x7] =	wrdreg s16  }
0xe: {  	s12 =	simm.s32 $0x0;
	s21 =	sshrl.u32 s10, $0x1;
	[dreg:$0x8] =	wrdreg s17  }
0xf: {  	s24 =	sadd.s32 s8, s1;
	s15 =	simm.s32 $0x80;
	[dreg:$0x9] =	wrdreg s18  }
0x10: {  	s16 =	simm.s32 $0x800;
	[dreg:$0xa] =	wrdreg s19;
	s17 =	simm.s32 $0xC00  }
0x11: {  	[dreg:$0xb] =	wrdreg s20;
	s18 =	simm.s32 $0x1000;
	s19 =	simm.s32 $0x1400  }
0x12: {  	s20 =	simm.s32 $0x1800;
	[dreg:$0x13] =	wrdreg s14;
	s7 =	sadd.s32 s7, s0  }
0x13: {  	s9 =	sadd.s32 s8, s9;
	s22 =	ssub.s32 s10, s21;
	s21 =	simm.s32 $0x700  }
0x14: {  	s13 =	sadd.s32 s23, s7;
	[dreg:$0xc] =	wrdreg s21;
	s23 =	simm.s32 $0x3000  }
0x15: {  	s7 =	sshrl.u32 s24, $0x3;
	s24 =	simm.s32 $0x3400;
	[dreg:$0xe] =	wrdreg s23  }
0x16: {  	s8 =	sadd.s32 s8, s3;
	s6 =	sadd.s32 s6, s2;
	[dreg:$0xf] =	wrdreg s24  }
0x17: {  	s9 =	sshrl.u32 s9, $0x3;
	s11 =	sshrl.u32 s8, $0x3;
	[dreg:$0x18] =	wrdreg s7  }
0x18: {  	s0 =	sadd.s32 s9, s0;
	s9 =	smax.u32 s22, $0x1;
	[dreg:$0x19] =	wrdreg s11  }
0x19: {  	s10 =	simm.s32 $0x2;
	s2 =	sadd.s32 $0x35A200, s13;
	[dreg:$0x16] =	wrdreg s9  }
0x1a: {  	s21 =	simm.s32 $0x1C00;
	s22 =	simm.s32 $0x2C00;
	[dreg:$0x17] =	wrdreg s2  }
0x1b: {  	s8 =	simm.s32 $0x4400;
	s26 =	sadd.s32 $0x1EB800, s0;
	[dreg:$0xd] =	wrdreg s22  }
0x1c: {  	s13 =	simm.s32 $0x3;
	s0 =	sadd.s32 $0x1BAA00, s0;
	[dreg:$0x14] =	wrdreg s26  }
0x1d: {  	s23 =	simm.s32 $0x2400;
	[dreg:$0x15] =	wrdreg s0;
	s0 =	sadd.s32 s25, s6  }
0x1e: {  	s24 =	simm.s32 $0x2800;
	s25 =	simm.s32 $0x3800;
	[dreg:$0x5] =	wrdreg s0  }
0x1f: {  	s22 =	simm.s32 $0x2000;
	s26 =	simm.s32 $0x3C00;
	[dreg:$0x10] =	wrdreg s25  }
0x20: {  	s2 =	simm.s32 $0x780;
	s9 =	simm.s32 $0x1;
	[dreg:$0x11] =	wrdreg s26  }
0x21: {  	s25 =	simm.s32 $0x180;
	s26 =	simm.s32 $0x280;
	s0 =	simm.s32 $0x4000  }
.LBB2_1:
0x22: {  	[dreg:$0x1a] =	wrdreg s12  }
0x23: {  	s6 =	rddreg [dreg:$0x12]  }
0x24: {  	[spmem:s7], [sflag:s14] =	dma.local [hbm:s6], $0x1870  }
0x25: {  	_ =	swait.ge [sflag:s13], $0x1870  }
0x26: {  	[sflag:s13] =	ssyncset.done $0x0  }
0x27: {  	[sflag:s13] =	ssyncadd.s32 $0xFFFFE790  }
0x28: {  	[spmem:s11], [sflag:s14] =	dma.local [hbm:s6], $0x1870  }
0x29: {  	_ =	swait.ge [sflag:s13], $0x1870  }
0x2a: {  	[sflag:s13] =	ssyncset.done $0x0  }
0x2b: {  	[sflag:s13] =	ssyncadd.s32 $0xFFFFE790  }
0x2c: {  	[bflag:$0x0] =	sbarrier.arrive $0xFFFF  }
0x2d: {  	s6 =	rddreg [dreg:$0x5]  }
0x2e: {  	s7 =	sadd.s32 $0x0, s6  }
0x2f: {  	[tilespmem:s4], [sflag:$0x3] =	stream.linear.gather [hbm4b:s7+s4], $0x800, $0x38;
	[tilespmem:$0x1CF00] =	vst v63  }
0x30: {  	_ =	swait.ge [sflag:s13], $0x800  }
0x31: {  	[sflag:s13] =	ssyncset.done $0x0  }
0x32: {  	[sflag:s13] =	ssyncadd.s32 $0xFFFFF800  }
0x33: {  	[tilespmem:s16], [sflag:$0x1] =	stream.indirect.gather [hbm4b:s5+s15], $0x8, s4, s15, $0xb8;
	[tilespmem:$0x1CF00] =	vst v63  }
0x34: {  	s11 =	rddreg [dreg:$0x6]  }
0x35: {  	[tilespmem:s17], [sflag:$0x1] =	stream.indirect.gather [hbm4b:s5+s15], $0x8, s11, s15, $0xb8;
	[tilespmem:$0x1CF00] =	vst v63  }
0x36: {  	s12 =	rddreg [dreg:$0x7]  }
0x37: {  	[tilespmem:s18], [sflag:$0x1] =	stream.indirect.gather [hbm4b:s5+s15], $0x8, s12, s15, $0xb8;
	[tilespmem:$0x1CF00] =	vst v63  }
0x38: {  	s14 =	rddreg [dreg:$0x8]  }
0x39: {  	[tilespmem:s19], [sflag:$0x1] =	stream.indirect.gather [hbm4b:s5+s15], $0x8, s14, s15, $0xb8;
	[tilespmem:$0x1CF00] =	vst v63  }
0x3a: {  	s6 =	rddreg [dreg:$0x9]  }
0x3b: {  	[tilespmem:s20], [sflag:$0x1] =	stream.indirect.gather [hbm4b:s5+s15], $0x8, s6, s15, $0xb8;
	[tilespmem:$0x1CF00] =	vst v63  }
0x3c: {  	s12 =	rddreg [dreg:$0xa]  }
0x3d: {  	[tilespmem:s21], [sflag:$0x1] =	stream.indirect.gather [hbm4b:s5+s15], $0x8, s12, s15, $0xb8;
	[tilespmem:$0x1CF00] =	vst v63  }
0x3e: {  	s14 =	rddreg [dreg:$0xb]  }
0x3f: {  	[tilespmem:s22], [sflag:$0x1] =	stream.indirect.gather [hbm4b:s5+s15], $0x8, s14, s15, $0xb8;
	[tilespmem:$0x1CF00] =	vst v63  }
0x40: {  	s6 =	rddreg [dreg:$0xc]  }
0x41: {  	[tilespmem:s23], [sflag:$0x1] =	stream.indirect.gather [hbm4b:s5+s15], $0x8, s6, s15, $0xb8;
	[tilespmem:$0x1CF00] =	vst v63  }
0x42: {  	s6 =	rddreg [dreg:$0x17]  }
0x43: {  	[tilespmem:s24], [sflag:$0x3] =	stream.linear.gather [hbm4b:s6+s4], $0x2000, $0x38;
	[tilespmem:$0x1CF00] =	vst v63  }
0x44: {  	_ =	swait.ge [sflag:s13], $0x2000  }
0x45: {  	[sflag:s13] =	ssyncset.done $0x0  }
0x46: {  	[sflag:s13] =	ssyncadd.s32 $0xFFFFE000  }
0x47: {  	[spmem:s3] =	stream.indirect.scatter.add.f32 [tilespmem:s24], [sflag:$0x2], $0x8, s15, s15, $0xb8;
	[tilespmem:$0x1CF00] =	vst v63  }
0x48: {  	s11 =	rddreg [dreg:$0xd]  }
0x49: {  	[spmem:s3] =	stream.indirect.scatter.add.f32 [tilespmem:s11], [sflag:$0x2], $0x8, s25, s15, $0xb8;
	[tilespmem:$0x1CF00] =	vst v63  }
0x4a: {  	s12 =	rddreg [dreg:$0xe]  }
0x4b: {  	[spmem:s3] =	stream.indirect.scatter.add.f32 [tilespmem:s12], [sflag:$0x2], $0x8, s26, s15, $0xb8;
	[tilespmem:$0x1CF00] =	vst v63  }
0x4c: {  	s14 =	rddreg [dreg:$0xf]  }
0x4d: {  	[spmem:s3] =	stream.indirect.scatter.add.f32 [tilespmem:s14], [sflag:$0x2], $0x8, s28, s15, $0xb8;
	[tilespmem:$0x1CF00] =	vst v63  }
0x4e: {  	s12 =	rddreg [dreg:$0x10]  }
0x4f: {  	[spmem:s3] =	stream.indirect.scatter.add.f32 [tilespmem:s12], [sflag:$0x2], $0x8, s29, s15, $0xb8;
	[tilespmem:$0x1CF00] =	vst v63  }
0x50: {  	s14 =	rddreg [dreg:$0x11]  }
0x51: {  	[spmem:s3] =	stream.indirect.scatter.add.f32 [tilespmem:s14], [sflag:$0x2], $0x8, s30, s15, $0xb8;
	[tilespmem:$0x1CF00] =	vst v63  }
0x52: {  	_ = 	snop  }
0x53: {  	[spmem:s3] =	stream.indirect.scatter.add.f32 [tilespmem:s0], [sflag:$0x2], $0x8, s31, s15, $0xb8;
	[tilespmem:$0x1CF00] =	vst v63  }
0x54: {  	_ = 	snop  }
0x55: {  	[spmem:s3] =	stream.indirect.scatter.add.f32 [tilespmem:s8], [sflag:$0x2], $0x8, s2, s15, $0xb8;
	[tilespmem:$0x1CF00] =	vst v63  }
0x56: {  	_ =	swait.ge [sflag:s9], $0x400  }
0x57: {  	[sflag:s9] =	ssyncset.done $0x0  }
0x58: {  	[sflag:s9] =	ssyncadd.s32 $0xFFFFFC00  }
0x59: {  	[spmem:s1] =	stream.indirect.scatter.add.f32 [tilespmem:s16], [sflag:$0x2], $0x8, s15, s15, $0xb8;
	[tilespmem:$0x1CF00] =	vst v63  }
0x5a: {  	_ =	swait.ge [sflag:s9], $0x400  }
0x5b: {  	[sflag:s9] =	ssyncset.done $0x0  }
0x5c: {  	[sflag:s9] =	ssyncadd.s32 $0xFFFFFC00  }
0x5d: {  	[spmem:s1] =	stream.indirect.scatter.add.f32 [tilespmem:s17], [sflag:$0x2], $0x8, s25, s15, $0xb8;
	[tilespmem:$0x1CF00] =	vst v63  }
0x5e: {  	_ =	swait.ge [sflag:s9], $0x400  }
0x5f: {  	[sflag:s9] =	ssyncset.done $0x0  }
0x60: {  	[sflag:s9] =	ssyncadd.s32 $0xFFFFFC00  }
0x61: {  	[spmem:s1] =	stream.indirect.scatter.add.f32 [tilespmem:s18], [sflag:$0x2], $0x8, s26, s15, $0xb8;
	[tilespmem:$0x1CF00] =	vst v63  }
0x62: {  	_ =	swait.ge [sflag:s9], $0x400  }
0x63: {  	[sflag:s9] =	ssyncset.done $0x0  }
0x64: {  	[sflag:s9] =	ssyncadd.s32 $0xFFFFFC00  }
0x65: {  	[spmem:s1] =	stream.indirect.scatter.add.f32 [tilespmem:s19], [sflag:$0x2], $0x8, s28, s15, $0xb8;
	[tilespmem:$0x1CF00] =	vst v63  }
0x66: {  	_ =	swait.ge [sflag:s9], $0x400  }
0x67: {  	[sflag:s9] =	ssyncset.done $0x0  }
0x68: {  	[sflag:s9] =	ssyncadd.s32 $0xFFFFFC00  }
0x69: {  	[spmem:s1] =	stream.indirect.scatter.add.f32 [tilespmem:s20], [sflag:$0x2], $0x8, s29, s15, $0xb8;
	[tilespmem:$0x1CF00] =	vst v63  }
0x6a: {  	_ =	swait.ge [sflag:s9], $0x400  }
0x6b: {  	[sflag:s9] =	ssyncset.done $0x0  }
0x6c: {  	[sflag:s9] =	ssyncadd.s32 $0xFFFFFC00  }
0x6d: {  	[spmem:s1] =	stream.indirect.scatter.add.f32 [tilespmem:s21], [sflag:$0x2], $0x8, s30, s15, $0xb8;
	[tilespmem:$0x1CF00] =	vst v63  }
0x6e: {  	_ =	swait.ge [sflag:s9], $0x400  }
0x6f: {  	[sflag:s9] =	ssyncset.done $0x0  }
0x70: {  	[sflag:s9] =	ssyncadd.s32 $0xFFFFFC00  }
0x71: {  	[spmem:s1] =	stream.indirect.scatter.add.f32 [tilespmem:s22], [sflag:$0x2], $0x8, s31, s15, $0xb8;
	[tilespmem:$0x1CF00] =	vst v63  }
0x72: {  	_ =	swait.ge [sflag:s9], $0x400  }
0x73: {  	[sflag:s9] =	ssyncset.done $0x0  }
0x74: {  	[sflag:s9] =	ssyncadd.s32 $0xFFFFFC00  }
0x75: {  	[spmem:s1] =	stream.indirect.scatter.add.f32 [tilespmem:s23], [sflag:$0x2], $0x8, s2, s15, $0xb8;
	[tilespmem:$0x1CF00] =	vst v63  }
0x76: {  	_ =	swait.ge [sflag:s10], $0x400  }
0x77: {  	[sflag:s10] =	ssyncset.done $0x0  }
0x78: {  	[sflag:s10] =	ssyncadd.s32 $0xFFFFFC00  }
0x79: {  	_ =	swait.ge [sflag:s10], $0x400  }
0x7a: {  	[sflag:s10] =	ssyncset.done $0x0  }
0x7b: {  	[sflag:s10] =	ssyncadd.s32 $0xFFFFFC00  }
0x7c: {  	_ =	swait.ge [sflag:s10], $0x400  }
0x7d: {  	[sflag:s10] =	ssyncset.done $0x0  }
0x7e: {  	[sflag:s10] =	ssyncadd.s32 $0xFFFFFC00  }
0x7f: {  	_ =	swait.ge [sflag:s10], $0x400  }
0x80: {  	[sflag:s10] =	ssyncset.done $0x0  }
0x81: {  	[sflag:s10] =	ssyncadd.s32 $0xFFFFFC00  }
0x82: {  	_ =	swait.ge [sflag:s10], $0x400  }
0x83: {  	[sflag:s10] =	ssyncset.done $0x0  }
0x84: {  	[sflag:s10] =	ssyncadd.s32 $0xFFFFFC00  }
0x85: {  	_ =	swait.ge [sflag:s10], $0x400  }
0x86: {  	[sflag:s10] =	ssyncset.done $0x0  }
0x87: {  	[sflag:s10] =	ssyncadd.s32 $0xFFFFFC00  }
0x88: {  	_ =	swait.ge [sflag:s10], $0x400  }
0x89: {  	[sflag:s10] =	ssyncset.done $0x0  }
0x8a: {  	[sflag:s10] =	ssyncadd.s32 $0xFFFFFC00  }
0x8b: {  	_ =	swait.ge [sflag:s10], $0x400  }
0x8c: {  	[sflag:s10] =	ssyncset.done $0x0  }
0x8d: {  	[sflag:s10] =	ssyncadd.s32 $0xFFFFFC00  }
0x8e: {  	_ =	swait.ge [sflag:s10], $0x400  }
0x8f: {  	[sflag:s10] =	ssyncset.done $0x0  }
0x90: {  	[sflag:s10] =	ssyncadd.s32 $0xFFFFFC00  }
0x91: {  	_ =	swait.ge [sflag:s10], $0x400  }
0x92: {  	[sflag:s10] =	ssyncset.done $0x0  }
0x93: {  	[sflag:s10] =	ssyncadd.s32 $0xFFFFFC00  }
0x94: {  	_ =	swait.ge [sflag:s10], $0x400  }
0x95: {  	[sflag:s10] =	ssyncset.done $0x0  }
0x96: {  	[sflag:s10] =	ssyncadd.s32 $0xFFFFFC00  }
0x97: {  	_ =	swait.ge [sflag:s10], $0x400  }
0x98: {  	[sflag:s10] =	ssyncset.done $0x0  }
0x99: {  	[sflag:s10] =	ssyncadd.s32 $0xFFFFFC00  }
0x9a: {  	_ =	swait.ge [sflag:s10], $0x400  }
0x9b: {  	[sflag:s10] =	ssyncset.done $0x0  }
0x9c: {  	[sflag:s10] =	ssyncadd.s32 $0xFFFFFC00  }
0x9d: {  	_ =	swait.ge [sflag:s10], $0x400  }
0x9e: {  	[sflag:s10] =	ssyncset.done $0x0  }
0x9f: {  	[sflag:s10] =	ssyncadd.s32 $0xFFFFFC00  }
0xa0: {  	_ =	swait.ge [sflag:s10], $0x400  }
0xa1: {  	[sflag:s10] =	ssyncset.done $0x0  }
0xa2: {  	[sflag:s10] =	ssyncadd.s32 $0xFFFFFC00  }
0xa3: {  	s11 =	smov.u32 s6;
	s12 =	simm.s32 $0x100;
	_ =	swait.ge [sflag:s10], $0x400  }
0xa4: {  	s14 =	simm.s32 $0x200;
	s7 =	rddreg [dreg:$0x5];
	[sflag:s10] =	ssyncset.done $0x0  }
.LBB2_2:
0xa5: {  	[sflag:s10] =	ssyncadd.s32 $0xFFFFFC00;
	s7 =	sadd.s32 s12, s7  }
0xa6: {  	[tilespmem:s4], [sflag:$0x3] =	stream.linear.gather [hbm4b:s7+s4], $0x800, $0x38;
	[tilespmem:$0x1CF00] =	vst v63  }
0xa7: {  	_ =	swait.ge [sflag:s13], $0x800  }
0xa8: {  	[sflag:s13] =	ssyncset.done $0x0  }
0xa9: {  	s6 =	smov.u32 s14;
	[sflag:s13] =	ssyncadd.s32 $0xFFFFF800  }
0xaa: {  	[tilespmem:s16], [sflag:$0x1] =	stream.indirect.gather [hbm4b:s5+s15], $0x8, s4, s15, $0xb8;
	[tilespmem:$0x1CF00] =	vst v63  }
0xab: {  	s12 =	smov.u32 s6;
	s6 =	rddreg [dreg:$0x6]  }
0xac: {  	[tilespmem:s17], [sflag:$0x1] =	stream.indirect.gather [hbm4b:s5+s15], $0x8, s6, s15, $0xb8;
	[tilespmem:$0x1CF00] =	vst v63  }
0xad: {  	s7 =	rddreg [dreg:$0x7]  }
0xae: {  	[tilespmem:s18], [sflag:$0x1] =	stream.indirect.gather [hbm4b:s5+s15], $0x8, s7, s15, $0xb8;
	[tilespmem:$0x1CF00] =	vst v63  }
0xaf: {  	s6 =	rddreg [dreg:$0x8]  }
0xb0: {  	[tilespmem:s19], [sflag:$0x1] =	stream.indirect.gather [hbm4b:s5+s15], $0x8, s6, s15, $0xb8;
	[tilespmem:$0x1CF00] =	vst v63  }
0xb1: {  	s7 =	rddreg [dreg:$0x9]  }
0xb2: {  	[tilespmem:s20], [sflag:$0x1] =	stream.indirect.gather [hbm4b:s5+s15], $0x8, s7, s15, $0xb8;
	[tilespmem:$0x1CF00] =	vst v63  }
0xb3: {  	s6 =	rddreg [dreg:$0xa]  }
0xb4: {  	[tilespmem:s21], [sflag:$0x1] =	stream.indirect.gather [hbm4b:s5+s15], $0x8, s6, s15, $0xb8;
	[tilespmem:$0x1CF00] =	vst v63  }
0xb5: {  	s7 =	rddreg [dreg:$0xb]  }
0xb6: {  	[tilespmem:s22], [sflag:$0x1] =	stream.indirect.gather [hbm4b:s5+s15], $0x8, s7, s15, $0xb8;
	[tilespmem:$0x1CF00] =	vst v63  }
0xb7: {  	s6 =	rddreg [dreg:$0xc]  }
0xb8: {  	[tilespmem:s23], [sflag:$0x1] =	stream.indirect.gather [hbm4b:s5+s15], $0x8, s6, s15, $0xb8;
	[tilespmem:$0x1CF00] =	vst v63  }
0xb9: {  	s11 =	sadd.s32 $0x400, s11  }
0xba: {  	[tilespmem:s24], [sflag:$0x3] =	stream.linear.gather [hbm4b:s11+s4], $0x2000, $0x38;
	[tilespmem:$0x1CF00] =	vst v63  }
0xbb: {  	_ =	swait.ge [sflag:s13], $0x2000  }
0xbc: {  	[sflag:s13] =	ssyncset.done $0x0  }
0xbd: {  	[sflag:s13] =	ssyncadd.s32 $0xFFFFE000  }
0xbe: {  	[spmem:s3] =	stream.indirect.scatter.add.f32 [tilespmem:s24], [sflag:$0x2], $0x8, s15, s15, $0xb8;
	[tilespmem:$0x1CF00] =	vst v63  }
0xbf: {  	s6 =	rddreg [dreg:$0xd]  }
0xc0: {  	[spmem:s3] =	stream.indirect.scatter.add.f32 [tilespmem:s6], [sflag:$0x2], $0x8, s25, s15, $0xb8;
	[tilespmem:$0x1CF00] =	vst v63  }
0xc1: {  	s7 =	rddreg [dreg:$0xe]  }
0xc2: {  	[spmem:s3] =	stream.indirect.scatter.add.f32 [tilespmem:s7], [sflag:$0x2], $0x8, s26, s15, $0xb8;
	[tilespmem:$0x1CF00] =	vst v63  }
0xc3: {  	s6 =	rddreg [dreg:$0xf]  }
0xc4: {  	[spmem:s3] =	stream.indirect.scatter.add.f32 [tilespmem:s6], [sflag:$0x2], $0x8, s28, s15, $0xb8;
	[tilespmem:$0x1CF00] =	vst v63  }
0xc5: {  	s7 =	rddreg [dreg:$0x10]  }
0xc6: {  	[spmem:s3] =	stream.indirect.scatter.add.f32 [tilespmem:s7], [sflag:$0x2], $0x8, s29, s15, $0xb8;
	[tilespmem:$0x1CF00] =	vst v63  }
0xc7: {  	s6 =	rddreg [dreg:$0x11]  }
0xc8: {  	[spmem:s3] =	stream.indirect.scatter.add.f32 [tilespmem:s6], [sflag:$0x2], $0x8, s30, s15, $0xb8;
	[tilespmem:$0x1CF00] =	vst v63  }
0xc9: {  	_ = 	snop  }
0xca: {  	[spmem:s3] =	stream.indirect.scatter.add.f32 [tilespmem:s0], [sflag:$0x2], $0x8, s31, s15, $0xb8;
	[tilespmem:$0x1CF00] =	vst v63  }
0xcb: {  	_ = 	snop  }
0xcc: {  	[spmem:s3] =	stream.indirect.scatter.add.f32 [tilespmem:s8], [sflag:$0x2], $0x8, s2, s15, $0xb8;
	[tilespmem:$0x1CF00] =	vst v63  }
0xcd: {  	_ =	swait.ge [sflag:s9], $0x400  }
0xce: {  	[sflag:s9] =	ssyncset.done $0x0  }
0xcf: {  	[sflag:s9] =	ssyncadd.s32 $0xFFFFFC00  }
0xd0: {  	[spmem:s1] =	stream.indirect.scatter.add.f32 [tilespmem:s16], [sflag:$0x2], $0x8, s15, s15, $0xb8;
	[tilespmem:$0x1CF00] =	vst v63  }
0xd1: {  	_ =	swait.ge [sflag:s9], $0x400  }
0xd2: {  	[sflag:s9] =	ssyncset.done $0x0  }
0xd3: {  	[sflag:s9] =	ssyncadd.s32 $0xFFFFFC00  }
0xd4: {  	[spmem:s1] =	stream.indirect.scatter.add.f32 [tilespmem:s17], [sflag:$0x2], $0x8, s25, s15, $0xb8;
	[tilespmem:$0x1CF00] =	vst v63  }
0xd5: {  	_ =	swait.ge [sflag:s9], $0x400  }
0xd6: {  	[sflag:s9] =	ssyncset.done $0x0  }
0xd7: {  	[sflag:s9] =	ssyncadd.s32 $0xFFFFFC00  }
0xd8: {  	[spmem:s1] =	stream.indirect.scatter.add.f32 [tilespmem:s18], [sflag:$0x2], $0x8, s26, s15, $0xb8;
	[tilespmem:$0x1CF00] =	vst v63  }
0xd9: {  	_ =	swait.ge [sflag:s9], $0x400  }
0xda: {  	[sflag:s9] =	ssyncset.done $0x0  }
0xdb: {  	[sflag:s9] =	ssyncadd.s32 $0xFFFFFC00  }
0xdc: {  	[spmem:s1] =	stream.indirect.scatter.add.f32 [tilespmem:s19], [sflag:$0x2], $0x8, s28, s15, $0xb8;
	[tilespmem:$0x1CF00] =	vst v63  }
0xdd: {  	_ =	swait.ge [sflag:s9], $0x400  }
0xde: {  	[sflag:s9] =	ssyncset.done $0x0  }
0xdf: {  	[sflag:s9] =	ssyncadd.s32 $0xFFFFFC00  }
0xe0: {  	[spmem:s1] =	stream.indirect.scatter.add.f32 [tilespmem:s20], [sflag:$0x2], $0x8, s29, s15, $0xb8;
	[tilespmem:$0x1CF00] =	vst v63  }
0xe1: {  	_ =	swait.ge [sflag:s9], $0x400  }
0xe2: {  	[sflag:s9] =	ssyncset.done $0x0  }
0xe3: {  	[sflag:s9] =	ssyncadd.s32 $0xFFFFFC00  }
0xe4: {  	[spmem:s1] =	stream.indirect.scatter.add.f32 [tilespmem:s21], [sflag:$0x2], $0x8, s30, s15, $0xb8;
	[tilespmem:$0x1CF00] =	vst v63  }
0xe5: {  	_ =	swait.ge [sflag:s9], $0x400  }
0xe6: {  	[sflag:s9] =	ssyncset.done $0x0  }
0xe7: {  	[sflag:s9] =	ssyncadd.s32 $0xFFFFFC00  }
0xe8: {  	[spmem:s1] =	stream.indirect.scatter.add.f32 [tilespmem:s22], [sflag:$0x2], $0x8, s31, s15, $0xb8;
	[tilespmem:$0x1CF00] =	vst v63  }
0xe9: {  	_ =	swait.ge [sflag:s9], $0x400  }
0xea: {  	[sflag:s9] =	ssyncset.done $0x0  }
0xeb: {  	[sflag:s9] =	ssyncadd.s32 $0xFFFFFC00  }
0xec: {  	[spmem:s1] =	stream.indirect.scatter.add.f32 [tilespmem:s23], [sflag:$0x2], $0x8, s2, s15, $0xb8;
	[tilespmem:$0x1CF00] =	vst v63  }
0xed: {  	_ =	swait.ge [sflag:s10], $0x400  }
0xee: {  	[sflag:s10] =	ssyncset.done $0x0  }
0xef: {  	[sflag:s10] =	ssyncadd.s32 $0xFFFFFC00  }
0xf0: {  	_ =	swait.ge [sflag:s10], $0x400  }
0xf1: {  	[sflag:s10] =	ssyncset.done $0x0  }
0xf2: {  	[sflag:s10] =	ssyncadd.s32 $0xFFFFFC00  }
0xf3: {  	_ =	swait.ge [sflag:s10], $0x400  }
0xf4: {  	[sflag:s10] =	ssyncset.done $0x0  }
0xf5: {  	[sflag:s10] =	ssyncadd.s32 $0xFFFFFC00  }
0xf6: {  	_ =	swait.ge [sflag:s10], $0x400  }
0xf7: {  	[sflag:s10] =	ssyncset.done $0x0  }
0xf8: {  	[sflag:s10] =	ssyncadd.s32 $0xFFFFFC00  }
0xf9: {  	_ =	swait.ge [sflag:s10], $0x400  }
0xfa: {  	[sflag:s10] =	ssyncset.done $0x0  }
0xfb: {  	[sflag:s10] =	ssyncadd.s32 $0xFFFFFC00  }
0xfc: {  	_ =	swait.ge [sflag:s10], $0x400  }
0xfd: {  	[sflag:s10] =	ssyncset.done $0x0  }
0xfe: {  	[sflag:s10] =	ssyncadd.s32 $0xFFFFFC00  }
0xff: {  	_ =	swait.ge [sflag:s10], $0x400  }
0x100: {  	[sflag:s10] =	ssyncset.done $0x0  }
0x101: {  	[sflag:s10] =	ssyncadd.s32 $0xFFFFFC00  }
0x102: {  	_ =	swait.ge [sflag:s10], $0x400  }
0x103: {  	[sflag:s10] =	ssyncset.done $0x0  }
0x104: {  	[sflag:s10] =	ssyncadd.s32 $0xFFFFFC00  }
0x105: {  	_ =	swait.ge [sflag:s10], $0x400  }
0x106: {  	[sflag:s10] =	ssyncset.done $0x0  }
0x107: {  	[sflag:s10] =	ssyncadd.s32 $0xFFFFFC00  }
0x108: {  	_ =	swait.ge [sflag:s10], $0x400  }
0x109: {  	[sflag:s10] =	ssyncset.done $0x0  }
0x10a: {  	[sflag:s10] =	ssyncadd.s32 $0xFFFFFC00  }
0x10b: {  	_ =	swait.ge [sflag:s10], $0x400  }
0x10c: {  	[sflag:s10] =	ssyncset.done $0x0  }
0x10d: {  	[sflag:s10] =	ssyncadd.s32 $0xFFFFFC00  }
0x10e: {  	_ =	swait.ge [sflag:s10], $0x400  }
0x10f: {  	[sflag:s10] =	ssyncset.done $0x0  }
0x110: {  	[sflag:s10] =	ssyncadd.s32 $0xFFFFFC00  }
0x111: {  	_ =	swait.ge [sflag:s10], $0x400  }
0x112: {  	[sflag:s10] =	ssyncset.done $0x0  }
0x113: {  	[sflag:s10] =	ssyncadd.s32 $0xFFFFFC00  }
0x114: {  	_ =	swait.ge [sflag:s10], $0x400  }
0x115: {  	[sflag:s10] =	ssyncset.done $0x0  }
0x116: {  	p0 =	sne.s32 s14, $0x3000;
	[sflag:s10] =	ssyncadd.s32 $0xFFFFFC00  }
.Ltmp0:
0x117: {  	_ =	swait.ge [sflag:s10], $0x400;
	(pc) =	sbr.rel @p0 .LBB2_2-.Ltmp0, $4  }
0x118: {  	[sflag:s10] =	ssyncset.done $0x0  }
0x119: {  	[sflag:s10] =	ssyncadd.s32 $0xFFFFFC00  }
0x11a: {  	_ =	swait.ge [sflag:s10], $0x400  }
0x11b: {  	s14 =	sadd.s32 $0x100, s14;
	s7 =	rddreg [dreg:$0x5];
	[sflag:s10] =	ssyncset.done $0x0  }
0x11c: {  	[sflag:s10] =	ssyncadd.s32 $0xFFFFFC00;
	s6 =	sadd.s32 s12, s7  }
0x11d: {  	[tilespmem:s4], [sflag:$0x3] =	stream.linear.gather [hbm4b:s6+s4], $0x800, $0x38;
	[tilespmem:$0x1CF00] =	vst v63  }
0x11e: {  	_ =	swait.ge [sflag:s13], $0x800  }
0x11f: {  	[sflag:s13] =	ssyncset.done $0x0  }
0x120: {  	[sflag:s13] =	ssyncadd.s32 $0xFFFFF800  }
0x121: {  	[tilespmem:s16], [sflag:$0x1] =	stream.indirect.gather [hbm4b:s5+s15], $0x8, s4, s15, $0xb8;
	[tilespmem:$0x1CF00] =	vst v63  }
0x122: {  	s7 =	rddreg [dreg:$0x6]  }
0x123: {  	[tilespmem:s17], [sflag:$0x1] =	stream.indirect.gather [hbm4b:s5+s15], $0x8, s7, s15, $0xb8;
	[tilespmem:$0x1CF00] =	vst v63  }
0x124: {  	s12 =	rddreg [dreg:$0x7]  }
0x125: {  	[tilespmem:s18], [sflag:$0x1] =	stream.indirect.gather [hbm4b:s5+s15], $0x8, s12, s15, $0xb8;
	[tilespmem:$0x1CF00] =	vst v63  }
0x126: {  	s14 =	rddreg [dreg:$0x8]  }
0x127: {  	[tilespmem:s19], [sflag:$0x1] =	stream.indirect.gather [hbm4b:s5+s15], $0x8, s14, s15, $0xb8;
	[tilespmem:$0x1CF00] =	vst v63  }
0x128: {  	s12 =	rddreg [dreg:$0x9]  }
0x129: {  	[tilespmem:s20], [sflag:$0x1] =	stream.indirect.gather [hbm4b:s5+s15], $0x8, s12, s15, $0xb8;
	[tilespmem:$0x1CF00] =	vst v63  }
0x12a: {  	s14 =	rddreg [dreg:$0xa]  }
0x12b: {  	[tilespmem:s21], [sflag:$0x1] =	stream.indirect.gather [hbm4b:s5+s15], $0x8, s14, s15, $0xb8;
	[tilespmem:$0x1CF00] =	vst v63  }
0x12c: {  	s12 =	rddreg [dreg:$0xb]  }
0x12d: {  	[tilespmem:s22], [sflag:$0x1] =	stream.indirect.gather [hbm4b:s5+s15], $0x8, s12, s15, $0xb8;
	[tilespmem:$0x1CF00] =	vst v63  }
0x12e: {  	s14 =	rddreg [dreg:$0xc]  }
0x12f: {  	[tilespmem:s23], [sflag:$0x1] =	stream.indirect.gather [hbm4b:s5+s15], $0x8, s14, s15, $0xb8;
	[tilespmem:$0x1CF00] =	vst v63  }
0x130: {  	s11 =	sadd.s32 $0x400, s11  }
0x131: {  	[tilespmem:s24], [sflag:$0x3] =	stream.linear.gather [hbm4b:s11+s4], $0x2000, $0x38;
	[tilespmem:$0x1CF00] =	vst v63  }
0x132: {  	_ =	swait.ge [sflag:s13], $0x2000  }
0x133: {  	[sflag:s13] =	ssyncset.done $0x0  }
0x134: {  	[sflag:s13] =	ssyncadd.s32 $0xFFFFE000  }
0x135: {  	[spmem:s3] =	stream.indirect.scatter.add.f32 [tilespmem:s24], [sflag:$0x2], $0x8, s15, s15, $0xb8;
	[tilespmem:$0x1CF00] =	vst v63  }
0x136: {  	s12 =	rddreg [dreg:$0xd]  }
0x137: {  	[spmem:s3] =	stream.indirect.scatter.add.f32 [tilespmem:s12], [sflag:$0x2], $0x8, s25, s15, $0xb8;
	[tilespmem:$0x1CF00] =	vst v63  }
0x138: {  	s14 =	rddreg [dreg:$0xe]  }
0x139: {  	[spmem:s3] =	stream.indirect.scatter.add.f32 [tilespmem:s14], [sflag:$0x2], $0x8, s26, s15, $0xb8;
	[tilespmem:$0x1CF00] =	vst v63  }
0x13a: {  	s11 =	rddreg [dreg:$0xf]  }
0x13b: {  	[spmem:s3] =	stream.indirect.scatter.add.f32 [tilespmem:s11], [sflag:$0x2], $0x8, s28, s15, $0xb8;
	[tilespmem:$0x1CF00] =	vst v63  }
0x13c: {  	s12 =	rddreg [dreg:$0x10]  }
0x13d: {  	[spmem:s3] =	stream.indirect.scatter.add.f32 [tilespmem:s12], [sflag:$0x2], $0x8, s29, s15, $0xb8;
	[tilespmem:$0x1CF00] =	vst v63  }
0x13e: {  	s14 =	rddreg [dreg:$0x11]  }
0x13f: {  	[spmem:s3] =	stream.indirect.scatter.add.f32 [tilespmem:s14], [sflag:$0x2], $0x8, s30, s15, $0xb8;
	[tilespmem:$0x1CF00] =	vst v63  }
0x140: {  	_ = 	snop  }
0x141: {  	[spmem:s3] =	stream.indirect.scatter.add.f32 [tilespmem:s0], [sflag:$0x2], $0x8, s31, s15, $0xb8;
	[tilespmem:$0x1CF00] =	vst v63  }
0x142: {  	_ = 	snop  }
0x143: {  	[spmem:s3] =	stream.indirect.scatter.add.f32 [tilespmem:s8], [sflag:$0x2], $0x8, s2, s15, $0xb8;
	[tilespmem:$0x1CF00] =	vst v63  }
0x144: {  	_ =	swait.ge [sflag:s9], $0x400  }
0x145: {  	[sflag:s9] =	ssyncset.done $0x0  }
0x146: {  	[sflag:s9] =	ssyncadd.s32 $0xFFFFFC00  }
0x147: {  	[spmem:s1] =	stream.indirect.scatter.add.f32 [tilespmem:s16], [sflag:$0x2], $0x8, s15, s15, $0xb8;
	[tilespmem:$0x1CF00] =	vst v63  }
0x148: {  	_ =	swait.ge [sflag:s9], $0x400  }
0x149: {  	[sflag:s9] =	ssyncset.done $0x0  }
0x14a: {  	[sflag:s9] =	ssyncadd.s32 $0xFFFFFC00  }
0x14b: {  	[spmem:s1] =	stream.indirect.scatter.add.f32 [tilespmem:s17], [sflag:$0x2], $0x8, s25, s15, $0xb8;
	[tilespmem:$0x1CF00] =	vst v63  }
0x14c: {  	_ =	swait.ge [sflag:s9], $0x400  }
0x14d: {  	[sflag:s9] =	ssyncset.done $0x0  }
0x14e: {  	[sflag:s9] =	ssyncadd.s32 $0xFFFFFC00  }
0x14f: {  	[spmem:s1] =	stream.indirect.scatter.add.f32 [tilespmem:s18], [sflag:$0x2], $0x8, s26, s15, $0xb8;
	[tilespmem:$0x1CF00] =	vst v63  }
0x150: {  	_ =	swait.ge [sflag:s9], $0x400  }
0x151: {  	[sflag:s9] =	ssyncset.done $0x0  }
0x152: {  	[sflag:s9] =	ssyncadd.s32 $0xFFFFFC00  }
0x153: {  	[spmem:s1] =	stream.indirect.scatter.add.f32 [tilespmem:s19], [sflag:$0x2], $0x8, s28, s15, $0xb8;
	[tilespmem:$0x1CF00] =	vst v63  }
0x154: {  	_ =	swait.ge [sflag:s9], $0x400  }
0x155: {  	[sflag:s9] =	ssyncset.done $0x0  }
0x156: {  	[sflag:s9] =	ssyncadd.s32 $0xFFFFFC00  }
0x157: {  	[spmem:s1] =	stream.indirect.scatter.add.f32 [tilespmem:s20], [sflag:$0x2], $0x8, s29, s15, $0xb8;
	[tilespmem:$0x1CF00] =	vst v63  }
0x158: {  	_ =	swait.ge [sflag:s9], $0x400  }
0x159: {  	[sflag:s9] =	ssyncset.done $0x0  }
0x15a: {  	[sflag:s9] =	ssyncadd.s32 $0xFFFFFC00  }
0x15b: {  	[spmem:s1] =	stream.indirect.scatter.add.f32 [tilespmem:s21], [sflag:$0x2], $0x8, s30, s15, $0xb8;
	[tilespmem:$0x1CF00] =	vst v63  }
0x15c: {  	_ =	swait.ge [sflag:s9], $0x400  }
0x15d: {  	[sflag:s9] =	ssyncset.done $0x0  }
0x15e: {  	[sflag:s9] =	ssyncadd.s32 $0xFFFFFC00  }
0x15f: {  	[spmem:s1] =	stream.indirect.scatter.add.f32 [tilespmem:s22], [sflag:$0x2], $0x8, s31, s15, $0xb8;
	[tilespmem:$0x1CF00] =	vst v63  }
0x160: {  	_ =	swait.ge [sflag:s9], $0x400  }
0x161: {  	[sflag:s9] =	ssyncset.done $0x0  }
0x162: {  	[sflag:s9] =	ssyncadd.s32 $0xFFFFFC00  }
0x163: {  	[spmem:s1] =	stream.indirect.scatter.add.f32 [tilespmem:s23], [sflag:$0x2], $0x8, s2, s15, $0xb8;
	[tilespmem:$0x1CF00] =	vst v63  }
0x164: {  	_ =	swait.ge [sflag:s10], $0x400  }
0x165: {  	[sflag:s10] =	ssyncset.done $0x0  }
0x166: {  	[sflag:s10] =	ssyncadd.s32 $0xFFFFFC00  }
0x167: {  	_ =	swait.ge [sflag:s10], $0x400  }
0x168: {  	[sflag:s10] =	ssyncset.done $0x0  }
0x169: {  	[sflag:s10] =	ssyncadd.s32 $0xFFFFFC00  }
0x16a: {  	_ =	swait.ge [sflag:s10], $0x400  }
0x16b: {  	[sflag:s10] =	ssyncset.done $0x0  }
0x16c: {  	[sflag:s10] =	ssyncadd.s32 $0xFFFFFC00  }
0x16d: {  	_ =	swait.ge [sflag:s10], $0x400  }
0x16e: {  	[sflag:s10] =	ssyncset.done $0x0  }
0x16f: {  	[sflag:s10] =	ssyncadd.s32 $0xFFFFFC00  }
0x170: {  	_ =	swait.ge [sflag:s10], $0x400  }
0x171: {  	[sflag:s10] =	ssyncset.done $0x0  }
0x172: {  	[sflag:s10] =	ssyncadd.s32 $0xFFFFFC00  }
0x173: {  	_ =	swait.ge [sflag:s10], $0x400  }
0x174: {  	[sflag:s10] =	ssyncset.done $0x0  }
0x175: {  	[sflag:s10] =	ssyncadd.s32 $0xFFFFFC00  }
0x176: {  	_ =	swait.ge [sflag:s10], $0x400  }
0x177: {  	[sflag:s10] =	ssyncset.done $0x0  }
0x178: {  	[sflag:s10] =	ssyncadd.s32 $0xFFFFFC00  }
0x179: {  	_ =	swait.ge [sflag:s10], $0x400  }
0x17a: {  	[sflag:s10] =	ssyncset.done $0x0  }
0x17b: {  	[sflag:s10] =	ssyncadd.s32 $0xFFFFFC00  }
0x17c: {  	_ =	swait.ge [sflag:s10], $0x400  }
0x17d: {  	[sflag:s10] =	ssyncset.done $0x0  }
0x17e: {  	[sflag:s10] =	ssyncadd.s32 $0xFFFFFC00  }
0x17f: {  	_ =	swait.ge [sflag:s10], $0x400  }
0x180: {  	[sflag:s10] =	ssyncset.done $0x0  }
0x181: {  	[sflag:s10] =	ssyncadd.s32 $0xFFFFFC00  }
0x182: {  	_ =	swait.ge [sflag:s10], $0x400  }
0x183: {  	[sflag:s10] =	ssyncset.done $0x0  }
0x184: {  	[sflag:s10] =	ssyncadd.s32 $0xFFFFFC00  }
0x185: {  	_ =	swait.ge [sflag:s10], $0x400  }
0x186: {  	[sflag:s10] =	ssyncset.done $0x0  }
0x187: {  	[sflag:s10] =	ssyncadd.s32 $0xFFFFFC00  }
0x188: {  	_ =	swait.ge [sflag:s10], $0x400  }
0x189: {  	[sflag:s10] =	ssyncset.done $0x0  }
0x18a: {  	[sflag:s10] =	ssyncadd.s32 $0xFFFFFC00  }
0x18b: {  	_ =	swait.ge [sflag:s10], $0x400  }
0x18c: {  	[sflag:s10] =	ssyncset.done $0x0  }
0x18d: {  	[sflag:s10] =	ssyncadd.s32 $0xFFFFFC00  }
0x18e: {  	_ =	swait.ge [sflag:s10], $0x400  }
0x18f: {  	[sflag:s10] =	ssyncset.done $0x0  }
0x190: {  	[sflag:s10] =	ssyncadd.s32 $0xFFFFFC00  }
0x191: {  	_ =	swait.ge [sflag:s10], $0x400  }
0x192: {  	[sflag:s10] =	ssyncset.done $0x0  }
0x193: {  	[sflag:s10] =	ssyncadd.s32 $0xFFFFFC00  }
0x194: {  	[bflag:$0x0] =	sbarrier.arrive $0xFFFF  }
0x195: {  	s14 =	rddreg [dreg:$0x13]  }
0x196: {  	s11 =	rddreg [dreg:$0x14]  }
0x197: {  	s7 =	rddreg [dreg:$0x18]  }
0x198: {  	[hbm:s11], [sflag:s14] =	dma.local [spmem:s7], $0x1870  }
0x199: {  	_ =	swait.ge [sflag:s13], $0x1870  }
0x19a: {  	[sflag:s13] =	ssyncset.done $0x0;
	s12 =	rddreg [dreg:$0x15]  }
0x19b: {  	s11 =	rddreg [dreg:$0x19];
	[sflag:s13] =	ssyncadd.s32 $0xFFFFE790  }
0x19c: {  	[hbm:s12], [sflag:s14] =	dma.local [spmem:s11], $0x1870  }
0x19d: {  	_ =	swait.ge [sflag:s13], $0x1870  }
0x19e: {  	s6 =	rddreg [dreg:$0x1a]  }
0x19f: {  	s12 =	sadd.s32 $0x1, s6;
	s6 =	rddreg [dreg:$0x16]  }
0x1a0: {  	p0 =	sne.s32 s12, s6  }
.Ltmp1:
0x1a1: {  	_ = 	snop;
	(pc) =	sbr.rel @p0 .LBB2_1-.Ltmp1, $3  }
0x1a2: {  	_ =	sdelay $0x1  }
0x1a3: {  	[sflag:s13] =	ssyncset.done $0x0  }
0x1a4: {  	[sflag:s13] =	ssyncadd.s32 $0xFFFFE790  }
0x1a5: {  	_ =	sfence.sel $0x180000  }
0x1a6: {  	[bflag:$0x0] =	sbarrier.arrive $0xFFFF  }
0x1a7: {  	_ =	strace $0x90000047  }
0x1a8: {  	s0 =	stileid.u32;
	[bflag:$0x2] =	sbarrier.arrive $0xFFFF  }
0x1a9: {  	p0 =	sne.s32 s0, $0x0;
	s0 =	rddreg [dreg:$0x4]  }
0x1aa: {  	s0 =	sadd.s32 @!p0 $0x100000, s0  }
0x1ab: {  	[sflag:s0] =	ssyncadd.tile.s32 @!p0 $0x1;
	_ =	shalt  }
.Lfunc_end2:
_tile_overlayer_lowered:
.L_overlay_start_2:
0x1ac: {  	(tag) =	ssettag $0x2  }
0x1ad: {  	s0 =	rddreg [dreg:$0x0];
	s2 =	stileid.u32  }
0x1ae: {  	s1 =	rddreg [dreg:$0x1];
	p0 =	sne.s32 s2, $0x0  }
0x1af: {  	s3 =	rddreg [dreg:$0x2];
	[bflag:$0x3] =	sbarrier.arrive $0xFFFF;
	s2 =	simm.s32 @!p0 $0x1C03  }
0x1b0: {  	[timem:s3], [sflag:s2] =	dma.local @!p0 [hbm:s0], s1  }
0x1b1: {  	s0 =	simm.s32 @!p0 $0x3  }
0x1b2: {  	_ =	swait.ge @!p0 [sflag:s0], s1  }
0x1b3: {  	s1 =	ssub.s32 @!p0 $0x0, s1;
	[sflag:s0] =	ssyncset.done @!p0 $0x0  }
0x1b4: {  	[sflag:s0] =	ssyncadd.s32 @!p0 s1  }
0x1b5: {  	[bflag:$0x3] =	sbarrier.arrive $0xFFFF  }
0x1b6: {  	_ =	shalt  }

// kernel: mpnn_roundT.4.cloned.1.call-start
scs
__scs_entry_jumppad:
0x0: {  	(pc) =	sbr.rel $0x88, $3  }
0x1: {  	(tag) =	ssettag $0x0;
	lr =	simm.s32 $0x1  }
0x2: {  	[smem:$0x3F9E] =	sst lr;
	_ =	strace $0xD0000000  }
0x3: {  	_ = 	snop  }
0x4: {  	_ = 	snop  }
0x5: {  	_ = 	snop  }
0x6: {  	_ = 	snop  }
0x7: {  	_ = 	snop  }
__scs_overlays_trampoline_lowered:
0x8: {  	[smem:$0x3FAD] =	sst s0  }
0x9: {  	[smem:$0x3FAE] =	sst s1  }
0xa: {  	[smem:$0x3FAF] =	sst s2  }
0xb: {  	[smem:$0x3FB0] =	sst s3  }
0xc: {  	[smem:$0x3FB1] =	sst s4  }
0xd: {  	[smem:$0x3FB2] =	sst s5  }
0xe: {  	[smem:$0x3FB3] =	sst s6  }
0xf: {  	[smem:$0x3FB4] =	sst s7  }
0x10: {  	[smem:$0x3FB5] =	sst s8  }
0x11: {  	[smem:$0x3FB6] =	sst s9;
	s0 =	simm.s32 @!p0 $0x0  }
0x12: {  	s1 =	sld [smem:$0x3F9C];
	s0 =	simm.s32 @p0 $0x1  }
0x13: {  	[smem:$0x3FB7] =	sst s0;
	s0 =	simm.s32 @!p1 $0x0  }
0x14: {  	s2 =	sld [smem:$0x3F9B];
	s0 =	simm.s32 @p1 $0x1  }
0x15: {  	[smem:$0x3FB8] =	sst s0;
	s0 =	simm.s32 @!p2 $0x0  }
0x16: {  	s3 =	sld [smem:$0x3FDB];
	s0 =	simm.s32 @p2 $0x1  }
0x17: {  	s4 =	simm.s32 $0x1BF5;
	[smem:$0x3FBA] =	sst s0  }
0x18: {  	s0 =	sld [smem:$0x3F9D];
	_ =	swait.ge [sflag:s4], $0x0  }
0x19: {  	s7 =	sld [smem:$0x3F9E]  }
0x1a: {  	s8 =	sadd.s32 $0xFFFFE003, lr  }
0x1b: {  	s9 =	sadd.s32 $0xFFFFFEF7, lr;
	s5 =	simm.s32 $0xFFFFFFFF;
	p2 =	slt.u32 s8, $0xFFFFF086  }
0x1c: {  	p1 =	slt.u32 s9, $0xF7A;
	s5 =	simm.s32 @!p2 $0x0  }
0x1d: {  	s5 =	simm.s32 @p1 $0x1;
	p0 =	seq.s32 s7, s2  }
0x1e: {  	s7 =	smul.u32 @!p0 $0xF7A, s2;
	p2 =	seq.s32 @!p0 s5, $0x0  }
0x1f: {  	s9 =	smul.u32 $0xF7A, s1;
	s8 =	simm.s32 @!p0 $0x1BF5;
	p2 =	por !p2, p0  }
0x20: {  	[sflag:s8] =	ssyncset.s32 @!p0 $0xFFFFF086;
	s6 =	sadd.s32 @!p0 s3, s7;
	s7 =	simm.s32 @!p0 $0x108  }
0x21: {  	s3 =	sadd.s32 s3, s9;
	s6 =	sadd.s32 @!p0 $0x88, s6;
	s7 =	simm.s32 @p2 $0x1082  }
0x22: {  	[simem:s7], [sflag:s8] =	dma.local @!p0 [hbm:s6], $0xF7A  }
0x23: {  	s9 =	sor.u32 $0xD0000000, s2;
	s6 =	simm.s32 $0x108;
	_ =	swait.ge @!p0 [sflag:s8], $0x0  }
0x24: {  	s3 =	sadd.s32 $0x88, s3;
	s6 =	simm.s32 @!p1 $0x1082;
	[sflag:s4] =	ssyncset.s32 $0xFFFFF086  }
0x25: {  	[simem:s6], [sflag:s4] =	dma.local [hbm:s3], $0xF7A  }
0x26: {  	[smem:$0x3F9E] =	sst s1;
	(tag) =	ssettag s2;
	_ =	strace s9  }
0x27: {  	s1 =	sld [smem:$0x3FAE]  }
0x28: {  	s2 =	sld [smem:$0x3FAF]  }
0x29: {  	s4 =	sld [smem:$0x3FB1]  }
0x2a: {  	p0 =	seq.s32 s5, $0x0;
	s5 =	sld [smem:$0x3FB2]  }
0x2b: {  	s6 =	sld [smem:$0x3FB3]  }
0x2c: {  	s7 =	sld [smem:$0x3FB4]  }
0x2d: {  	s3 =	simm.s32 $0x108;
	s8 =	sld [smem:$0x3FB5]  }
0x2e: {  	s3 =	simm.s32 @!p0 $0x1082;
	s9 =	sld [smem:$0x3FB6]  }
0x2f: {  	lr =	sadd.s32 s0, s3;
	s0 =	sld [smem:$0x3FAD]  }
0x30: {  	s3 =	sld [smem:$0x3FB0]  }
0x31: {  	[smem:$0x3FB9] =	sst s10  }
0x32: {  	s10 =	sld [smem:$0x3FB7];
	_ =	sdelay $0x3  }
0x33: {  	p0 =	seq.s32 s10, $0x1;
	s10 =	sld [smem:$0x3FB9];
	_ =	sdelay $0x3  }
0x34: {  	[smem:$0x3FB9] =	sst s10  }
0x35: {  	s10 =	sld [smem:$0x3FB8];
	_ =	sdelay $0x3  }
0x36: {  	p1 =	seq.s32 s10, $0x1;
	s10 =	sld [smem:$0x3FB9];
	_ =	sdelay $0x3  }
0x37: {  	[smem:$0x3FB9] =	sst s10  }
0x38: {  	s10 =	sld [smem:$0x3FBA]  }
0x39: {  	_ = 	snop;
	(pc) =	sbr.ind lr, $3  }
0x3a: {  	_ = 	snop  }
0x3b: {  	_ = 	snop  }
0x3c: {  	p2 =	seq.s32 s10, $0x1;
	s10 =	sld [smem:$0x3FB9]  }
0x3d: {  	_ =	shalt  }
0x3e: {  	_ =	shalt  }
0x3f: {  	_ =	shalt  }
0x40: {  	_ =	shalt  }
0x41: {  	_ =	shalt  }
0x42: {  	_ =	shalt  }
0x43: {  	_ =	shalt  }
0x44: {  	_ =	shalt  }
0x45: {  	_ =	shalt  }
0x46: {  	_ =	shalt  }
0x47: {  	_ =	shalt  }
0x48: {  	_ =	shalt  }
0x49: {  	_ =	shalt  }
0x4a: {  	_ =	shalt  }
0x4b: {  	_ =	shalt  }
0x4c: {  	_ =	shalt  }
0x4d: {  	_ =	shalt  }
0x4e: {  	_ =	shalt  }
0x4f: {  	_ =	shalt  }
0x50: {  	_ =	shalt  }
0x51: {  	_ =	shalt  }
0x52: {  	_ =	shalt  }
0x53: {  	_ =	shalt  }
0x54: {  	_ =	shalt  }
0x55: {  	_ =	shalt  }
0x56: {  	_ =	shalt  }
0x57: {  	_ =	shalt  }
0x58: {  	_ =	shalt  }
0x59: {  	_ =	shalt  }
0x5a: {  	_ =	shalt  }
0x5b: {  	_ =	shalt  }
0x5c: {  	_ =	shalt  }
0x5d: {  	_ =	shalt  }
0x5e: {  	_ =	shalt  }
0x5f: {  	_ =	shalt  }
0x60: {  	_ =	shalt  }
0x61: {  	_ =	shalt  }
0x62: {  	_ =	shalt  }
0x63: {  	_ =	shalt  }
0x64: {  	_ =	shalt  }
0x65: {  	_ =	shalt  }
0x66: {  	_ =	shalt  }
0x67: {  	_ =	shalt  }
0x68: {  	_ =	shalt  }
0x69: {  	_ =	shalt  }
0x6a: {  	_ =	shalt  }
0x6b: {  	_ =	shalt  }
0x6c: {  	_ =	shalt  }
0x6d: {  	_ =	shalt  }
0x6e: {  	_ =	shalt  }
0x6f: {  	_ =	shalt  }
0x70: {  	_ =	shalt  }
0x71: {  	_ =	shalt  }
0x72: {  	_ =	shalt  }
0x73: {  	_ =	shalt  }
0x74: {  	_ =	shalt  }
0x75: {  	_ =	shalt  }
0x76: {  	_ =	shalt  }
0x77: {  	_ =	shalt  }
0x78: {  	_ =	shalt  }
0x79: {  	_ =	shalt  }
0x7a: {  	_ =	shalt  }
0x7b: {  	_ =	shalt  }
0x7c: {  	_ =	shalt  }
0x7d: {  	_ =	shalt  }
0x7e: {  	_ =	shalt  }
0x7f: {  	_ =	shalt  }
0x80: {  	_ =	shalt  }
0x81: {  	_ =	shalt  }
0x82: {  	_ =	shalt  }
0x83: {  	_ =	shalt  }
0x84: {  	_ =	shalt  }
0x85: {  	_ =	shalt  }
0x86: {  	_ =	shalt  }
0x87: {  	_ =	shalt  }
.Lfunc_end0:
.L_simem_size_0:
called_computation.2_lowered:
.L_overlay_start_0:
0x88: {  	s2 =	sld [smem:$0x3FD9]  }
0x89: {  	s3 =	sld [smem:$0x3FFE];
	_ =	sdelay $0x1  }
0x8a: {  	s1 =	srdreg.scid  }
0x8b: {  	s0 =	sand.u32 $0x1, s1  }
0x8c: {  	s17 =	sshll.u32 s0, $0xA;
	s2 =	sadd.s32 s3, s2  }
0x8d: {  	s2 =	sadd.s32 s2, s17  }
0x8e: {  	[smem:$0x3FC5] =	sst s2  }
0x8f: {  	_ = 	snop  }
0x90: {  	s2 =	sld [smem:$0x3FD0];
	(tm) =	ssettm $0x1  }
0x91: {  	s18 =	sld [smem:$0x3FFB];
	_ =	sdelay $0x3  }
0x92: {  	_ =	strace s18  }
0x93: {  	s3 =	sld [smem:$0x3FFC];
	_ =	sdelay $0x3  }
0x94: {  	_ =	strace s3  }
0x95: {  	s3 =	sld [smem:$0x3FFD];
	_ =	sdelay $0x3  }
0x96: {  	_ =	strace s3  }
0x97: {  	_ =	strace $0x8FFFFFFF  }
0x98: {  	s19 =	sld [smem:$0x3FDB];
	_ =	sdelay $0x1  }
0x99: {  	s4 =	simm.s32 $_scs_section_size  }
0x9a: {  	s5 =	simm.s32 $_size__tile_overlayer_lowered;
	s6 =	simm.s32 $_tile_overlayer_lowered  }
0x9b: {  	s22 =	simm.s32 $0x1BFF;
	s21 =	sshll.u32 s6, $0x1;
	s3 =	sadd.s32 s4, s19  }
0x9c: {  	s7 =	simm.s32 $0x0;
	s20 =	sshll.u32 s5, $0x1;
	s5 =	sadd.s32 s21, s3  }
0x9d: {  	[timem:s7], [sflag:s22] =	dma.local [hbm:s5], s20  }
0x9e: {  	_ =	swait.ge [sflag:s22], s20  }
0x9f: {  	s4 =	ssub.s32 $0x0, s20;
	[sflag:s22] =	ssyncset.done $0x0  }
0xa0: {  	[sflag:s22] =	ssyncadd.s32 s4;
	_ =	sdelay $0x1  }
0xa1: {  	s23 =	simm.s32 $0x1B8B  }
0xa2: {  	_ =	swait.ge [sflag:s23], $0x1  }
0xa3: {  	[sflag:s23] =	ssyncset.done $0x0  }
0xa4: {  	s25 =	simm.s32 $0x1B8E;
	s24 =	sld [smem:$0x3FFE];
	[sflag:s23] =	ssyncadd.s32 $0xFFFFFFFF  }
0xa5: {  	s26 =	simm.s32 $execute0_lowered;
	[smem:$0x3FD2] =	sst s25  }
0xa6: {  	s5 =	sshll.u32 s26, $0x1;
	_ =	strace $0x80000049;
	[dreg:$0x1] =	wrdreg $0xFFFFFFFF  }
0xa7: {  	s28 =	simm.s32 $_size_execute0_lowered;
	s3 =	sadd.s32 s3, s5;
	[dreg:$0x0] =	wrdreg $0x0  }
0xa8: {  	s5 =	sshll.u32 s28, $0x1;
	[dreg:$0x2] =	wrdreg s3  }
0xa9: {  	[dreg:$0x3] =	wrdreg s5  }
0xaa: {  	[dreg:$0x4] =	wrdreg $0xC0  }
0xab: {  	_ =	task [dreg:s7], $0x5FFFF  }
0xac: {  	[dreg:$0x1] =	wrdreg $0xFFFFFFFF  }
0xad: {  	[dreg:$0x0] =	wrdreg $0x60  }
0xae: {  	[dreg:$0x2] =	wrdreg s24  }
0xaf: {  	[dreg:$0x3] =	wrdreg s2  }
0xb0: {  	[dreg:$0x4] =	wrdreg $0x48000  }
0xb1: {  	[dreg:$0x5] =	wrdreg $0x9  }
0xb2: {  	_ =	task.clear_ibuf [dreg:s7], $0x6FFFF;
	_ =	strace $0x90000049  }
0xb3: {  	s29 =	simm.s32 $0x9;
	_ =	strace $0x8000004B  }
0xb4: {  	_ =	swait.ge [sflag:s29], $0x1  }
0xb5: {  	[sflag:s29] =	ssyncadd.s32 $0xFFFFFFFF  }
0xb6: {  	_ =	strace $0x9000004B  }
0xb7: {  	_ =	sfence  }
0xb8: {  	s30 =	sld [smem:$0x0];
	_ =	sdelay $0x2  }
0xb9: {  	s31 =	sshll.u32 s1, $0xD;
	s1 =	sshrl.u32 s1, $0x2  }
0xba: {  	s3 =	sand.u32 $0x4000, s31;
	s1 =	sadd.s32 s1, s30  }
0xbb: {  	s0 =	sor.u32 s3, s0;
	s1 =	sshll.u32 s1, $0x11  }
0xbc: {  	s0 =	sor.u32 s1, s0  }
0xbd: {  	s0 =	sadd.s32 $0x8F2B, s0  }
0xbe: {  	[sflag:s0] =	ssyncadd.remote.s32 $0x1  }
0xbf: {  	_ =	sfence.sel $0xFFFF  }
0xc0: {  	[dreg:$0x0] =	wrdreg $0xFFFFFFFF;
	(pc) =	sbr.abs _section_cstart, $3  }
0xc1: {  	[dreg:$0x1] =	wrdreg $0xFFFFFFFF  }
0xc2: {  	_ =	task.clear_ibuf [dreg:s7], $0x2FFFF;
	_ =	strace $0x9FFFFFFF  }
0xc3: {  	(tm) =	ssettm $0x7FFFFFFF  }
tec
execute0_lowered:
.L_overlay_start_1:
0x0: {  	(tag) =	ssettag $0x1  }
0x1: {  	s0 =	rddreg [dreg:$0x0]  }
0x2: {  	s1 =	rddreg [dreg:$0x1]  }
0x3: {  	s2 =	rddreg [dreg:$0x2]  }
0x4: {  	s4 =	srdreg.scid;
	s10 =	stileid.u32;
	s3 =	simm.s32 $0x0  }
0x5: {  	s12 =	simm.s32 $0x800;
	s26 =	simm.s32 $0x100;
	s13 =	simm.s32 $0x1000  }
0x6: {  	s15 =	simm.s32 $0x1800;
	s16 =	simm.s32 $0x300;
	s17 =	simm.s32 $0x2000  }
0x7: {  	s18 =	simm.s32 $0x400;
	s19 =	simm.s32 $0x2800;
	s20 =	simm.s32 $0x500  }
0x8: {  	s28 =	simm.s32 $0x180;
	s29 =	simm.s32 $0x280;
	s30 =	simm.s32 $0x380  }
0x9: {  	s31 =	simm.s32 $0x480;
	s14 =	simm.s32 $0x0;
	s5 =	sand.u32 $0x1, s4  }
0xa: {  	s6 =	smul.u32 $0x18700, s10;
	[smem:$0x7FF] =	sst s3;
	s4 =	sadd.s32 $0x3000, s0  }
0xb: {  	s9 =	smul.u32 $0x18800, s10;
	s11 =	sadd.s32 $0x4C8A00, s0;
	s22 =	sshll.u32 s10, $0x6  }
0xc: {  	s10 =	simm.s32 $0x3;
	s7 =	smul.u32 $0x187000, s5;
	_ =	strace $0x8000004A  }
0xd: {  	s8 =	smul.u32 $0x188000, s5;
	s5 =	ssub.s32 $0x2, s5;
	[dreg:$0x6] =	wrdreg s11  }
0xe: {  	s11 =	simm.s32 $0x80;
	[dreg:$0x5] =	wrdreg s26;
	s21 =	sshrl.u32 s5, $0x1  }
0xf: {  	s26 =	simm.s32 $0x1;
	s7 =	sadd.s32 s6, s7;
	s5 =	ssub.s32 s5, s21  }
0x10: {  	s8 =	sadd.s32 s9, s8;
	s6 =	sadd.s32 s6, s2;
	s9 =	sor.u32 $0x1C03, s22  }
0x11: {  	s21 =	simm.s32 $0x3000;
	s22 =	simm.s32 $0x600;
	s7 =	sshrl.u32 s7, $0x3  }
0x12: {  	s23 =	sshrl.u32 s8, $0x3;
	s24 =	smax.u32 s5, $0x1;
	s8 =	sshrl.u32 s6, $0x3  }
0x13: {  	s5 =	simm.s32 $0x780;
	[dreg:$0x7] =	wrdreg s9;
	s0 =	sadd.s32 s7, s0  }
0x14: {  	[dreg:$0x9] =	wrdreg s24;
	s25 =	sadd.s32 s23, s1;
	s23 =	simm.s32 $0x3800  }
0x15: {  	s24 =	simm.s32 $0x700;
	s1 =	simm.s32 $0x680;
	[dreg:$0xa] =	wrdreg s8  }
0x16: {  	s7 =	simm.s32 $0x2;
	s0 =	sadd.s32 $0x6B1600, s0;
	[dreg:$0x4] =	wrdreg s25  }
0x17: {  	s25 =	simm.s32 $0x4000;
	[dreg:$0x8] =	wrdreg s0;
	s0 =	simm.s32 $0x580  }
.LBB2_1:
0x18: {  	[dreg:$0xb] =	wrdreg s14  }
0x19: {  	s6 =	rddreg [dreg:$0x6]  }
0x1a: {  	[spmem:s8], [sflag:s9] =	dma.local [hbm:s6], $0x30E0  }
0x1b: {  	_ =	swait.ge [sflag:s10], $0x30E0  }
0x1c: {  	[sflag:s10] =	ssyncset.done $0x0  }
0x1d: {  	[sflag:s10] =	ssyncadd.s32 $0xFFFFCF20  }
0x1e: {  	[bflag:$0x0] =	sbarrier.arrive $0xFFFF  }
0x1f: {  	s8 =	rddreg [dreg:$0x4]  }
0x20: {  	s6 =	sadd.s32 $0x0, s8  }
0x21: {  	[tilespmem:s3], [sflag:$0x3] =	stream.linear.gather [hbm4b:s6+s3], $0x800, $0x38;
	[tilespmem:$0x1CF00] =	vst v63  }
0x22: {  	_ =	swait.ge [sflag:s10], $0x800  }
0x23: {  	[sflag:s10] =	ssyncset.done $0x0  }
0x24: {  	[sflag:s10] =	ssyncadd.s32 $0xFFFFF800  }
0x25: {  	[tilespmem:s12], [sflag:$0x1] =	stream.indirect.gather [hbm4b:s4+s11], $0x10, s3, s11, $0xb8;
	[tilespmem:$0x1CF00] =	vst v63  }
0x26: {  	s9 =	rddreg [dreg:$0x5]  }
0x27: {  	[tilespmem:s13], [sflag:$0x1] =	stream.indirect.gather [hbm4b:s4+s11], $0x10, s9, s11, $0xb8;
	[tilespmem:$0x1CF00] =	vst v63  }
0x28: {  	s14 =	simm.s32 $0x200  }
0x29: {  	[tilespmem:s15], [sflag:$0x1] =	stream.indirect.gather [hbm4b:s4+s11], $0x10, s14, s11, $0xb8;
	[tilespmem:$0x1CF00] =	vst v63  }
0x2a: {  	_ = 	snop  }
0x2b: {  	[tilespmem:s17], [sflag:$0x1] =	stream.indirect.gather [hbm4b:s4+s11], $0x10, s16, s11, $0xb8;
	[tilespmem:$0x1CF00] =	vst v63  }
0x2c: {  	_ = 	snop  }
0x2d: {  	[tilespmem:s19], [sflag:$0x1] =	stream.indirect.gather [hbm4b:s4+s11], $0x10, s18, s11, $0xb8;
	[tilespmem:$0x1CF00] =	vst v63  }
0x2e: {  	_ = 	snop  }
0x2f: {  	[tilespmem:s21], [sflag:$0x1] =	stream.indirect.gather [hbm4b:s4+s11], $0x10, s20, s11, $0xb8;
	[tilespmem:$0x1CF00] =	vst v63  }
0x30: {  	_ = 	snop  }
0x31: {  	[tilespmem:s23], [sflag:$0x1] =	stream.indirect.gather [hbm4b:s4+s11], $0x10, s22, s11, $0xb8;
	[tilespmem:$0x1CF00] =	vst v63  }
0x32: {  	_ = 	snop  }
0x33: {  	[tilespmem:s25], [sflag:$0x1] =	stream.indirect.gather [hbm4b:s4+s11], $0x10, s24, s11, $0xb8;
	[tilespmem:$0x1CF00] =	vst v63  }
0x34: {  	_ =	swait.ge [sflag:s26], $0x800  }
0x35: {  	[sflag:s26] =	ssyncset.done $0x0  }
0x36: {  	[sflag:s26] =	ssyncadd.s32 $0xFFFFF800  }
0x37: {  	[spmem:s2] =	stream.indirect.scatter.add.f32 [tilespmem:s12], [sflag:$0x2], $0x10, s11, s11, $0xb8;
	[tilespmem:$0x1CF00] =	vst v63  }
0x38: {  	_ =	swait.ge [sflag:s26], $0x800  }
0x39: {  	[sflag:s26] =	ssyncset.done $0x0  }
0x3a: {  	[sflag:s26] =	ssyncadd.s32 $0xFFFFF800  }
0x3b: {  	[spmem:s2] =	stream.indirect.scatter.add.f32 [tilespmem:s13], [sflag:$0x2], $0x10, s28, s11, $0xb8;
	[tilespmem:$0x1CF00] =	vst v63  }
0x3c: {  	_ =	swait.ge [sflag:s26], $0x800  }
0x3d: {  	[sflag:s26] =	ssyncset.done $0x0  }
0x3e: {  	[sflag:s26] =	ssyncadd.s32 $0xFFFFF800  }
0x3f: {  	[spmem:s2] =	stream.indirect.scatter.add.f32 [tilespmem:s15], [sflag:$0x2], $0x10, s29, s11, $0xb8;
	[tilespmem:$0x1CF00] =	vst v63  }
0x40: {  	_ =	swait.ge [sflag:s26], $0x800  }
0x41: {  	[sflag:s26] =	ssyncset.done $0x0  }
0x42: {  	[sflag:s26] =	ssyncadd.s32 $0xFFFFF800  }
0x43: {  	[spmem:s2] =	stream.indirect.scatter.add.f32 [tilespmem:s17], [sflag:$0x2], $0x10, s30, s11, $0xb8;
	[tilespmem:$0x1CF00] =	vst v63  }
0x44: {  	_ =	swait.ge [sflag:s26], $0x800  }
0x45: {  	[sflag:s26] =	ssyncset.done $0x0  }
0x46: {  	[sflag:s26] =	ssyncadd.s32 $0xFFFFF800  }
0x47: {  	[spmem:s2] =	stream.indirect.scatter.add.f32 [tilespmem:s19], [sflag:$0x2], $0x10, s31, s11, $0xb8;
	[tilespmem:$0x1CF00] =	vst v63  }
0x48: {  	_ =	swait.ge [sflag:s26], $0x800  }
0x49: {  	[sflag:s26] =	ssyncset.done $0x0  }
0x4a: {  	[sflag:s26] =	ssyncadd.s32 $0xFFFFF800  }
0x4b: {  	[spmem:s2] =	stream.indirect.scatter.add.f32 [tilespmem:s21], [sflag:$0x2], $0x10, s0, s11, $0xb8;
	[tilespmem:$0x1CF00] =	vst v63  }
0x4c: {  	_ =	swait.ge [sflag:s26], $0x800  }
0x4d: {  	[sflag:s26] =	ssyncset.done $0x0  }
0x4e: {  	[sflag:s26] =	ssyncadd.s32 $0xFFFFF800  }
0x4f: {  	[spmem:s2] =	stream.indirect.scatter.add.f32 [tilespmem:s23], [sflag:$0x2], $0x10, s1, s11, $0xb8;
	[tilespmem:$0x1CF00] =	vst v63  }
0x50: {  	_ =	swait.ge [sflag:s26], $0x800  }
0x51: {  	[sflag:s26] =	ssyncset.done $0x0  }
0x52: {  	[sflag:s26] =	ssyncadd.s32 $0xFFFFF800  }
0x53: {  	[spmem:s2] =	stream.indirect.scatter.add.f32 [tilespmem:s25], [sflag:$0x2], $0x10, s5, s11, $0xb8;
	[tilespmem:$0x1CF00] =	vst v63  }
0x54: {  	_ =	swait.ge [sflag:s7], $0x800  }
0x55: {  	[sflag:s7] =	ssyncset.done $0x0  }
0x56: {  	[sflag:s7] =	ssyncadd.s32 $0xFFFFF800  }
0x57: {  	_ =	swait.ge [sflag:s7], $0x800  }
0x58: {  	[sflag:s7] =	ssyncset.done $0x0  }
0x59: {  	[sflag:s7] =	ssyncadd.s32 $0xFFFFF800  }
0x5a: {  	_ =	swait.ge [sflag:s7], $0x800  }
0x5b: {  	[sflag:s7] =	ssyncset.done $0x0  }
0x5c: {  	[sflag:s7] =	ssyncadd.s32 $0xFFFFF800  }
0x5d: {  	_ =	swait.ge [sflag:s7], $0x800  }
0x5e: {  	[sflag:s7] =	ssyncset.done $0x0  }
0x5f: {  	[sflag:s7] =	ssyncadd.s32 $0xFFFFF800  }
0x60: {  	_ =	swait.ge [sflag:s7], $0x800  }
0x61: {  	[sflag:s7] =	ssyncset.done $0x0  }
0x62: {  	[sflag:s7] =	ssyncadd.s32 $0xFFFFF800  }
0x63: {  	_ =	swait.ge [sflag:s7], $0x800  }
0x64: {  	[sflag:s7] =	ssyncset.done $0x0  }
0x65: {  	[sflag:s7] =	ssyncadd.s32 $0xFFFFF800  }
0x66: {  	_ =	swait.ge [sflag:s7], $0x800  }
0x67: {  	[sflag:s7] =	ssyncset.done $0x0  }
0x68: {  	[sflag:s7] =	ssyncadd.s32 $0xFFFFF800  }
0x69: {  	s6 =	simm.s32 $0x100;
	_ =	swait.ge [sflag:s7], $0x800  }
0x6a: {  	s9 =	simm.s32 $0x200;
	s8 =	rddreg [dreg:$0x4];
	[sflag:s7] =	ssyncset.done $0x0  }
.LBB2_2:
0x6b: {  	[sflag:s7] =	ssyncadd.s32 $0xFFFFF800;
	s8 =	sadd.s32 s6, s8  }
0x6c: {  	[tilespmem:s3], [sflag:$0x3] =	stream.linear.gather [hbm4b:s8+s3], $0x800, $0x38;
	[tilespmem:$0x1CF00] =	vst v63  }
0x6d: {  	_ =	swait.ge [sflag:s10], $0x800  }
0x6e: {  	[sflag:s10] =	ssyncset.done $0x0  }
0x6f: {  	s14 =	smov.u32 s9;
	[sflag:s10] =	ssyncadd.s32 $0xFFFFF800  }
0x70: {  	[tilespmem:s12], [sflag:$0x1] =	stream.indirect.gather [hbm4b:s4+s11], $0x10, s3, s11, $0xb8;
	[tilespmem:$0x1CF00] =	vst v63  }
0x71: {  	s6 =	smov.u32 s14;
	s14 =	rddreg [dreg:$0x5]  }
0x72: {  	[tilespmem:s13], [sflag:$0x1] =	stream.indirect.gather [hbm4b:s4+s11], $0x10, s14, s11, $0xb8;
	[tilespmem:$0x1CF00] =	vst v63  }
0x73: {  	s14 =	simm.s32 $0x200  }
0x74: {  	[tilespmem:s15], [sflag:$0x1] =	stream.indirect.gather [hbm4b:s4+s11], $0x10, s14, s11, $0xb8;
	[tilespmem:$0x1CF00] =	vst v63  }
0x75: {  	_ = 	snop  }
0x76: {  	[tilespmem:s17], [sflag:$0x1] =	stream.indirect.gather [hbm4b:s4+s11], $0x10, s16, s11, $0xb8;
	[tilespmem:$0x1CF00] =	vst v63  }
0x77: {  	_ = 	snop  }
0x78: {  	[tilespmem:s19], [sflag:$0x1] =	stream.indirect.gather [hbm4b:s4+s11], $0x10, s18, s11, $0xb8;
	[tilespmem:$0x1CF00] =	vst v63  }
0x79: {  	_ = 	snop  }
0x7a: {  	[tilespmem:s21], [sflag:$0x1] =	stream.indirect.gather [hbm4b:s4+s11], $0x10, s20, s11, $0xb8;
	[tilespmem:$0x1CF00] =	vst v63  }
0x7b: {  	_ = 	snop  }
0x7c: {  	[tilespmem:s23], [sflag:$0x1] =	stream.indirect.gather [hbm4b:s4+s11], $0x10, s22, s11, $0xb8;
	[tilespmem:$0x1CF00] =	vst v63  }
0x7d: {  	_ = 	snop  }
0x7e: {  	[tilespmem:s25], [sflag:$0x1] =	stream.indirect.gather [hbm4b:s4+s11], $0x10, s24, s11, $0xb8;
	[tilespmem:$0x1CF00] =	vst v63  }
0x7f: {  	_ =	swait.ge [sflag:s26], $0x800  }
0x80: {  	[sflag:s26] =	ssyncset.done $0x0  }
0x81: {  	[sflag:s26] =	ssyncadd.s32 $0xFFFFF800  }
0x82: {  	[spmem:s2] =	stream.indirect.scatter.add.f32 [tilespmem:s12], [sflag:$0x2], $0x10, s11, s11, $0xb8;
	[tilespmem:$0x1CF00] =	vst v63  }
0x83: {  	_ =	swait.ge [sflag:s26], $0x800  }
0x84: {  	[sflag:s26] =	ssyncset.done $0x0  }
0x85: {  	[sflag:s26] =	ssyncadd.s32 $0xFFFFF800  }
0x86: {  	[spmem:s2] =	stream.indirect.scatter.add.f32 [tilespmem:s13], [sflag:$0x2], $0x10, s28, s11, $0xb8;
	[tilespmem:$0x1CF00] =	vst v63  }
0x87: {  	_ =	swait.ge [sflag:s26], $0x800  }
0x88: {  	[sflag:s26] =	ssyncset.done $0x0  }
0x89: {  	[sflag:s26] =	ssyncadd.s32 $0xFFFFF800  }
0x8a: {  	[spmem:s2] =	stream.indirect.scatter.add.f32 [tilespmem:s15], [sflag:$0x2], $0x10, s29, s11, $0xb8;
	[tilespmem:$0x1CF00] =	vst v63  }
0x8b: {  	_ =	swait.ge [sflag:s26], $0x800  }
0x8c: {  	[sflag:s26] =	ssyncset.done $0x0  }
0x8d: {  	[sflag:s26] =	ssyncadd.s32 $0xFFFFF800  }
0x8e: {  	[spmem:s2] =	stream.indirect.scatter.add.f32 [tilespmem:s17], [sflag:$0x2], $0x10, s30, s11, $0xb8;
	[tilespmem:$0x1CF00] =	vst v63  }
0x8f: {  	_ =	swait.ge [sflag:s26], $0x800  }
0x90: {  	[sflag:s26] =	ssyncset.done $0x0  }
0x91: {  	[sflag:s26] =	ssyncadd.s32 $0xFFFFF800  }
0x92: {  	[spmem:s2] =	stream.indirect.scatter.add.f32 [tilespmem:s19], [sflag:$0x2], $0x10, s31, s11, $0xb8;
	[tilespmem:$0x1CF00] =	vst v63  }
0x93: {  	_ =	swait.ge [sflag:s26], $0x800  }
0x94: {  	[sflag:s26] =	ssyncset.done $0x0  }
0x95: {  	[sflag:s26] =	ssyncadd.s32 $0xFFFFF800  }
0x96: {  	[spmem:s2] =	stream.indirect.scatter.add.f32 [tilespmem:s21], [sflag:$0x2], $0x10, s0, s11, $0xb8;
	[tilespmem:$0x1CF00] =	vst v63  }
0x97: {  	_ =	swait.ge [sflag:s26], $0x800  }
0x98: {  	[sflag:s26] =	ssyncset.done $0x0  }
0x99: {  	[sflag:s26] =	ssyncadd.s32 $0xFFFFF800  }
0x9a: {  	[spmem:s2] =	stream.indirect.scatter.add.f32 [tilespmem:s23], [sflag:$0x2], $0x10, s1, s11, $0xb8;
	[tilespmem:$0x1CF00] =	vst v63  }
0x9b: {  	_ =	swait.ge [sflag:s26], $0x800  }
0x9c: {  	[sflag:s26] =	ssyncset.done $0x0  }
0x9d: {  	[sflag:s26] =	ssyncadd.s32 $0xFFFFF800  }
0x9e: {  	[spmem:s2] =	stream.indirect.scatter.add.f32 [tilespmem:s25], [sflag:$0x2], $0x10, s5, s11, $0xb8;
	[tilespmem:$0x1CF00] =	vst v63  }
0x9f: {  	_ =	swait.ge [sflag:s7], $0x800  }
0xa0: {  	[sflag:s7] =	ssyncset.done $0x0  }
0xa1: {  	[sflag:s7] =	ssyncadd.s32 $0xFFFFF800  }
0xa2: {  	_ =	swait.ge [sflag:s7], $0x800  }
0xa3: {  	[sflag:s7] =	ssyncset.done $0x0  }
0xa4: {  	[sflag:s7] =	ssyncadd.s32 $0xFFFFF800  }
0xa5: {  	_ =	swait.ge [sflag:s7], $0x800  }
0xa6: {  	[sflag:s7] =	ssyncset.done $0x0  }
0xa7: {  	[sflag:s7] =	ssyncadd.s32 $0xFFFFF800  }
0xa8: {  	_ =	swait.ge [sflag:s7], $0x800  }
0xa9: {  	[sflag:s7] =	ssyncset.done $0x0  }
0xaa: {  	[sflag:s7] =	ssyncadd.s32 $0xFFFFF800  }
0xab: {  	_ =	swait.ge [sflag:s7], $0x800  }
0xac: {  	[sflag:s7] =	ssyncset.done $0x0  }
0xad: {  	[sflag:s7] =	ssyncadd.s32 $0xFFFFF800  }
0xae: {  	_ =	swait.ge [sflag:s7], $0x800  }
0xaf: {  	[sflag:s7] =	ssyncset.done $0x0  }
0xb0: {  	p0 =	sne.s32 s9, $0x3000;
	[sflag:s7] =	ssyncadd.s32 $0xFFFFF800  }
.Ltmp0:
0xb1: {  	_ =	swait.ge [sflag:s7], $0x800;
	(pc) =	sbr.rel @p0 .LBB2_2-.Ltmp0, $4  }
0xb2: {  	[sflag:s7] =	ssyncset.done $0x0  }
0xb3: {  	[sflag:s7] =	ssyncadd.s32 $0xFFFFF800  }
0xb4: {  	_ =	swait.ge [sflag:s7], $0x800  }
0xb5: {  	s9 =	sadd.s32 $0x100, s9;
	s8 =	rddreg [dreg:$0x4];
	[sflag:s7] =	ssyncset.done $0x0  }
0xb6: {  	s6 =	sadd.s32 s6, s8;
	[sflag:s7] =	ssyncadd.s32 $0xFFFFF800  }
0xb7: {  	[tilespmem:s3], [sflag:$0x3] =	stream.linear.gather [hbm4b:s6+s3], $0x800, $0x38;
	[tilespmem:$0x1CF00] =	vst v63  }
0xb8: {  	_ =	swait.ge [sflag:s10], $0x800  }
0xb9: {  	[sflag:s10] =	ssyncset.done $0x0  }
0xba: {  	[sflag:s10] =	ssyncadd.s32 $0xFFFFF800  }
0xbb: {  	[tilespmem:s12], [sflag:$0x1] =	stream.indirect.gather [hbm4b:s4+s11], $0x10, s3, s11, $0xb8;
	[tilespmem:$0x1CF00] =	vst v63  }
0xbc: {  	s8 =	rddreg [dreg:$0x5]  }
0xbd: {  	[tilespmem:s13], [sflag:$0x1] =	stream.indirect.gather [hbm4b:s4+s11], $0x10, s8, s11, $0xb8;
	[tilespmem:$0x1CF00] =	vst v63  }
0xbe: {  	s9 =	simm.s32 $0x200  }
0xbf: {  	[tilespmem:s15], [sflag:$0x1] =	stream.indirect.gather [hbm4b:s4+s11], $0x10, s9, s11, $0xb8;
	[tilespmem:$0x1CF00] =	vst v63  }
0xc0: {  	_ = 	snop  }
0xc1: {  	[tilespmem:s17], [sflag:$0x1] =	stream.indirect.gather [hbm4b:s4+s11], $0x10, s16, s11, $0xb8;
	[tilespmem:$0x1CF00] =	vst v63  }
0xc2: {  	_ = 	snop  }
0xc3: {  	[tilespmem:s19], [sflag:$0x1] =	stream.indirect.gather [hbm4b:s4+s11], $0x10, s18, s11, $0xb8;
	[tilespmem:$0x1CF00] =	vst v63  }
0xc4: {  	_ = 	snop  }
0xc5: {  	[tilespmem:s21], [sflag:$0x1] =	stream.indirect.gather [hbm4b:s4+s11], $0x10, s20, s11, $0xb8;
	[tilespmem:$0x1CF00] =	vst v63  }
0xc6: {  	_ = 	snop  }
0xc7: {  	[tilespmem:s23], [sflag:$0x1] =	stream.indirect.gather [hbm4b:s4+s11], $0x10, s22, s11, $0xb8;
	[tilespmem:$0x1CF00] =	vst v63  }
0xc8: {  	_ = 	snop  }
0xc9: {  	[tilespmem:s25], [sflag:$0x1] =	stream.indirect.gather [hbm4b:s4+s11], $0x10, s24, s11, $0xb8;
	[tilespmem:$0x1CF00] =	vst v63  }
0xca: {  	_ =	swait.ge [sflag:s26], $0x800  }
0xcb: {  	[sflag:s26] =	ssyncset.done $0x0  }
0xcc: {  	[sflag:s26] =	ssyncadd.s32 $0xFFFFF800  }
0xcd: {  	[spmem:s2] =	stream.indirect.scatter.add.f32 [tilespmem:s12], [sflag:$0x2], $0x10, s11, s11, $0xb8;
	[tilespmem:$0x1CF00] =	vst v63  }
0xce: {  	_ =	swait.ge [sflag:s26], $0x800  }
0xcf: {  	[sflag:s26] =	ssyncset.done $0x0  }
0xd0: {  	[sflag:s26] =	ssyncadd.s32 $0xFFFFF800  }
0xd1: {  	[spmem:s2] =	stream.indirect.scatter.add.f32 [tilespmem:s13], [sflag:$0x2], $0x10, s28, s11, $0xb8;
	[tilespmem:$0x1CF00] =	vst v63  }
0xd2: {  	_ =	swait.ge [sflag:s26], $0x800  }
0xd3: {  	[sflag:s26] =	ssyncset.done $0x0  }
0xd4: {  	[sflag:s26] =	ssyncadd.s32 $0xFFFFF800  }
0xd5: {  	[spmem:s2] =	stream.indirect.scatter.add.f32 [tilespmem:s15], [sflag:$0x2], $0x10, s29, s11, $0xb8;
	[tilespmem:$0x1CF00] =	vst v63  }
0xd6: {  	_ =	swait.ge [sflag:s26], $0x800  }
0xd7: {  	[sflag:s26] =	ssyncset.done $0x0  }
0xd8: {  	[sflag:s26] =	ssyncadd.s32 $0xFFFFF800  }
0xd9: {  	[spmem:s2] =	stream.indirect.scatter.add.f32 [tilespmem:s17], [sflag:$0x2], $0x10, s30, s11, $0xb8;
	[tilespmem:$0x1CF00] =	vst v63  }
0xda: {  	_ =	swait.ge [sflag:s26], $0x800  }
0xdb: {  	[sflag:s26] =	ssyncset.done $0x0  }
0xdc: {  	[sflag:s26] =	ssyncadd.s32 $0xFFFFF800  }
0xdd: {  	[spmem:s2] =	stream.indirect.scatter.add.f32 [tilespmem:s19], [sflag:$0x2], $0x10, s31, s11, $0xb8;
	[tilespmem:$0x1CF00] =	vst v63  }
0xde: {  	_ =	swait.ge [sflag:s26], $0x800  }
0xdf: {  	[sflag:s26] =	ssyncset.done $0x0  }
0xe0: {  	[sflag:s26] =	ssyncadd.s32 $0xFFFFF800  }
0xe1: {  	[spmem:s2] =	stream.indirect.scatter.add.f32 [tilespmem:s21], [sflag:$0x2], $0x10, s0, s11, $0xb8;
	[tilespmem:$0x1CF00] =	vst v63  }
0xe2: {  	_ =	swait.ge [sflag:s26], $0x800  }
0xe3: {  	[sflag:s26] =	ssyncset.done $0x0  }
0xe4: {  	[sflag:s26] =	ssyncadd.s32 $0xFFFFF800  }
0xe5: {  	[spmem:s2] =	stream.indirect.scatter.add.f32 [tilespmem:s23], [sflag:$0x2], $0x10, s1, s11, $0xb8;
	[tilespmem:$0x1CF00] =	vst v63  }
0xe6: {  	_ =	swait.ge [sflag:s26], $0x800  }
0xe7: {  	[sflag:s26] =	ssyncset.done $0x0  }
0xe8: {  	[sflag:s26] =	ssyncadd.s32 $0xFFFFF800  }
0xe9: {  	[spmem:s2] =	stream.indirect.scatter.add.f32 [tilespmem:s25], [sflag:$0x2], $0x10, s5, s11, $0xb8;
	[tilespmem:$0x1CF00] =	vst v63  }
0xea: {  	_ =	swait.ge [sflag:s7], $0x800  }
0xeb: {  	[sflag:s7] =	ssyncset.done $0x0  }
0xec: {  	[sflag:s7] =	ssyncadd.s32 $0xFFFFF800  }
0xed: {  	_ =	swait.ge [sflag:s7], $0x800  }
0xee: {  	[sflag:s7] =	ssyncset.done $0x0  }
0xef: {  	[sflag:s7] =	ssyncadd.s32 $0xFFFFF800  }
0xf0: {  	_ =	swait.ge [sflag:s7], $0x800  }
0xf1: {  	[sflag:s7] =	ssyncset.done $0x0  }
0xf2: {  	[sflag:s7] =	ssyncadd.s32 $0xFFFFF800  }
0xf3: {  	_ =	swait.ge [sflag:s7], $0x800  }
0xf4: {  	[sflag:s7] =	ssyncset.done $0x0  }
0xf5: {  	[sflag:s7] =	ssyncadd.s32 $0xFFFFF800  }
0xf6: {  	_ =	swait.ge [sflag:s7], $0x800  }
0xf7: {  	[sflag:s7] =	ssyncset.done $0x0  }
0xf8: {  	[sflag:s7] =	ssyncadd.s32 $0xFFFFF800  }
0xf9: {  	_ =	swait.ge [sflag:s7], $0x800  }
0xfa: {  	[sflag:s7] =	ssyncset.done $0x0  }
0xfb: {  	[sflag:s7] =	ssyncadd.s32 $0xFFFFF800  }
0xfc: {  	_ =	swait.ge [sflag:s7], $0x800  }
0xfd: {  	[sflag:s7] =	ssyncset.done $0x0  }
0xfe: {  	[sflag:s7] =	ssyncadd.s32 $0xFFFFF800  }
0xff: {  	_ =	swait.ge [sflag:s7], $0x800  }
0x100: {  	[sflag:s7] =	ssyncset.done $0x0  }
0x101: {  	[sflag:s7] =	ssyncadd.s32 $0xFFFFF800  }
0x102: {  	[bflag:$0x0] =	sbarrier.arrive $0xFFFF  }
0x103: {  	s9 =	rddreg [dreg:$0x7]  }
0x104: {  	s14 =	rddreg [dreg:$0x8]  }
0x105: {  	s8 =	rddreg [dreg:$0xa]  }
0x106: {  	[hbm:s14], [sflag:s9] =	dma.local [spmem:s8], $0x30E0  }
0x107: {  	_ =	swait.ge [sflag:s10], $0x30E0  }
0x108: {  	s14 =	rddreg [dreg:$0xb]  }
0x109: {  	s6 =	rddreg [dreg:$0x9];
	s14 =	sadd.s32 $0x1, s14  }
0x10a: {  	p0 =	sne.s32 s14, s6  }
.Ltmp1:
0x10b: {  	_ = 	snop;
	(pc) =	sbr.rel @p0 .LBB2_1-.Ltmp1, $3  }
0x10c: {  	_ =	sdelay $0x1  }
0x10d: {  	[sflag:s10] =	ssyncset.done $0x0  }
0x10e: {  	[sflag:s10] =	ssyncadd.s32 $0xFFFFCF20  }
0x10f: {  	_ =	sfence.sel $0x180000  }
0x110: {  	[bflag:$0x0] =	sbarrier.arrive $0xFFFF  }
0x111: {  	_ =	strace $0x9000004A  }
0x112: {  	s0 =	stileid.u32;
	[bflag:$0x2] =	sbarrier.arrive $0xFFFF  }
0x113: {  	p0 =	sne.s32 s0, $0x0;
	s0 =	rddreg [dreg:$0x3]  }
0x114: {  	s0 =	sadd.s32 @!p0 $0x100000, s0  }
0x115: {  	[sflag:s0] =	ssyncadd.tile.s32 @!p0 $0x1;
	_ =	shalt  }
.Lfunc_end2:
_tile_overlayer_lowered:
.L_overlay_start_2:
0x116: {  	(tag) =	ssettag $0x2  }
0x117: {  	s0 =	rddreg [dreg:$0x0];
	s2 =	stileid.u32  }
0x118: {  	s1 =	rddreg [dreg:$0x1];
	p0 =	sne.s32 s2, $0x0  }
0x119: {  	s3 =	rddreg [dreg:$0x2];
	[bflag:$0x3] =	sbarrier.arrive $0xFFFF;
	s2 =	simm.s32 @!p0 $0x1C03  }
0x11a: {  	[timem:s3], [sflag:s2] =	dma.local @!p0 [hbm:s0], s1  }
0x11b: {  	s0 =	simm.s32 @!p0 $0x3  }
0x11c: {  	_ =	swait.ge @!p0 [sflag:s0], s1  }
0x11d: {  	s1 =	ssub.s32 @!p0 $0x0, s1;
	[sflag:s0] =	ssyncset.done @!p0 $0x0  }
0x11e: {  	[sflag:s0] =	ssyncadd.s32 @!p0 s1  }
0x11f: {  	[bflag:$0x3] =	sbarrier.arrive $0xFFFF  }
0x120: {  	_ =	shalt  }

// kernel: mpnn_roundT.7.cloned.1.call-start
scs
__scs_entry_jumppad:
0x0: {  	(pc) =	sbr.rel $0x88, $3  }
0x1: {  	(tag) =	ssettag $0x0;
	lr =	simm.s32 $0x1  }
0x2: {  	[smem:$0x3F9E] =	sst lr;
	_ =	strace $0xD0000000  }
0x3: {  	_ = 	snop  }
0x4: {  	_ = 	snop  }
0x5: {  	_ = 	snop  }
0x6: {  	_ = 	snop  }
0x7: {  	_ = 	snop  }
__scs_overlays_trampoline_lowered:
0x8: {  	[smem:$0x3FAD] =	sst s0  }
0x9: {  	[smem:$0x3FAE] =	sst s1  }
0xa: {  	[smem:$0x3FAF] =	sst s2  }
0xb: {  	[smem:$0x3FB0] =	sst s3  }
0xc: {  	[smem:$0x3FB1] =	sst s4  }
0xd: {  	[smem:$0x3FB2] =	sst s5  }
0xe: {  	[smem:$0x3FB3] =	sst s6  }
0xf: {  	[smem:$0x3FB4] =	sst s7  }
0x10: {  	[smem:$0x3FB5] =	sst s8  }
0x11: {  	[smem:$0x3FB6] =	sst s9;
	s0 =	simm.s32 @!p0 $0x0  }
0x12: {  	s1 =	sld [smem:$0x3F9C];
	s0 =	simm.s32 @p0 $0x1  }
0x13: {  	[smem:$0x3FB7] =	sst s0;
	s0 =	simm.s32 @!p1 $0x0  }
0x14: {  	s2 =	sld [smem:$0x3F9B];
	s0 =	simm.s32 @p1 $0x1  }
0x15: {  	[smem:$0x3FB8] =	sst s0;
	s0 =	simm.s32 @!p2 $0x0  }
0x16: {  	s3 =	sld [smem:$0x3FDB];
	s0 =	simm.s32 @p2 $0x1  }
0x17: {  	s4 =	simm.s32 $0x1BF5;
	[smem:$0x3FBA] =	sst s0  }
0x18: {  	s0 =	sld [smem:$0x3F9D];
	_ =	swait.ge [sflag:s4], $0x0  }
0x19: {  	s7 =	sld [smem:$0x3F9E]  }
0x1a: {  	s8 =	sadd.s32 $0xFFFFE003, lr  }
0x1b: {  	s9 =	sadd.s32 $0xFFFFFEF7, lr;
	s5 =	simm.s32 $0xFFFFFFFF;
	p2 =	slt.u32 s8, $0xFFFFF086  }
0x1c: {  	p1 =	slt.u32 s9, $0xF7A;
	s5 =	simm.s32 @!p2 $0x0  }
0x1d: {  	s5 =	simm.s32 @p1 $0x1;
	p0 =	seq.s32 s7, s2  }
0x1e: {  	s7 =	smul.u32 @!p0 $0xF7A, s2;
	p2 =	seq.s32 @!p0 s5, $0x0  }
0x1f: {  	s9 =	smul.u32 $0xF7A, s1;
	s8 =	simm.s32 @!p0 $0x1BF5;
	p2 =	por !p2, p0  }
0x20: {  	[sflag:s8] =	ssyncset.s32 @!p0 $0xFFFFF086;
	s6 =	sadd.s32 @!p0 s3, s7;
	s7 =	simm.s32 @!p0 $0x108  }
0x21: {  	s3 =	sadd.s32 s3, s9;
	s6 =	sadd.s32 @!p0 $0x88, s6;
	s7 =	simm.s32 @p2 $0x1082  }
0x22: {  	[simem:s7], [sflag:s8] =	dma.local @!p0 [hbm:s6], $0xF7A  }
0x23: {  	s9 =	sor.u32 $0xD0000000, s2;
	s6 =	simm.s32 $0x108;
	_ =	swait.ge @!p0 [sflag:s8], $0x0  }
0x24: {  	s3 =	sadd.s32 $0x88, s3;
	s6 =	simm.s32 @!p1 $0x1082;
	[sflag:s4] =	ssyncset.s32 $0xFFFFF086  }
0x25: {  	[simem:s6], [sflag:s4] =	dma.local [hbm:s3], $0xF7A  }
0x26: {  	[smem:$0x3F9E] =	sst s1;
	(tag) =	ssettag s2;
	_ =	strace s9  }
0x27: {  	s1 =	sld [smem:$0x3FAE]  }
0x28: {  	s2 =	sld [smem:$0x3FAF]  }
0x29: {  	s4 =	sld [smem:$0x3FB1]  }
0x2a: {  	p0 =	seq.s32 s5, $0x0;
	s5 =	sld [smem:$0x3FB2]  }
0x2b: {  	s6 =	sld [smem:$0x3FB3]  }
0x2c: {  	s7 =	sld [smem:$0x3FB4]  }
0x2d: {  	s3 =	simm.s32 $0x108;
	s8 =	sld [smem:$0x3FB5]  }
0x2e: {  	s3 =	simm.s32 @!p0 $0x1082;
	s9 =	sld [smem:$0x3FB6]  }
0x2f: {  	lr =	sadd.s32 s0, s3;
	s0 =	sld [smem:$0x3FAD]  }
0x30: {  	s3 =	sld [smem:$0x3FB0]  }
0x31: {  	[smem:$0x3FB9] =	sst s10  }
0x32: {  	s10 =	sld [smem:$0x3FB7];
	_ =	sdelay $0x3  }
0x33: {  	p0 =	seq.s32 s10, $0x1;
	s10 =	sld [smem:$0x3FB9];
	_ =	sdelay $0x3  }
0x34: {  	[smem:$0x3FB9] =	sst s10  }
0x35: {  	s10 =	sld [smem:$0x3FB8];
	_ =	sdelay $0x3  }
0x36: {  	p1 =	seq.s32 s10, $0x1;
	s10 =	sld [smem:$0x3FB9];
	_ =	sdelay $0x3  }
0x37: {  	[smem:$0x3FB9] =	sst s10  }
0x38: {  	s10 =	sld [smem:$0x3FBA]  }
0x39: {  	_ = 	snop;
	(pc) =	sbr.ind lr, $3  }
0x3a: {  	_ = 	snop  }
0x3b: {  	_ = 	snop  }
0x3c: {  	p2 =	seq.s32 s10, $0x1;
	s10 =	sld [smem:$0x3FB9]  }
0x3d: {  	_ =	shalt  }
0x3e: {  	_ =	shalt  }
0x3f: {  	_ =	shalt  }
0x40: {  	_ =	shalt  }
0x41: {  	_ =	shalt  }
0x42: {  	_ =	shalt  }
0x43: {  	_ =	shalt  }
0x44: {  	_ =	shalt  }
0x45: {  	_ =	shalt  }
0x46: {  	_ =	shalt  }
0x47: {  	_ =	shalt  }
0x48: {  	_ =	shalt  }
0x49: {  	_ =	shalt  }
0x4a: {  	_ =	shalt  }
0x4b: {  	_ =	shalt  }
0x4c: {  	_ =	shalt  }
0x4d: {  	_ =	shalt  }
0x4e: {  	_ =	shalt  }
0x4f: {  	_ =	shalt  }
0x50: {  	_ =	shalt  }
0x51: {  	_ =	shalt  }
0x52: {  	_ =	shalt  }
0x53: {  	_ =	shalt  }
0x54: {  	_ =	shalt  }
0x55: {  	_ =	shalt  }
0x56: {  	_ =	shalt  }
0x57: {  	_ =	shalt  }
0x58: {  	_ =	shalt  }
0x59: {  	_ =	shalt  }
0x5a: {  	_ =	shalt  }
0x5b: {  	_ =	shalt  }
0x5c: {  	_ =	shalt  }
0x5d: {  	_ =	shalt  }
0x5e: {  	_ =	shalt  }
0x5f: {  	_ =	shalt  }
0x60: {  	_ =	shalt  }
0x61: {  	_ =	shalt  }
0x62: {  	_ =	shalt  }
0x63: {  	_ =	shalt  }
0x64: {  	_ =	shalt  }
0x65: {  	_ =	shalt  }
0x66: {  	_ =	shalt  }
0x67: {  	_ =	shalt  }
0x68: {  	_ =	shalt  }
0x69: {  	_ =	shalt  }
0x6a: {  	_ =	shalt  }
0x6b: {  	_ =	shalt  }
0x6c: {  	_ =	shalt  }
0x6d: {  	_ =	shalt  }
0x6e: {  	_ =	shalt  }
0x6f: {  	_ =	shalt  }
0x70: {  	_ =	shalt  }
0x71: {  	_ =	shalt  }
0x72: {  	_ =	shalt  }
0x73: {  	_ =	shalt  }
0x74: {  	_ =	shalt  }
0x75: {  	_ =	shalt  }
0x76: {  	_ =	shalt  }
0x77: {  	_ =	shalt  }
0x78: {  	_ =	shalt  }
0x79: {  	_ =	shalt  }
0x7a: {  	_ =	shalt  }
0x7b: {  	_ =	shalt  }
0x7c: {  	_ =	shalt  }
0x7d: {  	_ =	shalt  }
0x7e: {  	_ =	shalt  }
0x7f: {  	_ =	shalt  }
0x80: {  	_ =	shalt  }
0x81: {  	_ =	shalt  }
0x82: {  	_ =	shalt  }
0x83: {  	_ =	shalt  }
0x84: {  	_ =	shalt  }
0x85: {  	_ =	shalt  }
0x86: {  	_ =	shalt  }
0x87: {  	_ =	shalt  }
.Lfunc_end0:
.L_simem_size_0:
called_computation.3_lowered:
.L_overlay_start_0:
0x88: {  	s2 =	sld [smem:$0x3FD9]  }
0x89: {  	s3 =	sld [smem:$0x3FFE];
	_ =	sdelay $0x1  }
0x8a: {  	s1 =	srdreg.scid  }
0x8b: {  	s0 =	sand.u32 $0x1, s1  }
0x8c: {  	s17 =	sshll.u32 s0, $0xA;
	s2 =	sadd.s32 s3, s2  }
0x8d: {  	s2 =	sadd.s32 s2, s17  }
0x8e: {  	[smem:$0x3FC5] =	sst s2  }
0x8f: {  	_ = 	snop  }
0x90: {  	s2 =	sld [smem:$0x3FD0];
	(tm) =	ssettm $0x1  }
0x91: {  	s18 =	sld [smem:$0x3FFB];
	_ =	sdelay $0x3  }
0x92: {  	_ =	strace s18  }
0x93: {  	s3 =	sld [smem:$0x3FFC];
	_ =	sdelay $0x3  }
0x94: {  	_ =	strace s3  }
0x95: {  	s3 =	sld [smem:$0x3FFD];
	_ =	sdelay $0x3  }
0x96: {  	_ =	strace s3  }
0x97: {  	_ =	strace $0x8FFFFFFF  }
0x98: {  	s19 =	sld [smem:$0x3FDB];
	_ =	sdelay $0x1  }
0x99: {  	s4 =	simm.s32 $_scs_section_size  }
0x9a: {  	s5 =	simm.s32 $_size__tile_overlayer_lowered;
	s6 =	simm.s32 $_tile_overlayer_lowered  }
0x9b: {  	s22 =	simm.s32 $0x1BFF;
	s21 =	sshll.u32 s6, $0x1;
	s3 =	sadd.s32 s4, s19  }
0x9c: {  	s7 =	simm.s32 $0x0;
	s20 =	sshll.u32 s5, $0x1;
	s5 =	sadd.s32 s21, s3  }
0x9d: {  	[timem:s7], [sflag:s22] =	dma.local [hbm:s5], s20  }
0x9e: {  	_ =	swait.ge [sflag:s22], s20  }
0x9f: {  	s4 =	ssub.s32 $0x0, s20;
	[sflag:s22] =	ssyncset.done $0x0  }
0xa0: {  	[sflag:s22] =	ssyncadd.s32 s4;
	_ =	sdelay $0x1  }
0xa1: {  	s23 =	simm.s32 $0x1B8B  }
0xa2: {  	_ =	swait.ge [sflag:s23], $0x1  }
0xa3: {  	[sflag:s23] =	ssyncset.done $0x0  }
0xa4: {  	s25 =	simm.s32 $0x1B8E;
	s24 =	sld [smem:$0x3FFE];
	[sflag:s23] =	ssyncadd.s32 $0xFFFFFFFF  }
0xa5: {  	s26 =	simm.s32 $execute0_lowered;
	[smem:$0x3FD2] =	sst s25  }
0xa6: {  	s5 =	sshll.u32 s26, $0x1;
	_ =	strace $0x8000004C;
	[dreg:$0x1] =	wrdreg $0xFFFFFFFF  }
0xa7: {  	s28 =	simm.s32 $_size_execute0_lowered;
	s3 =	sadd.s32 s3, s5;
	[dreg:$0x0] =	wrdreg $0x0  }
0xa8: {  	s5 =	sshll.u32 s28, $0x1;
	[dreg:$0x2] =	wrdreg s3  }
0xa9: {  	[dreg:$0x3] =	wrdreg s5  }
0xaa: {  	[dreg:$0x4] =	wrdreg $0xC0  }
0xab: {  	_ =	task [dreg:s7], $0x5FFFF  }
0xac: {  	[dreg:$0x1] =	wrdreg $0xFFFFFFFF  }
0xad: {  	[dreg:$0x0] =	wrdreg $0x60  }
0xae: {  	[dreg:$0x2] =	wrdreg s24  }
0xaf: {  	[dreg:$0x3] =	wrdreg s2  }
0xb0: {  	[dreg:$0x4] =	wrdreg $0x48000  }
0xb1: {  	[dreg:$0x5] =	wrdreg $0x9  }
0xb2: {  	_ =	task.clear_ibuf [dreg:s7], $0x6FFFF;
	_ =	strace $0x9000004C  }
0xb3: {  	s29 =	simm.s32 $0x9;
	_ =	strace $0x8000004E  }
0xb4: {  	_ =	swait.ge [sflag:s29], $0x1  }
0xb5: {  	[sflag:s29] =	ssyncadd.s32 $0xFFFFFFFF  }
0xb6: {  	_ =	strace $0x9000004E  }
0xb7: {  	_ =	sfence  }
0xb8: {  	s30 =	sld [smem:$0x0];
	_ =	sdelay $0x2  }
0xb9: {  	s31 =	sshll.u32 s1, $0xD;
	s1 =	sshrl.u32 s1, $0x2  }
0xba: {  	s3 =	sand.u32 $0x4000, s31;
	s1 =	sadd.s32 s1, s30  }
0xbb: {  	s0 =	sor.u32 s3, s0;
	s1 =	sshll.u32 s1, $0x11  }
0xbc: {  	s0 =	sor.u32 s1, s0  }
0xbd: {  	s0 =	sadd.s32 $0x8F2B, s0  }
0xbe: {  	[sflag:s0] =	ssyncadd.remote.s32 $0x1  }
0xbf: {  	_ =	sfence.sel $0xFFFF  }
0xc0: {  	[dreg:$0x0] =	wrdreg $0xFFFFFFFF;
	(pc) =	sbr.abs _section_cstart, $3  }
0xc1: {  	[dreg:$0x1] =	wrdreg $0xFFFFFFFF  }
0xc2: {  	_ =	task.clear_ibuf [dreg:s7], $0x2FFFF;
	_ =	strace $0x9FFFFFFF  }
0xc3: {  	(tm) =	ssettm $0x7FFFFFFF  }
tec
execute0_lowered:
.L_overlay_start_1:
0x0: {  	(tag) =	ssettag $0x1  }
0x1: {  	s0 =	rddreg [dreg:$0x0]  }
0x2: {  	s1 =	rddreg [dreg:$0x1]  }
0x3: {  	s2 =	rddreg [dreg:$0x2]  }
0x4: {  	s4 =	srdreg.scid;
	s10 =	stileid.u32;
	s3 =	simm.s32 $0x0  }
0x5: {  	s12 =	simm.s32 $0x800;
	s26 =	simm.s32 $0x100;
	s13 =	simm.s32 $0x1000  }
0x6: {  	s15 =	simm.s32 $0x1800;
	s16 =	simm.s32 $0x300;
	s17 =	simm.s32 $0x2000  }
0x7: {  	s18 =	simm.s32 $0x400;
	s19 =	simm.s32 $0x2800;
	s20 =	simm.s32 $0x500  }
0x8: {  	s28 =	simm.s32 $0x180;
	s29 =	simm.s32 $0x280;
	s30 =	simm.s32 $0x380  }
0x9: {  	s31 =	simm.s32 $0x480;
	s14 =	simm.s32 $0x0;
	s5 =	sand.u32 $0x1, s4  }
0xa: {  	s6 =	smul.u32 $0x18700, s10;
	[smem:$0x7FF] =	sst s3;
	s4 =	sadd.s32 $0x3000, s0  }
0xb: {  	s9 =	smul.u32 $0x18800, s10;
	s11 =	sadd.s32 $0x4C8A00, s0;
	s22 =	sshll.u32 s10, $0x6  }
0xc: {  	s10 =	simm.s32 $0x3;
	s7 =	smul.u32 $0x187000, s5;
	_ =	strace $0x8000004D  }
0xd: {  	s8 =	smul.u32 $0x188000, s5;
	s5 =	ssub.s32 $0x2, s5;
	[dreg:$0x6] =	wrdreg s11  }
0xe: {  	s11 =	simm.s32 $0x80;
	[dreg:$0x5] =	wrdreg s26;
	s21 =	sshrl.u32 s5, $0x1  }
0xf: {  	s26 =	simm.s32 $0x1;
	s7 =	sadd.s32 s6, s7;
	s5 =	ssub.s32 s5, s21  }
0x10: {  	s8 =	sadd.s32 s9, s8;
	s6 =	sadd.s32 s6, s2;
	s9 =	sor.u32 $0x1C03, s22  }
0x11: {  	s21 =	simm.s32 $0x3000;
	s22 =	simm.s32 $0x600;
	s7 =	sshrl.u32 s7, $0x3  }
0x12: {  	s23 =	sshrl.u32 s8, $0x3;
	s24 =	smax.u32 s5, $0x1;
	s8 =	sshrl.u32 s6, $0x3  }
0x13: {  	s5 =	simm.s32 $0x780;
	[dreg:$0x7] =	wrdreg s9;
	s0 =	sadd.s32 s7, s0  }
0x14: {  	[dreg:$0x9] =	wrdreg s24;
	s25 =	sadd.s32 s23, s1;
	s23 =	simm.s32 $0x3800  }
0x15: {  	s24 =	simm.s32 $0x700;
	s1 =	simm.s32 $0x680;
	[dreg:$0xa] =	wrdreg s8  }
0x16: {  	s7 =	simm.s32 $0x2;
	s0 =	sadd.s32 $0x6B1600, s0;
	[dreg:$0x4] =	wrdreg s25  }
0x17: {  	s25 =	simm.s32 $0x4000;
	[dreg:$0x8] =	wrdreg s0;
	s0 =	simm.s32 $0x580  }
.LBB2_1:
0x18: {  	[dreg:$0xb] =	wrdreg s14  }
0x19: {  	s6 =	rddreg [dreg:$0x6]  }
0x1a: {  	[spmem:s8], [sflag:s9] =	dma.local [hbm:s6], $0x30E0  }
0x1b: {  	_ =	swait.ge [sflag:s10], $0x30E0  }
0x1c: {  	[sflag:s10] =	ssyncset.done $0x0  }
0x1d: {  	[sflag:s10] =	ssyncadd.s32 $0xFFFFCF20  }
0x1e: {  	[bflag:$0x0] =	sbarrier.arrive $0xFFFF  }
0x1f: {  	s8 =	rddreg [dreg:$0x4]  }
0x20: {  	s6 =	sadd.s32 $0x0, s8  }
0x21: {  	[tilespmem:s3], [sflag:$0x3] =	stream.linear.gather [hbm4b:s6+s3], $0x800, $0x38;
	[tilespmem:$0x1CF00] =	vst v63  }
0x22: {  	_ =	swait.ge [sflag:s10], $0x800  }
0x23: {  	[sflag:s10] =	ssyncset.done $0x0  }
0x24: {  	[sflag:s10] =	ssyncadd.s32 $0xFFFFF800  }
0x25: {  	[tilespmem:s12], [sflag:$0x1] =	stream.indirect.gather [hbm4b:s4+s11], $0x10, s3, s11, $0xb8;
	[tilespmem:$0x1CF00] =	vst v63  }
0x26: {  	s9 =	rddreg [dreg:$0x5]  }
0x27: {  	[tilespmem:s13], [sflag:$0x1] =	stream.indirect.gather [hbm4b:s4+s11], $0x10, s9, s11, $0xb8;
	[tilespmem:$0x1CF00] =	vst v63  }
0x28: {  	s14 =	simm.s32 $0x200  }
0x29: {  	[tilespmem:s15], [sflag:$0x1] =	stream.indirect.gather [hbm4b:s4+s11], $0x10, s14, s11, $0xb8;
	[tilespmem:$0x1CF00] =	vst v63  }
0x2a: {  	_ = 	snop  }
0x2b: {  	[tilespmem:s17], [sflag:$0x1] =	stream.indirect.gather [hbm4b:s4+s11], $0x10, s16, s11, $0xb8;
	[tilespmem:$0x1CF00] =	vst v63  }
0x2c: {  	_ = 	snop  }
0x2d: {  	[tilespmem:s19], [sflag:$0x1] =	stream.indirect.gather [hbm4b:s4+s11], $0x10, s18, s11, $0xb8;
	[tilespmem:$0x1CF00] =	vst v63  }
0x2e: {  	_ = 	snop  }
0x2f: {  	[tilespmem:s21], [sflag:$0x1] =	stream.indirect.gather [hbm4b:s4+s11], $0x10, s20, s11, $0xb8;
	[tilespmem:$0x1CF00] =	vst v63  }
0x30: {  	_ = 	snop  }
0x31: {  	[tilespmem:s23], [sflag:$0x1] =	stream.indirect.gather [hbm4b:s4+s11], $0x10, s22, s11, $0xb8;
	[tilespmem:$0x1CF00] =	vst v63  }
0x32: {  	_ = 	snop  }
0x33: {  	[tilespmem:s25], [sflag:$0x1] =	stream.indirect.gather [hbm4b:s4+s11], $0x10, s24, s11, $0xb8;
	[tilespmem:$0x1CF00] =	vst v63  }
0x34: {  	_ =	swait.ge [sflag:s26], $0x800  }
0x35: {  	[sflag:s26] =	ssyncset.done $0x0  }
0x36: {  	[sflag:s26] =	ssyncadd.s32 $0xFFFFF800  }
0x37: {  	[spmem:s2] =	stream.indirect.scatter.add.f32 [tilespmem:s12], [sflag:$0x2], $0x10, s11, s11, $0xb8;
	[tilespmem:$0x1CF00] =	vst v63  }
0x38: {  	_ =	swait.ge [sflag:s26], $0x800  }
0x39: {  	[sflag:s26] =	ssyncset.done $0x0  }
0x3a: {  	[sflag:s26] =	ssyncadd.s32 $0xFFFFF800  }
0x3b: {  	[spmem:s2] =	stream.indirect.scatter.add.f32 [tilespmem:s13], [sflag:$0x2], $0x10, s28, s11, $0xb8;
	[tilespmem:$0x1CF00] =	vst v63  }
0x3c: {  	_ =	swait.ge [sflag:s26], $0x800  }
0x3d: {  	[sflag:s26] =	ssyncset.done $0x0  }
0x3e: {  	[sflag:s26] =	ssyncadd.s32 $0xFFFFF800  }
0x3f: {  	[spmem:s2] =	stream.indirect.scatter.add.f32 [tilespmem:s15], [sflag:$0x2], $0x10, s29, s11, $0xb8;
	[tilespmem:$0x1CF00] =	vst v63  }
0x40: {  	_ =	swait.ge [sflag:s26], $0x800  }
0x41: {  	[sflag:s26] =	ssyncset.done $0x0  }
0x42: {  	[sflag:s26] =	ssyncadd.s32 $0xFFFFF800  }
0x43: {  	[spmem:s2] =	stream.indirect.scatter.add.f32 [tilespmem:s17], [sflag:$0x2], $0x10, s30, s11, $0xb8;
	[tilespmem:$0x1CF00] =	vst v63  }
0x44: {  	_ =	swait.ge [sflag:s26], $0x800  }
0x45: {  	[sflag:s26] =	ssyncset.done $0x0  }
0x46: {  	[sflag:s26] =	ssyncadd.s32 $0xFFFFF800  }
0x47: {  	[spmem:s2] =	stream.indirect.scatter.add.f32 [tilespmem:s19], [sflag:$0x2], $0x10, s31, s11, $0xb8;
	[tilespmem:$0x1CF00] =	vst v63  }
0x48: {  	_ =	swait.ge [sflag:s26], $0x800  }
0x49: {  	[sflag:s26] =	ssyncset.done $0x0  }
0x4a: {  	[sflag:s26] =	ssyncadd.s32 $0xFFFFF800  }
0x4b: {  	[spmem:s2] =	stream.indirect.scatter.add.f32 [tilespmem:s21], [sflag:$0x2], $0x10, s0, s11, $0xb8;
	[tilespmem:$0x1CF00] =	vst v63  }
0x4c: {  	_ =	swait.ge [sflag:s26], $0x800  }
0x4d: {  	[sflag:s26] =	ssyncset.done $0x0  }
0x4e: {  	[sflag:s26] =	ssyncadd.s32 $0xFFFFF800  }
0x4f: {  	[spmem:s2] =	stream.indirect.scatter.add.f32 [tilespmem:s23], [sflag:$0x2], $0x10, s1, s11, $0xb8;
	[tilespmem:$0x1CF00] =	vst v63  }
0x50: {  	_ =	swait.ge [sflag:s26], $0x800  }
0x51: {  	[sflag:s26] =	ssyncset.done $0x0  }
0x52: {  	[sflag:s26] =	ssyncadd.s32 $0xFFFFF800  }
0x53: {  	[spmem:s2] =	stream.indirect.scatter.add.f32 [tilespmem:s25], [sflag:$0x2], $0x10, s5, s11, $0xb8;
	[tilespmem:$0x1CF00] =	vst v63  }
0x54: {  	_ =	swait.ge [sflag:s7], $0x800  }
0x55: {  	[sflag:s7] =	ssyncset.done $0x0  }
0x56: {  	[sflag:s7] =	ssyncadd.s32 $0xFFFFF800  }
0x57: {  	_ =	swait.ge [sflag:s7], $0x800  }
0x58: {  	[sflag:s7] =	ssyncset.done $0x0  }
0x59: {  	[sflag:s7] =	ssyncadd.s32 $0xFFFFF800  }
0x5a: {  	_ =	swait.ge [sflag:s7], $0x800  }
0x5b: {  	[sflag:s7] =	ssyncset.done $0x0  }
0x5c: {  	[sflag:s7] =	ssyncadd.s32 $0xFFFFF800  }
0x5d: {  	_ =	swait.ge [sflag:s7], $0x800  }
0x5e: {  	[sflag:s7] =	ssyncset.done $0x0  }
0x5f: {  	[sflag:s7] =	ssyncadd.s32 $0xFFFFF800  }
0x60: {  	_ =	swait.ge [sflag:s7], $0x800  }
0x61: {  	[sflag:s7] =	ssyncset.done $0x0  }
0x62: {  	[sflag:s7] =	ssyncadd.s32 $0xFFFFF800  }
0x63: {  	_ =	swait.ge [sflag:s7], $0x800  }
0x64: {  	[sflag:s7] =	ssyncset.done $0x0  }
0x65: {  	[sflag:s7] =	ssyncadd.s32 $0xFFFFF800  }
0x66: {  	_ =	swait.ge [sflag:s7], $0x800  }
0x67: {  	[sflag:s7] =	ssyncset.done $0x0  }
0x68: {  	[sflag:s7] =	ssyncadd.s32 $0xFFFFF800  }
0x69: {  	s6 =	simm.s32 $0x100;
	_ =	swait.ge [sflag:s7], $0x800  }
0x6a: {  	s9 =	simm.s32 $0x200;
	s8 =	rddreg [dreg:$0x4];
	[sflag:s7] =	ssyncset.done $0x0  }
.LBB2_2:
0x6b: {  	[sflag:s7] =	ssyncadd.s32 $0xFFFFF800;
	s8 =	sadd.s32 s6, s8  }
0x6c: {  	[tilespmem:s3], [sflag:$0x3] =	stream.linear.gather [hbm4b:s8+s3], $0x800, $0x38;
	[tilespmem:$0x1CF00] =	vst v63  }
0x6d: {  	_ =	swait.ge [sflag:s10], $0x800  }
0x6e: {  	[sflag:s10] =	ssyncset.done $0x0  }
0x6f: {  	s14 =	smov.u32 s9;
	[sflag:s10] =	ssyncadd.s32 $0xFFFFF800  }
0x70: {  	[tilespmem:s12], [sflag:$0x1] =	stream.indirect.gather [hbm4b:s4+s11], $0x10, s3, s11, $0xb8;
	[tilespmem:$0x1CF00] =	vst v63  }
0x71: {  	s6 =	smov.u32 s14;
	s14 =	rddreg [dreg:$0x5]  }
0x72: {  	[tilespmem:s13], [sflag:$0x1] =	stream.indirect.gather [hbm4b:s4+s11], $0x10, s14, s11, $0xb8;
	[tilespmem:$0x1CF00] =	vst v63  }
0x73: {  	s14 =	simm.s32 $0x200  }
0x74: {  	[tilespmem:s15], [sflag:$0x1] =	stream.indirect.gather [hbm4b:s4+s11], $0x10, s14, s11, $0xb8;
	[tilespmem:$0x1CF00] =	vst v63  }
0x75: {  	_ = 	snop  }
0x76: {  	[tilespmem:s17], [sflag:$0x1] =	stream.indirect.gather [hbm4b:s4+s11], $0x10, s16, s11, $0xb8;
	[tilespmem:$0x1CF00] =	vst v63  }
0x77: {  	_ = 	snop  }
0x78: {  	[tilespmem:s19], [sflag:$0x1] =	stream.indirect.gather [hbm4b:s4+s11], $0x10, s18, s11, $0xb8;
	[tilespmem:$0x1CF00] =	vst v63  }
0x79: {  	_ = 	snop  }
0x7a: {  	[tilespmem:s21], [sflag:$0x1] =	stream.indirect.gather [hbm4b:s4+s11], $0x10, s20, s11, $0xb8;
	[tilespmem:$0x1CF00] =	vst v63  }
0x7b: {  	_ = 	snop  }
0x7c: {  	[tilespmem:s23], [sflag:$0x1] =	stream.indirect.gather [hbm4b:s4+s11], $0x10, s22, s11, $0xb8;
	[tilespmem:$0x1CF00] =	vst v63  }
0x7d: {  	_ = 	snop  }
0x7e: {  	[tilespmem:s25], [sflag:$0x1] =	stream.indirect.gather [hbm4b:s4+s11], $0x10, s24, s11, $0xb8;
	[tilespmem:$0x1CF00] =	vst v63  }
0x7f: {  	_ =	swait.ge [sflag:s26], $0x800  }
0x80: {  	[sflag:s26] =	ssyncset.done $0x0  }
0x81: {  	[sflag:s26] =	ssyncadd.s32 $0xFFFFF800  }
0x82: {  	[spmem:s2] =	stream.indirect.scatter.add.f32 [tilespmem:s12], [sflag:$0x2], $0x10, s11, s11, $0xb8;
	[tilespmem:$0x1CF00] =	vst v63  }
0x83: {  	_ =	swait.ge [sflag:s26], $0x800  }
0x84: {  	[sflag:s26] =	ssyncset.done $0x0  }
0x85: {  	[sflag:s26] =	ssyncadd.s32 $0xFFFFF800  }
0x86: {  	[spmem:s2] =	stream.indirect.scatter.add.f32 [tilespmem:s13], [sflag:$0x2], $0x10, s28, s11, $0xb8;
	[tilespmem:$0x1CF00] =	vst v63  }
0x87: {  	_ =	swait.ge [sflag:s26], $0x800  }
0x88: {  	[sflag:s26] =	ssyncset.done $0x0  }
0x89: {  	[sflag:s26] =	ssyncadd.s32 $0xFFFFF800  }
0x8a: {  	[spmem:s2] =	stream.indirect.scatter.add.f32 [tilespmem:s15], [sflag:$0x2], $0x10, s29, s11, $0xb8;
	[tilespmem:$0x1CF00] =	vst v63  }
0x8b: {  	_ =	swait.ge [sflag:s26], $0x800  }
0x8c: {  	[sflag:s26] =	ssyncset.done $0x0  }
0x8d: {  	[sflag:s26] =	ssyncadd.s32 $0xFFFFF800  }
0x8e: {  	[spmem:s2] =	stream.indirect.scatter.add.f32 [tilespmem:s17], [sflag:$0x2], $0x10, s30, s11, $0xb8;
	[tilespmem:$0x1CF00] =	vst v63  }
0x8f: {  	_ =	swait.ge [sflag:s26], $0x800  }
0x90: {  	[sflag:s26] =	ssyncset.done $0x0  }
0x91: {  	[sflag:s26] =	ssyncadd.s32 $0xFFFFF800  }
0x92: {  	[spmem:s2] =	stream.indirect.scatter.add.f32 [tilespmem:s19], [sflag:$0x2], $0x10, s31, s11, $0xb8;
	[tilespmem:$0x1CF00] =	vst v63  }
0x93: {  	_ =	swait.ge [sflag:s26], $0x800  }
0x94: {  	[sflag:s26] =	ssyncset.done $0x0  }
0x95: {  	[sflag:s26] =	ssyncadd.s32 $0xFFFFF800  }
0x96: {  	[spmem:s2] =	stream.indirect.scatter.add.f32 [tilespmem:s21], [sflag:$0x2], $0x10, s0, s11, $0xb8;
	[tilespmem:$0x1CF00] =	vst v63  }
0x97: {  	_ =	swait.ge [sflag:s26], $0x800  }
0x98: {  	[sflag:s26] =	ssyncset.done $0x0  }
0x99: {  	[sflag:s26] =	ssyncadd.s32 $0xFFFFF800  }
0x9a: {  	[spmem:s2] =	stream.indirect.scatter.add.f32 [tilespmem:s23], [sflag:$0x2], $0x10, s1, s11, $0xb8;
	[tilespmem:$0x1CF00] =	vst v63  }
0x9b: {  	_ =	swait.ge [sflag:s26], $0x800  }
0x9c: {  	[sflag:s26] =	ssyncset.done $0x0  }
0x9d: {  	[sflag:s26] =	ssyncadd.s32 $0xFFFFF800  }
0x9e: {  	[spmem:s2] =	stream.indirect.scatter.add.f32 [tilespmem:s25], [sflag:$0x2], $0x10, s5, s11, $0xb8;
	[tilespmem:$0x1CF00] =	vst v63  }
0x9f: {  	_ =	swait.ge [sflag:s7], $0x800  }
0xa0: {  	[sflag:s7] =	ssyncset.done $0x0  }
0xa1: {  	[sflag:s7] =	ssyncadd.s32 $0xFFFFF800  }
0xa2: {  	_ =	swait.ge [sflag:s7], $0x800  }
0xa3: {  	[sflag:s7] =	ssyncset.done $0x0  }
0xa4: {  	[sflag:s7] =	ssyncadd.s32 $0xFFFFF800  }
0xa5: {  	_ =	swait.ge [sflag:s7], $0x800  }
0xa6: {  	[sflag:s7] =	ssyncset.done $0x0  }
0xa7: {  	[sflag:s7] =	ssyncadd.s32 $0xFFFFF800  }
0xa8: {  	_ =	swait.ge [sflag:s7], $0x800  }
0xa9: {  	[sflag:s7] =	ssyncset.done $0x0  }
0xaa: {  	[sflag:s7] =	ssyncadd.s32 $0xFFFFF800  }
0xab: {  	_ =	swait.ge [sflag:s7], $0x800  }
0xac: {  	[sflag:s7] =	ssyncset.done $0x0  }
0xad: {  	[sflag:s7] =	ssyncadd.s32 $0xFFFFF800  }
0xae: {  	_ =	swait.ge [sflag:s7], $0x800  }
0xaf: {  	[sflag:s7] =	ssyncset.done $0x0  }
0xb0: {  	p0 =	sne.s32 s9, $0x3000;
	[sflag:s7] =	ssyncadd.s32 $0xFFFFF800  }
.Ltmp0:
0xb1: {  	_ =	swait.ge [sflag:s7], $0x800;
	(pc) =	sbr.rel @p0 .LBB2_2-.Ltmp0, $4  }
0xb2: {  	[sflag:s7] =	ssyncset.done $0x0  }
0xb3: {  	[sflag:s7] =	ssyncadd.s32 $0xFFFFF800  }
0xb4: {  	_ =	swait.ge [sflag:s7], $0x800  }
0xb5: {  	s9 =	sadd.s32 $0x100, s9;
	s8 =	rddreg [dreg:$0x4];
	[sflag:s7] =	ssyncset.done $0x0  }
0xb6: {  	s6 =	sadd.s32 s6, s8;
	[sflag:s7] =	ssyncadd.s32 $0xFFFFF800  }
0xb7: {  	[tilespmem:s3], [sflag:$0x3] =	stream.linear.gather [hbm4b:s6+s3], $0x800, $0x38;
	[tilespmem:$0x1CF00] =	vst v63  }
0xb8: {  	_ =	swait.ge [sflag:s10], $0x800  }
0xb9: {  	[sflag:s10] =	ssyncset.done $0x0  }
0xba: {  	[sflag:s10] =	ssyncadd.s32 $0xFFFFF800  }
0xbb: {  	[tilespmem:s12], [sflag:$0x1] =	stream.indirect.gather [hbm4b:s4+s11], $0x10, s3, s11, $0xb8;
	[tilespmem:$0x1CF00] =	vst v63  }
0xbc: {  	s8 =	rddreg [dreg:$0x5]  }
0xbd: {  	[tilespmem:s13], [sflag:$0x1] =	stream.indirect.gather [hbm4b:s4+s11], $0x10, s8, s11, $0xb8;
	[tilespmem:$0x1CF00] =	vst v63  }
0xbe: {  	s9 =	simm.s32 $0x200  }
0xbf: {  	[tilespmem:s15], [sflag:$0x1] =	stream.indirect.gather [hbm4b:s4+s11], $0x10, s9, s11, $0xb8;
	[tilespmem:$0x1CF00] =	vst v63  }
0xc0: {  	_ = 	snop  }
0xc1: {  	[tilespmem:s17], [sflag:$0x1] =	stream.indirect.gather [hbm4b:s4+s11], $0x10, s16, s11, $0xb8;
	[tilespmem:$0x1CF00] =	vst v63  }
0xc2: {  	_ = 	snop  }
0xc3: {  	[tilespmem:s19], [sflag:$0x1] =	stream.indirect.gather [hbm4b:s4+s11], $0x10, s18, s11, $0xb8;
	[tilespmem:$0x1CF00] =	vst v63  }
0xc4: {  	_ = 	snop  }
0xc5: {  	[tilespmem:s21], [sflag:$0x1] =	stream.indirect.gather [hbm4b:s4+s11], $0x10, s20, s11, $0xb8;
	[tilespmem:$0x1CF00] =	vst v63  }
0xc6: {  	_ = 	snop  }
0xc7: {  	[tilespmem:s23], [sflag:$0x1] =	stream.indirect.gather [hbm4b:s4+s11], $0x10, s22, s11, $0xb8;
	[tilespmem:$0x1CF00] =	vst v63  }
0xc8: {  	_ = 	snop  }
0xc9: {  	[tilespmem:s25], [sflag:$0x1] =	stream.indirect.gather [hbm4b:s4+s11], $0x10, s24, s11, $0xb8;
	[tilespmem:$0x1CF00] =	vst v63  }
0xca: {  	_ =	swait.ge [sflag:s26], $0x800  }
0xcb: {  	[sflag:s26] =	ssyncset.done $0x0  }
0xcc: {  	[sflag:s26] =	ssyncadd.s32 $0xFFFFF800  }
0xcd: {  	[spmem:s2] =	stream.indirect.scatter.add.f32 [tilespmem:s12], [sflag:$0x2], $0x10, s11, s11, $0xb8;
	[tilespmem:$0x1CF00] =	vst v63  }
0xce: {  	_ =	swait.ge [sflag:s26], $0x800  }
0xcf: {  	[sflag:s26] =	ssyncset.done $0x0  }
0xd0: {  	[sflag:s26] =	ssyncadd.s32 $0xFFFFF800  }
0xd1: {  	[spmem:s2] =	stream.indirect.scatter.add.f32 [tilespmem:s13], [sflag:$0x2], $0x10, s28, s11, $0xb8;
	[tilespmem:$0x1CF00] =	vst v63  }
0xd2: {  	_ =	swait.ge [sflag:s26], $0x800  }
0xd3: {  	[sflag:s26] =	ssyncset.done $0x0  }
0xd4: {  	[sflag:s26] =	ssyncadd.s32 $0xFFFFF800  }
0xd5: {  	[spmem:s2] =	stream.indirect.scatter.add.f32 [tilespmem:s15], [sflag:$0x2], $0x10, s29, s11, $0xb8;
	[tilespmem:$0x1CF00] =	vst v63  }
0xd6: {  	_ =	swait.ge [sflag:s26], $0x800  }
0xd7: {  	[sflag:s26] =	ssyncset.done $0x0  }
0xd8: {  	[sflag:s26] =	ssyncadd.s32 $0xFFFFF800  }
0xd9: {  	[spmem:s2] =	stream.indirect.scatter.add.f32 [tilespmem:s17], [sflag:$0x2], $0x10, s30, s11, $0xb8;
	[tilespmem:$0x1CF00] =	vst v63  }
0xda: {  	_ =	swait.ge [sflag:s26], $0x800  }
0xdb: {  	[sflag:s26] =	ssyncset.done $0x0  }
0xdc: {  	[sflag:s26] =	ssyncadd.s32 $0xFFFFF800  }
0xdd: {  	[spmem:s2] =	stream.indirect.scatter.add.f32 [tilespmem:s19], [sflag:$0x2], $0x10, s31, s11, $0xb8;
	[tilespmem:$0x1CF00] =	vst v63  }
0xde: {  	_ =	swait.ge [sflag:s26], $0x800  }
0xdf: {  	[sflag:s26] =	ssyncset.done $0x0  }
0xe0: {  	[sflag:s26] =	ssyncadd.s32 $0xFFFFF800  }
0xe1: {  	[spmem:s2] =	stream.indirect.scatter.add.f32 [tilespmem:s21], [sflag:$0x2], $0x10, s0, s11, $0xb8;
	[tilespmem:$0x1CF00] =	vst v63  }
0xe2: {  	_ =	swait.ge [sflag:s26], $0x800  }
0xe3: {  	[sflag:s26] =	ssyncset.done $0x0  }
0xe4: {  	[sflag:s26] =	ssyncadd.s32 $0xFFFFF800  }
0xe5: {  	[spmem:s2] =	stream.indirect.scatter.add.f32 [tilespmem:s23], [sflag:$0x2], $0x10, s1, s11, $0xb8;
	[tilespmem:$0x1CF00] =	vst v63  }
0xe6: {  	_ =	swait.ge [sflag:s26], $0x800  }
0xe7: {  	[sflag:s26] =	ssyncset.done $0x0  }
0xe8: {  	[sflag:s26] =	ssyncadd.s32 $0xFFFFF800  }
0xe9: {  	[spmem:s2] =	stream.indirect.scatter.add.f32 [tilespmem:s25], [sflag:$0x2], $0x10, s5, s11, $0xb8;
	[tilespmem:$0x1CF00] =	vst v63  }
0xea: {  	_ =	swait.ge [sflag:s7], $0x800  }
0xeb: {  	[sflag:s7] =	ssyncset.done $0x0  }
0xec: {  	[sflag:s7] =	ssyncadd.s32 $0xFFFFF800  }
0xed: {  	_ =	swait.ge [sflag:s7], $0x800  }
0xee: {  	[sflag:s7] =	ssyncset.done $0x0  }
0xef: {  	[sflag:s7] =	ssyncadd.s32 $0xFFFFF800  }
0xf0: {  	_ =	swait.ge [sflag:s7], $0x800  }
0xf1: {  	[sflag:s7] =	ssyncset.done $0x0  }
0xf2: {  	[sflag:s7] =	ssyncadd.s32 $0xFFFFF800  }
0xf3: {  	_ =	swait.ge [sflag:s7], $0x800  }
0xf4: {  	[sflag:s7] =	ssyncset.done $0x0  }
0xf5: {  	[sflag:s7] =	ssyncadd.s32 $0xFFFFF800  }
0xf6: {  	_ =	swait.ge [sflag:s7], $0x800  }
0xf7: {  	[sflag:s7] =	ssyncset.done $0x0  }
0xf8: {  	[sflag:s7] =	ssyncadd.s32 $0xFFFFF800  }
0xf9: {  	_ =	swait.ge [sflag:s7], $0x800  }
0xfa: {  	[sflag:s7] =	ssyncset.done $0x0  }
0xfb: {  	[sflag:s7] =	ssyncadd.s32 $0xFFFFF800  }
0xfc: {  	_ =	swait.ge [sflag:s7], $0x800  }
0xfd: {  	[sflag:s7] =	ssyncset.done $0x0  }
0xfe: {  	[sflag:s7] =	ssyncadd.s32 $0xFFFFF800  }
0xff: {  	_ =	swait.ge [sflag:s7], $0x800  }
0x100: {  	[sflag:s7] =	ssyncset.done $0x0  }
0x101: {  	[sflag:s7] =	ssyncadd.s32 $0xFFFFF800  }
0x102: {  	[bflag:$0x0] =	sbarrier.arrive $0xFFFF  }
0x103: {  	s9 =	rddreg [dreg:$0x7]  }
0x104: {  	s14 =	rddreg [dreg:$0x8]  }
0x105: {  	s8 =	rddreg [dreg:$0xa]  }
0x106: {  	[hbm:s14], [sflag:s9] =	dma.local [spmem:s8], $0x30E0  }
0x107: {  	_ =	swait.ge [sflag:s10], $0x30E0  }
0x108: {  	s14 =	rddreg [dreg:$0xb]  }
0x109: {  	s6 =	rddreg [dreg:$0x9];
	s14 =	sadd.s32 $0x1, s14  }
0x10a: {  	p0 =	sne.s32 s14, s6  }
.Ltmp1:
0x10b: {  	_ = 	snop;
	(pc) =	sbr.rel @p0 .LBB2_1-.Ltmp1, $3  }
0x10c: {  	_ =	sdelay $0x1  }
0x10d: {  	[sflag:s10] =	ssyncset.done $0x0  }
0x10e: {  	[sflag:s10] =	ssyncadd.s32 $0xFFFFCF20  }
0x10f: {  	_ =	sfence.sel $0x180000  }
0x110: {  	[bflag:$0x0] =	sbarrier.arrive $0xFFFF  }
0x111: {  	_ =	strace $0x9000004D  }
0x112: {  	s0 =	stileid.u32;
	[bflag:$0x2] =	sbarrier.arrive $0xFFFF  }
0x113: {  	p0 =	sne.s32 s0, $0x0;
	s0 =	rddreg [dreg:$0x3]  }
0x114: {  	s0 =	sadd.s32 @!p0 $0x100000, s0  }
0x115: {  	[sflag:s0] =	ssyncadd.tile.s32 @!p0 $0x1;
	_ =	shalt  }
.Lfunc_end2:
_tile_overlayer_lowered:
.L_overlay_start_2:
0x116: {  	(tag) =	ssettag $0x2  }
0x117: {  	s0 =	rddreg [dreg:$0x0];
	s2 =	stileid.u32  }
0x118: {  	s1 =	rddreg [dreg:$0x1];
	p0 =	sne.s32 s2, $0x0  }
0x119: {  	s3 =	rddreg [dreg:$0x2];
	[bflag:$0x3] =	sbarrier.arrive $0xFFFF;
	s2 =	simm.s32 @!p0 $0x1C03  }
0x11a: {  	[timem:s3], [sflag:s2] =	dma.local @!p0 [hbm:s0], s1  }
0x11b: {  	s0 =	simm.s32 @!p0 $0x3  }
0x11c: {  	_ =	swait.ge @!p0 [sflag:s0], s1  }
0x11d: {  	s1 =	ssub.s32 @!p0 $0x0, s1;
	[sflag:s0] =	ssyncset.done @!p0 $0x0  }
0x11e: {  	[sflag:s0] =	ssyncadd.s32 @!p0 s1  }
0x11f: {  	[bflag:$0x3] =	sbarrier.arrive $0xFFFF  }
0x120: {  	_ =	shalt  }

// kernel: sparse-core-data-format-call.cloned.1.call-start
scs
called_computation_lowered:
.L_overlay_start_0:
0x0: {  	s2 =	sld [smem:$0x3FD9]  }
0x1: {  	s3 =	sld [smem:$0x3FFE];
	_ =	sdelay $0x1  }
0x2: {  	s1 =	srdreg.scid  }
0x3: {  	s0 =	sand.u32 $0x1, s1  }
0x4: {  	s18 =	sshll.u32 s0, $0xA;
	s2 =	sadd.s32 s3, s2  }
0x5: {  	s2 =	sadd.s32 s2, s18  }
0x6: {  	[smem:$0x3FC5] =	sst s2  }
0x7: {  	_ = 	snop  }
0x8: {  	s2 =	sld [smem:$0x3FD0];
	(tm) =	ssettm $0x1  }
0x9: {  	s19 =	sld [smem:$0x3FFB];
	_ =	sdelay $0x3  }
0xa: {  	_ =	strace s19  }
0xb: {  	s3 =	sld [smem:$0x3FFC];
	_ =	sdelay $0x3  }
0xc: {  	_ =	strace s3  }
0xd: {  	s3 =	sld [smem:$0x3FFD];
	_ =	sdelay $0x3  }
0xe: {  	_ =	strace s3  }
0xf: {  	_ =	strace $0x8FFFFFFF  }
0x10: {  	s20 =	sld [smem:$0x3FDB];
	_ =	sdelay $0x1  }
0x11: {  	s4 =	simm.s32 $_scs_section_size  }
0x12: {  	s5 =	simm.s32 $_size__tile_overlayer_lowered;
	s6 =	simm.s32 $_tile_overlayer_lowered  }
0x13: {  	s23 =	simm.s32 $0x1BFF;
	s22 =	sshll.u32 s6, $0x1;
	s3 =	sadd.s32 s4, s20  }
0x14: {  	s7 =	simm.s32 $0x0;
	s21 =	sshll.u32 s5, $0x1;
	s5 =	sadd.s32 s22, s3  }
0x15: {  	[timem:s7], [sflag:s23] =	dma.local [hbm:s5], s21  }
0x16: {  	_ =	swait.ge [sflag:s23], s21  }
0x17: {  	s4 =	ssub.s32 $0x0, s21;
	[sflag:s23] =	ssyncset.done $0x0  }
0x18: {  	[sflag:s23] =	ssyncadd.s32 s4;
	_ =	sdelay $0x1  }
0x19: {  	s24 =	simm.s32 $0x1B8B  }
0x1a: {  	_ =	swait.ge [sflag:s24], $0x1  }
0x1b: {  	[sflag:s24] =	ssyncset.done $0x0  }
0x1c: {  	s26 =	simm.s32 $0x1B8E;
	s25 =	sld [smem:$0x3FFE];
	[sflag:s24] =	ssyncadd.s32 $0xFFFFFFFF  }
0x1d: {  	s27 =	simm.s32 $execute0_lowered;
	[smem:$0x3FD2] =	sst s26  }
0x1e: {  	s5 =	sshll.u32 s27, $0x1;
	_ =	strace $0x8000004F;
	[dreg:$0x1] =	wrdreg $0xFFFFFFFF  }
0x1f: {  	s28 =	simm.s32 $_size_execute0_lowered;
	s3 =	sadd.s32 s3, s5;
	[dreg:$0x0] =	wrdreg $0x0  }
0x20: {  	s5 =	sshll.u32 s28, $0x1;
	[dreg:$0x2] =	wrdreg s3  }
0x21: {  	[dreg:$0x3] =	wrdreg s5  }
0x22: {  	[dreg:$0x4] =	wrdreg $0xC0  }
0x23: {  	_ =	task [dreg:s7], $0x5FFFF  }
0x24: {  	[dreg:$0x1] =	wrdreg $0xFFFFFFFF  }
0x25: {  	[dreg:$0x0] =	wrdreg $0x60  }
0x26: {  	[dreg:$0x2] =	wrdreg s25  }
0x27: {  	[dreg:$0x3] =	wrdreg s2  }
0x28: {  	[dreg:$0x4] =	wrdreg $0x9  }
0x29: {  	_ =	task.clear_ibuf [dreg:s7], $0x5FFFF;
	_ =	strace $0x9000004F  }
0x2a: {  	s29 =	simm.s32 $0x9;
	_ =	strace $0x80000051  }
0x2b: {  	_ =	swait.ge [sflag:s29], $0x1  }
0x2c: {  	[sflag:s29] =	ssyncadd.s32 $0xFFFFFFFF  }
0x2d: {  	_ =	strace $0x90000051  }
0x2e: {  	_ =	sfence  }
0x2f: {  	s30 =	sld [smem:$0x0];
	_ =	sdelay $0x2  }
0x30: {  	s31 =	sshll.u32 s1, $0xD;
	s1 =	sshrl.u32 s1, $0x2  }
0x31: {  	s3 =	sand.u32 $0x4000, s31;
	s1 =	sadd.s32 s1, s30  }
0x32: {  	s0 =	sor.u32 s3, s0;
	s1 =	sshll.u32 s1, $0x11  }
0x33: {  	s0 =	sor.u32 s1, s0  }
0x34: {  	s0 =	sadd.s32 $0x8F2B, s0  }
0x35: {  	[sflag:s0] =	ssyncadd.remote.s32 $0x1  }
0x36: {  	_ =	sfence.sel $0xFFFF  }
0x37: {  	[dreg:$0x0] =	wrdreg $0xFFFFFFFF;
	(pc) =	sbr.abs _section_cstart, $3  }
0x38: {  	[dreg:$0x1] =	wrdreg $0xFFFFFFFF  }
0x39: {  	_ =	task.clear_ibuf [dreg:s7], $0x2FFFF;
	_ =	strace $0x9FFFFFFF  }
0x3a: {  	(tm) =	ssettm $0x7FFFFFFF  }
0x3b: {  	_ =	shalt  }
tec
execute0_lowered:
.L_overlay_start_1:
0x0: {  	(tag) =	ssettag $0x1  }
0x1: {  	s4 =	rddreg [dreg:$0x0]  }
0x2: {  	s0 =	srdreg.scid;
	s2 =	rddreg [dreg:$0x1]  }
0x3: {  	s1 =	stileid.u32;
	s5 =	simm.s32 $0x1;
	s0 =	sshll.u32 s0, $0x4  }
0x4: {  	s7 =	simm.s32 $0x2;
	s12 =	simm.s32 $0x0;
	s3 =	sand.u32 $0x10, s0  }
.Ltmp0:
0x5: {  	s8 =	simm.s32 $0xC3800;
	s3 =	sor.u32 s1, s3;
	(pc) =	sbr.rel .LBB1_1-.Ltmp0, $4  }
0x6: {  	s10 =	simm.s32 $0x0;
	s11 =	simm.s32 $0x0;
	s3 =	sshll.u32 s3, $0x7  }
0x7: {  	s0 =	rddreg [dreg:$0x2];
	_ =	strace $0x80000050;
	s6 =	ssub.s32 $0x18680, s3  }
0x8: {  	s4 =	sadd.s32 $0xBA7000, s4;
	[sflag:s5] =	ssyncpa.u1 $0x0;
	s6 =	sshrl.u32 s6, $0xC  }
0x9: {  	[sflag:s7] =	ssyncpa.u1 $0x0;
	s9 =	smov.u32 s3;
	s7 =	sadd.s32 $0x2, s6  }
.LBB1_5:
0xa: {  	[tilespmem:s20+$0x0 ss:$0x81] =	vst.msk $0xffff, v1  }
0xb: {  	[tilespmem:s19+$0x0 ss:$0x81] =	vst.msk $0xffff, v2  }
.LBB1_6:
0xc: {  	s15 =	sshll.u32 s10, $0x3  }
0xd: {  	s15 =	sand.u32 $0xFFFFFC00, s15  }
0xe: {  	s17 =	smulhi.u32 $0xA79C7B17, s15;
	_ =	sdelay $0x1  }
0xf: {  	s16 =	sand.u32 $0x7F, s10;
	s17 =	sshrl.u32 s17, $0x10  }
0x10: {  	s15 =	sor.u32 s16, s15;
	s18 =	smul.u32 $0xAAAB, s17  }
0x11: {  	p0 =	sgt.s32 s10, $0x18680;
	s19 =	smov.u32 s10;
	s16 =	smulhi.u32 $0xA79C7B17, s15  }
0x12: {  	s19 =	simm.s32 @!p0 $0x18680;
	s18 =	sshrl.u32 s18, $0x16  }
0x13: {  	s13 =	sadd.s32 s13, s19;
	s16 =	sshrl.u32 s16, $0x10;
	s18 =	smul.u32 $0x60, s18  }
0x14: {  	s30 =	sadd.s32 $0xFFFE7980, s13;
	s16 =	smul.u32 $0x18700, s16  }
0x15: {  	s13 =	ssub.s32 $0x18700, s13;
	p0 =	sgt.s32 s30, $0x7F;
	s29 =	ssub.s32 s17, s18  }
0x16: {  	s13 =	smul.u32 $0x180, s13;
	s15 =	ssub.s32 s15, s16;
	s16 =	sand.u32 $0xFFFF, s29  }
0x17: {  	s31 =	sshrl.u32 s15, $0x3;
	s15 =	sand.u32 $0x7, s15;
	s16 =	smul.u32 $0x30E0, s16  }
0x18: {  	s13 =	sshrl.u32 s13, $0x2;
	s17 =	sadd.s32 s2, s31;
	s15 =	sshll.u32 s15, $0x12  }
0x19: {  	s13 =	simm.s32 @p0 $0x0;
	s15 =	sor.u32 $0x400, s15;
	s16 =	sadd.s32 s16, s17  }
0x1a: {  	[hbm4b:s16+s15] =	stream.strided.scatter [tilespmem:s14], [sflag:$0x2], s13, s8, s15, $0x20;
	[tilespmem:$0x10100] =	vst v63  }
.LBB1_7:
0x1b: {  	p0 =	slt.u32 s11, $0x2  }
0x1c: {  	p1 =	sgt.s32 @!p0 s12, $0x18680  }
0x1d: {  	s13 =	smov.u32 s12;
	s14 =	sshra.s32 @!p0 s12, $0x1F;
	p1 =	por !p1, p0  }
0x1e: {  	s12 =	sand.u32 @!p0 s14, s12;
	s13 =	simm.s32 @p1 $0x18680  }
0x1f: {  	s12 =	ssub.s32 @!p0 s13, s12  }
0x20: {  	s13 =	ssub.s32 @!p0 $0x18700, s12  }
0x21: {  	s12 =	sadd.s32 @!p0 $0xFFFE7980, s12;
	s13 =	smul.u32 @!p0 $0x180, s13  }
0x22: {  	p1 =	sgt.s32 @!p0 s12, $0x7F  }
0x23: {  	s14 =	sadd.s32 $0x1000, s9;
	p1 =	por !p1, p0;
	s12 =	sshrl.u32 @!p0 s13, $0x2  }
0x24: {  	s12 =	simm.s32 @!p1 $0x0;
	p1 =	sgt.s32 s14, $0x1869F  }
0x25: {  	s14 =	smov.u32 @p1 s3;
	p1 =	sne.s32 s11, s7  }
.Ltmp1:
0x26: {  	_ = 	snop;
	(pc) =	sbr.rel @!p1 .LBB1_8-.Ltmp1, $4  }
0x27: {  	s13 =	simm.s32 @!p0 $0x2  }
0x28: {  	_ =	swait.ge @!p0 [sflag:s13], s12;
	s15 =	ssub.s32 @!p0 $0x0, s12  }
0x29: {  	s12 =	smov.u32 s10;
	s11 =	sadd.s32 $0x1, s11;
	[sflag:s13] =	ssyncset.done @!p0 $0x0  }
0x2a: {  	s10 =	smov.u32 s9;
	s9 =	smov.u32 s14;
	[sflag:s13] =	ssyncadd.s32 @!p0 s15  }
.LBB1_1:
0x2b: {  	p0 =	sgt.u32 s11, s6  }
0x2c: {  	s13 =	sand.u32 @!p0 $0x1FFFFFF, s9  }
0x2d: {  	p1 =	sgt.s32 @!p0 s9, $0x18620;
	s14 =	smulhi.u32 @!p0 $0x14F8B59, s13  }
0x2e: {  	s15 =	smov.u32 s9;
	s16 =	sshra.s32 @!p0 s9, $0x1F;
	p1 =	por !p1, p0  }
0x2f: {  	s16 =	sand.u32 @!p0 s16, s9;
	s15 =	simm.s32 @p1 $0x18620;
	s14 =	sshrl.u32 @!p0 s14, $0x9  }
0x30: {  	s15 =	ssub.s32 @!p0 s15, s16;
	s14 =	smul.u32 @!p0 $0x186A0, s14  }
0x31: {  	s16 =	sxor.u32 @!p0 $0xFFFFFFFF, s11;
	s15 =	sadd.s32 @!p0 $0xFFFE79E0, s15  }
0x32: {  	s16 =	sshll.u32 @!p0 s16, $0xE;
	s13 =	ssub.s32 @!p0 s13, s14;
	s14 =	sshll.u32 @!p0 s15, $0x9  }
0x33: {  	s16 =	sand.u32 @!p0 $0x4000, s16;
	p1 =	sgt.s32 @!p0 s15, $0x7F;
	s14 =	ssub.s32 @!p0 $0x10000, s14  }
0x34: {  	p1 =	por !p1, p0;
	s13 =	sshll.u32 @!p0 s13, $0x4;
	s14 =	sshrl.u32 @!p0 s14, $0x2  }
0x35: {  	s15 =	simm.s32 @!p0 $0x0;
	s13 =	sadd.s32 @!p0 s4, s13;
	s14 =	simm.s32 @!p1 $0x0  }
0x36: {  	[tilespmem:s16], [sflag:$0x1] =	stream.linear.gather @!p0 [hbm4b:s13+s15], s14, $0x38;
	[tilespmem:$0x10100] =	vst v63  }
0x37: {  	p0 =	seq.s32 s11, $0x0  }
0x38: {  	p1 =	sge.u32 @!p0 s11, s7  }
0x39: {  	p0 =	por p0, p1  }
.Ltmp2:
0x3a: {  	_ = 	snop;
	(pc) =	sbr.rel @p0 .LBB1_7-.Ltmp2, $1  }
0x3b: {  	_ =	sdelay $0x3  }
0x3c: {  	s13 =	ssub.s32 $0x0, s10  }
0x3d: {  	s14 =	sshra.s32 s10, $0x1F;
	p0 =	sgt.s32 s10, $0x18620;
	s15 =	smov.u32 s10  }
0x3e: {  	s13 =	sand.u32 s13, s14;
	s15 =	simm.s32 @!p0 $0x18620  }
0x3f: {  	s14 =	sadd.s32 s13, s15  }
0x40: {  	s17 =	sadd.s32 $0x80, s10;
	s14 =	sadd.s32 $0xFFFE79E0, s14  }
0x41: {  	p1 =	slt.s32 s17, $0x186A0;
	s31 =	sshll.u32 s14, $0x9  }
0x42: {  	s17 =	simm.s32 @!p1 $0x186A0;
	s15 =	ssub.s32 $0x10000, s31  }
0x43: {  	p0 =	sgt.s32 s14, $0x7F;
	s14 =	sshrl.u32 s15, $0x2;
	s15 =	ssub.s32 s17, s10  }
0x44: {  	s14 =	simm.s32 @p0 $0x0;
	p0 =	slt.s32 s15, $0x1  }
.Ltmp3:
0x45: {  	_ = 	snop;
	(pc) =	sbr.rel @p0 .LBB1_6-.Ltmp3, $4  }
0x46: {  	s16 =	sand.u32 $0x1, s11  }
0x47: {  	s18 =	smul.u32 $0x4080, s16;
	_ =	swait.ge [sflag:s5], s14  }
0x48: {  	s14 =	ssub.s32 $0x0, s14;
	[sflag:s5] =	ssyncset.done $0x0  }
0x49: {  	[sflag:s5] =	ssyncadd.s32 s14;
	s14 =	sor.u32 $0x8000, s18  }
0x4a: {  	s17 =	sshll.u32 s16, $0xE  }
0x4b: {  	v0 =	vmov s17  }
0x4c: {  	s16 =	simm.s32 $0x0;
	s18 =	simm.s32 $0x0;
	p0 =	sne.s32 s15, $0x1  }
0x4d: {  	s20 =	simm.s32 $0x10;
	s22 =	simm.s32 $0x20;
	s23 =	simm.s32 $0x30  }
0x4e: {  	s24 =	simm.s32 $0x50;
	s17 =	simm.s32 $0x1;
	s18 =	sand.u32 $0x78, s18  }
0x4f: {  	s19 =	sand.u32 $0x3F80, s16;
	s21 =	sxor.u32 $0x40, s18;
	s18 =	smul.u32 $0x204, s18  }
0x50: {  	s20 =	sand.u32 $0x78, s20;
	s22 =	sand.u32 $0x78, s22;
	s21 =	smul.u32 $0x204, s21;
	v1 =	vld.idx.msk [tilespmem:v0+s19+$0x40 ss:$0x1], $0xffff  }
0x51: {  	s23 =	sand.u32 $0x78, s23;
	s24 =	sand.u32 $0x78, s24;
	s20 =	smul.u32 $0x204, s20;
	v2 =	vld.idx.msk [tilespmem:v0+s19+$0x0 ss:$0x1], $0xffff  }
0x52: {  	s25 =	sand.u32 $0x7F, s16;
	s22 =	smul.u32 $0x204, s22;
	s21 =	sshrl.u32 s21, $0x2  }
0x53: {  	s23 =	smul.u32 $0x204, s23;
	s18 =	sshrl.u32 s18, $0x2;
	v3 =	vld.idx.msk [tilespmem:v0+s19+$0x10 ss:$0x1], $0xffff;
	s21 =	sadd.s32 s21, s14  }
0x54: {  	s24 =	smul.u32 $0x204, s24;
	s18 =	sadd.s32 s18, s14;
	v4 =	vld.idx.msk [tilespmem:v0+s19+$0x20 ss:$0x1], $0xffff;
	s21 =	sadd.s32 s25, s21  }
.Ltmp4:
0x55: {  	s20 =	sshrl.u32 s20, $0x2;
	s18 =	sadd.s32 s25, s18;
	[tilespmem:s21+$0x0 ss:$0x81] =	vst.msk $0xffff, v1;
	v1 =	vld.idx.msk [tilespmem:v0+s19+$0x30 ss:$0x1], $0xffff;
	(pc) =	sbr.rel @!p0 .LBB1_5-.Ltmp4, $4  }
0x56: {  	s22 =	sshrl.u32 s22, $0x2;
	s27 =	sshrl.u32 s23, $0x2;
	s20 =	sadd.s32 s20, s14;
	[tilespmem:s18+$0x0 ss:$0x81] =	vst.msk $0xffff, v2;
	v2 =	vld.idx.msk [tilespmem:v0+s19+$0x50 ss:$0x1], $0xffff  }
0x57: {  	s29 =	sshrl.u32 s24, $0x2;
	s26 =	sadd.s32 s22, s14;
	s28 =	sadd.s32 s25, s20  }
0x58: {  	s22 =	sadd.s32 s27, s14;
	s31 =	sadd.s32 s29, s14;
	s30 =	sadd.s32 s25, s26;
	[tilespmem:s28+$0x0 ss:$0x81] =	vst.msk $0xffff, v3  }
0x59: {  	s20 =	sadd.s32 s25, s22;
	[tilespmem:s30+$0x0 ss:$0x81] =	vst.msk $0xffff, v4;
	s19 =	sadd.s32 s25, s31;
	s18 =	simm.s32 $0x2808  }
.LBB1_4:
0x5a: {  	s21 =	sadd.s32 $0xFFFFD800, s18;
	s22 =	sadd.s32 $0xFFFFE000, s18;
	[tilespmem:s20+$0x0 ss:$0x81] =	vst.msk $0xffff, v1;
	s20 =	smov.u32 s17  }
0x5b: {  	s17 =	sadd.s32 $0x1, s17;
	s16 =	sadd.s32 $0x80, s16;
	s23 =	sadd.s32 $0xFFFFE800, s18  }
0x5c: {  	s24 =	sadd.s32 $0xFFFFF000, s18;
	s21 =	sshrl.u32 s21, $0x7;
	p0 =	sne.s32 s15, s17;
	[tilespmem:s19+$0x0 ss:$0x81] =	vst.msk $0xffff, v2  }
0x5d: {  	s26 =	sshrl.u32 s18, $0x7;
	s19 =	sand.u32 $0x3F80, s16;
	s21 =	sand.u32 $0x78, s21  }
0x5e: {  	s22 =	sshrl.u32 s22, $0x7;
	s23 =	sshrl.u32 s23, $0x7;
	v3 =	vld.idx.msk [tilespmem:v0+s19+$0x40 ss:$0x1], $0xffff;
	s25 =	sxor.u32 $0x40, s21  }
0x5f: {  	s24 =	sshrl.u32 s24, $0x7;
	s26 =	sand.u32 $0x78, s26;
	v4 =	vld.idx.msk [tilespmem:v0+s19+$0x0 ss:$0x1], $0xffff;
	s25 =	smul.u32 $0x204, s25  }
0x60: {  	s27 =	sand.u32 $0x7F, s20;
	s22 =	sand.u32 $0x78, s22;
	s23 =	sand.u32 $0x78, s23;
	v5 =	vld.idx.msk [tilespmem:v0+s19+$0x10 ss:$0x1], $0xffff  }
0x61: {  	s24 =	sand.u32 $0x78, s24;
	s20 =	smul.u32 $0x204, s21;
	v6 =	vld.idx.msk [tilespmem:v0+s19+$0x20 ss:$0x1], $0xffff;
	s25 =	sshrl.u32 s25, $0x2  }
0x62: {  	s22 =	smul.u32 $0x204, s22;
	v1 =	vld.idx.msk [tilespmem:v0+s19+$0x30 ss:$0x1], $0xffff;
	s21 =	sadd.s32 s25, s14  }
0x63: {  	s21 =	sadd.s32 s27, s21;
	v2 =	vld.idx.msk [tilespmem:v0+s19+$0x50 ss:$0x1], $0xffff;
	s19 =	sshrl.u32 s20, $0x2;
	s20 =	smul.u32 $0x204, s23  }
0x64: {  	s23 =	smul.u32 $0x204, s26;
	[tilespmem:s21+$0x0 ss:$0x81] =	vst.msk $0xffff, v3  }
0x65: {  	s19 =	sadd.s32 s19, s14;
	s21 =	sshrl.u32 s22, $0x2;
	s22 =	smul.u32 $0x204, s24  }
.Ltmp5:
0x66: {  	s21 =	sadd.s32 s21, s14;
	s20 =	sshrl.u32 s20, $0x2;
	(pc) =	sbr.rel @p0 .LBB1_4-.Ltmp5, $4  }
0x67: {  	s19 =	sadd.s32 s27, s19;
	s20 =	sadd.s32 s20, s14;
	s22 =	sshrl.u32 s22, $0x2  }
0x68: {  	[tilespmem:s19+$0x0 ss:$0x81] =	vst.msk $0xffff, v4;
	s19 =	sadd.s32 s27, s21;
	s21 =	sadd.s32 s22, s14;
	s22 =	sshrl.u32 s23, $0x2  }
0x69: {  	[tilespmem:s19+$0x0 ss:$0x81] =	vst.msk $0xffff, v5;
	s19 =	sadd.s32 s27, s20;
	s20 =	sadd.s32 s27, s21;
	s21 =	sadd.s32 s22, s14  }
0x6a: {  	s18 =	sadd.s32 $0x8, s18;
	[tilespmem:s19+$0x0 ss:$0x81] =	vst.msk $0xffff, v6;
	s19 =	sadd.s32 s27, s21  }
.Ltmp6:
0x6b: {  	_ = 	snop;
	(pc) =	sbr.rel .LBB1_5-.Ltmp6, $1  }
0x6c: {  	_ =	sdelay $0x3  }
.LBB1_8:
0x6d: {  	_ =	sfence.sel $0x180000  }
0x6e: {  	s2 =	simm.s32 $0x1;
	[bflag:$0x0] =	sbarrier.arrive $0xFFFF  }
0x6f: {  	s31 =	simm.s32 $0x2;
	[sflag:s2] =	ssyncpa.u1 $0x1  }
0x70: {  	[sflag:s31] =	ssyncpa.u1 $0x1  }
0x71: {  	p0 =	sne.s32 s1, $0x0;
	_ =	strace $0x90000050  }
0x72: {  	s0 =	sadd.s32 @!p0 $0x100000, s0;
	[bflag:$0x2] =	sbarrier.arrive $0xFFFF  }
0x73: {  	[sflag:s0] =	ssyncadd.tile.s32 @!p0 $0x1;
	_ =	shalt  }
.Lfunc_end1:
_tile_overlayer_lowered:
.L_overlay_start_2:
0x74: {  	(tag) =	ssettag $0x2  }
0x75: {  	s0 =	rddreg [dreg:$0x0];
	s2 =	stileid.u32  }
0x76: {  	s1 =	rddreg [dreg:$0x1];
	p0 =	sne.s32 s2, $0x0  }
0x77: {  	s3 =	rddreg [dreg:$0x2];
	[bflag:$0x3] =	sbarrier.arrive $0xFFFF;
	s2 =	simm.s32 @!p0 $0x1C01  }
0x78: {  	[timem:s3], [sflag:s2] =	dma.local @!p0 [hbm:s0], s1  }
0x79: {  	s0 =	simm.s32 @!p0 $0x1  }
0x7a: {  	_ =	swait.ge @!p0 [sflag:s0], s1  }
0x7b: {  	s1 =	ssub.s32 @!p0 $0x0, s1;
	[sflag:s0] =	ssyncset.done @!p0 $0x0  }
0x7c: {  	[sflag:s0] =	ssyncadd.s32 @!p0 s1  }
0x7d: {  	[bflag:$0x3] =	sbarrier.arrive $0xFFFF  }
0x7e: {  	_ =	shalt  }

</sc_bundles>
